<compile_context>
chip_gen: v7x
topology: tpu7x:2x2x1
jax: 0.10.2.dev20260603
libtpu: 0.0.44.dev20260713+nightly
codegen_flags: <defaults>
</compile_context>

<pallas_src>
import functools

import jax
import jax.numpy as jnp
from jax import lax
from jax.experimental import pallas as pl
from jax.experimental.pallas import tpu as pltpu
from jax.experimental.pallas import tpu_sc as plsc

D = 128
NC = 2
NS = 16
NW = NC * NS
CHUNK = 64
GRP = 8
CNT_W = 16
ZR = 16


def _sc_partials(x, src_blk, dst_blk, n_acc, ng_by_core):
    rows_per_tile = n_acc // NS
    ng0, ng1 = ng_by_core
    mesh = plsc.VectorSubcoreMesh(core_axis_name="c", subcore_axis_name="s")

    @functools.partial(
        pl.kernel,
        out_type=(
            jax.ShapeDtypeStruct((NC, n_acc, D), jnp.float32),
            jax.ShapeDtypeStruct((NW, n_acc), jnp.float32),
        ),
        mesh=mesh,
        compiler_params=pltpu.CompilerParams(needs_layout_passes=False),
        scratch_types=[
            pltpu.VMEM((2, GRP, CHUNK), jnp.int32),
            pltpu.VMEM((2, CHUNK), jnp.int32),
            pltpu.VMEM((2, CHUNK, D), jnp.float32),
            pltpu.VMEM((n_acc,), jnp.float32),
            pltpu.VMEM((ZR, D), jnp.float32),
            pltpu.VMEM_SHARED((n_acc, D), jnp.float32),
            pltpu.SemaphoreType.DMA,
            pltpu.SemaphoreType.DMA,
            pltpu.SemaphoreType.DMA,
            pltpu.SemaphoreType.DMA,
        ],
    )
    def k(x_hbm, src_hbm, dst_hbm, acc_out, cnt_out,
          src_b, dstc, rows_v, cnt_loc, zacc_v,
          acc_sh, sem0, sem1, semi, semd):
        c = lax.axis_index("c")
        s = lax.axis_index("s")
        wid = s * NC + c

        def fill_zacc(i, _):
            zacc_v[i // (D // 16), pl.ds((i % (D // 16)) * 16, 16)] = (
                jnp.zeros((16,), jnp.float32))
            return 0
        lax.fori_loop(0, ZR * (D // 16), fill_zacc, 0)

        def fill_cnt(i, _):
            cnt_loc[pl.ds(i * 16, 16)] = jnp.zeros((16,), jnp.float32)
            return 0
        lax.fori_loop(0, n_acc // 16, fill_cnt, 0)

        row0 = s * rows_per_tile
        nfill = rows_per_tile // ZR
        for b0 in range(0, nfill, 8):
            descs = []
            for b in range(b0, min(b0 + 8, nfill)):
                descs.append(pltpu.async_copy(
                    zacc_v, acc_sh.at[pl.ds(row0 + b * ZR, ZR)], sem0))
            for d in descs:
                d.wait()
        plsc.subcore_barrier()

        def idx_start(g, b):
            pltpu.async_copy(src_hbm.at[wid, pl.ds(g * GRP, GRP)],
                             src_b.at[b], semi)

        def idx_wait(b):
            pltpu.make_async_copy(src_hbm.at[0, pl.ds(0, GRP)],
                                  src_b.at[b], semi).wait()

        sems = (sem0, sem1)

        def g_start(ob, j, b):
            return pltpu.async_copy(x_hbm.at[src_b.at[ob, j]],
                                    rows_v.at[b], sems[b])

        def d_start(g, j, b):
            return pltpu.async_copy(dst_hbm.at[wid, g * GRP + j],
                                    dstc.at[b], semd)

        ones16 = jnp.full((16,), 1.0, jnp.float32)

        def scat(b):
            pltpu.sync_copy(rows_v.at[b], acc_sh.at[dstc.at[b]], add=True)
            for q in range(CHUNK // 16):
                idx16 = dstc[b, pl.ds(q * 16, 16)]
                plsc.addupdate_scatter(cnt_loc, [idx16], ones16)

        n_grp = jnp.where(c == 0, ng0, ng1)

        @pl.when(n_grp > 0)
        def _():
            idx_start(0, 0)

        def outer(g, _):
            ob = g % 2
            idx_wait(ob)

            @pl.when(g + 1 < n_grp)
            def _():
                idx_start(g + 1, 1 - ob)

            dr = [None, None]
            dd = [None, None]
            dr[0] = g_start(ob, 0, 0)
            dd[0] = d_start(g, 0, 0)
            for j in range(GRP):
                b = j % 2
                if j + 1 < GRP:
                    dr[1 - b] = g_start(ob, j + 1, 1 - b)
                    dd[1 - b] = d_start(g, j + 1, 1 - b)
                dr[b].wait()
                dd[b].wait()
                scat(b)
            return 0

        lax.fori_loop(0, n_grp, outer, 0)
        plsc.subcore_barrier()

        pltpu.sync_copy(acc_sh.at[pl.ds(row0, rows_per_tile)],
                        acc_out.at[c, pl.ds(row0, rows_per_tile)])
        pltpu.sync_copy(cnt_loc, cnt_out.at[wid])

    return k(x, src_blk, dst_blk)


def _combine_tc(a0, a1, cnt_all, n_acc):
    br = 2048
    grid = n_acc // br

    def body(a0_r, a1_r, c_r, o_r):
        cnt = jnp.sum(c_r[...], axis=0)[:, None]
        o_r[...] = (a0_r[...] + a1_r[...]) / jnp.maximum(cnt, 1.0)

    return pl.pallas_call(
        body,
        grid=(grid,),
        in_specs=[
            pl.BlockSpec((br, D), lambda i: (i, 0)),
            pl.BlockSpec((br, D), lambda i: (i, 0)),
            pl.BlockSpec((NW, br), lambda i: (0, i)),
        ],
        out_specs=pl.BlockSpec((br, D), lambda i: (i, 0)),
        out_shape=jax.ShapeDtypeStruct((n_acc, D), jnp.float32),
    )(a0, a1, cnt_all)


def kernel(x, edge_index):
    edge_index = edge_index.astype(jnp.int32)
    src = edge_index[0]
    dst = edge_index[1]
    n = x.shape[0]
    e = src.shape[0]

    n_acc = -(-(n + 1) // 2048) * 2048

    per_pair = NC * NS * CHUNK * GRP
    ng_tot = -(-e // per_pair) * NC
    ng_f = (ng_tot * 9) // 10
    ng_s = ng_tot - ng_f
    ng_by_core = (ng_f, ng_s)
    nch_max = ng_f * GRP

    ef = NS * ng_f * GRP * CHUNK
    es = NS * ng_s * GRP * CHUNK
    pad = ef + es - e
    src_f = jnp.pad(src, (0, max(0, ef - e)))[:ef].reshape(
        NS, ng_f * GRP, CHUNK)
    dst_f = jnp.pad(dst, (0, max(0, ef - e)),
                    constant_values=n)[:ef].reshape(NS, ng_f * GRP, CHUNK)
    rest_s = jnp.pad(src[min(e, ef):], (0, pad - max(0, ef - e)))
    rest_d = jnp.pad(dst[min(e, ef):], (0, pad - max(0, ef - e)),
                     constant_values=n)
    src_s = jnp.pad(rest_s.reshape(NS, ng_s * GRP, CHUNK),
                    ((0, 0), (0, (ng_f - ng_s) * GRP), (0, 0)))
    dst_s = jnp.pad(rest_d.reshape(NS, ng_s * GRP, CHUNK),
                    ((0, 0), (0, (ng_f - ng_s) * GRP), (0, 0)),
                    constant_values=n)
    src_p = jnp.stack([src_f, src_s], axis=1).reshape(NW, nch_max, CHUNK)
    dst_p = jnp.stack([dst_f, dst_s], axis=1).reshape(NW, nch_max, CHUNK)

    acc, cnt = _sc_partials(x, src_p, dst_p, n_acc, ng_by_core)
    out = _combine_tc(acc[0], acc[1], cnt, n_acc)
    return out[:n]

# --- scband reference (transcript-rebuilt; emitter-appended) ---
"""Pipeline reference for scband-message-passing-15161234555495 (READ-ONLY COPY).

The authoritative reference and input builder live on the scoring server;
editing this copy changes nothing except your own understanding.
"""

import jax, jax.numpy as jnp
import numpy as np

N_NODES = 10000
N_EDGES = 320000
D_FEAT = 128

def setup_inputs(seed: int = 0) -> dict:
    key = jax.random.key(seed)
    k1, k2 = jax.random.split(key)
    x = jax.random.normal(k1, (N_NODES, D_FEAT), dtype=jnp.float32)
    edge_index = jax.random.randint(k2, (2, N_EDGES), 0, N_NODES, dtype=jnp.int64 if jax.config.jax_enable_x64 else jnp.int32).astype(jnp.int32)
    return {"x": x, "edge_index": edge_index}

def reference(x, edge_index):
    # MessagePassing with aggregator='mean'
    edge_index = edge_index.astype(jnp.int32)
    src = edge_index[0]
    dst = edge_index[1]
    n = x.shape[0]
    # message: x_j (source node features)
    x_j = jnp.take(x, src, axis=0)
    messages = x_j
    # aggregate: mean via segment_sum / count
    seg_sum = jax.ops.segment_sum(messages, dst, num_segments=n)
    ones = jnp.ones_like(messages[:, 0:1])
    seg_cnt = jax.ops.segment_sum(ones, dst, num_segments=n)
    aggregated = seg_sum / jnp.maximum(seg_cnt, jnp.ones_like(seg_cnt))
    # update: identity
    return aggregated

if __name__ == "__main__":
    import jax
    _d = setup_inputs()
    print(jax.jit(kernel)(*tuple(_d.values())))

</pallas_src>

<mosaic_0001>
#map = affine_map<(d0, d1) -> (0, 0)>
#map1 = affine_map<(d0, d1) -> (0, 0, 0)>
module attributes {stable_mosaic.version = 14 : i64} {
  func.func @k(%arg0: i32, %arg1: i32, %arg2: memref<10000x128xf32, #tpu.memory_space<hbm>>, %arg3: memref<32x288x64xi32, #tpu.memory_space<hbm>>, %arg4: memref<32x288x64xi32, #tpu.memory_space<hbm>>, %arg5: memref<2x10240x128xf32, #tpu.memory_space<hbm>>, %arg6: memref<32x10240xf32, #tpu.memory_space<hbm>>, %arg7: memref<2x8x64xi32, #tpu.memory_space<vmem>>, %arg8: memref<2x64xi32, #tpu.memory_space<vmem>>, %arg9: memref<2x64x128xf32, #tpu.memory_space<vmem>>, %arg10: memref<10240xf32, #tpu.memory_space<vmem>>, %arg11: memref<16x128xf32, #tpu.memory_space<vmem>>, %arg12: memref<10240x128xf32, #tpu.memory_space<vmem_shared>>, %arg13: memref<!tpu.dma_semaphore, #tpu.memory_space<semaphore_mem>>, %arg14: memref<!tpu.dma_semaphore, #tpu.memory_space<semaphore_mem>>, %arg15: memref<!tpu.dma_semaphore, #tpu.memory_space<semaphore_mem>>, %arg16: memref<!tpu.dma_semaphore, #tpu.memory_space<semaphore_mem>>) attributes {dimension_semantics = [#tpu.dimension_semantics<core_parallel>, #tpu.dimension_semantics<subcore_parallel>], iteration_bounds = array<i64: 2, 16>, scalar_prefetch = 0 : i64, scratch_operands = 10 : i64, tpu.core_type = #tpu.core_type<sc_vector_subcore>, window_params = [{transform_indices = #map}, {transform_indices = #map1}, {transform_indices = #map1}, {transform_indices = #map1}, {transform_indices = #map}]} {
    %mul3A = arith.constant 2 : i32
    %mul3A_0 = arith.muli %arg1, %mul3A : i32
    %add3A = arith.addi %mul3A_0, %arg0 : i32
    %scan3A = arith.constant 0 : i32
    %scan3A_1 = arith.constant 0 : i32
    %scan3A_2 = arith.constant 128 : i32
    %scan3A_3 = arith.addi %scan3A_1, %scan3A_2 : i32
    %scan3A_4 = arith.constant 1 : i32
    %scan3A_5 = scf.for %scan3A_431 = %scan3A_1 to %scan3A_3 step %scan3A_4 iter_args(%scan3A_432 = %scan3A) -> (i32)  : i32 {
      %broadcast_in_dim3A_433 = arith.constant 0.000000e+00 : f32
      %broadcast_in_dim3A_434 = vector.broadcast %broadcast_in_dim3A_433 : f32 to vector<16xf32>
      %jit3A_435 = arith.constant 8 : i32
      %div3A = arith.divsi %scan3A_431, %jit3A_435 : i32
      %sign3A = arith.constant 0 : i32
      %sign3A_436 = arith.cmpi sgt, %scan3A_431, %sign3A : i32
      %sign3A_437 = arith.extui %sign3A_436 : i1 to i32
      %sign3A_438 = arith.constant 0 : i32
      %sign3A_439 = arith.cmpi slt, %scan3A_431, %sign3A_438 : i32
      %sign3A_440 = arith.extui %sign3A_439 : i1 to i32
      %sign3A_441 = arith.subi %sign3A_437, %sign3A_440 : i32
      %sign3A_442 = arith.constant 0 : i32
      %sign3A_443 = arith.cmpi sgt, %jit3A_435, %sign3A_442 : i32
      %sign3A_444 = arith.extui %sign3A_443 : i1 to i32
      %sign3A_445 = arith.constant 0 : i32
      %sign3A_446 = arith.cmpi slt, %jit3A_435, %sign3A_445 : i32
      %sign3A_447 = arith.extui %sign3A_446 : i1 to i32
      %sign3A_448 = arith.subi %sign3A_444, %sign3A_447 : i32
      %ne3A = arith.cmpi ne, %sign3A_441, %sign3A_448 : i32
      %rem3A = arith.remsi %scan3A_431, %jit3A_435 : i32
      %ne3A_449 = arith.constant 0 : i32
      %ne3A_450 = arith.cmpi ne, %rem3A, %ne3A_449 : i32
      %and3A = arith.andi %ne3A, %ne3A_450 : i1
      %sub3A = arith.constant 1 : i32
      %sub3A_451 = arith.subi %div3A, %sub3A : i32
      %select_n3A_452 = arith.select %and3A, %sub3A_451, %div3A : i32
      %jit3A_453 = arith.constant 8 : i32
      %eq3A_454 = arith.constant 0 : i32
      %eq3A_455 = arith.cmpi eq, %jit3A_453, %eq3A_454 : i32
      %jit3A_456 = arith.constant 1 : i32
      %select_n3A_457 = arith.select %eq3A_455, %jit3A_456, %jit3A_453 : i32
      %rem3A_458 = arith.remsi %scan3A_431, %select_n3A_457 : i32
      %ne3A_459 = arith.constant 0 : i32
      %ne3A_460 = arith.cmpi ne, %rem3A_458, %ne3A_459 : i32
      %lt3A = arith.constant 0 : i32
      %lt3A_461 = arith.cmpi slt, %rem3A_458, %lt3A : i32
      %lt3A_462 = arith.constant 0 : i32
      %lt3A_463 = arith.cmpi slt, %select_n3A_457, %lt3A_462 : i32
      %ne3A_464 = arith.xori %lt3A_461, %lt3A_463 : i1
      %and3A_465 = arith.andi %ne3A_464, %ne3A_460 : i1
      %add3A_466 = arith.addi %rem3A_458, %select_n3A_457 : i32
      %select_n3A_467 = arith.select %and3A_465, %add3A_466, %rem3A_458 : i32
      %mul3A_468 = arith.constant 16 : i32
      %mul3A_469 = arith.muli %select_n3A_467, %mul3A_468 : i32
      %swap3A = arith.index_cast %select_n3A_452 : i32 to index
      %swap3A_470 = arith.index_cast %mul3A_469 : i32 to index
      %swap3A_471 = tpu.vector_load %arg11[%swap3A, %swap3A_470] {strides = array<i32>} : memref<16x128xf32, #tpu.memory_space<vmem>>, vector<16xf32>,
      tpu.vector_store %arg11[%swap3A, %swap3A_470], %broadcast_in_dim3A_434 {strides = array<i32>} : memref<16x128xf32, #tpu.memory_space<vmem>>, vector<16xf32>,
      %scan3A_472 = arith.constant 0 : i32
      scf.yield %scan3A_472 : i32
    }
    %scan3A_6 = arith.constant 128 : i32
    %scan3A_7 = arith.constant 0 : i32
    %scan3A_8 = arith.constant 0 : i32
    %scan3A_9 = arith.constant 640 : i32
    %scan3A_10 = arith.addi %scan3A_8, %scan3A_9 : i32
    %scan3A_11 = arith.constant 1 : i32
    %scan3A_12 = scf.for %scan3A_431 = %scan3A_8 to %scan3A_10 step %scan3A_11 iter_args(%scan3A_432 = %scan3A_7) -> (i32)  : i32 {
      %broadcast_in_dim3A_433 = arith.constant 0.000000e+00 : f32
      %broadcast_in_dim3A_434 = vector.broadcast %broadcast_in_dim3A_433 : f32 to vector<16xf32>
      %mul3A_435 = arith.constant 16 : i32
      %mul3A_436 = arith.muli %scan3A_431, %mul3A_435 : i32
      %swap3A = arith.index_cast %mul3A_436 : i32 to index
      %swap3A_437 = tpu.vector_load %arg10[%swap3A] {strides = array<i32>} : memref<10240xf32, #tpu.memory_space<vmem>>, vector<16xf32>,
      tpu.vector_store %arg10[%swap3A], %broadcast_in_dim3A_434 {strides = array<i32>} : memref<10240xf32, #tpu.memory_space<vmem>>, vector<16xf32>,
      %scan3A_438 = arith.constant 0 : i32
      scf.yield %scan3A_438 : i32
    }
    %scan3A_13 = arith.constant 640 : i32
    %mul3A_14 = arith.constant 640 : i32
    %mul3A_15 = arith.muli %arg1, %mul3A_14 : i32
    %add3A_16 = arith.constant 0 : i32
    %add3A_17 = arith.addi %mul3A_15, %add3A_16 : i32
    %dma_start3A = arith.constant 0 : i32
    %dma_start3A_18 = tpu.memref_slice %arg12[%add3A_17, %dma_start3A] : memref<10240x128xf32, #tpu.memory_space<vmem_shared>> -> memref<16x128xf32, #tpu.memory_space<vmem_shared>>
    %dma_start3A_19 = arith.constant 0 : i32
    %dma_start3A_20 = tpu.memref_slice %arg12[%add3A_17, %dma_start3A_19] : memref<10240x128xf32, #tpu.memory_space<vmem_shared>> -> memref<16x128xf32, #tpu.memory_space<vmem_shared>>
    tpu.enqueue_dma source(%arg11 : memref<16x128xf32, #tpu.memory_space<vmem>>) target(%dma_start3A_20 : memref<16x128xf32, #tpu.memory_space<vmem_shared>>) target_semaphore(%arg13 : memref<!tpu.dma_semaphore, #tpu.memory_space<semaphore_mem>>)
    %add3A_21 = arith.constant 16 : i32
    %add3A_22 = arith.addi %mul3A_15, %add3A_21 : i32
    %dma_start3A_23 = arith.constant 0 : i32
    %dma_start3A_24 = tpu.memref_slice %arg12[%add3A_22, %dma_start3A_23] : memref<10240x128xf32, #tpu.memory_space<vmem_shared>> -> memref<16x128xf32, #tpu.memory_space<vmem_shared>>
    %dma_start3A_25 = arith.constant 0 : i32
    %dma_start3A_26 = tpu.memref_slice %arg12[%add3A_22, %dma_start3A_25] : memref<10240x128xf32, #tpu.memory_space<vmem_shared>> -> memref<16x128xf32, #tpu.memory_space<vmem_shared>>
    tpu.enqueue_dma source(%arg11 : memref<16x128xf32, #tpu.memory_space<vmem>>) target(%dma_start3A_26 : memref<16x128xf32, #tpu.memory_space<vmem_shared>>) target_semaphore(%arg13 : memref<!tpu.dma_semaphore, #tpu.memory_space<semaphore_mem>>)
    %add3A_27 = arith.constant 32 : i32
    %add3A_28 = arith.addi %mul3A_15, %add3A_27 : i32
    %dma_start3A_29 = arith.constant 0 : i32
    %dma_start3A_30 = tpu.memref_slice %arg12[%add3A_28, %dma_start3A_29] : memref<10240x128xf32, #tpu.memory_space<vmem_shared>> -> memref<16x128xf32, #tpu.memory_space<vmem_shared>>
    %dma_start3A_31 = arith.constant 0 : i32
    %dma_start3A_32 = tpu.memref_slice %arg12[%add3A_28, %dma_start3A_31] : memref<10240x128xf32, #tpu.memory_space<vmem_shared>> -> memref<16x128xf32, #tpu.memory_space<vmem_shared>>
    tpu.enqueue_dma source(%arg11 : memref<16x128xf32, #tpu.memory_space<vmem>>) target(%dma_start3A_32 : memref<16x128xf32, #tpu.memory_space<vmem_shared>>) target_semaphore(%arg13 : memref<!tpu.dma_semaphore, #tpu.memory_space<semaphore_mem>>)
    %add3A_33 = arith.constant 48 : i32
    %add3A_34 = arith.addi %mul3A_15, %add3A_33 : i32
    %dma_start3A_35 = arith.constant 0 : i32
    %dma_start3A_36 = tpu.memref_slice %arg12[%add3A_34, %dma_start3A_35] : memref<10240x128xf32, #tpu.memory_space<vmem_shared>> -> memref<16x128xf32, #tpu.memory_space<vmem_shared>>
    %dma_start3A_37 = arith.constant 0 : i32
    %dma_start3A_38 = tpu.memref_slice %arg12[%add3A_34, %dma_start3A_37] : memref<10240x128xf32, #tpu.memory_space<vmem_shared>> -> memref<16x128xf32, #tpu.memory_space<vmem_shared>>
    tpu.enqueue_dma source(%arg11 : memref<16x128xf32, #tpu.memory_space<vmem>>) target(%dma_start3A_38 : memref<16x128xf32, #tpu.memory_space<vmem_shared>>) target_semaphore(%arg13 : memref<!tpu.dma_semaphore, #tpu.memory_space<semaphore_mem>>)
    %add3A_39 = arith.constant 64 : i32
    %add3A_40 = arith.addi %mul3A_15, %add3A_39 : i32
    %dma_start3A_41 = arith.constant 0 : i32
    %dma_start3A_42 = tpu.memref_slice %arg12[%add3A_40, %dma_start3A_41] : memref<10240x128xf32, #tpu.memory_space<vmem_shared>> -> memref<16x128xf32, #tpu.memory_space<vmem_shared>>
    %dma_start3A_43 = arith.constant 0 : i32
    %dma_start3A_44 = tpu.memref_slice %arg12[%add3A_40, %dma_start3A_43] : memref<10240x128xf32, #tpu.memory_space<vmem_shared>> -> memref<16x128xf32, #tpu.memory_space<vmem_shared>>
    tpu.enqueue_dma source(%arg11 : memref<16x128xf32, #tpu.memory_space<vmem>>) target(%dma_start3A_44 : memref<16x128xf32, #tpu.memory_space<vmem_shared>>) target_semaphore(%arg13 : memref<!tpu.dma_semaphore, #tpu.memory_space<semaphore_mem>>)
    %add3A_45 = arith.constant 80 : i32
    %add3A_46 = arith.addi %mul3A_15, %add3A_45 : i32
    %dma_start3A_47 = arith.constant 0 : i32
    %dma_start3A_48 = tpu.memref_slice %arg12[%add3A_46, %dma_start3A_47] : memref<10240x128xf32, #tpu.memory_space<vmem_shared>> -> memref<16x128xf32, #tpu.memory_space<vmem_shared>>
    %dma_start3A_49 = arith.constant 0 : i32
    %dma_start3A_50 = tpu.memref_slice %arg12[%add3A_46, %dma_start3A_49] : memref<10240x128xf32, #tpu.memory_space<vmem_shared>> -> memref<16x128xf32, #tpu.memory_space<vmem_shared>>
    tpu.enqueue_dma source(%arg11 : memref<16x128xf32, #tpu.memory_space<vmem>>) target(%dma_start3A_50 : memref<16x128xf32, #tpu.memory_space<vmem_shared>>) target_semaphore(%arg13 : memref<!tpu.dma_semaphore, #tpu.memory_space<semaphore_mem>>)
    %add3A_51 = arith.constant 96 : i32
    %add3A_52 = arith.addi %mul3A_15, %add3A_51 : i32
    %dma_start3A_53 = arith.constant 0 : i32
    %dma_start3A_54 = tpu.memref_slice %arg12[%add3A_52, %dma_start3A_53] : memref<10240x128xf32, #tpu.memory_space<vmem_shared>> -> memref<16x128xf32, #tpu.memory_space<vmem_shared>>
    %dma_start3A_55 = arith.constant 0 : i32
    %dma_start3A_56 = tpu.memref_slice %arg12[%add3A_52, %dma_start3A_55] : memref<10240x128xf32, #tpu.memory_space<vmem_shared>> -> memref<16x128xf32, #tpu.memory_space<vmem_shared>>
    tpu.enqueue_dma source(%arg11 : memref<16x128xf32, #tpu.memory_space<vmem>>) target(%dma_start3A_56 : memref<16x128xf32, #tpu.memory_space<vmem_shared>>) target_semaphore(%arg13 : memref<!tpu.dma_semaphore, #tpu.memory_space<semaphore_mem>>)
    %add3A_57 = arith.constant 112 : i32
    %add3A_58 = arith.addi %mul3A_15, %add3A_57 : i32
    %dma_start3A_59 = arith.constant 0 : i32
    %dma_start3A_60 = tpu.memref_slice %arg12[%add3A_58, %dma_start3A_59] : memref<10240x128xf32, #tpu.memory_space<vmem_shared>> -> memref<16x128xf32, #tpu.memory_space<vmem_shared>>
    %dma_start3A_61 = arith.constant 0 : i32
    %dma_start3A_62 = tpu.memref_slice %arg12[%add3A_58, %dma_start3A_61] : memref<10240x128xf32, #tpu.memory_space<vmem_shared>> -> memref<16x128xf32, #tpu.memory_space<vmem_shared>>
    tpu.enqueue_dma source(%arg11 : memref<16x128xf32, #tpu.memory_space<vmem>>) target(%dma_start3A_62 : memref<16x128xf32, #tpu.memory_space<vmem_shared>>) target_semaphore(%arg13 : memref<!tpu.dma_semaphore, #tpu.memory_space<semaphore_mem>>)
    %dma_wait3A = arith.constant 0 : i32
    %dma_wait3A_63 = tpu.memref_slice %arg12[%add3A_17, %dma_wait3A] : memref<10240x128xf32, #tpu.memory_space<vmem_shared>> -> memref<16x128xf32, #tpu.memory_space<vmem_shared>>
    %dma_wait3A_64 = arith.constant 0 : i32
    %dma_wait3A_65 = tpu.memref_slice %arg12[%add3A_17, %dma_wait3A_64] : memref<10240x128xf32, #tpu.memory_space<vmem_shared>> -> memref<16x128xf32, #tpu.memory_space<vmem_shared>>
    tpu.wait_dma2 semaphore(%arg13 : memref<!tpu.dma_semaphore, #tpu.memory_space<semaphore_mem>>) src(%arg11 : memref<16x128xf32, #tpu.memory_space<vmem>>) dst(%dma_wait3A_65 : memref<16x128xf32, #tpu.memory_space<vmem_shared>>)
    %dma_wait3A_66 = arith.constant 0 : i32
    %dma_wait3A_67 = tpu.memref_slice %arg12[%add3A_22, %dma_wait3A_66] : memref<10240x128xf32, #tpu.memory_space<vmem_shared>> -> memref<16x128xf32, #tpu.memory_space<vmem_shared>>
    %dma_wait3A_68 = arith.constant 0 : i32
    %dma_wait3A_69 = tpu.memref_slice %arg12[%add3A_22, %dma_wait3A_68] : memref<10240x128xf32, #tpu.memory_space<vmem_shared>> -> memref<16x128xf32, #tpu.memory_space<vmem_shared>>
    tpu.wait_dma2 semaphore(%arg13 : memref<!tpu.dma_semaphore, #tpu.memory_space<semaphore_mem>>) src(%arg11 : memref<16x128xf32, #tpu.memory_space<vmem>>) dst(%dma_wait3A_69 : memref<16x128xf32, #tpu.memory_space<vmem_shared>>)
    %dma_wait3A_70 = arith.constant 0 : i32
    %dma_wait3A_71 = tpu.memref_slice %arg12[%add3A_28, %dma_wait3A_70] : memref<10240x128xf32, #tpu.memory_space<vmem_shared>> -> memref<16x128xf32, #tpu.memory_space<vmem_shared>>
    %dma_wait3A_72 = arith.constant 0 : i32
    %dma_wait3A_73 = tpu.memref_slice %arg12[%add3A_28, %dma_wait3A_72] : memref<10240x128xf32, #tpu.memory_space<vmem_shared>> -> memref<16x128xf32, #tpu.memory_space<vmem_shared>>
    tpu.wait_dma2 semaphore(%arg13 : memref<!tpu.dma_semaphore, #tpu.memory_space<semaphore_mem>>) src(%arg11 : memref<16x128xf32, #tpu.memory_space<vmem>>) dst(%dma_wait3A_73 : memref<16x128xf32, #tpu.memory_space<vmem_shared>>)
    %dma_wait3A_74 = arith.constant 0 : i32
    %dma_wait3A_75 = tpu.memref_slice %arg12[%add3A_34, %dma_wait3A_74] : memref<10240x128xf32, #tpu.memory_space<vmem_shared>> -> memref<16x128xf32, #tpu.memory_space<vmem_shared>>
    %dma_wait3A_76 = arith.constant 0 : i32
    %dma_wait3A_77 = tpu.memref_slice %arg12[%add3A_34, %dma_wait3A_76] : memref<10240x128xf32, #tpu.memory_space<vmem_shared>> -> memref<16x128xf32, #tpu.memory_space<vmem_shared>>
    tpu.wait_dma2 semaphore(%arg13 : memref<!tpu.dma_semaphore, #tpu.memory_space<semaphore_mem>>) src(%arg11 : memref<16x128xf32, #tpu.memory_space<vmem>>) dst(%dma_wait3A_77 : memref<16x128xf32, #tpu.memory_space<vmem_shared>>)
    %dma_wait3A_78 = arith.constant 0 : i32
    %dma_wait3A_79 = tpu.memref_slice %arg12[%add3A_40, %dma_wait3A_78] : memref<10240x128xf32, #tpu.memory_space<vmem_shared>> -> memref<16x128xf32, #tpu.memory_space<vmem_shared>>
    %dma_wait3A_80 = arith.constant 0 : i32
    %dma_wait3A_81 = tpu.memref_slice %arg12[%add3A_40, %dma_wait3A_80] : memref<10240x128xf32, #tpu.memory_space<vmem_shared>> -> memref<16x128xf32, #tpu.memory_space<vmem_shared>>
    tpu.wait_dma2 semaphore(%arg13 : memref<!tpu.dma_semaphore, #tpu.memory_space<semaphore_mem>>) src(%arg11 : memref<16x128xf32, #tpu.memory_space<vmem>>) dst(%dma_wait3A_81 : memref<16x128xf32, #tpu.memory_space<vmem_shared>>)
    %dma_wait3A_82 = arith.constant 0 : i32
    %dma_wait3A_83 = tpu.memref_slice %arg12[%add3A_46, %dma_wait3A_82] : memref<10240x128xf32, #tpu.memory_space<vmem_shared>> -> memref<16x128xf32, #tpu.memory_space<vmem_shared>>
    %dma_wait3A_84 = arith.constant 0 : i32
    %dma_wait3A_85 = tpu.memref_slice %arg12[%add3A_46, %dma_wait3A_84] : memref<10240x128xf32, #tpu.memory_space<vmem_shared>> -> memref<16x128xf32, #tpu.memory_space<vmem_shared>>
    tpu.wait_dma2 semaphore(%arg13 : memref<!tpu.dma_semaphore, #tpu.memory_space<semaphore_mem>>) src(%arg11 : memref<16x128xf32, #tpu.memory_space<vmem>>) dst(%dma_wait3A_85 : memref<16x128xf32, #tpu.memory_space<vmem_shared>>)
    %dma_wait3A_86 = arith.constant 0 : i32
    %dma_wait3A_87 = tpu.memref_slice %arg12[%add3A_52, %dma_wait3A_86] : memref<10240x128xf32, #tpu.memory_space<vmem_shared>> -> memref<16x128xf32, #tpu.memory_space<vmem_shared>>
    %dma_wait3A_88 = arith.constant 0 : i32
    %dma_wait3A_89 = tpu.memref_slice %arg12[%add3A_52, %dma_wait3A_88] : memref<10240x128xf32, #tpu.memory_space<vmem_shared>> -> memref<16x128xf32, #tpu.memory_space<vmem_shared>>
    tpu.wait_dma2 semaphore(%arg13 : memref<!tpu.dma_semaphore, #tpu.memory_space<semaphore_mem>>) src(%arg11 : memref<16x128xf32, #tpu.memory_space<vmem>>) dst(%dma_wait3A_89 : memref<16x128xf32, #tpu.memory_space<vmem_shared>>)
    %dma_wait3A_90 = arith.constant 0 : i32
    %dma_wait3A_91 = tpu.memref_slice %arg12[%add3A_58, %dma_wait3A_90] : memref<10240x128xf32, #tpu.memory_space<vmem_shared>> -> memref<16x128xf32, #tpu.memory_space<vmem_shared>>
    %dma_wait3A_92 = arith.constant 0 : i32
    %dma_wait3A_93 = tpu.memref_slice %arg12[%add3A_58, %dma_wait3A_92] : memref<10240x128xf32, #tpu.memory_space<vmem_shared>> -> memref<16x128xf32, #tpu.memory_space<vmem_shared>>
    tpu.wait_dma2 semaphore(%arg13 : memref<!tpu.dma_semaphore, #tpu.memory_space<semaphore_mem>>) src(%arg11 : memref<16x128xf32, #tpu.memory_space<vmem>>) dst(%dma_wait3A_93 : memref<16x128xf32, #tpu.memory_space<vmem_shared>>)
    %add3A_94 = arith.constant 128 : i32
    %add3A_95 = arith.addi %mul3A_15, %add3A_94 : i32
    %dma_start3A_96 = arith.constant 0 : i32
    %dma_start3A_97 = tpu.memref_slice %arg12[%add3A_95, %dma_start3A_96] : memref<10240x128xf32, #tpu.memory_space<vmem_shared>> -> memref<16x128xf32, #tpu.memory_space<vmem_shared>>
    %dma_start3A_98 = arith.constant 0 : i32
    %dma_start3A_99 = tpu.memref_slice %arg12[%add3A_95, %dma_start3A_98] : memref<10240x128xf32, #tpu.memory_space<vmem_shared>> -> memref<16x128xf32, #tpu.memory_space<vmem_shared>>
    tpu.enqueue_dma source(%arg11 : memref<16x128xf32, #tpu.memory_space<vmem>>) target(%dma_start3A_99 : memref<16x128xf32, #tpu.memory_space<vmem_shared>>) target_semaphore(%arg13 : memref<!tpu.dma_semaphore, #tpu.memory_space<semaphore_mem>>)
    %add3A_100 = arith.constant 144 : i32
    %add3A_101 = arith.addi %mul3A_15, %add3A_100 : i32
    %dma_start3A_102 = arith.constant 0 : i32
    %dma_start3A_103 = tpu.memref_slice %arg12[%add3A_101, %dma_start3A_102] : memref<10240x128xf32, #tpu.memory_space<vmem_shared>> -> memref<16x128xf32, #tpu.memory_space<vmem_shared>>
    %dma_start3A_104 = arith.constant 0 : i32
    %dma_start3A_105 = tpu.memref_slice %arg12[%add3A_101, %dma_start3A_104] : memref<10240x128xf32, #tpu.memory_space<vmem_shared>> -> memref<16x128xf32, #tpu.memory_space<vmem_shared>>
    tpu.enqueue_dma source(%arg11 : memref<16x128xf32, #tpu.memory_space<vmem>>) target(%dma_start3A_105 : memref<16x128xf32, #tpu.memory_space<vmem_shared>>) target_semaphore(%arg13 : memref<!tpu.dma_semaphore, #tpu.memory_space<semaphore_mem>>)
    %add3A_106 = arith.constant 160 : i32
    %add3A_107 = arith.addi %mul3A_15, %add3A_106 : i32
    %dma_start3A_108 = arith.constant 0 : i32
    %dma_start3A_109 = tpu.memref_slice %arg12[%add3A_107, %dma_start3A_108] : memref<10240x128xf32, #tpu.memory_space<vmem_shared>> -> memref<16x128xf32, #tpu.memory_space<vmem_shared>>
    %dma_start3A_110 = arith.constant 0 : i32
    %dma_start3A_111 = tpu.memref_slice %arg12[%add3A_107, %dma_start3A_110] : memref<10240x128xf32, #tpu.memory_space<vmem_shared>> -> memref<16x128xf32, #tpu.memory_space<vmem_shared>>
    tpu.enqueue_dma source(%arg11 : memref<16x128xf32, #tpu.memory_space<vmem>>) target(%dma_start3A_111 : memref<16x128xf32, #tpu.memory_space<vmem_shared>>) target_semaphore(%arg13 : memref<!tpu.dma_semaphore, #tpu.memory_space<semaphore_mem>>)
    %add3A_112 = arith.constant 176 : i32
    %add3A_113 = arith.addi %mul3A_15, %add3A_112 : i32
    %dma_start3A_114 = arith.constant 0 : i32
    %dma_start3A_115 = tpu.memref_slice %arg12[%add3A_113, %dma_start3A_114] : memref<10240x128xf32, #tpu.memory_space<vmem_shared>> -> memref<16x128xf32, #tpu.memory_space<vmem_shared>>
    %dma_start3A_116 = arith.constant 0 : i32
    %dma_start3A_117 = tpu.memref_slice %arg12[%add3A_113, %dma_start3A_116] : memref<10240x128xf32, #tpu.memory_space<vmem_shared>> -> memref<16x128xf32, #tpu.memory_space<vmem_shared>>
    tpu.enqueue_dma source(%arg11 : memref<16x128xf32, #tpu.memory_space<vmem>>) target(%dma_start3A_117 : memref<16x128xf32, #tpu.memory_space<vmem_shared>>) target_semaphore(%arg13 : memref<!tpu.dma_semaphore, #tpu.memory_space<semaphore_mem>>)
    %add3A_118 = arith.constant 192 : i32
    %add3A_119 = arith.addi %mul3A_15, %add3A_118 : i32
    %dma_start3A_120 = arith.constant 0 : i32
    %dma_start3A_121 = tpu.memref_slice %arg12[%add3A_119, %dma_start3A_120] : memref<10240x128xf32, #tpu.memory_space<vmem_shared>> -> memref<16x128xf32, #tpu.memory_space<vmem_shared>>
    %dma_start3A_122 = arith.constant 0 : i32
    %dma_start3A_123 = tpu.memref_slice %arg12[%add3A_119, %dma_start3A_122] : memref<10240x128xf32, #tpu.memory_space<vmem_shared>> -> memref<16x128xf32, #tpu.memory_space<vmem_shared>>
    tpu.enqueue_dma source(%arg11 : memref<16x128xf32, #tpu.memory_space<vmem>>) target(%dma_start3A_123 : memref<16x128xf32, #tpu.memory_space<vmem_shared>>) target_semaphore(%arg13 : memref<!tpu.dma_semaphore, #tpu.memory_space<semaphore_mem>>)
    %add3A_124 = arith.constant 208 : i32
    %add3A_125 = arith.addi %mul3A_15, %add3A_124 : i32
    %dma_start3A_126 = arith.constant 0 : i32
    %dma_start3A_127 = tpu.memref_slice %arg12[%add3A_125, %dma_start3A_126] : memref<10240x128xf32, #tpu.memory_space<vmem_shared>> -> memref<16x128xf32, #tpu.memory_space<vmem_shared>>
    %dma_start3A_128 = arith.constant 0 : i32
    %dma_start3A_129 = tpu.memref_slice %arg12[%add3A_125, %dma_start3A_128] : memref<10240x128xf32, #tpu.memory_space<vmem_shared>> -> memref<16x128xf32, #tpu.memory_space<vmem_shared>>
    tpu.enqueue_dma source(%arg11 : memref<16x128xf32, #tpu.memory_space<vmem>>) target(%dma_start3A_129 : memref<16x128xf32, #tpu.memory_space<vmem_shared>>) target_semaphore(%arg13 : memref<!tpu.dma_semaphore, #tpu.memory_space<semaphore_mem>>)
    %add3A_130 = arith.constant 224 : i32
    %add3A_131 = arith.addi %mul3A_15, %add3A_130 : i32
    %dma_start3A_132 = arith.constant 0 : i32
    %dma_start3A_133 = tpu.memref_slice %arg12[%add3A_131, %dma_start3A_132] : memref<10240x128xf32, #tpu.memory_space<vmem_shared>> -> memref<16x128xf32, #tpu.memory_space<vmem_shared>>
    %dma_start3A_134 = arith.constant 0 : i32
    %dma_start3A_135 = tpu.memref_slice %arg12[%add3A_131, %dma_start3A_134] : memref<10240x128xf32, #tpu.memory_space<vmem_shared>> -> memref<16x128xf32, #tpu.memory_space<vmem_shared>>
    tpu.enqueue_dma source(%arg11 : memref<16x128xf32, #tpu.memory_space<vmem>>) target(%dma_start3A_135 : memref<16x128xf32, #tpu.memory_space<vmem_shared>>) target_semaphore(%arg13 : memref<!tpu.dma_semaphore, #tpu.memory_space<semaphore_mem>>)
    %add3A_136 = arith.constant 240 : i32
    %add3A_137 = arith.addi %mul3A_15, %add3A_136 : i32
    %dma_start3A_138 = arith.constant 0 : i32
    %dma_start3A_139 = tpu.memref_slice %arg12[%add3A_137, %dma_start3A_138] : memref<10240x128xf32, #tpu.memory_space<vmem_shared>> -> memref<16x128xf32, #tpu.memory_space<vmem_shared>>
    %dma_start3A_140 = arith.constant 0 : i32
    %dma_start3A_141 = tpu.memref_slice %arg12[%add3A_137, %dma_start3A_140] : memref<10240x128xf32, #tpu.memory_space<vmem_shared>> -> memref<16x128xf32, #tpu.memory_space<vmem_shared>>
    tpu.enqueue_dma source(%arg11 : memref<16x128xf32, #tpu.memory_space<vmem>>) target(%dma_start3A_141 : memref<16x128xf32, #tpu.memory_space<vmem_shared>>) target_semaphore(%arg13 : memref<!tpu.dma_semaphore, #tpu.memory_space<semaphore_mem>>)
    %dma_wait3A_142 = arith.constant 0 : i32
    %dma_wait3A_143 = tpu.memref_slice %arg12[%add3A_95, %dma_wait3A_142] : memref<10240x128xf32, #tpu.memory_space<vmem_shared>> -> memref<16x128xf32, #tpu.memory_space<vmem_shared>>
    %dma_wait3A_144 = arith.constant 0 : i32
    %dma_wait3A_145 = tpu.memref_slice %arg12[%add3A_95, %dma_wait3A_144] : memref<10240x128xf32, #tpu.memory_space<vmem_shared>> -> memref<16x128xf32, #tpu.memory_space<vmem_shared>>
    tpu.wait_dma2 semaphore(%arg13 : memref<!tpu.dma_semaphore, #tpu.memory_space<semaphore_mem>>) src(%arg11 : memref<16x128xf32, #tpu.memory_space<vmem>>) dst(%dma_wait3A_145 : memref<16x128xf32, #tpu.memory_space<vmem_shared>>)
    %dma_wait3A_146 = arith.constant 0 : i32
    %dma_wait3A_147 = tpu.memref_slice %arg12[%add3A_101, %dma_wait3A_146] : memref<10240x128xf32, #tpu.memory_space<vmem_shared>> -> memref<16x128xf32, #tpu.memory_space<vmem_shared>>
    %dma_wait3A_148 = arith.constant 0 : i32
    %dma_wait3A_149 = tpu.memref_slice %arg12[%add3A_101, %dma_wait3A_148] : memref<10240x128xf32, #tpu.memory_space<vmem_shared>> -> memref<16x128xf32, #tpu.memory_space<vmem_shared>>
    tpu.wait_dma2 semaphore(%arg13 : memref<!tpu.dma_semaphore, #tpu.memory_space<semaphore_mem>>) src(%arg11 : memref<16x128xf32, #tpu.memory_space<vmem>>) dst(%dma_wait3A_149 : memref<16x128xf32, #tpu.memory_space<vmem_shared>>)
    %dma_wait3A_150 = arith.constant 0 : i32
    %dma_wait3A_151 = tpu.memref_slice %arg12[%add3A_107, %dma_wait3A_150] : memref<10240x128xf32, #tpu.memory_space<vmem_shared>> -> memref<16x128xf32, #tpu.memory_space<vmem_shared>>
    %dma_wait3A_152 = arith.constant 0 : i32
    %dma_wait3A_153 = tpu.memref_slice %arg12[%add3A_107, %dma_wait3A_152] : memref<10240x128xf32, #tpu.memory_space<vmem_shared>> -> memref<16x128xf32, #tpu.memory_space<vmem_shared>>
    tpu.wait_dma2 semaphore(%arg13 : memref<!tpu.dma_semaphore, #tpu.memory_space<semaphore_mem>>) src(%arg11 : memref<16x128xf32, #tpu.memory_space<vmem>>) dst(%dma_wait3A_153 : memref<16x128xf32, #tpu.memory_space<vmem_shared>>)
    %dma_wait3A_154 = arith.constant 0 : i32
    %dma_wait3A_155 = tpu.memref_slice %arg12[%add3A_113, %dma_wait3A_154] : memref<10240x128xf32, #tpu.memory_space<vmem_shared>> -> memref<16x128xf32, #tpu.memory_space<vmem_shared>>
    %dma_wait3A_156 = arith.constant 0 : i32
    %dma_wait3A_157 = tpu.memref_slice %arg12[%add3A_113, %dma_wait3A_156] : memref<10240x128xf32, #tpu.memory_space<vmem_shared>> -> memref<16x128xf32, #tpu.memory_space<vmem_shared>>
    tpu.wait_dma2 semaphore(%arg13 : memref<!tpu.dma_semaphore, #tpu.memory_space<semaphore_mem>>) src(%arg11 : memref<16x128xf32, #tpu.memory_space<vmem>>) dst(%dma_wait3A_157 : memref<16x128xf32, #tpu.memory_space<vmem_shared>>)
    %dma_wait3A_158 = arith.constant 0 : i32
    %dma_wait3A_159 = tpu.memref_slice %arg12[%add3A_119, %dma_wait3A_158] : memref<10240x128xf32, #tpu.memory_space<vmem_shared>> -> memref<16x128xf32, #tpu.memory_space<vmem_shared>>
    %dma_wait3A_160 = arith.constant 0 : i32
    %dma_wait3A_161 = tpu.memref_slice %arg12[%add3A_119, %dma_wait3A_160] : memref<10240x128xf32, #tpu.memory_space<vmem_shared>> -> memref<16x128xf32, #tpu.memory_space<vmem_shared>>
    tpu.wait_dma2 semaphore(%arg13 : memref<!tpu.dma_semaphore, #tpu.memory_space<semaphore_mem>>) src(%arg11 : memref<16x128xf32, #tpu.memory_space<vmem>>) dst(%dma_wait3A_161 : memref<16x128xf32, #tpu.memory_space<vmem_shared>>)
    %dma_wait3A_162 = arith.constant 0 : i32
    %dma_wait3A_163 = tpu.memref_slice %arg12[%add3A_125, %dma_wait3A_162] : memref<10240x128xf32, #tpu.memory_space<vmem_shared>> -> memref<16x128xf32, #tpu.memory_space<vmem_shared>>
    %dma_wait3A_164 = arith.constant 0 : i32
    %dma_wait3A_165 = tpu.memref_slice %arg12[%add3A_125, %dma_wait3A_164] : memref<10240x128xf32, #tpu.memory_space<vmem_shared>> -> memref<16x128xf32, #tpu.memory_space<vmem_shared>>
    tpu.wait_dma2 semaphore(%arg13 : memref<!tpu.dma_semaphore, #tpu.memory_space<semaphore_mem>>) src(%arg11 : memref<16x128xf32, #tpu.memory_space<vmem>>) dst(%dma_wait3A_165 : memref<16x128xf32, #tpu.memory_space<vmem_shared>>)
    %dma_wait3A_166 = arith.constant 0 : i32
    %dma_wait3A_167 = tpu.memref_slice %arg12[%add3A_131, %dma_wait3A_166] : memref<10240x128xf32, #tpu.memory_space<vmem_shared>> -> memref<16x128xf32, #tpu.memory_space<vmem_shared>>
    %dma_wait3A_168 = arith.constant 0 : i32
    %dma_wait3A_169 = tpu.memref_slice %arg12[%add3A_131, %dma_wait3A_168] : memref<10240x128xf32, #tpu.memory_space<vmem_shared>> -> memref<16x128xf32, #tpu.memory_space<vmem_shared>>
    tpu.wait_dma2 semaphore(%arg13 : memref<!tpu.dma_semaphore, #tpu.memory_space<semaphore_mem>>) src(%arg11 : memref<16x128xf32, #tpu.memory_space<vmem>>) dst(%dma_wait3A_169 : memref<16x128xf32, #tpu.memory_space<vmem_shared>>)
    %dma_wait3A_170 = arith.constant 0 : i32
    %dma_wait3A_171 = tpu.memref_slice %arg12[%add3A_137, %dma_wait3A_170] : memref<10240x128xf32, #tpu.memory_space<vmem_shared>> -> memref<16x128xf32, #tpu.memory_space<vmem_shared>>
    %dma_wait3A_172 = arith.constant 0 : i32
    %dma_wait3A_173 = tpu.memref_slice %arg12[%add3A_137, %dma_wait3A_172] : memref<10240x128xf32, #tpu.memory_space<vmem_shared>> -> memref<16x128xf32, #tpu.memory_space<vmem_shared>>
    tpu.wait_dma2 semaphore(%arg13 : memref<!tpu.dma_semaphore, #tpu.memory_space<semaphore_mem>>) src(%arg11 : memref<16x128xf32, #tpu.memory_space<vmem>>) dst(%dma_wait3A_173 : memref<16x128xf32, #tpu.memory_space<vmem_shared>>)
    %add3A_174 = arith.constant 256 : i32
    %add3A_175 = arith.addi %mul3A_15, %add3A_174 : i32
    %dma_start3A_176 = arith.constant 0 : i32
    %dma_start3A_177 = tpu.memref_slice %arg12[%add3A_175, %dma_start3A_176] : memref<10240x128xf32, #tpu.memory_space<vmem_shared>> -> memref<16x128xf32, #tpu.memory_space<vmem_shared>>
    %dma_start3A_178 = arith.constant 0 : i32
    %dma_start3A_179 = tpu.memref_slice %arg12[%add3A_175, %dma_start3A_178] : memref<10240x128xf32, #tpu.memory_space<vmem_shared>> -> memref<16x128xf32, #tpu.memory_space<vmem_shared>>
    tpu.enqueue_dma source(%arg11 : memref<16x128xf32, #tpu.memory_space<vmem>>) target(%dma_start3A_179 : memref<16x128xf32, #tpu.memory_space<vmem_shared>>) target_semaphore(%arg13 : memref<!tpu.dma_semaphore, #tpu.memory_space<semaphore_mem>>)
    %add3A_180 = arith.constant 272 : i32
    %add3A_181 = arith.addi %mul3A_15, %add3A_180 : i32
    %dma_start3A_182 = arith.constant 0 : i32
    %dma_start3A_183 = tpu.memref_slice %arg12[%add3A_181, %dma_start3A_182] : memref<10240x128xf32, #tpu.memory_space<vmem_shared>> -> memref<16x128xf32, #tpu.memory_space<vmem_shared>>
    %dma_start3A_184 = arith.constant 0 : i32
    %dma_start3A_185 = tpu.memref_slice %arg12[%add3A_181, %dma_start3A_184] : memref<10240x128xf32, #tpu.memory_space<vmem_shared>> -> memref<16x128xf32, #tpu.memory_space<vmem_shared>>
    tpu.enqueue_dma source(%arg11 : memref<16x128xf32, #tpu.memory_space<vmem>>) target(%dma_start3A_185 : memref<16x128xf32, #tpu.memory_space<vmem_shared>>) target_semaphore(%arg13 : memref<!tpu.dma_semaphore, #tpu.memory_space<semaphore_mem>>)
    %add3A_186 = arith.constant 288 : i32
    %add3A_187 = arith.addi %mul3A_15, %add3A_186 : i32
    %dma_start3A_188 = arith.constant 0 : i32
    %dma_start3A_189 = tpu.memref_slice %arg12[%add3A_187, %dma_start3A_188] : memref<10240x128xf32, #tpu.memory_space<vmem_shared>> -> memref<16x128xf32, #tpu.memory_space<vmem_shared>>
    %dma_start3A_190 = arith.constant 0 : i32
    %dma_start3A_191 = tpu.memref_slice %arg12[%add3A_187, %dma_start3A_190] : memref<10240x128xf32, #tpu.memory_space<vmem_shared>> -> memref<16x128xf32, #tpu.memory_space<vmem_shared>>
    tpu.enqueue_dma source(%arg11 : memref<16x128xf32, #tpu.memory_space<vmem>>) target(%dma_start3A_191 : memref<16x128xf32, #tpu.memory_space<vmem_shared>>) target_semaphore(%arg13 : memref<!tpu.dma_semaphore, #tpu.memory_space<semaphore_mem>>)
    %add3A_192 = arith.constant 304 : i32
    %add3A_193 = arith.addi %mul3A_15, %add3A_192 : i32
    %dma_start3A_194 = arith.constant 0 : i32
    %dma_start3A_195 = tpu.memref_slice %arg12[%add3A_193, %dma_start3A_194] : memref<10240x128xf32, #tpu.memory_space<vmem_shared>> -> memref<16x128xf32, #tpu.memory_space<vmem_shared>>
    %dma_start3A_196 = arith.constant 0 : i32
    %dma_start3A_197 = tpu.memref_slice %arg12[%add3A_193, %dma_start3A_196] : memref<10240x128xf32, #tpu.memory_space<vmem_shared>> -> memref<16x128xf32, #tpu.memory_space<vmem_shared>>
    tpu.enqueue_dma source(%arg11 : memref<16x128xf32, #tpu.memory_space<vmem>>) target(%dma_start3A_197 : memref<16x128xf32, #tpu.memory_space<vmem_shared>>) target_semaphore(%arg13 : memref<!tpu.dma_semaphore, #tpu.memory_space<semaphore_mem>>)
    %add3A_198 = arith.constant 320 : i32
    %add3A_199 = arith.addi %mul3A_15, %add3A_198 : i32
    %dma_start3A_200 = arith.constant 0 : i32
    %dma_start3A_201 = tpu.memref_slice %arg12[%add3A_199, %dma_start3A_200] : memref<10240x128xf32, #tpu.memory_space<vmem_shared>> -> memref<16x128xf32, #tpu.memory_space<vmem_shared>>
    %dma_start3A_202 = arith.constant 0 : i32
    %dma_start3A_203 = tpu.memref_slice %arg12[%add3A_199, %dma_start3A_202] : memref<10240x128xf32, #tpu.memory_space<vmem_shared>> -> memref<16x128xf32, #tpu.memory_space<vmem_shared>>
    tpu.enqueue_dma source(%arg11 : memref<16x128xf32, #tpu.memory_space<vmem>>) target(%dma_start3A_203 : memref<16x128xf32, #tpu.memory_space<vmem_shared>>) target_semaphore(%arg13 : memref<!tpu.dma_semaphore, #tpu.memory_space<semaphore_mem>>)
    %add3A_204 = arith.constant 336 : i32
    %add3A_205 = arith.addi %mul3A_15, %add3A_204 : i32
    %dma_start3A_206 = arith.constant 0 : i32
    %dma_start3A_207 = tpu.memref_slice %arg12[%add3A_205, %dma_start3A_206] : memref<10240x128xf32, #tpu.memory_space<vmem_shared>> -> memref<16x128xf32, #tpu.memory_space<vmem_shared>>
    %dma_start3A_208 = arith.constant 0 : i32
    %dma_start3A_209 = tpu.memref_slice %arg12[%add3A_205, %dma_start3A_208] : memref<10240x128xf32, #tpu.memory_space<vmem_shared>> -> memref<16x128xf32, #tpu.memory_space<vmem_shared>>
    tpu.enqueue_dma source(%arg11 : memref<16x128xf32, #tpu.memory_space<vmem>>) target(%dma_start3A_209 : memref<16x128xf32, #tpu.memory_space<vmem_shared>>) target_semaphore(%arg13 : memref<!tpu.dma_semaphore, #tpu.memory_space<semaphore_mem>>)
    %add3A_210 = arith.constant 352 : i32
    %add3A_211 = arith.addi %mul3A_15, %add3A_210 : i32
    %dma_start3A_212 = arith.constant 0 : i32
    %dma_start3A_213 = tpu.memref_slice %arg12[%add3A_211, %dma_start3A_212] : memref<10240x128xf32, #tpu.memory_space<vmem_shared>> -> memref<16x128xf32, #tpu.memory_space<vmem_shared>>
    %dma_start3A_214 = arith.constant 0 : i32
    %dma_start3A_215 = tpu.memref_slice %arg12[%add3A_211, %dma_start3A_214] : memref<10240x128xf32, #tpu.memory_space<vmem_shared>> -> memref<16x128xf32, #tpu.memory_space<vmem_shared>>
    tpu.enqueue_dma source(%arg11 : memref<16x128xf32, #tpu.memory_space<vmem>>) target(%dma_start3A_215 : memref<16x128xf32, #tpu.memory_space<vmem_shared>>) target_semaphore(%arg13 : memref<!tpu.dma_semaphore, #tpu.memory_space<semaphore_mem>>)
    %add3A_216 = arith.constant 368 : i32
    %add3A_217 = arith.addi %mul3A_15, %add3A_216 : i32
    %dma_start3A_218 = arith.constant 0 : i32
    %dma_start3A_219 = tpu.memref_slice %arg12[%add3A_217, %dma_start3A_218] : memref<10240x128xf32, #tpu.memory_space<vmem_shared>> -> memref<16x128xf32, #tpu.memory_space<vmem_shared>>
    %dma_start3A_220 = arith.constant 0 : i32
    %dma_start3A_221 = tpu.memref_slice %arg12[%add3A_217, %dma_start3A_220] : memref<10240x128xf32, #tpu.memory_space<vmem_shared>> -> memref<16x128xf32, #tpu.memory_space<vmem_shared>>
    tpu.enqueue_dma source(%arg11 : memref<16x128xf32, #tpu.memory_space<vmem>>) target(%dma_start3A_221 : memref<16x128xf32, #tpu.memory_space<vmem_shared>>) target_semaphore(%arg13 : memref<!tpu.dma_semaphore, #tpu.memory_space<semaphore_mem>>)
    %dma_wait3A_222 = arith.constant 0 : i32
    %dma_wait3A_223 = tpu.memref_slice %arg12[%add3A_175, %dma_wait3A_222] : memref<10240x128xf32, #tpu.memory_space<vmem_shared>> -> memref<16x128xf32, #tpu.memory_space<vmem_shared>>
    %dma_wait3A_224 = arith.constant 0 : i32
    %dma_wait3A_225 = tpu.memref_slice %arg12[%add3A_175, %dma_wait3A_224] : memref<10240x128xf32, #tpu.memory_space<vmem_shared>> -> memref<16x128xf32, #tpu.memory_space<vmem_shared>>
    tpu.wait_dma2 semaphore(%arg13 : memref<!tpu.dma_semaphore, #tpu.memory_space<semaphore_mem>>) src(%arg11 : memref<16x128xf32, #tpu.memory_space<vmem>>) dst(%dma_wait3A_225 : memref<16x128xf32, #tpu.memory_space<vmem_shared>>)
    %dma_wait3A_226 = arith.constant 0 : i32
    %dma_wait3A_227 = tpu.memref_slice %arg12[%add3A_181, %dma_wait3A_226] : memref<10240x128xf32, #tpu.memory_space<vmem_shared>> -> memref<16x128xf32, #tpu.memory_space<vmem_shared>>
    %dma_wait3A_228 = arith.constant 0 : i32
    %dma_wait3A_229 = tpu.memref_slice %arg12[%add3A_181, %dma_wait3A_228] : memref<10240x128xf32, #tpu.memory_space<vmem_shared>> -> memref<16x128xf32, #tpu.memory_space<vmem_shared>>
    tpu.wait_dma2 semaphore(%arg13 : memref<!tpu.dma_semaphore, #tpu.memory_space<semaphore_mem>>) src(%arg11 : memref<16x128xf32, #tpu.memory_space<vmem>>) dst(%dma_wait3A_229 : memref<16x128xf32, #tpu.memory_space<vmem_shared>>)
    %dma_wait3A_230 = arith.constant 0 : i32
    %dma_wait3A_231 = tpu.memref_slice %arg12[%add3A_187, %dma_wait3A_230] : memref<10240x128xf32, #tpu.memory_space<vmem_shared>> -> memref<16x128xf32, #tpu.memory_space<vmem_shared>>
    %dma_wait3A_232 = arith.constant 0 : i32
    %dma_wait3A_233 = tpu.memref_slice %arg12[%add3A_187, %dma_wait3A_232] : memref<10240x128xf32, #tpu.memory_space<vmem_shared>> -> memref<16x128xf32, #tpu.memory_space<vmem_shared>>
    tpu.wait_dma2 semaphore(%arg13 : memref<!tpu.dma_semaphore, #tpu.memory_space<semaphore_mem>>) src(%arg11 : memref<16x128xf32, #tpu.memory_space<vmem>>) dst(%dma_wait3A_233 : memref<16x128xf32, #tpu.memory_space<vmem_shared>>)
    %dma_wait3A_234 = arith.constant 0 : i32
    %dma_wait3A_235 = tpu.memref_slice %arg12[%add3A_193, %dma_wait3A_234] : memref<10240x128xf32, #tpu.memory_space<vmem_shared>> -> memref<16x128xf32, #tpu.memory_space<vmem_shared>>
    %dma_wait3A_236 = arith.constant 0 : i32
    %dma_wait3A_237 = tpu.memref_slice %arg12[%add3A_193, %dma_wait3A_236] : memref<10240x128xf32, #tpu.memory_space<vmem_shared>> -> memref<16x128xf32, #tpu.memory_space<vmem_shared>>
    tpu.wait_dma2 semaphore(%arg13 : memref<!tpu.dma_semaphore, #tpu.memory_space<semaphore_mem>>) src(%arg11 : memref<16x128xf32, #tpu.memory_space<vmem>>) dst(%dma_wait3A_237 : memref<16x128xf32, #tpu.memory_space<vmem_shared>>)
    %dma_wait3A_238 = arith.constant 0 : i32
    %dma_wait3A_239 = tpu.memref_slice %arg12[%add3A_199, %dma_wait3A_238] : memref<10240x128xf32, #tpu.memory_space<vmem_shared>> -> memref<16x128xf32, #tpu.memory_space<vmem_shared>>
    %dma_wait3A_240 = arith.constant 0 : i32
    %dma_wait3A_241 = tpu.memref_slice %arg12[%add3A_199, %dma_wait3A_240] : memref<10240x128xf32, #tpu.memory_space<vmem_shared>> -> memref<16x128xf32, #tpu.memory_space<vmem_shared>>
    tpu.wait_dma2 semaphore(%arg13 : memref<!tpu.dma_semaphore, #tpu.memory_space<semaphore_mem>>) src(%arg11 : memref<16x128xf32, #tpu.memory_space<vmem>>) dst(%dma_wait3A_241 : memref<16x128xf32, #tpu.memory_space<vmem_shared>>)
    %dma_wait3A_242 = arith.constant 0 : i32
    %dma_wait3A_243 = tpu.memref_slice %arg12[%add3A_205, %dma_wait3A_242] : memref<10240x128xf32, #tpu.memory_space<vmem_shared>> -> memref<16x128xf32, #tpu.memory_space<vmem_shared>>
    %dma_wait3A_244 = arith.constant 0 : i32
    %dma_wait3A_245 = tpu.memref_slice %arg12[%add3A_205, %dma_wait3A_244] : memref<10240x128xf32, #tpu.memory_space<vmem_shared>> -> memref<16x128xf32, #tpu.memory_space<vmem_shared>>
    tpu.wait_dma2 semaphore(%arg13 : memref<!tpu.dma_semaphore, #tpu.memory_space<semaphore_mem>>) src(%arg11 : memref<16x128xf32, #tpu.memory_space<vmem>>) dst(%dma_wait3A_245 : memref<16x128xf32, #tpu.memory_space<vmem_shared>>)
    %dma_wait3A_246 = arith.constant 0 : i32
    %dma_wait3A_247 = tpu.memref_slice %arg12[%add3A_211, %dma_wait3A_246] : memref<10240x128xf32, #tpu.memory_space<vmem_shared>> -> memref<16x128xf32, #tpu.memory_space<vmem_shared>>
    %dma_wait3A_248 = arith.constant 0 : i32
    %dma_wait3A_249 = tpu.memref_slice %arg12[%add3A_211, %dma_wait3A_248] : memref<10240x128xf32, #tpu.memory_space<vmem_shared>> -> memref<16x128xf32, #tpu.memory_space<vmem_shared>>
    tpu.wait_dma2 semaphore(%arg13 : memref<!tpu.dma_semaphore, #tpu.memory_space<semaphore_mem>>) src(%arg11 : memref<16x128xf32, #tpu.memory_space<vmem>>) dst(%dma_wait3A_249 : memref<16x128xf32, #tpu.memory_space<vmem_shared>>)
    %dma_wait3A_250 = arith.constant 0 : i32
    %dma_wait3A_251 = tpu.memref_slice %arg12[%add3A_217, %dma_wait3A_250] : memref<10240x128xf32, #tpu.memory_space<vmem_shared>> -> memref<16x128xf32, #tpu.memory_space<vmem_shared>>
    %dma_wait3A_252 = arith.constant 0 : i32
    %dma_wait3A_253 = tpu.memref_slice %arg12[%add3A_217, %dma_wait3A_252] : memref<10240x128xf32, #tpu.memory_space<vmem_shared>> -> memref<16x128xf32, #tpu.memory_space<vmem_shared>>
    tpu.wait_dma2 semaphore(%arg13 : memref<!tpu.dma_semaphore, #tpu.memory_space<semaphore_mem>>) src(%arg11 : memref<16x128xf32, #tpu.memory_space<vmem>>) dst(%dma_wait3A_253 : memref<16x128xf32, #tpu.memory_space<vmem_shared>>)
    %add3A_254 = arith.constant 384 : i32
    %add3A_255 = arith.addi %mul3A_15, %add3A_254 : i32
    %dma_start3A_256 = arith.constant 0 : i32
    %dma_start3A_257 = tpu.memref_slice %arg12[%add3A_255, %dma_start3A_256] : memref<10240x128xf32, #tpu.memory_space<vmem_shared>> -> memref<16x128xf32, #tpu.memory_space<vmem_shared>>
    %dma_start3A_258 = arith.constant 0 : i32
    %dma_start3A_259 = tpu.memref_slice %arg12[%add3A_255, %dma_start3A_258] : memref<10240x128xf32, #tpu.memory_space<vmem_shared>> -> memref<16x128xf32, #tpu.memory_space<vmem_shared>>
    tpu.enqueue_dma source(%arg11 : memref<16x128xf32, #tpu.memory_space<vmem>>) target(%dma_start3A_259 : memref<16x128xf32, #tpu.memory_space<vmem_shared>>) target_semaphore(%arg13 : memref<!tpu.dma_semaphore, #tpu.memory_space<semaphore_mem>>)
    %add3A_260 = arith.constant 400 : i32
    %add3A_261 = arith.addi %mul3A_15, %add3A_260 : i32
    %dma_start3A_262 = arith.constant 0 : i32
    %dma_start3A_263 = tpu.memref_slice %arg12[%add3A_261, %dma_start3A_262] : memref<10240x128xf32, #tpu.memory_space<vmem_shared>> -> memref<16x128xf32, #tpu.memory_space<vmem_shared>>
    %dma_start3A_264 = arith.constant 0 : i32
    %dma_start3A_265 = tpu.memref_slice %arg12[%add3A_261, %dma_start3A_264] : memref<10240x128xf32, #tpu.memory_space<vmem_shared>> -> memref<16x128xf32, #tpu.memory_space<vmem_shared>>
    tpu.enqueue_dma source(%arg11 : memref<16x128xf32, #tpu.memory_space<vmem>>) target(%dma_start3A_265 : memref<16x128xf32, #tpu.memory_space<vmem_shared>>) target_semaphore(%arg13 : memref<!tpu.dma_semaphore, #tpu.memory_space<semaphore_mem>>)
    %add3A_266 = arith.constant 416 : i32
    %add3A_267 = arith.addi %mul3A_15, %add3A_266 : i32
    %dma_start3A_268 = arith.constant 0 : i32
    %dma_start3A_269 = tpu.memref_slice %arg12[%add3A_267, %dma_start3A_268] : memref<10240x128xf32, #tpu.memory_space<vmem_shared>> -> memref<16x128xf32, #tpu.memory_space<vmem_shared>>
    %dma_start3A_270 = arith.constant 0 : i32
    %dma_start3A_271 = tpu.memref_slice %arg12[%add3A_267, %dma_start3A_270] : memref<10240x128xf32, #tpu.memory_space<vmem_shared>> -> memref<16x128xf32, #tpu.memory_space<vmem_shared>>
    tpu.enqueue_dma source(%arg11 : memref<16x128xf32, #tpu.memory_space<vmem>>) target(%dma_start3A_271 : memref<16x128xf32, #tpu.memory_space<vmem_shared>>) target_semaphore(%arg13 : memref<!tpu.dma_semaphore, #tpu.memory_space<semaphore_mem>>)
    %add3A_272 = arith.constant 432 : i32
    %add3A_273 = arith.addi %mul3A_15, %add3A_272 : i32
    %dma_start3A_274 = arith.constant 0 : i32
    %dma_start3A_275 = tpu.memref_slice %arg12[%add3A_273, %dma_start3A_274] : memref<10240x128xf32, #tpu.memory_space<vmem_shared>> -> memref<16x128xf32, #tpu.memory_space<vmem_shared>>
    %dma_start3A_276 = arith.constant 0 : i32
    %dma_start3A_277 = tpu.memref_slice %arg12[%add3A_273, %dma_start3A_276] : memref<10240x128xf32, #tpu.memory_space<vmem_shared>> -> memref<16x128xf32, #tpu.memory_space<vmem_shared>>
    tpu.enqueue_dma source(%arg11 : memref<16x128xf32, #tpu.memory_space<vmem>>) target(%dma_start3A_277 : memref<16x128xf32, #tpu.memory_space<vmem_shared>>) target_semaphore(%arg13 : memref<!tpu.dma_semaphore, #tpu.memory_space<semaphore_mem>>)
    %add3A_278 = arith.constant 448 : i32
    %add3A_279 = arith.addi %mul3A_15, %add3A_278 : i32
    %dma_start3A_280 = arith.constant 0 : i32
    %dma_start3A_281 = tpu.memref_slice %arg12[%add3A_279, %dma_start3A_280] : memref<10240x128xf32, #tpu.memory_space<vmem_shared>> -> memref<16x128xf32, #tpu.memory_space<vmem_shared>>
    %dma_start3A_282 = arith.constant 0 : i32
    %dma_start3A_283 = tpu.memref_slice %arg12[%add3A_279, %dma_start3A_282] : memref<10240x128xf32, #tpu.memory_space<vmem_shared>> -> memref<16x128xf32, #tpu.memory_space<vmem_shared>>
    tpu.enqueue_dma source(%arg11 : memref<16x128xf32, #tpu.memory_space<vmem>>) target(%dma_start3A_283 : memref<16x128xf32, #tpu.memory_space<vmem_shared>>) target_semaphore(%arg13 : memref<!tpu.dma_semaphore, #tpu.memory_space<semaphore_mem>>)
    %add3A_284 = arith.constant 464 : i32
    %add3A_285 = arith.addi %mul3A_15, %add3A_284 : i32
    %dma_start3A_286 = arith.constant 0 : i32
    %dma_start3A_287 = tpu.memref_slice %arg12[%add3A_285, %dma_start3A_286] : memref<10240x128xf32, #tpu.memory_space<vmem_shared>> -> memref<16x128xf32, #tpu.memory_space<vmem_shared>>
    %dma_start3A_288 = arith.constant 0 : i32
    %dma_start3A_289 = tpu.memref_slice %arg12[%add3A_285, %dma_start3A_288] : memref<10240x128xf32, #tpu.memory_space<vmem_shared>> -> memref<16x128xf32, #tpu.memory_space<vmem_shared>>
    tpu.enqueue_dma source(%arg11 : memref<16x128xf32, #tpu.memory_space<vmem>>) target(%dma_start3A_289 : memref<16x128xf32, #tpu.memory_space<vmem_shared>>) target_semaphore(%arg13 : memref<!tpu.dma_semaphore, #tpu.memory_space<semaphore_mem>>)
    %add3A_290 = arith.constant 480 : i32
    %add3A_291 = arith.addi %mul3A_15, %add3A_290 : i32
    %dma_start3A_292 = arith.constant 0 : i32
    %dma_start3A_293 = tpu.memref_slice %arg12[%add3A_291, %dma_start3A_292] : memref<10240x128xf32, #tpu.memory_space<vmem_shared>> -> memref<16x128xf32, #tpu.memory_space<vmem_shared>>
    %dma_start3A_294 = arith.constant 0 : i32
    %dma_start3A_295 = tpu.memref_slice %arg12[%add3A_291, %dma_start3A_294] : memref<10240x128xf32, #tpu.memory_space<vmem_shared>> -> memref<16x128xf32, #tpu.memory_space<vmem_shared>>
    tpu.enqueue_dma source(%arg11 : memref<16x128xf32, #tpu.memory_space<vmem>>) target(%dma_start3A_295 : memref<16x128xf32, #tpu.memory_space<vmem_shared>>) target_semaphore(%arg13 : memref<!tpu.dma_semaphore, #tpu.memory_space<semaphore_mem>>)
    %add3A_296 = arith.constant 496 : i32
    %add3A_297 = arith.addi %mul3A_15, %add3A_296 : i32
    %dma_start3A_298 = arith.constant 0 : i32
    %dma_start3A_299 = tpu.memref_slice %arg12[%add3A_297, %dma_start3A_298] : memref<10240x128xf32, #tpu.memory_space<vmem_shared>> -> memref<16x128xf32, #tpu.memory_space<vmem_shared>>
    %dma_start3A_300 = arith.constant 0 : i32
    %dma_start3A_301 = tpu.memref_slice %arg12[%add3A_297, %dma_start3A_300] : memref<10240x128xf32, #tpu.memory_space<vmem_shared>> -> memref<16x128xf32, #tpu.memory_space<vmem_shared>>
    tpu.enqueue_dma source(%arg11 : memref<16x128xf32, #tpu.memory_space<vmem>>) target(%dma_start3A_301 : memref<16x128xf32, #tpu.memory_space<vmem_shared>>) target_semaphore(%arg13 : memref<!tpu.dma_semaphore, #tpu.memory_space<semaphore_mem>>)
    %dma_wait3A_302 = arith.constant 0 : i32
    %dma_wait3A_303 = tpu.memref_slice %arg12[%add3A_255, %dma_wait3A_302] : memref<10240x128xf32, #tpu.memory_space<vmem_shared>> -> memref<16x128xf32, #tpu.memory_space<vmem_shared>>
    %dma_wait3A_304 = arith.constant 0 : i32
    %dma_wait3A_305 = tpu.memref_slice %arg12[%add3A_255, %dma_wait3A_304] : memref<10240x128xf32, #tpu.memory_space<vmem_shared>> -> memref<16x128xf32, #tpu.memory_space<vmem_shared>>
    tpu.wait_dma2 semaphore(%arg13 : memref<!tpu.dma_semaphore, #tpu.memory_space<semaphore_mem>>) src(%arg11 : memref<16x128xf32, #tpu.memory_space<vmem>>) dst(%dma_wait3A_305 : memref<16x128xf32, #tpu.memory_space<vmem_shared>>)
    %dma_wait3A_306 = arith.constant 0 : i32
    %dma_wait3A_307 = tpu.memref_slice %arg12[%add3A_261, %dma_wait3A_306] : memref<10240x128xf32, #tpu.memory_space<vmem_shared>> -> memref<16x128xf32, #tpu.memory_space<vmem_shared>>
    %dma_wait3A_308 = arith.constant 0 : i32
    %dma_wait3A_309 = tpu.memref_slice %arg12[%add3A_261, %dma_wait3A_308] : memref<10240x128xf32, #tpu.memory_space<vmem_shared>> -> memref<16x128xf32, #tpu.memory_space<vmem_shared>>
    tpu.wait_dma2 semaphore(%arg13 : memref<!tpu.dma_semaphore, #tpu.memory_space<semaphore_mem>>) src(%arg11 : memref<16x128xf32, #tpu.memory_space<vmem>>) dst(%dma_wait3A_309 : memref<16x128xf32, #tpu.memory_space<vmem_shared>>)
    %dma_wait3A_310 = arith.constant 0 : i32
    %dma_wait3A_311 = tpu.memref_slice %arg12[%add3A_267, %dma_wait3A_310] : memref<10240x128xf32, #tpu.memory_space<vmem_shared>> -> memref<16x128xf32, #tpu.memory_space<vmem_shared>>
    %dma_wait3A_312 = arith.constant 0 : i32
    %dma_wait3A_313 = tpu.memref_slice %arg12[%add3A_267, %dma_wait3A_312] : memref<10240x128xf32, #tpu.memory_space<vmem_shared>> -> memref<16x128xf32, #tpu.memory_space<vmem_shared>>
    tpu.wait_dma2 semaphore(%arg13 : memref<!tpu.dma_semaphore, #tpu.memory_space<semaphore_mem>>) src(%arg11 : memref<16x128xf32, #tpu.memory_space<vmem>>) dst(%dma_wait3A_313 : memref<16x128xf32, #tpu.memory_space<vmem_shared>>)
    %dma_wait3A_314 = arith.constant 0 : i32
    %dma_wait3A_315 = tpu.memref_slice %arg12[%add3A_273, %dma_wait3A_314] : memref<10240x128xf32, #tpu.memory_space<vmem_shared>> -> memref<16x128xf32, #tpu.memory_space<vmem_shared>>
    %dma_wait3A_316 = arith.constant 0 : i32
    %dma_wait3A_317 = tpu.memref_slice %arg12[%add3A_273, %dma_wait3A_316] : memref<10240x128xf32, #tpu.memory_space<vmem_shared>> -> memref<16x128xf32, #tpu.memory_space<vmem_shared>>
    tpu.wait_dma2 semaphore(%arg13 : memref<!tpu.dma_semaphore, #tpu.memory_space<semaphore_mem>>) src(%arg11 : memref<16x128xf32, #tpu.memory_space<vmem>>) dst(%dma_wait3A_317 : memref<16x128xf32, #tpu.memory_space<vmem_shared>>)
    %dma_wait3A_318 = arith.constant 0 : i32
    %dma_wait3A_319 = tpu.memref_slice %arg12[%add3A_279, %dma_wait3A_318] : memref<10240x128xf32, #tpu.memory_space<vmem_shared>> -> memref<16x128xf32, #tpu.memory_space<vmem_shared>>
    %dma_wait3A_320 = arith.constant 0 : i32
    %dma_wait3A_321 = tpu.memref_slice %arg12[%add3A_279, %dma_wait3A_320] : memref<10240x128xf32, #tpu.memory_space<vmem_shared>> -> memref<16x128xf32, #tpu.memory_space<vmem_shared>>
    tpu.wait_dma2 semaphore(%arg13 : memref<!tpu.dma_semaphore, #tpu.memory_space<semaphore_mem>>) src(%arg11 : memref<16x128xf32, #tpu.memory_space<vmem>>) dst(%dma_wait3A_321 : memref<16x128xf32, #tpu.memory_space<vmem_shared>>)
    %dma_wait3A_322 = arith.constant 0 : i32
    %dma_wait3A_323 = tpu.memref_slice %arg12[%add3A_285, %dma_wait3A_322] : memref<10240x128xf32, #tpu.memory_space<vmem_shared>> -> memref<16x128xf32, #tpu.memory_space<vmem_shared>>
    %dma_wait3A_324 = arith.constant 0 : i32
    %dma_wait3A_325 = tpu.memref_slice %arg12[%add3A_285, %dma_wait3A_324] : memref<10240x128xf32, #tpu.memory_space<vmem_shared>> -> memref<16x128xf32, #tpu.memory_space<vmem_shared>>
    tpu.wait_dma2 semaphore(%arg13 : memref<!tpu.dma_semaphore, #tpu.memory_space<semaphore_mem>>) src(%arg11 : memref<16x128xf32, #tpu.memory_space<vmem>>) dst(%dma_wait3A_325 : memref<16x128xf32, #tpu.memory_space<vmem_shared>>)
    %dma_wait3A_326 = arith.constant 0 : i32
    %dma_wait3A_327 = tpu.memref_slice %arg12[%add3A_291, %dma_wait3A_326] : memref<10240x128xf32, #tpu.memory_space<vmem_shared>> -> memref<16x128xf32, #tpu.memory_space<vmem_shared>>
    %dma_wait3A_328 = arith.constant 0 : i32
    %dma_wait3A_329 = tpu.memref_slice %arg12[%add3A_291, %dma_wait3A_328] : memref<10240x128xf32, #tpu.memory_space<vmem_shared>> -> memref<16x128xf32, #tpu.memory_space<vmem_shared>>
    tpu.wait_dma2 semaphore(%arg13 : memref<!tpu.dma_semaphore, #tpu.memory_space<semaphore_mem>>) src(%arg11 : memref<16x128xf32, #tpu.memory_space<vmem>>) dst(%dma_wait3A_329 : memref<16x128xf32, #tpu.memory_space<vmem_shared>>)
    %dma_wait3A_330 = arith.constant 0 : i32
    %dma_wait3A_331 = tpu.memref_slice %arg12[%add3A_297, %dma_wait3A_330] : memref<10240x128xf32, #tpu.memory_space<vmem_shared>> -> memref<16x128xf32, #tpu.memory_space<vmem_shared>>
    %dma_wait3A_332 = arith.constant 0 : i32
    %dma_wait3A_333 = tpu.memref_slice %arg12[%add3A_297, %dma_wait3A_332] : memref<10240x128xf32, #tpu.memory_space<vmem_shared>> -> memref<16x128xf32, #tpu.memory_space<vmem_shared>>
    tpu.wait_dma2 semaphore(%arg13 : memref<!tpu.dma_semaphore, #tpu.memory_space<semaphore_mem>>) src(%arg11 : memref<16x128xf32, #tpu.memory_space<vmem>>) dst(%dma_wait3A_333 : memref<16x128xf32, #tpu.memory_space<vmem_shared>>)
    %add3A_334 = arith.constant 512 : i32
    %add3A_335 = arith.addi %mul3A_15, %add3A_334 : i32
    %dma_start3A_336 = arith.constant 0 : i32
    %dma_start3A_337 = tpu.memref_slice %arg12[%add3A_335, %dma_start3A_336] : memref<10240x128xf32, #tpu.memory_space<vmem_shared>> -> memref<16x128xf32, #tpu.memory_space<vmem_shared>>
    %dma_start3A_338 = arith.constant 0 : i32
    %dma_start3A_339 = tpu.memref_slice %arg12[%add3A_335, %dma_start3A_338] : memref<10240x128xf32, #tpu.memory_space<vmem_shared>> -> memref<16x128xf32, #tpu.memory_space<vmem_shared>>
    tpu.enqueue_dma source(%arg11 : memref<16x128xf32, #tpu.memory_space<vmem>>) target(%dma_start3A_339 : memref<16x128xf32, #tpu.memory_space<vmem_shared>>) target_semaphore(%arg13 : memref<!tpu.dma_semaphore, #tpu.memory_space<semaphore_mem>>)
    %add3A_340 = arith.constant 528 : i32
    %add3A_341 = arith.addi %mul3A_15, %add3A_340 : i32
    %dma_start3A_342 = arith.constant 0 : i32
    %dma_start3A_343 = tpu.memref_slice %arg12[%add3A_341, %dma_start3A_342] : memref<10240x128xf32, #tpu.memory_space<vmem_shared>> -> memref<16x128xf32, #tpu.memory_space<vmem_shared>>
    %dma_start3A_344 = arith.constant 0 : i32
    %dma_start3A_345 = tpu.memref_slice %arg12[%add3A_341, %dma_start3A_344] : memref<10240x128xf32, #tpu.memory_space<vmem_shared>> -> memref<16x128xf32, #tpu.memory_space<vmem_shared>>
    tpu.enqueue_dma source(%arg11 : memref<16x128xf32, #tpu.memory_space<vmem>>) target(%dma_start3A_345 : memref<16x128xf32, #tpu.memory_space<vmem_shared>>) target_semaphore(%arg13 : memref<!tpu.dma_semaphore, #tpu.memory_space<semaphore_mem>>)
    %add3A_346 = arith.constant 544 : i32
    %add3A_347 = arith.addi %mul3A_15, %add3A_346 : i32
    %dma_start3A_348 = arith.constant 0 : i32
    %dma_start3A_349 = tpu.memref_slice %arg12[%add3A_347, %dma_start3A_348] : memref<10240x128xf32, #tpu.memory_space<vmem_shared>> -> memref<16x128xf32, #tpu.memory_space<vmem_shared>>
    %dma_start3A_350 = arith.constant 0 : i32
    %dma_start3A_351 = tpu.memref_slice %arg12[%add3A_347, %dma_start3A_350] : memref<10240x128xf32, #tpu.memory_space<vmem_shared>> -> memref<16x128xf32, #tpu.memory_space<vmem_shared>>
    tpu.enqueue_dma source(%arg11 : memref<16x128xf32, #tpu.memory_space<vmem>>) target(%dma_start3A_351 : memref<16x128xf32, #tpu.memory_space<vmem_shared>>) target_semaphore(%arg13 : memref<!tpu.dma_semaphore, #tpu.memory_space<semaphore_mem>>)
    %add3A_352 = arith.constant 560 : i32
    %add3A_353 = arith.addi %mul3A_15, %add3A_352 : i32
    %dma_start3A_354 = arith.constant 0 : i32
    %dma_start3A_355 = tpu.memref_slice %arg12[%add3A_353, %dma_start3A_354] : memref<10240x128xf32, #tpu.memory_space<vmem_shared>> -> memref<16x128xf32, #tpu.memory_space<vmem_shared>>
    %dma_start3A_356 = arith.constant 0 : i32
    %dma_start3A_357 = tpu.memref_slice %arg12[%add3A_353, %dma_start3A_356] : memref<10240x128xf32, #tpu.memory_space<vmem_shared>> -> memref<16x128xf32, #tpu.memory_space<vmem_shared>>
    tpu.enqueue_dma source(%arg11 : memref<16x128xf32, #tpu.memory_space<vmem>>) target(%dma_start3A_357 : memref<16x128xf32, #tpu.memory_space<vmem_shared>>) target_semaphore(%arg13 : memref<!tpu.dma_semaphore, #tpu.memory_space<semaphore_mem>>)
    %add3A_358 = arith.constant 576 : i32
    %add3A_359 = arith.addi %mul3A_15, %add3A_358 : i32
    %dma_start3A_360 = arith.constant 0 : i32
    %dma_start3A_361 = tpu.memref_slice %arg12[%add3A_359, %dma_start3A_360] : memref<10240x128xf32, #tpu.memory_space<vmem_shared>> -> memref<16x128xf32, #tpu.memory_space<vmem_shared>>
    %dma_start3A_362 = arith.constant 0 : i32
    %dma_start3A_363 = tpu.memref_slice %arg12[%add3A_359, %dma_start3A_362] : memref<10240x128xf32, #tpu.memory_space<vmem_shared>> -> memref<16x128xf32, #tpu.memory_space<vmem_shared>>
    tpu.enqueue_dma source(%arg11 : memref<16x128xf32, #tpu.memory_space<vmem>>) target(%dma_start3A_363 : memref<16x128xf32, #tpu.memory_space<vmem_shared>>) target_semaphore(%arg13 : memref<!tpu.dma_semaphore, #tpu.memory_space<semaphore_mem>>)
    %add3A_364 = arith.constant 592 : i32
    %add3A_365 = arith.addi %mul3A_15, %add3A_364 : i32
    %dma_start3A_366 = arith.constant 0 : i32
    %dma_start3A_367 = tpu.memref_slice %arg12[%add3A_365, %dma_start3A_366] : memref<10240x128xf32, #tpu.memory_space<vmem_shared>> -> memref<16x128xf32, #tpu.memory_space<vmem_shared>>
    %dma_start3A_368 = arith.constant 0 : i32
    %dma_start3A_369 = tpu.memref_slice %arg12[%add3A_365, %dma_start3A_368] : memref<10240x128xf32, #tpu.memory_space<vmem_shared>> -> memref<16x128xf32, #tpu.memory_space<vmem_shared>>
    tpu.enqueue_dma source(%arg11 : memref<16x128xf32, #tpu.memory_space<vmem>>) target(%dma_start3A_369 : memref<16x128xf32, #tpu.memory_space<vmem_shared>>) target_semaphore(%arg13 : memref<!tpu.dma_semaphore, #tpu.memory_space<semaphore_mem>>)
    %add3A_370 = arith.constant 608 : i32
    %add3A_371 = arith.addi %mul3A_15, %add3A_370 : i32
    %dma_start3A_372 = arith.constant 0 : i32
    %dma_start3A_373 = tpu.memref_slice %arg12[%add3A_371, %dma_start3A_372] : memref<10240x128xf32, #tpu.memory_space<vmem_shared>> -> memref<16x128xf32, #tpu.memory_space<vmem_shared>>
    %dma_start3A_374 = arith.constant 0 : i32
    %dma_start3A_375 = tpu.memref_slice %arg12[%add3A_371, %dma_start3A_374] : memref<10240x128xf32, #tpu.memory_space<vmem_shared>> -> memref<16x128xf32, #tpu.memory_space<vmem_shared>>
    tpu.enqueue_dma source(%arg11 : memref<16x128xf32, #tpu.memory_space<vmem>>) target(%dma_start3A_375 : memref<16x128xf32, #tpu.memory_space<vmem_shared>>) target_semaphore(%arg13 : memref<!tpu.dma_semaphore, #tpu.memory_space<semaphore_mem>>)
    %add3A_376 = arith.constant 624 : i32
    %add3A_377 = arith.addi %mul3A_15, %add3A_376 : i32
    %dma_start3A_378 = arith.constant 0 : i32
    %dma_start3A_379 = tpu.memref_slice %arg12[%add3A_377, %dma_start3A_378] : memref<10240x128xf32, #tpu.memory_space<vmem_shared>> -> memref<16x128xf32, #tpu.memory_space<vmem_shared>>
    %dma_start3A_380 = arith.constant 0 : i32
    %dma_start3A_381 = tpu.memref_slice %arg12[%add3A_377, %dma_start3A_380] : memref<10240x128xf32, #tpu.memory_space<vmem_shared>> -> memref<16x128xf32, #tpu.memory_space<vmem_shared>>
    tpu.enqueue_dma source(%arg11 : memref<16x128xf32, #tpu.memory_space<vmem>>) target(%dma_start3A_381 : memref<16x128xf32, #tpu.memory_space<vmem_shared>>) target_semaphore(%arg13 : memref<!tpu.dma_semaphore, #tpu.memory_space<semaphore_mem>>)
    %dma_wait3A_382 = arith.constant 0 : i32
    %dma_wait3A_383 = tpu.memref_slice %arg12[%add3A_335, %dma_wait3A_382] : memref<10240x128xf32, #tpu.memory_space<vmem_shared>> -> memref<16x128xf32, #tpu.memory_space<vmem_shared>>
    %dma_wait3A_384 = arith.constant 0 : i32
    %dma_wait3A_385 = tpu.memref_slice %arg12[%add3A_335, %dma_wait3A_384] : memref<10240x128xf32, #tpu.memory_space<vmem_shared>> -> memref<16x128xf32, #tpu.memory_space<vmem_shared>>
    tpu.wait_dma2 semaphore(%arg13 : memref<!tpu.dma_semaphore, #tpu.memory_space<semaphore_mem>>) src(%arg11 : memref<16x128xf32, #tpu.memory_space<vmem>>) dst(%dma_wait3A_385 : memref<16x128xf32, #tpu.memory_space<vmem_shared>>)
    %dma_wait3A_386 = arith.constant 0 : i32
    %dma_wait3A_387 = tpu.memref_slice %arg12[%add3A_341, %dma_wait3A_386] : memref<10240x128xf32, #tpu.memory_space<vmem_shared>> -> memref<16x128xf32, #tpu.memory_space<vmem_shared>>
    %dma_wait3A_388 = arith.constant 0 : i32
    %dma_wait3A_389 = tpu.memref_slice %arg12[%add3A_341, %dma_wait3A_388] : memref<10240x128xf32, #tpu.memory_space<vmem_shared>> -> memref<16x128xf32, #tpu.memory_space<vmem_shared>>
    tpu.wait_dma2 semaphore(%arg13 : memref<!tpu.dma_semaphore, #tpu.memory_space<semaphore_mem>>) src(%arg11 : memref<16x128xf32, #tpu.memory_space<vmem>>) dst(%dma_wait3A_389 : memref<16x128xf32, #tpu.memory_space<vmem_shared>>)
    %dma_wait3A_390 = arith.constant 0 : i32
    %dma_wait3A_391 = tpu.memref_slice %arg12[%add3A_347, %dma_wait3A_390] : memref<10240x128xf32, #tpu.memory_space<vmem_shared>> -> memref<16x128xf32, #tpu.memory_space<vmem_shared>>
    %dma_wait3A_392 = arith.constant 0 : i32
    %dma_wait3A_393 = tpu.memref_slice %arg12[%add3A_347, %dma_wait3A_392] : memref<10240x128xf32, #tpu.memory_space<vmem_shared>> -> memref<16x128xf32, #tpu.memory_space<vmem_shared>>
    tpu.wait_dma2 semaphore(%arg13 : memref<!tpu.dma_semaphore, #tpu.memory_space<semaphore_mem>>) src(%arg11 : memref<16x128xf32, #tpu.memory_space<vmem>>) dst(%dma_wait3A_393 : memref<16x128xf32, #tpu.memory_space<vmem_shared>>)
    %dma_wait3A_394 = arith.constant 0 : i32
    %dma_wait3A_395 = tpu.memref_slice %arg12[%add3A_353, %dma_wait3A_394] : memref<10240x128xf32, #tpu.memory_space<vmem_shared>> -> memref<16x128xf32, #tpu.memory_space<vmem_shared>>
    %dma_wait3A_396 = arith.constant 0 : i32
    %dma_wait3A_397 = tpu.memref_slice %arg12[%add3A_353, %dma_wait3A_396] : memref<10240x128xf32, #tpu.memory_space<vmem_shared>> -> memref<16x128xf32, #tpu.memory_space<vmem_shared>>
    tpu.wait_dma2 semaphore(%arg13 : memref<!tpu.dma_semaphore, #tpu.memory_space<semaphore_mem>>) src(%arg11 : memref<16x128xf32, #tpu.memory_space<vmem>>) dst(%dma_wait3A_397 : memref<16x128xf32, #tpu.memory_space<vmem_shared>>)
    %dma_wait3A_398 = arith.constant 0 : i32
    %dma_wait3A_399 = tpu.memref_slice %arg12[%add3A_359, %dma_wait3A_398] : memref<10240x128xf32, #tpu.memory_space<vmem_shared>> -> memref<16x128xf32, #tpu.memory_space<vmem_shared>>
    %dma_wait3A_400 = arith.constant 0 : i32
    %dma_wait3A_401 = tpu.memref_slice %arg12[%add3A_359, %dma_wait3A_400] : memref<10240x128xf32, #tpu.memory_space<vmem_shared>> -> memref<16x128xf32, #tpu.memory_space<vmem_shared>>
    tpu.wait_dma2 semaphore(%arg13 : memref<!tpu.dma_semaphore, #tpu.memory_space<semaphore_mem>>) src(%arg11 : memref<16x128xf32, #tpu.memory_space<vmem>>) dst(%dma_wait3A_401 : memref<16x128xf32, #tpu.memory_space<vmem_shared>>)
    %dma_wait3A_402 = arith.constant 0 : i32
    %dma_wait3A_403 = tpu.memref_slice %arg12[%add3A_365, %dma_wait3A_402] : memref<10240x128xf32, #tpu.memory_space<vmem_shared>> -> memref<16x128xf32, #tpu.memory_space<vmem_shared>>
    %dma_wait3A_404 = arith.constant 0 : i32
    %dma_wait3A_405 = tpu.memref_slice %arg12[%add3A_365, %dma_wait3A_404] : memref<10240x128xf32, #tpu.memory_space<vmem_shared>> -> memref<16x128xf32, #tpu.memory_space<vmem_shared>>
    tpu.wait_dma2 semaphore(%arg13 : memref<!tpu.dma_semaphore, #tpu.memory_space<semaphore_mem>>) src(%arg11 : memref<16x128xf32, #tpu.memory_space<vmem>>) dst(%dma_wait3A_405 : memref<16x128xf32, #tpu.memory_space<vmem_shared>>)
    %dma_wait3A_406 = arith.constant 0 : i32
    %dma_wait3A_407 = tpu.memref_slice %arg12[%add3A_371, %dma_wait3A_406] : memref<10240x128xf32, #tpu.memory_space<vmem_shared>> -> memref<16x128xf32, #tpu.memory_space<vmem_shared>>
    %dma_wait3A_408 = arith.constant 0 : i32
    %dma_wait3A_409 = tpu.memref_slice %arg12[%add3A_371, %dma_wait3A_408] : memref<10240x128xf32, #tpu.memory_space<vmem_shared>> -> memref<16x128xf32, #tpu.memory_space<vmem_shared>>
    tpu.wait_dma2 semaphore(%arg13 : memref<!tpu.dma_semaphore, #tpu.memory_space<semaphore_mem>>) src(%arg11 : memref<16x128xf32, #tpu.memory_space<vmem>>) dst(%dma_wait3A_409 : memref<16x128xf32, #tpu.memory_space<vmem_shared>>)
    %dma_wait3A_410 = arith.constant 0 : i32
    %dma_wait3A_411 = tpu.memref_slice %arg12[%add3A_377, %dma_wait3A_410] : memref<10240x128xf32, #tpu.memory_space<vmem_shared>> -> memref<16x128xf32, #tpu.memory_space<vmem_shared>>
    %dma_wait3A_412 = arith.constant 0 : i32
    %dma_wait3A_413 = tpu.memref_slice %arg12[%add3A_377, %dma_wait3A_412] : memref<10240x128xf32, #tpu.memory_space<vmem_shared>> -> memref<16x128xf32, #tpu.memory_space<vmem_shared>>
    tpu.wait_dma2 semaphore(%arg13 : memref<!tpu.dma_semaphore, #tpu.memory_space<semaphore_mem>>) src(%arg11 : memref<16x128xf32, #tpu.memory_space<vmem>>) dst(%dma_wait3A_413 : memref<16x128xf32, #tpu.memory_space<vmem_shared>>)
    %barrier3A = arith.constant 0 : index
    tpu.barrier barrier_id(%barrier3A)
    %broadcast_in_dim3A = arith.constant 1.000000e+00 : f32
    %broadcast_in_dim3A_414 = vector.broadcast %broadcast_in_dim3A : f32 to vector<16xf32>
    %eq3A = arith.constant 0 : i32
    %eq3A_415 = arith.cmpi eq, %arg0, %eq3A : i32
    %jit3A = arith.constant 36 : i32
    %jit3A_416 = arith.constant 4 : i32
    %select_n3A = arith.select %eq3A_415, %jit3A, %jit3A_416 : i32
    %gt3A = arith.constant 0 : i32
    %gt3A_417 = arith.cmpi sgt, %select_n3A, %gt3A : i32
    %convert_element_type3A = arith.extui %gt3A_417 : i1 to i32
    %cond3A = arith.constant 0 : i32
    %cond3A_418 = arith.cmpi ne, %convert_element_type3A, %cond3A : i32
    scf.if %cond3A_418 {
      %dma_start3A_431 = arith.constant 0 : i32
      %dma_start3A_432 = arith.constant 0 : i32
      %dma_start3A_433 = arith.constant 0 : i32
      %dma_start3A_434 = tpu.memref_slice %arg7[%dma_start3A_431, %dma_start3A_432, %dma_start3A_433] : memref<2x8x64xi32, #tpu.memory_space<vmem>> -> memref<1x8x64xi32, #tpu.memory_space<vmem>>
      %dma_start3A_435 = tpu.memref_squeeze %dma_start3A_434 : memref<1x8x64xi32, #tpu.memory_space<vmem>> -> memref<8x64xi32, #tpu.memory_space<vmem>>
      %dma_start3A_436 = arith.constant 0 : i32
      %dma_start3A_437 = arith.constant 0 : i32
      %dma_start3A_438 = tpu.memref_slice %arg3[%add3A, %dma_start3A_436, %dma_start3A_437] : memref<32x288x64xi32, #tpu.memory_space<hbm>> -> memref<1x8x64xi32, #tpu.memory_space<hbm>>
      %dma_start3A_439 = tpu.memref_squeeze %dma_start3A_438 : memref<1x8x64xi32, #tpu.memory_space<hbm>> -> memref<8x64xi32, #tpu.memory_space<hbm>>
      %dma_start3A_440 = arith.constant 0 : i32
      %dma_start3A_441 = arith.constant 0 : i32
      %dma_start3A_442 = tpu.memref_slice %arg7[%dma_start3A_431, %dma_start3A_440, %dma_start3A_441] : memref<2x8x64xi32, #tpu.memory_space<vmem>> -> memref<1x8x64xi32, #tpu.memory_space<vmem>>
      %dma_start3A_443 = tpu.memref_squeeze %dma_start3A_442 : memref<1x8x64xi32, #tpu.memory_space<vmem>> -> memref<8x64xi32, #tpu.memory_space<vmem>>
      %dma_start3A_444 = arith.constant 0 : i32
      %dma_start3A_445 = arith.constant 0 : i32
      %dma_start3A_446 = tpu.memref_slice %arg3[%add3A, %dma_start3A_444, %dma_start3A_445] : memref<32x288x64xi32, #tpu.memory_space<hbm>> -> memref<1x8x64xi32, #tpu.memory_space<hbm>>
      %dma_start3A_447 = tpu.memref_squeeze %dma_start3A_446 : memref<1x8x64xi32, #tpu.memory_space<hbm>> -> memref<8x64xi32, #tpu.memory_space<hbm>>
      tpu.enqueue_dma source(%dma_start3A_447 : memref<8x64xi32, #tpu.memory_space<hbm>>) target(%dma_start3A_443 : memref<8x64xi32, #tpu.memory_space<vmem>>) target_semaphore(%arg15 : memref<!tpu.dma_semaphore, #tpu.memory_space<semaphore_mem>>)
    } else {
    }
    %while3A = arith.constant 0 : i32
    %while3A_419 = arith.constant 0 : i32
    %while3A_420 = arith.subi %select_n3A, %while3A : i32
    %while3A_421 = arith.addi %while3A, %while3A_420 : i32
    %while3A_422 = arith.constant 1 : i32
    %while3A_423 = arith.divsi %while3A_420, %while3A_422 : i32
    %while3A_424 = arith.muli %while3A_423, %while3A_422 : i32
    %while3A_425 = arith.addi %while3A, %while3A_424 : i32
    %while3A_426 = arith.constant 1 : i32
    %while3A_427 = scf.for %while3A_431 = %while3A to %while3A_425 step %while3A_426 iter_args(%while3A_432 = %while3A_419) -> (i32)  : i32 {
      %jit3A_433 = arith.constant 2 : i32
      %eq3A_434 = arith.constant 0 : i32
      %eq3A_435 = arith.cmpi eq, %jit3A_433, %eq3A_434 : i32
      %jit3A_436 = arith.constant 1 : i32
      %select_n3A_437 = arith.select %eq3A_435, %jit3A_436, %jit3A_433 : i32
      %rem3A = arith.remsi %while3A_431, %select_n3A_437 : i32
      %ne3A = arith.constant 0 : i32
      %ne3A_438 = arith.cmpi ne, %rem3A, %ne3A : i32
      %lt3A = arith.constant 0 : i32
      %lt3A_439 = arith.cmpi slt, %rem3A, %lt3A : i32
      %lt3A_440 = arith.constant 0 : i32
      %lt3A_441 = arith.cmpi slt, %select_n3A_437, %lt3A_440 : i32
      %ne3A_442 = arith.xori %lt3A_439, %lt3A_441 : i1
      %and3A = arith.andi %ne3A_442, %ne3A_438 : i1
      %add3A_443 = arith.addi %rem3A, %select_n3A_437 : i32
      %select_n3A_444 = arith.select %and3A, %add3A_443, %rem3A : i32
      %dma_wait3A_445 = arith.constant 0 : i32
      %dma_wait3A_446 = arith.constant 0 : i32
      %dma_wait3A_447 = arith.constant 0 : i32
      %dma_wait3A_448 = tpu.memref_slice %arg7[%select_n3A_444, %dma_wait3A_446, %dma_wait3A_447] : memref<2x8x64xi32, #tpu.memory_space<vmem>> -> memref<1x8x64xi32, #tpu.memory_space<vmem>>
      %dma_wait3A_449 = tpu.memref_squeeze %dma_wait3A_448 : memref<1x8x64xi32, #tpu.memory_space<vmem>> -> memref<8x64xi32, #tpu.memory_space<vmem>>
      %dma_wait3A_450 = arith.constant 0 : i32
      %dma_wait3A_451 = arith.constant 0 : i32
      %dma_wait3A_452 = tpu.memref_slice %arg3[%dma_wait3A_445, %dma_wait3A_450, %dma_wait3A_451] : memref<32x288x64xi32, #tpu.memory_space<hbm>> -> memref<1x8x64xi32, #tpu.memory_space<hbm>>
      %dma_wait3A_453 = tpu.memref_squeeze %dma_wait3A_452 : memref<1x8x64xi32, #tpu.memory_space<hbm>> -> memref<8x64xi32, #tpu.memory_space<hbm>>
      %dma_wait3A_454 = arith.constant 0 : i32
      %dma_wait3A_455 = arith.constant 0 : i32
      %dma_wait3A_456 = tpu.memref_slice %arg7[%select_n3A_444, %dma_wait3A_454, %dma_wait3A_455] : memref<2x8x64xi32, #tpu.memory_space<vmem>> -> memref<1x8x64xi32, #tpu.memory_space<vmem>>
      %dma_wait3A_457 = tpu.memref_squeeze %dma_wait3A_456 : memref<1x8x64xi32, #tpu.memory_space<vmem>> -> memref<8x64xi32, #tpu.memory_space<vmem>>
      %dma_wait3A_458 = arith.constant 0 : i32
      %dma_wait3A_459 = arith.constant 0 : i32
      %dma_wait3A_460 = tpu.memref_slice %arg3[%dma_wait3A_445, %dma_wait3A_458, %dma_wait3A_459] : memref<32x288x64xi32, #tpu.memory_space<hbm>> -> memref<1x8x64xi32, #tpu.memory_space<hbm>>
      %dma_wait3A_461 = tpu.memref_squeeze %dma_wait3A_460 : memref<1x8x64xi32, #tpu.memory_space<hbm>> -> memref<8x64xi32, #tpu.memory_space<hbm>>
      tpu.wait_dma2 semaphore(%arg15 : memref<!tpu.dma_semaphore, #tpu.memory_space<semaphore_mem>>) src(%dma_wait3A_461 : memref<8x64xi32, #tpu.memory_space<hbm>>) dst(%dma_wait3A_457 : memref<8x64xi32, #tpu.memory_space<vmem>>)
      %add3A_462 = arith.constant 1 : i32
      %add3A_463 = arith.addi %while3A_431, %add3A_462 : i32
      %lt3A_464 = arith.cmpi slt, %add3A_463, %select_n3A : i32
      %convert_element_type3A_465 = arith.extui %lt3A_464 : i1 to i32
      %cond3A_466 = arith.constant 0 : i32
      %cond3A_467 = arith.cmpi ne, %convert_element_type3A_465, %cond3A_466 : i32
      scf.if %cond3A_467 {
        %add3A_1043 = arith.constant 1 : i32
        %add3A_1044 = arith.addi %while3A_431, %add3A_1043 : i32
        %sub3A = arith.constant 1 : i32
        %sub3A_1045 = arith.subi %sub3A, %select_n3A_444 : i32
        %mul3A_1046 = arith.constant 8 : i32
        %mul3A_1047 = arith.muli %add3A_1044, %mul3A_1046 : i32
        %dma_start3A_1048 = arith.constant 0 : i32
        %dma_start3A_1049 = arith.constant 0 : i32
        %dma_start3A_1050 = tpu.memref_slice %arg7[%sub3A_1045, %dma_start3A_1048, %dma_start3A_1049] : memref<2x8x64xi32, #tpu.memory_space<vmem>> -> memref<1x8x64xi32, #tpu.memory_space<vmem>>
        %dma_start3A_1051 = tpu.memref_squeeze %dma_start3A_1050 : memref<1x8x64xi32, #tpu.memory_space<vmem>> -> memref<8x64xi32, #tpu.memory_space<vmem>>
        %dma_start3A_1052 = arith.constant 0 : i32
        %dma_start3A_1053 = tpu.memref_slice %arg3[%add3A, %mul3A_1047, %dma_start3A_1052] : memref<32x288x64xi32, #tpu.memory_space<hbm>> -> memref<1x8x64xi32, #tpu.memory_space<hbm>>
        %dma_start3A_1054 = tpu.memref_squeeze %dma_start3A_1053 : memref<1x8x64xi32, #tpu.memory_space<hbm>> -> memref<8x64xi32, #tpu.memory_space<hbm>>
        %dma_start3A_1055 = arith.constant 0 : i32
        %dma_start3A_1056 = arith.constant 0 : i32
        %dma_start3A_1057 = tpu.memref_slice %arg7[%sub3A_1045, %dma_start3A_1055, %dma_start3A_1056] : memref<2x8x64xi32, #tpu.memory_space<vmem>> -> memref<1x8x64xi32, #tpu.memory_space<vmem>>
        %dma_start3A_1058 = tpu.memref_squeeze %dma_start3A_1057 : memref<1x8x64xi32, #tpu.memory_space<vmem>> -> memref<8x64xi32, #tpu.memory_space<vmem>>
        %dma_start3A_1059 = arith.constant 0 : i32
        %dma_start3A_1060 = tpu.memref_slice %arg3[%add3A, %mul3A_1047, %dma_start3A_1059] : memref<32x288x64xi32, #tpu.memory_space<hbm>> -> memref<1x8x64xi32, #tpu.memory_space<hbm>>
        %dma_start3A_1061 = tpu.memref_squeeze %dma_start3A_1060 : memref<1x8x64xi32, #tpu.memory_space<hbm>> -> memref<8x64xi32, #tpu.memory_space<hbm>>
        tpu.enqueue_dma source(%dma_start3A_1061 : memref<8x64xi32, #tpu.memory_space<hbm>>) target(%dma_start3A_1058 : memref<8x64xi32, #tpu.memory_space<vmem>>) target_semaphore(%arg15 : memref<!tpu.dma_semaphore, #tpu.memory_space<semaphore_mem>>)
      } else {
      }
      %dma_start3A_468 = arith.constant 0 : i32
      %dma_start3A_469 = arith.constant 0 : i32
      %dma_start3A_470 = arith.constant 0 : i32
      %dma_start3A_471 = arith.constant 0 : i32
      %dma_start3A_472 = tpu.memref_slice %arg9[%dma_start3A_469, %dma_start3A_470, %dma_start3A_471] : memref<2x64x128xf32, #tpu.memory_space<vmem>> -> memref<1x64x128xf32, #tpu.memory_space<vmem>>
      %dma_start3A_473 = tpu.memref_squeeze %dma_start3A_472 : memref<1x64x128xf32, #tpu.memory_space<vmem>> -> memref<64x128xf32, #tpu.memory_space<vmem>>
      %dma_start3A_474 = arith.constant 0 : i32
      %dma_start3A_475 = tpu.memref_slice %arg7[%select_n3A_444, %dma_start3A_468, %dma_start3A_474] : memref<2x8x64xi32, #tpu.memory_space<vmem>> -> memref<1x1x64xi32, #tpu.memory_space<vmem>>
      %dma_start3A_476 = tpu.memref_squeeze %dma_start3A_475 : memref<1x1x64xi32, #tpu.memory_space<vmem>> -> memref<64xi32, #tpu.memory_space<vmem>>
      %dma_start3A_477 = arith.constant 0 : i32
      %dma_start3A_478 = arith.constant 0 : i32
      %dma_start3A_479 = tpu.memref_slice %arg2[%dma_start3A_477, %dma_start3A_478] : memref<10000x128xf32, #tpu.memory_space<hbm>> -> memref<10000x128xf32, #tpu.memory_space<hbm>>
      tpu.enqueue_indirect_dma source(%dma_start3A_479 : memref<10000x128xf32, #tpu.memory_space<hbm>>) target(%dma_start3A_473 : memref<64x128xf32, #tpu.memory_space<vmem>>) offsets(%dma_start3A_476 : memref<64xi32, #tpu.memory_space<vmem>>) semaphore(%arg13 : memref<!tpu.dma_semaphore, #tpu.memory_space<semaphore_mem>>)
      %mul3A_480 = arith.constant 8 : i32
      %mul3A_481 = arith.muli %while3A_431, %mul3A_480 : i32
      %add3A_482 = arith.constant 0 : i32
      %add3A_483 = arith.addi %mul3A_481, %add3A_482 : i32
      %dma_start3A_484 = arith.constant 0 : i32
      %dma_start3A_485 = arith.constant 0 : i32
      %dma_start3A_486 = tpu.memref_slice %arg8[%dma_start3A_484, %dma_start3A_485] : memref<2x64xi32, #tpu.memory_space<vmem>> -> memref<1x64xi32, #tpu.memory_space<vmem>>
      %dma_start3A_487 = tpu.memref_squeeze %dma_start3A_486 : memref<1x64xi32, #tpu.memory_space<vmem>> -> memref<64xi32, #tpu.memory_space<vmem>>
      %dma_start3A_488 = arith.constant 0 : i32
      %dma_start3A_489 = tpu.memref_slice %arg4[%add3A, %add3A_483, %dma_start3A_488] : memref<32x288x64xi32, #tpu.memory_space<hbm>> -> memref<1x1x64xi32, #tpu.memory_space<hbm>>
      %dma_start3A_490 = tpu.memref_squeeze %dma_start3A_489 : memref<1x1x64xi32, #tpu.memory_space<hbm>> -> memref<64xi32, #tpu.memory_space<hbm>>
      %dma_start3A_491 = arith.constant 0 : i32
      %dma_start3A_492 = tpu.memref_slice %arg8[%dma_start3A_484, %dma_start3A_491] : memref<2x64xi32, #tpu.memory_space<vmem>> -> memref<1x64xi32, #tpu.memory_space<vmem>>
      %dma_start3A_493 = tpu.memref_squeeze %dma_start3A_492 : memref<1x64xi32, #tpu.memory_space<vmem>> -> memref<64xi32, #tpu.memory_space<vmem>>
      %dma_start3A_494 = arith.constant 0 : i32
      %dma_start3A_495 = tpu.memref_slice %arg4[%add3A, %add3A_483, %dma_start3A_494] : memref<32x288x64xi32, #tpu.memory_space<hbm>> -> memref<1x1x64xi32, #tpu.memory_space<hbm>>
      %dma_start3A_496 = tpu.memref_squeeze %dma_start3A_495 : memref<1x1x64xi32, #tpu.memory_space<hbm>> -> memref<64xi32, #tpu.memory_space<hbm>>
      tpu.enqueue_dma source(%dma_start3A_496 : memref<64xi32, #tpu.memory_space<hbm>>) target(%dma_start3A_493 : memref<64xi32, #tpu.memory_space<vmem>>) target_semaphore(%arg16 : memref<!tpu.dma_semaphore, #tpu.memory_space<semaphore_mem>>)
      %dma_start3A_497 = arith.constant 1 : i32
      %dma_start3A_498 = arith.constant 1 : i32
      %dma_start3A_499 = arith.constant 0 : i32
      %dma_start3A_500 = arith.constant 0 : i32
      %dma_start3A_501 = tpu.memref_slice %arg9[%dma_start3A_498, %dma_start3A_499, %dma_start3A_500] : memref<2x64x128xf32, #tpu.memory_space<vmem>> -> memref<1x64x128xf32, #tpu.memory_space<vmem>>
      %dma_start3A_502 = tpu.memref_squeeze %dma_start3A_501 : memref<1x64x128xf32, #tpu.memory_space<vmem>> -> memref<64x128xf32, #tpu.memory_space<vmem>>
      %dma_start3A_503 = arith.constant 0 : i32
      %dma_start3A_504 = tpu.memref_slice %arg7[%select_n3A_444, %dma_start3A_497, %dma_start3A_503] : memref<2x8x64xi32, #tpu.memory_space<vmem>> -> memref<1x1x64xi32, #tpu.memory_space<vmem>>
      %dma_start3A_505 = tpu.memref_squeeze %dma_start3A_504 : memref<1x1x64xi32, #tpu.memory_space<vmem>> -> memref<64xi32, #tpu.memory_space<vmem>>
      %dma_start3A_506 = arith.constant 0 : i32
      %dma_start3A_507 = arith.constant 0 : i32
      %dma_start3A_508 = tpu.memref_slice %arg2[%dma_start3A_506, %dma_start3A_507] : memref<10000x128xf32, #tpu.memory_space<hbm>> -> memref<10000x128xf32, #tpu.memory_space<hbm>>
      tpu.enqueue_indirect_dma source(%dma_start3A_508 : memref<10000x128xf32, #tpu.memory_space<hbm>>) target(%dma_start3A_502 : memref<64x128xf32, #tpu.memory_space<vmem>>) offsets(%dma_start3A_505 : memref<64xi32, #tpu.memory_space<vmem>>) semaphore(%arg14 : memref<!tpu.dma_semaphore, #tpu.memory_space<semaphore_mem>>)
      %mul3A_509 = arith.constant 8 : i32
      %mul3A_510 = arith.muli %while3A_431, %mul3A_509 : i32
      %add3A_511 = arith.constant 1 : i32
      %add3A_512 = arith.addi %mul3A_510, %add3A_511 : i32
      %dma_start3A_513 = arith.constant 1 : i32
      %dma_start3A_514 = arith.constant 0 : i32
      %dma_start3A_515 = tpu.memref_slice %arg8[%dma_start3A_513, %dma_start3A_514] : memref<2x64xi32, #tpu.memory_space<vmem>> -> memref<1x64xi32, #tpu.memory_space<vmem>>
      %dma_start3A_516 = tpu.memref_squeeze %dma_start3A_515 : memref<1x64xi32, #tpu.memory_space<vmem>> -> memref<64xi32, #tpu.memory_space<vmem>>
      %dma_start3A_517 = arith.constant 0 : i32
      %dma_start3A_518 = tpu.memref_slice %arg4[%add3A, %add3A_512, %dma_start3A_517] : memref<32x288x64xi32, #tpu.memory_space<hbm>> -> memref<1x1x64xi32, #tpu.memory_space<hbm>>
      %dma_start3A_519 = tpu.memref_squeeze %dma_start3A_518 : memref<1x1x64xi32, #tpu.memory_space<hbm>> -> memref<64xi32, #tpu.memory_space<hbm>>
      %dma_start3A_520 = arith.constant 0 : i32
      %dma_start3A_521 = tpu.memref_slice %arg8[%dma_start3A_513, %dma_start3A_520] : memref<2x64xi32, #tpu.memory_space<vmem>> -> memref<1x64xi32, #tpu.memory_space<vmem>>
      %dma_start3A_522 = tpu.memref_squeeze %dma_start3A_521 : memref<1x64xi32, #tpu.memory_space<vmem>> -> memref<64xi32, #tpu.memory_space<vmem>>
      %dma_start3A_523 = arith.constant 0 : i32
      %dma_start3A_524 = tpu.memref_slice %arg4[%add3A, %add3A_512, %dma_start3A_523] : memref<32x288x64xi32, #tpu.memory_space<hbm>> -> memref<1x1x64xi32, #tpu.memory_space<hbm>>
      %dma_start3A_525 = tpu.memref_squeeze %dma_start3A_524 : memref<1x1x64xi32, #tpu.memory_space<hbm>> -> memref<64xi32, #tpu.memory_space<hbm>>
      tpu.enqueue_dma source(%dma_start3A_525 : memref<64xi32, #tpu.memory_space<hbm>>) target(%dma_start3A_522 : memref<64xi32, #tpu.memory_space<vmem>>) target_semaphore(%arg16 : memref<!tpu.dma_semaphore, #tpu.memory_space<semaphore_mem>>)
      %dma_wait3A_526 = arith.constant 0 : i32
      %dma_wait3A_527 = arith.constant 0 : i32
      %dma_wait3A_528 = arith.constant 0 : i32
      %dma_wait3A_529 = arith.constant 0 : i32
      %dma_wait3A_530 = tpu.memref_slice %arg9[%dma_wait3A_527, %dma_wait3A_528, %dma_wait3A_529] : memref<2x64x128xf32, #tpu.memory_space<vmem>> -> memref<1x64x128xf32, #tpu.memory_space<vmem>>
      %dma_wait3A_531 = tpu.memref_squeeze %dma_wait3A_530 : memref<1x64x128xf32, #tpu.memory_space<vmem>> -> memref<64x128xf32, #tpu.memory_space<vmem>>
      %dma_wait3A_532 = arith.constant 0 : i32
      %dma_wait3A_533 = tpu.memref_slice %arg7[%select_n3A_444, %dma_wait3A_526, %dma_wait3A_532] : memref<2x8x64xi32, #tpu.memory_space<vmem>> -> memref<1x1x64xi32, #tpu.memory_space<vmem>>
      %dma_wait3A_534 = tpu.memref_squeeze %dma_wait3A_533 : memref<1x1x64xi32, #tpu.memory_space<vmem>> -> memref<64xi32, #tpu.memory_space<vmem>>
      %dma_wait3A_535 = arith.constant 0 : i32
      %dma_wait3A_536 = arith.constant 0 : i32
      %dma_wait3A_537 = tpu.memref_slice %arg2[%dma_wait3A_535, %dma_wait3A_536] : memref<10000x128xf32, #tpu.memory_space<hbm>> -> memref<10000x128xf32, #tpu.memory_space<hbm>>
      tpu.wait_indirect_dma semaphore(%arg13 : memref<!tpu.dma_semaphore, #tpu.memory_space<semaphore_mem>>) src(%dma_wait3A_537 : memref<10000x128xf32, #tpu.memory_space<hbm>>) dst(%dma_wait3A_531 : memref<64x128xf32, #tpu.memory_space<vmem>>)
      %dma_wait3A_538 = arith.constant 0 : i32
      %dma_wait3A_539 = arith.constant 0 : i32
      %dma_wait3A_540 = tpu.memref_slice %arg8[%dma_wait3A_538, %dma_wait3A_539] : memref<2x64xi32, #tpu.memory_space<vmem>> -> memref<1x64xi32, #tpu.memory_space<vmem>>
      %dma_wait3A_541 = tpu.memref_squeeze %dma_wait3A_540 : memref<1x64xi32, #tpu.memory_space<vmem>> -> memref<64xi32, #tpu.memory_space<vmem>>
      %dma_wait3A_542 = arith.constant 0 : i32
      %dma_wait3A_543 = tpu.memref_slice %arg4[%add3A, %add3A_483, %dma_wait3A_542] : memref<32x288x64xi32, #tpu.memory_space<hbm>> -> memref<1x1x64xi32, #tpu.memory_space<hbm>>
      %dma_wait3A_544 = tpu.memref_squeeze %dma_wait3A_543 : memref<1x1x64xi32, #tpu.memory_space<hbm>> -> memref<64xi32, #tpu.memory_space<hbm>>
      %dma_wait3A_545 = arith.constant 0 : i32
      %dma_wait3A_546 = tpu.memref_slice %arg8[%dma_wait3A_538, %dma_wait3A_545] : memref<2x64xi32, #tpu.memory_space<vmem>> -> memref<1x64xi32, #tpu.memory_space<vmem>>
      %dma_wait3A_547 = tpu.memref_squeeze %dma_wait3A_546 : memref<1x64xi32, #tpu.memory_space<vmem>> -> memref<64xi32, #tpu.memory_space<vmem>>
      %dma_wait3A_548 = arith.constant 0 : i32
      %dma_wait3A_549 = tpu.memref_slice %arg4[%add3A, %add3A_483, %dma_wait3A_548] : memref<32x288x64xi32, #tpu.memory_space<hbm>> -> memref<1x1x64xi32, #tpu.memory_space<hbm>>
      %dma_wait3A_550 = tpu.memref_squeeze %dma_wait3A_549 : memref<1x1x64xi32, #tpu.memory_space<hbm>> -> memref<64xi32, #tpu.memory_space<hbm>>
      tpu.wait_dma2 semaphore(%arg16 : memref<!tpu.dma_semaphore, #tpu.memory_space<semaphore_mem>>) src(%dma_wait3A_550 : memref<64xi32, #tpu.memory_space<hbm>>) dst(%dma_wait3A_547 : memref<64xi32, #tpu.memory_space<vmem>>)
      %run_scoped3A = arith.constant 0 : i32
      %run_scoped3A_551 = arith.constant 0 : i32
      "tpu.region"() ({
        %run_scoped3A_1043 = tpu.sem_alloc : memref<!tpu.dma_semaphore, #tpu.memory_space<semaphore_mem>>
        %dma_start3A_1044 = arith.constant 0 : i32
        %dma_start3A_1045 = arith.constant 0 : i32
        %dma_start3A_1046 = tpu.memref_slice %arg9[%run_scoped3A, %dma_start3A_1044, %dma_start3A_1045] : memref<2x64x128xf32, #tpu.memory_space<vmem>> -> memref<1x64x128xf32, #tpu.memory_space<vmem>>
        %dma_start3A_1047 = tpu.memref_squeeze %dma_start3A_1046 : memref<1x64x128xf32, #tpu.memory_space<vmem>> -> memref<64x128xf32, #tpu.memory_space<vmem>>
        %dma_start3A_1048 = arith.constant 0 : i32
        %dma_start3A_1049 = tpu.memref_slice %arg8[%run_scoped3A_551, %dma_start3A_1048] : memref<2x64xi32, #tpu.memory_space<vmem>> -> memref<1x64xi32, #tpu.memory_space<vmem>>
        %dma_start3A_1050 = tpu.memref_squeeze %dma_start3A_1049 : memref<1x64xi32, #tpu.memory_space<vmem>> -> memref<64xi32, #tpu.memory_space<vmem>>
        %dma_start3A_1051 = arith.constant 0 : i32
        %dma_start3A_1052 = arith.constant 0 : i32
        %dma_start3A_1053 = tpu.memref_slice %arg12[%dma_start3A_1051, %dma_start3A_1052] : memref<10240x128xf32, #tpu.memory_space<vmem_shared>> -> memref<10240x128xf32, #tpu.memory_space<vmem_shared>>
        tpu.enqueue_indirect_dma source(%dma_start3A_1047 : memref<64x128xf32, #tpu.memory_space<vmem>>) target(%dma_start3A_1053 : memref<10240x128xf32, #tpu.memory_space<vmem_shared>>) offsets(%dma_start3A_1050 : memref<64xi32, #tpu.memory_space<vmem>>) semaphore(%run_scoped3A_1043 : memref<!tpu.dma_semaphore, #tpu.memory_space<semaphore_mem>>) {add = true}
        %dma_wait3A_1054 = arith.constant 0 : i32
        %dma_wait3A_1055 = arith.constant 0 : i32
        %dma_wait3A_1056 = tpu.memref_slice %arg9[%run_scoped3A, %dma_wait3A_1054, %dma_wait3A_1055] : memref<2x64x128xf32, #tpu.memory_space<vmem>> -> memref<1x64x128xf32, #tpu.memory_space<vmem>>
        %dma_wait3A_1057 = tpu.memref_squeeze %dma_wait3A_1056 : memref<1x64x128xf32, #tpu.memory_space<vmem>> -> memref<64x128xf32, #tpu.memory_space<vmem>>
        %dma_wait3A_1058 = arith.constant 0 : i32
        %dma_wait3A_1059 = tpu.memref_slice %arg8[%run_scoped3A_551, %dma_wait3A_1058] : memref<2x64xi32, #tpu.memory_space<vmem>> -> memref<1x64xi32, #tpu.memory_space<vmem>>
        %dma_wait3A_1060 = tpu.memref_squeeze %dma_wait3A_1059 : memref<1x64xi32, #tpu.memory_space<vmem>> -> memref<64xi32, #tpu.memory_space<vmem>>
        %dma_wait3A_1061 = arith.constant 0 : i32
        %dma_wait3A_1062 = arith.constant 0 : i32
        %dma_wait3A_1063 = tpu.memref_slice %arg12[%dma_wait3A_1061, %dma_wait3A_1062] : memref<10240x128xf32, #tpu.memory_space<vmem_shared>> -> memref<10240x128xf32, #tpu.memory_space<vmem_shared>>
        tpu.wait_indirect_dma semaphore(%run_scoped3A_1043 : memref<!tpu.dma_semaphore, #tpu.memory_space<semaphore_mem>>) src(%dma_wait3A_1057 : memref<64x128xf32, #tpu.memory_space<vmem>>) dst(%dma_wait3A_1063 : memref<10240x128xf32, #tpu.memory_space<vmem_shared>>)
        tpu.yield
      }) : () -> ()
      %get3A = arith.constant 0 : i32
      %get3A_552 = arith.index_cast %get3A : i32 to index
      %get3A_553 = arith.constant 0 : index
      %get3A_554 = tpu.vector_load %arg8[%get3A_552, %get3A_553] {strides = array<i32>} : memref<2x64xi32, #tpu.memory_space<vmem>>, vector<16xi32>,
      tpu.vector_store_idx %arg10[%get3A_554], %broadcast_in_dim3A_414 {add = true} : memref<10240xf32, #tpu.memory_space<vmem>>[vector<16xi32>], vector<16xf32>,
      %get3A_555 = arith.constant 0 : i32
      %get3A_556 = arith.index_cast %get3A_555 : i32 to index
      %get3A_557 = arith.constant 16 : index
      %get3A_558 = tpu.vector_load %arg8[%get3A_556, %get3A_557] {strides = array<i32>} : memref<2x64xi32, #tpu.memory_space<vmem>>, vector<16xi32>,
      tpu.vector_store_idx %arg10[%get3A_558], %broadcast_in_dim3A_414 {add = true} : memref<10240xf32, #tpu.memory_space<vmem>>[vector<16xi32>], vector<16xf32>,
      %get3A_559 = arith.constant 0 : i32
      %get3A_560 = arith.index_cast %get3A_559 : i32 to index
      %get3A_561 = arith.constant 32 : index
      %get3A_562 = tpu.vector_load %arg8[%get3A_560, %get3A_561] {strides = array<i32>} : memref<2x64xi32, #tpu.memory_space<vmem>>, vector<16xi32>,
      tpu.vector_store_idx %arg10[%get3A_562], %broadcast_in_dim3A_414 {add = true} : memref<10240xf32, #tpu.memory_space<vmem>>[vector<16xi32>], vector<16xf32>,
      %get3A_563 = arith.constant 0 : i32
      %get3A_564 = arith.index_cast %get3A_563 : i32 to index
      %get3A_565 = arith.constant 48 : index
      %get3A_566 = tpu.vector_load %arg8[%get3A_564, %get3A_565] {strides = array<i32>} : memref<2x64xi32, #tpu.memory_space<vmem>>, vector<16xi32>,
      tpu.vector_store_idx %arg10[%get3A_566], %broadcast_in_dim3A_414 {add = true} : memref<10240xf32, #tpu.memory_space<vmem>>[vector<16xi32>], vector<16xf32>,
      %dma_start3A_567 = arith.constant 2 : i32
      %dma_start3A_568 = arith.constant 0 : i32
      %dma_start3A_569 = arith.constant 0 : i32
      %dma_start3A_570 = arith.constant 0 : i32
      %dma_start3A_571 = tpu.memref_slice %arg9[%dma_start3A_568, %dma_start3A_569, %dma_start3A_570] : memref<2x64x128xf32, #tpu.memory_space<vmem>> -> memref<1x64x128xf32, #tpu.memory_space<vmem>>
      %dma_start3A_572 = tpu.memref_squeeze %dma_start3A_571 : memref<1x64x128xf32, #tpu.memory_space<vmem>> -> memref<64x128xf32, #tpu.memory_space<vmem>>
      %dma_start3A_573 = arith.constant 0 : i32
      %dma_start3A_574 = tpu.memref_slice %arg7[%select_n3A_444, %dma_start3A_567, %dma_start3A_573] : memref<2x8x64xi32, #tpu.memory_space<vmem>> -> memref<1x1x64xi32, #tpu.memory_space<vmem>>
      %dma_start3A_575 = tpu.memref_squeeze %dma_start3A_574 : memref<1x1x64xi32, #tpu.memory_space<vmem>> -> memref<64xi32, #tpu.memory_space<vmem>>
      %dma_start3A_576 = arith.constant 0 : i32
      %dma_start3A_577 = arith.constant 0 : i32
      %dma_start3A_578 = tpu.memref_slice %arg2[%dma_start3A_576, %dma_start3A_577] : memref<10000x128xf32, #tpu.memory_space<hbm>> -> memref<10000x128xf32, #tpu.memory_space<hbm>>
      tpu.enqueue_indirect_dma source(%dma_start3A_578 : memref<10000x128xf32, #tpu.memory_space<hbm>>) target(%dma_start3A_572 : memref<64x128xf32, #tpu.memory_space<vmem>>) offsets(%dma_start3A_575 : memref<64xi32, #tpu.memory_space<vmem>>) semaphore(%arg13 : memref<!tpu.dma_semaphore, #tpu.memory_space<semaphore_mem>>)
      %mul3A_579 = arith.constant 8 : i32
      %mul3A_580 = arith.muli %while3A_431, %mul3A_579 : i32
      %add3A_581 = arith.constant 2 : i32
      %add3A_582 = arith.addi %mul3A_580, %add3A_581 : i32
      %dma_start3A_583 = arith.constant 0 : i32
      %dma_start3A_584 = arith.constant 0 : i32
      %dma_start3A_585 = tpu.memref_slice %arg8[%dma_start3A_583, %dma_start3A_584] : memref<2x64xi32, #tpu.memory_space<vmem>> -> memref<1x64xi32, #tpu.memory_space<vmem>>
      %dma_start3A_586 = tpu.memref_squeeze %dma_start3A_585 : memref<1x64xi32, #tpu.memory_space<vmem>> -> memref<64xi32, #tpu.memory_space<vmem>>
      %dma_start3A_587 = arith.constant 0 : i32
      %dma_start3A_588 = tpu.memref_slice %arg4[%add3A, %add3A_582, %dma_start3A_587] : memref<32x288x64xi32, #tpu.memory_space<hbm>> -> memref<1x1x64xi32, #tpu.memory_space<hbm>>
      %dma_start3A_589 = tpu.memref_squeeze %dma_start3A_588 : memref<1x1x64xi32, #tpu.memory_space<hbm>> -> memref<64xi32, #tpu.memory_space<hbm>>
      %dma_start3A_590 = arith.constant 0 : i32
      %dma_start3A_591 = tpu.memref_slice %arg8[%dma_start3A_583, %dma_start3A_590] : memref<2x64xi32, #tpu.memory_space<vmem>> -> memref<1x64xi32, #tpu.memory_space<vmem>>
      %dma_start3A_592 = tpu.memref_squeeze %dma_start3A_591 : memref<1x64xi32, #tpu.memory_space<vmem>> -> memref<64xi32, #tpu.memory_space<vmem>>
      %dma_start3A_593 = arith.constant 0 : i32
      %dma_start3A_594 = tpu.memref_slice %arg4[%add3A, %add3A_582, %dma_start3A_593] : memref<32x288x64xi32, #tpu.memory_space<hbm>> -> memref<1x1x64xi32, #tpu.memory_space<hbm>>
      %dma_start3A_595 = tpu.memref_squeeze %dma_start3A_594 : memref<1x1x64xi32, #tpu.memory_space<hbm>> -> memref<64xi32, #tpu.memory_space<hbm>>
      tpu.enqueue_dma source(%dma_start3A_595 : memref<64xi32, #tpu.memory_space<hbm>>) target(%dma_start3A_592 : memref<64xi32, #tpu.memory_space<vmem>>) target_semaphore(%arg16 : memref<!tpu.dma_semaphore, #tpu.memory_space<semaphore_mem>>)
      %dma_wait3A_596 = arith.constant 1 : i32
      %dma_wait3A_597 = arith.constant 1 : i32
      %dma_wait3A_598 = arith.constant 0 : i32
      %dma_wait3A_599 = arith.constant 0 : i32
      %dma_wait3A_600 = tpu.memref_slice %arg9[%dma_wait3A_597, %dma_wait3A_598, %dma_wait3A_599] : memref<2x64x128xf32, #tpu.memory_space<vmem>> -> memref<1x64x128xf32, #tpu.memory_space<vmem>>
      %dma_wait3A_601 = tpu.memref_squeeze %dma_wait3A_600 : memref<1x64x128xf32, #tpu.memory_space<vmem>> -> memref<64x128xf32, #tpu.memory_space<vmem>>
      %dma_wait3A_602 = arith.constant 0 : i32
      %dma_wait3A_603 = tpu.memref_slice %arg7[%select_n3A_444, %dma_wait3A_596, %dma_wait3A_602] : memref<2x8x64xi32, #tpu.memory_space<vmem>> -> memref<1x1x64xi32, #tpu.memory_space<vmem>>
      %dma_wait3A_604 = tpu.memref_squeeze %dma_wait3A_603 : memref<1x1x64xi32, #tpu.memory_space<vmem>> -> memref<64xi32, #tpu.memory_space<vmem>>
      %dma_wait3A_605 = arith.constant 0 : i32
      %dma_wait3A_606 = arith.constant 0 : i32
      %dma_wait3A_607 = tpu.memref_slice %arg2[%dma_wait3A_605, %dma_wait3A_606] : memref<10000x128xf32, #tpu.memory_space<hbm>> -> memref<10000x128xf32, #tpu.memory_space<hbm>>
      tpu.wait_indirect_dma semaphore(%arg14 : memref<!tpu.dma_semaphore, #tpu.memory_space<semaphore_mem>>) src(%dma_wait3A_607 : memref<10000x128xf32, #tpu.memory_space<hbm>>) dst(%dma_wait3A_601 : memref<64x128xf32, #tpu.memory_space<vmem>>)
      %dma_wait3A_608 = arith.constant 1 : i32
      %dma_wait3A_609 = arith.constant 0 : i32
      %dma_wait3A_610 = tpu.memref_slice %arg8[%dma_wait3A_608, %dma_wait3A_609] : memref<2x64xi32, #tpu.memory_space<vmem>> -> memref<1x64xi32, #tpu.memory_space<vmem>>
      %dma_wait3A_611 = tpu.memref_squeeze %dma_wait3A_610 : memref<1x64xi32, #tpu.memory_space<vmem>> -> memref<64xi32, #tpu.memory_space<vmem>>
      %dma_wait3A_612 = arith.constant 0 : i32
      %dma_wait3A_613 = tpu.memref_slice %arg4[%add3A, %add3A_512, %dma_wait3A_612] : memref<32x288x64xi32, #tpu.memory_space<hbm>> -> memref<1x1x64xi32, #tpu.memory_space<hbm>>
      %dma_wait3A_614 = tpu.memref_squeeze %dma_wait3A_613 : memref<1x1x64xi32, #tpu.memory_space<hbm>> -> memref<64xi32, #tpu.memory_space<hbm>>
      %dma_wait3A_615 = arith.constant 0 : i32
      %dma_wait3A_616 = tpu.memref_slice %arg8[%dma_wait3A_608, %dma_wait3A_615] : memref<2x64xi32, #tpu.memory_space<vmem>> -> memref<1x64xi32, #tpu.memory_space<vmem>>
      %dma_wait3A_617 = tpu.memref_squeeze %dma_wait3A_616 : memref<1x64xi32, #tpu.memory_space<vmem>> -> memref<64xi32, #tpu.memory_space<vmem>>
      %dma_wait3A_618 = arith.constant 0 : i32
      %dma_wait3A_619 = tpu.memref_slice %arg4[%add3A, %add3A_512, %dma_wait3A_618] : memref<32x288x64xi32, #tpu.memory_space<hbm>> -> memref<1x1x64xi32, #tpu.memory_space<hbm>>
      %dma_wait3A_620 = tpu.memref_squeeze %dma_wait3A_619 : memref<1x1x64xi32, #tpu.memory_space<hbm>> -> memref<64xi32, #tpu.memory_space<hbm>>
      tpu.wait_dma2 semaphore(%arg16 : memref<!tpu.dma_semaphore, #tpu.memory_space<semaphore_mem>>) src(%dma_wait3A_620 : memref<64xi32, #tpu.memory_space<hbm>>) dst(%dma_wait3A_617 : memref<64xi32, #tpu.memory_space<vmem>>)
      %run_scoped3A_621 = arith.constant 1 : i32
      %run_scoped3A_622 = arith.constant 1 : i32
      "tpu.region"() ({
        %run_scoped3A_1043 = tpu.sem_alloc : memref<!tpu.dma_semaphore, #tpu.memory_space<semaphore_mem>>
        %dma_start3A_1044 = arith.constant 0 : i32
        %dma_start3A_1045 = arith.constant 0 : i32
        %dma_start3A_1046 = tpu.memref_slice %arg9[%run_scoped3A_621, %dma_start3A_1044, %dma_start3A_1045] : memref<2x64x128xf32, #tpu.memory_space<vmem>> -> memref<1x64x128xf32, #tpu.memory_space<vmem>>
        %dma_start3A_1047 = tpu.memref_squeeze %dma_start3A_1046 : memref<1x64x128xf32, #tpu.memory_space<vmem>> -> memref<64x128xf32, #tpu.memory_space<vmem>>
        %dma_start3A_1048 = arith.constant 0 : i32
        %dma_start3A_1049 = tpu.memref_slice %arg8[%run_scoped3A_622, %dma_start3A_1048] : memref<2x64xi32, #tpu.memory_space<vmem>> -> memref<1x64xi32, #tpu.memory_space<vmem>>
        %dma_start3A_1050 = tpu.memref_squeeze %dma_start3A_1049 : memref<1x64xi32, #tpu.memory_space<vmem>> -> memref<64xi32, #tpu.memory_space<vmem>>
        %dma_start3A_1051 = arith.constant 0 : i32
        %dma_start3A_1052 = arith.constant 0 : i32
        %dma_start3A_1053 = tpu.memref_slice %arg12[%dma_start3A_1051, %dma_start3A_1052] : memref<10240x128xf32, #tpu.memory_space<vmem_shared>> -> memref<10240x128xf32, #tpu.memory_space<vmem_shared>>
        tpu.enqueue_indirect_dma source(%dma_start3A_1047 : memref<64x128xf32, #tpu.memory_space<vmem>>) target(%dma_start3A_1053 : memref<10240x128xf32, #tpu.memory_space<vmem_shared>>) offsets(%dma_start3A_1050 : memref<64xi32, #tpu.memory_space<vmem>>) semaphore(%run_scoped3A_1043 : memref<!tpu.dma_semaphore, #tpu.memory_space<semaphore_mem>>) {add = true}
        %dma_wait3A_1054 = arith.constant 0 : i32
        %dma_wait3A_1055 = arith.constant 0 : i32
        %dma_wait3A_1056 = tpu.memref_slice %arg9[%run_scoped3A_621, %dma_wait3A_1054, %dma_wait3A_1055] : memref<2x64x128xf32, #tpu.memory_space<vmem>> -> memref<1x64x128xf32, #tpu.memory_space<vmem>>
        %dma_wait3A_1057 = tpu.memref_squeeze %dma_wait3A_1056 : memref<1x64x128xf32, #tpu.memory_space<vmem>> -> memref<64x128xf32, #tpu.memory_space<vmem>>
        %dma_wait3A_1058 = arith.constant 0 : i32
        %dma_wait3A_1059 = tpu.memref_slice %arg8[%run_scoped3A_622, %dma_wait3A_1058] : memref<2x64xi32, #tpu.memory_space<vmem>> -> memref<1x64xi32, #tpu.memory_space<vmem>>
        %dma_wait3A_1060 = tpu.memref_squeeze %dma_wait3A_1059 : memref<1x64xi32, #tpu.memory_space<vmem>> -> memref<64xi32, #tpu.memory_space<vmem>>
        %dma_wait3A_1061 = arith.constant 0 : i32
        %dma_wait3A_1062 = arith.constant 0 : i32
        %dma_wait3A_1063 = tpu.memref_slice %arg12[%dma_wait3A_1061, %dma_wait3A_1062] : memref<10240x128xf32, #tpu.memory_space<vmem_shared>> -> memref<10240x128xf32, #tpu.memory_space<vmem_shared>>
        tpu.wait_indirect_dma semaphore(%run_scoped3A_1043 : memref<!tpu.dma_semaphore, #tpu.memory_space<semaphore_mem>>) src(%dma_wait3A_1057 : memref<64x128xf32, #tpu.memory_space<vmem>>) dst(%dma_wait3A_1063 : memref<10240x128xf32, #tpu.memory_space<vmem_shared>>)
        tpu.yield
      }) : () -> ()
      %get3A_623 = arith.constant 1 : i32
      %get3A_624 = arith.index_cast %get3A_623 : i32 to index
      %get3A_625 = arith.constant 0 : index
      %get3A_626 = tpu.vector_load %arg8[%get3A_624, %get3A_625] {strides = array<i32>} : memref<2x64xi32, #tpu.memory_space<vmem>>, vector<16xi32>,
      tpu.vector_store_idx %arg10[%get3A_626], %broadcast_in_dim3A_414 {add = true} : memref<10240xf32, #tpu.memory_space<vmem>>[vector<16xi32>], vector<16xf32>,
      %get3A_627 = arith.constant 1 : i32
      %get3A_628 = arith.index_cast %get3A_627 : i32 to index
      %get3A_629 = arith.constant 16 : index
      %get3A_630 = tpu.vector_load %arg8[%get3A_628, %get3A_629] {strides = array<i32>} : memref<2x64xi32, #tpu.memory_space<vmem>>, vector<16xi32>,
      tpu.vector_store_idx %arg10[%get3A_630], %broadcast_in_dim3A_414 {add = true} : memref<10240xf32, #tpu.memory_space<vmem>>[vector<16xi32>], vector<16xf32>,
      %get3A_631 = arith.constant 1 : i32
      %get3A_632 = arith.index_cast %get3A_631 : i32 to index
      %get3A_633 = arith.constant 32 : index
      %get3A_634 = tpu.vector_load %arg8[%get3A_632, %get3A_633] {strides = array<i32>} : memref<2x64xi32, #tpu.memory_space<vmem>>, vector<16xi32>,
      tpu.vector_store_idx %arg10[%get3A_634], %broadcast_in_dim3A_414 {add = true} : memref<10240xf32, #tpu.memory_space<vmem>>[vector<16xi32>], vector<16xf32>,
      %get3A_635 = arith.constant 1 : i32
      %get3A_636 = arith.index_cast %get3A_635 : i32 to index
      %get3A_637 = arith.constant 48 : index
      %get3A_638 = tpu.vector_load %arg8[%get3A_636, %get3A_637] {strides = array<i32>} : memref<2x64xi32, #tpu.memory_space<vmem>>, vector<16xi32>,
      tpu.vector_store_idx %arg10[%get3A_638], %broadcast_in_dim3A_414 {add = true} : memref<10240xf32, #tpu.memory_space<vmem>>[vector<16xi32>], vector<16xf32>,
      %dma_start3A_639 = arith.constant 3 : i32
      %dma_start3A_640 = arith.constant 1 : i32
      %dma_start3A_641 = arith.constant 0 : i32
      %dma_start3A_642 = arith.constant 0 : i32
      %dma_start3A_643 = tpu.memref_slice %arg9[%dma_start3A_640, %dma_start3A_641, %dma_start3A_642] : memref<2x64x128xf32, #tpu.memory_space<vmem>> -> memref<1x64x128xf32, #tpu.memory_space<vmem>>
      %dma_start3A_644 = tpu.memref_squeeze %dma_start3A_643 : memref<1x64x128xf32, #tpu.memory_space<vmem>> -> memref<64x128xf32, #tpu.memory_space<vmem>>
      %dma_start3A_645 = arith.constant 0 : i32
      %dma_start3A_646 = tpu.memref_slice %arg7[%select_n3A_444, %dma_start3A_639, %dma_start3A_645] : memref<2x8x64xi32, #tpu.memory_space<vmem>> -> memref<1x1x64xi32, #tpu.memory_space<vmem>>
      %dma_start3A_647 = tpu.memref_squeeze %dma_start3A_646 : memref<1x1x64xi32, #tpu.memory_space<vmem>> -> memref<64xi32, #tpu.memory_space<vmem>>
      %dma_start3A_648 = arith.constant 0 : i32
      %dma_start3A_649 = arith.constant 0 : i32
      %dma_start3A_650 = tpu.memref_slice %arg2[%dma_start3A_648, %dma_start3A_649] : memref<10000x128xf32, #tpu.memory_space<hbm>> -> memref<10000x128xf32, #tpu.memory_space<hbm>>
      tpu.enqueue_indirect_dma source(%dma_start3A_650 : memref<10000x128xf32, #tpu.memory_space<hbm>>) target(%dma_start3A_644 : memref<64x128xf32, #tpu.memory_space<vmem>>) offsets(%dma_start3A_647 : memref<64xi32, #tpu.memory_space<vmem>>) semaphore(%arg14 : memref<!tpu.dma_semaphore, #tpu.memory_space<semaphore_mem>>)
      %mul3A_651 = arith.constant 8 : i32
      %mul3A_652 = arith.muli %while3A_431, %mul3A_651 : i32
      %add3A_653 = arith.constant 3 : i32
      %add3A_654 = arith.addi %mul3A_652, %add3A_653 : i32
      %dma_start3A_655 = arith.constant 1 : i32
      %dma_start3A_656 = arith.constant 0 : i32
      %dma_start3A_657 = tpu.memref_slice %arg8[%dma_start3A_655, %dma_start3A_656] : memref<2x64xi32, #tpu.memory_space<vmem>> -> memref<1x64xi32, #tpu.memory_space<vmem>>
      %dma_start3A_658 = tpu.memref_squeeze %dma_start3A_657 : memref<1x64xi32, #tpu.memory_space<vmem>> -> memref<64xi32, #tpu.memory_space<vmem>>
      %dma_start3A_659 = arith.constant 0 : i32
      %dma_start3A_660 = tpu.memref_slice %arg4[%add3A, %add3A_654, %dma_start3A_659] : memref<32x288x64xi32, #tpu.memory_space<hbm>> -> memref<1x1x64xi32, #tpu.memory_space<hbm>>
      %dma_start3A_661 = tpu.memref_squeeze %dma_start3A_660 : memref<1x1x64xi32, #tpu.memory_space<hbm>> -> memref<64xi32, #tpu.memory_space<hbm>>
      %dma_start3A_662 = arith.constant 0 : i32
      %dma_start3A_663 = tpu.memref_slice %arg8[%dma_start3A_655, %dma_start3A_662] : memref<2x64xi32, #tpu.memory_space<vmem>> -> memref<1x64xi32, #tpu.memory_space<vmem>>
      %dma_start3A_664 = tpu.memref_squeeze %dma_start3A_663 : memref<1x64xi32, #tpu.memory_space<vmem>> -> memref<64xi32, #tpu.memory_space<vmem>>
      %dma_start3A_665 = arith.constant 0 : i32
      %dma_start3A_666 = tpu.memref_slice %arg4[%add3A, %add3A_654, %dma_start3A_665] : memref<32x288x64xi32, #tpu.memory_space<hbm>> -> memref<1x1x64xi32, #tpu.memory_space<hbm>>
      %dma_start3A_667 = tpu.memref_squeeze %dma_start3A_666 : memref<1x1x64xi32, #tpu.memory_space<hbm>> -> memref<64xi32, #tpu.memory_space<hbm>>
      tpu.enqueue_dma source(%dma_start3A_667 : memref<64xi32, #tpu.memory_space<hbm>>) target(%dma_start3A_664 : memref<64xi32, #tpu.memory_space<vmem>>) target_semaphore(%arg16 : memref<!tpu.dma_semaphore, #tpu.memory_space<semaphore_mem>>)
      %dma_wait3A_668 = arith.constant 2 : i32
      %dma_wait3A_669 = arith.constant 0 : i32
      %dma_wait3A_670 = arith.constant 0 : i32
      %dma_wait3A_671 = arith.constant 0 : i32
      %dma_wait3A_672 = tpu.memref_slice %arg9[%dma_wait3A_669, %dma_wait3A_670, %dma_wait3A_671] : memref<2x64x128xf32, #tpu.memory_space<vmem>> -> memref<1x64x128xf32, #tpu.memory_space<vmem>>
      %dma_wait3A_673 = tpu.memref_squeeze %dma_wait3A_672 : memref<1x64x128xf32, #tpu.memory_space<vmem>> -> memref<64x128xf32, #tpu.memory_space<vmem>>
      %dma_wait3A_674 = arith.constant 0 : i32
      %dma_wait3A_675 = tpu.memref_slice %arg7[%select_n3A_444, %dma_wait3A_668, %dma_wait3A_674] : memref<2x8x64xi32, #tpu.memory_space<vmem>> -> memref<1x1x64xi32, #tpu.memory_space<vmem>>
      %dma_wait3A_676 = tpu.memref_squeeze %dma_wait3A_675 : memref<1x1x64xi32, #tpu.memory_space<vmem>> -> memref<64xi32, #tpu.memory_space<vmem>>
      %dma_wait3A_677 = arith.constant 0 : i32
      %dma_wait3A_678 = arith.constant 0 : i32
      %dma_wait3A_679 = tpu.memref_slice %arg2[%dma_wait3A_677, %dma_wait3A_678] : memref<10000x128xf32, #tpu.memory_space<hbm>> -> memref<10000x128xf32, #tpu.memory_space<hbm>>
      tpu.wait_indirect_dma semaphore(%arg13 : memref<!tpu.dma_semaphore, #tpu.memory_space<semaphore_mem>>) src(%dma_wait3A_679 : memref<10000x128xf32, #tpu.memory_space<hbm>>) dst(%dma_wait3A_673 : memref<64x128xf32, #tpu.memory_space<vmem>>)
      %dma_wait3A_680 = arith.constant 0 : i32
      %dma_wait3A_681 = arith.constant 0 : i32
      %dma_wait3A_682 = tpu.memref_slice %arg8[%dma_wait3A_680, %dma_wait3A_681] : memref<2x64xi32, #tpu.memory_space<vmem>> -> memref<1x64xi32, #tpu.memory_space<vmem>>
      %dma_wait3A_683 = tpu.memref_squeeze %dma_wait3A_682 : memref<1x64xi32, #tpu.memory_space<vmem>> -> memref<64xi32, #tpu.memory_space<vmem>>
      %dma_wait3A_684 = arith.constant 0 : i32
      %dma_wait3A_685 = tpu.memref_slice %arg4[%add3A, %add3A_582, %dma_wait3A_684] : memref<32x288x64xi32, #tpu.memory_space<hbm>> -> memref<1x1x64xi32, #tpu.memory_space<hbm>>
      %dma_wait3A_686 = tpu.memref_squeeze %dma_wait3A_685 : memref<1x1x64xi32, #tpu.memory_space<hbm>> -> memref<64xi32, #tpu.memory_space<hbm>>
      %dma_wait3A_687 = arith.constant 0 : i32
      %dma_wait3A_688 = tpu.memref_slice %arg8[%dma_wait3A_680, %dma_wait3A_687] : memref<2x64xi32, #tpu.memory_space<vmem>> -> memref<1x64xi32, #tpu.memory_space<vmem>>
      %dma_wait3A_689 = tpu.memref_squeeze %dma_wait3A_688 : memref<1x64xi32, #tpu.memory_space<vmem>> -> memref<64xi32, #tpu.memory_space<vmem>>
      %dma_wait3A_690 = arith.constant 0 : i32
      %dma_wait3A_691 = tpu.memref_slice %arg4[%add3A, %add3A_582, %dma_wait3A_690] : memref<32x288x64xi32, #tpu.memory_space<hbm>> -> memref<1x1x64xi32, #tpu.memory_space<hbm>>
      %dma_wait3A_692 = tpu.memref_squeeze %dma_wait3A_691 : memref<1x1x64xi32, #tpu.memory_space<hbm>> -> memref<64xi32, #tpu.memory_space<hbm>>
      tpu.wait_dma2 semaphore(%arg16 : memref<!tpu.dma_semaphore, #tpu.memory_space<semaphore_mem>>) src(%dma_wait3A_692 : memref<64xi32, #tpu.memory_space<hbm>>) dst(%dma_wait3A_689 : memref<64xi32, #tpu.memory_space<vmem>>)
      %run_scoped3A_693 = arith.constant 0 : i32
      %run_scoped3A_694 = arith.constant 0 : i32
      "tpu.region"() ({
        %run_scoped3A_1043 = tpu.sem_alloc : memref<!tpu.dma_semaphore, #tpu.memory_space<semaphore_mem>>
        %dma_start3A_1044 = arith.constant 0 : i32
        %dma_start3A_1045 = arith.constant 0 : i32
        %dma_start3A_1046 = tpu.memref_slice %arg9[%run_scoped3A_693, %dma_start3A_1044, %dma_start3A_1045] : memref<2x64x128xf32, #tpu.memory_space<vmem>> -> memref<1x64x128xf32, #tpu.memory_space<vmem>>
        %dma_start3A_1047 = tpu.memref_squeeze %dma_start3A_1046 : memref<1x64x128xf32, #tpu.memory_space<vmem>> -> memref<64x128xf32, #tpu.memory_space<vmem>>
        %dma_start3A_1048 = arith.constant 0 : i32
        %dma_start3A_1049 = tpu.memref_slice %arg8[%run_scoped3A_694, %dma_start3A_1048] : memref<2x64xi32, #tpu.memory_space<vmem>> -> memref<1x64xi32, #tpu.memory_space<vmem>>
        %dma_start3A_1050 = tpu.memref_squeeze %dma_start3A_1049 : memref<1x64xi32, #tpu.memory_space<vmem>> -> memref<64xi32, #tpu.memory_space<vmem>>
        %dma_start3A_1051 = arith.constant 0 : i32
        %dma_start3A_1052 = arith.constant 0 : i32
        %dma_start3A_1053 = tpu.memref_slice %arg12[%dma_start3A_1051, %dma_start3A_1052] : memref<10240x128xf32, #tpu.memory_space<vmem_shared>> -> memref<10240x128xf32, #tpu.memory_space<vmem_shared>>
        tpu.enqueue_indirect_dma source(%dma_start3A_1047 : memref<64x128xf32, #tpu.memory_space<vmem>>) target(%dma_start3A_1053 : memref<10240x128xf32, #tpu.memory_space<vmem_shared>>) offsets(%dma_start3A_1050 : memref<64xi32, #tpu.memory_space<vmem>>) semaphore(%run_scoped3A_1043 : memref<!tpu.dma_semaphore, #tpu.memory_space<semaphore_mem>>) {add = true}
        %dma_wait3A_1054 = arith.constant 0 : i32
        %dma_wait3A_1055 = arith.constant 0 : i32
        %dma_wait3A_1056 = tpu.memref_slice %arg9[%run_scoped3A_693, %dma_wait3A_1054, %dma_wait3A_1055] : memref<2x64x128xf32, #tpu.memory_space<vmem>> -> memref<1x64x128xf32, #tpu.memory_space<vmem>>
        %dma_wait3A_1057 = tpu.memref_squeeze %dma_wait3A_1056 : memref<1x64x128xf32, #tpu.memory_space<vmem>> -> memref<64x128xf32, #tpu.memory_space<vmem>>
        %dma_wait3A_1058 = arith.constant 0 : i32
        %dma_wait3A_1059 = tpu.memref_slice %arg8[%run_scoped3A_694, %dma_wait3A_1058] : memref<2x64xi32, #tpu.memory_space<vmem>> -> memref<1x64xi32, #tpu.memory_space<vmem>>
        %dma_wait3A_1060 = tpu.memref_squeeze %dma_wait3A_1059 : memref<1x64xi32, #tpu.memory_space<vmem>> -> memref<64xi32, #tpu.memory_space<vmem>>
        %dma_wait3A_1061 = arith.constant 0 : i32
        %dma_wait3A_1062 = arith.constant 0 : i32
        %dma_wait3A_1063 = tpu.memref_slice %arg12[%dma_wait3A_1061, %dma_wait3A_1062] : memref<10240x128xf32, #tpu.memory_space<vmem_shared>> -> memref<10240x128xf32, #tpu.memory_space<vmem_shared>>
        tpu.wait_indirect_dma semaphore(%run_scoped3A_1043 : memref<!tpu.dma_semaphore, #tpu.memory_space<semaphore_mem>>) src(%dma_wait3A_1057 : memref<64x128xf32, #tpu.memory_space<vmem>>) dst(%dma_wait3A_1063 : memref<10240x128xf32, #tpu.memory_space<vmem_shared>>)
        tpu.yield
      }) : () -> ()
      %get3A_695 = arith.constant 0 : i32
      %get3A_696 = arith.index_cast %get3A_695 : i32 to index
      %get3A_697 = arith.constant 0 : index
      %get3A_698 = tpu.vector_load %arg8[%get3A_696, %get3A_697] {strides = array<i32>} : memref<2x64xi32, #tpu.memory_space<vmem>>, vector<16xi32>,
      tpu.vector_store_idx %arg10[%get3A_698], %broadcast_in_dim3A_414 {add = true} : memref<10240xf32, #tpu.memory_space<vmem>>[vector<16xi32>], vector<16xf32>,
      %get3A_699 = arith.constant 0 : i32
      %get3A_700 = arith.index_cast %get3A_699 : i32 to index
      %get3A_701 = arith.constant 16 : index
      %get3A_702 = tpu.vector_load %arg8[%get3A_700, %get3A_701] {strides = array<i32>} : memref<2x64xi32, #tpu.memory_space<vmem>>, vector<16xi32>,
      tpu.vector_store_idx %arg10[%get3A_702], %broadcast_in_dim3A_414 {add = true} : memref<10240xf32, #tpu.memory_space<vmem>>[vector<16xi32>], vector<16xf32>,
      %get3A_703 = arith.constant 0 : i32
      %get3A_704 = arith.index_cast %get3A_703 : i32 to index
      %get3A_705 = arith.constant 32 : index
      %get3A_706 = tpu.vector_load %arg8[%get3A_704, %get3A_705] {strides = array<i32>} : memref<2x64xi32, #tpu.memory_space<vmem>>, vector<16xi32>,
      tpu.vector_store_idx %arg10[%get3A_706], %broadcast_in_dim3A_414 {add = true} : memref<10240xf32, #tpu.memory_space<vmem>>[vector<16xi32>], vector<16xf32>,
      %get3A_707 = arith.constant 0 : i32
      %get3A_708 = arith.index_cast %get3A_707 : i32 to index
      %get3A_709 = arith.constant 48 : index
      %get3A_710 = tpu.vector_load %arg8[%get3A_708, %get3A_709] {strides = array<i32>} : memref<2x64xi32, #tpu.memory_space<vmem>>, vector<16xi32>,
      tpu.vector_store_idx %arg10[%get3A_710], %broadcast_in_dim3A_414 {add = true} : memref<10240xf32, #tpu.memory_space<vmem>>[vector<16xi32>], vector<16xf32>,
      %dma_start3A_711 = arith.constant 4 : i32
      %dma_start3A_712 = arith.constant 0 : i32
      %dma_start3A_713 = arith.constant 0 : i32
      %dma_start3A_714 = arith.constant 0 : i32
      %dma_start3A_715 = tpu.memref_slice %arg9[%dma_start3A_712, %dma_start3A_713, %dma_start3A_714] : memref<2x64x128xf32, #tpu.memory_space<vmem>> -> memref<1x64x128xf32, #tpu.memory_space<vmem>>
      %dma_start3A_716 = tpu.memref_squeeze %dma_start3A_715 : memref<1x64x128xf32, #tpu.memory_space<vmem>> -> memref<64x128xf32, #tpu.memory_space<vmem>>
      %dma_start3A_717 = arith.constant 0 : i32
      %dma_start3A_718 = tpu.memref_slice %arg7[%select_n3A_444, %dma_start3A_711, %dma_start3A_717] : memref<2x8x64xi32, #tpu.memory_space<vmem>> -> memref<1x1x64xi32, #tpu.memory_space<vmem>>
      %dma_start3A_719 = tpu.memref_squeeze %dma_start3A_718 : memref<1x1x64xi32, #tpu.memory_space<vmem>> -> memref<64xi32, #tpu.memory_space<vmem>>
      %dma_start3A_720 = arith.constant 0 : i32
      %dma_start3A_721 = arith.constant 0 : i32
      %dma_start3A_722 = tpu.memref_slice %arg2[%dma_start3A_720, %dma_start3A_721] : memref<10000x128xf32, #tpu.memory_space<hbm>> -> memref<10000x128xf32, #tpu.memory_space<hbm>>
      tpu.enqueue_indirect_dma source(%dma_start3A_722 : memref<10000x128xf32, #tpu.memory_space<hbm>>) target(%dma_start3A_716 : memref<64x128xf32, #tpu.memory_space<vmem>>) offsets(%dma_start3A_719 : memref<64xi32, #tpu.memory_space<vmem>>) semaphore(%arg13 : memref<!tpu.dma_semaphore, #tpu.memory_space<semaphore_mem>>)
      %mul3A_723 = arith.constant 8 : i32
      %mul3A_724 = arith.muli %while3A_431, %mul3A_723 : i32
      %add3A_725 = arith.constant 4 : i32
      %add3A_726 = arith.addi %mul3A_724, %add3A_725 : i32
      %dma_start3A_727 = arith.constant 0 : i32
      %dma_start3A_728 = arith.constant 0 : i32
      %dma_start3A_729 = tpu.memref_slice %arg8[%dma_start3A_727, %dma_start3A_728] : memref<2x64xi32, #tpu.memory_space<vmem>> -> memref<1x64xi32, #tpu.memory_space<vmem>>
      %dma_start3A_730 = tpu.memref_squeeze %dma_start3A_729 : memref<1x64xi32, #tpu.memory_space<vmem>> -> memref<64xi32, #tpu.memory_space<vmem>>
      %dma_start3A_731 = arith.constant 0 : i32
      %dma_start3A_732 = tpu.memref_slice %arg4[%add3A, %add3A_726, %dma_start3A_731] : memref<32x288x64xi32, #tpu.memory_space<hbm>> -> memref<1x1x64xi32, #tpu.memory_space<hbm>>
      %dma_start3A_733 = tpu.memref_squeeze %dma_start3A_732 : memref<1x1x64xi32, #tpu.memory_space<hbm>> -> memref<64xi32, #tpu.memory_space<hbm>>
      %dma_start3A_734 = arith.constant 0 : i32
      %dma_start3A_735 = tpu.memref_slice %arg8[%dma_start3A_727, %dma_start3A_734] : memref<2x64xi32, #tpu.memory_space<vmem>> -> memref<1x64xi32, #tpu.memory_space<vmem>>
      %dma_start3A_736 = tpu.memref_squeeze %dma_start3A_735 : memref<1x64xi32, #tpu.memory_space<vmem>> -> memref<64xi32, #tpu.memory_space<vmem>>
      %dma_start3A_737 = arith.constant 0 : i32
      %dma_start3A_738 = tpu.memref_slice %arg4[%add3A, %add3A_726, %dma_start3A_737] : memref<32x288x64xi32, #tpu.memory_space<hbm>> -> memref<1x1x64xi32, #tpu.memory_space<hbm>>
      %dma_start3A_739 = tpu.memref_squeeze %dma_start3A_738 : memref<1x1x64xi32, #tpu.memory_space<hbm>> -> memref<64xi32, #tpu.memory_space<hbm>>
      tpu.enqueue_dma source(%dma_start3A_739 : memref<64xi32, #tpu.memory_space<hbm>>) target(%dma_start3A_736 : memref<64xi32, #tpu.memory_space<vmem>>) target_semaphore(%arg16 : memref<!tpu.dma_semaphore, #tpu.memory_space<semaphore_mem>>)
      %dma_wait3A_740 = arith.constant 3 : i32
      %dma_wait3A_741 = arith.constant 1 : i32
      %dma_wait3A_742 = arith.constant 0 : i32
      %dma_wait3A_743 = arith.constant 0 : i32
      %dma_wait3A_744 = tpu.memref_slice %arg9[%dma_wait3A_741, %dma_wait3A_742, %dma_wait3A_743] : memref<2x64x128xf32, #tpu.memory_space<vmem>> -> memref<1x64x128xf32, #tpu.memory_space<vmem>>
      %dma_wait3A_745 = tpu.memref_squeeze %dma_wait3A_744 : memref<1x64x128xf32, #tpu.memory_space<vmem>> -> memref<64x128xf32, #tpu.memory_space<vmem>>
      %dma_wait3A_746 = arith.constant 0 : i32
      %dma_wait3A_747 = tpu.memref_slice %arg7[%select_n3A_444, %dma_wait3A_740, %dma_wait3A_746] : memref<2x8x64xi32, #tpu.memory_space<vmem>> -> memref<1x1x64xi32, #tpu.memory_space<vmem>>
      %dma_wait3A_748 = tpu.memref_squeeze %dma_wait3A_747 : memref<1x1x64xi32, #tpu.memory_space<vmem>> -> memref<64xi32, #tpu.memory_space<vmem>>
      %dma_wait3A_749 = arith.constant 0 : i32
      %dma_wait3A_750 = arith.constant 0 : i32
      %dma_wait3A_751 = tpu.memref_slice %arg2[%dma_wait3A_749, %dma_wait3A_750] : memref<10000x128xf32, #tpu.memory_space<hbm>> -> memref<10000x128xf32, #tpu.memory_space<hbm>>
      tpu.wait_indirect_dma semaphore(%arg14 : memref<!tpu.dma_semaphore, #tpu.memory_space<semaphore_mem>>) src(%dma_wait3A_751 : memref<10000x128xf32, #tpu.memory_space<hbm>>) dst(%dma_wait3A_745 : memref<64x128xf32, #tpu.memory_space<vmem>>)
      %dma_wait3A_752 = arith.constant 1 : i32
      %dma_wait3A_753 = arith.constant 0 : i32
      %dma_wait3A_754 = tpu.memref_slice %arg8[%dma_wait3A_752, %dma_wait3A_753] : memref<2x64xi32, #tpu.memory_space<vmem>> -> memref<1x64xi32, #tpu.memory_space<vmem>>
      %dma_wait3A_755 = tpu.memref_squeeze %dma_wait3A_754 : memref<1x64xi32, #tpu.memory_space<vmem>> -> memref<64xi32, #tpu.memory_space<vmem>>
      %dma_wait3A_756 = arith.constant 0 : i32
      %dma_wait3A_757 = tpu.memref_slice %arg4[%add3A, %add3A_654, %dma_wait3A_756] : memref<32x288x64xi32, #tpu.memory_space<hbm>> -> memref<1x1x64xi32, #tpu.memory_space<hbm>>
      %dma_wait3A_758 = tpu.memref_squeeze %dma_wait3A_757 : memref<1x1x64xi32, #tpu.memory_space<hbm>> -> memref<64xi32, #tpu.memory_space<hbm>>
      %dma_wait3A_759 = arith.constant 0 : i32
      %dma_wait3A_760 = tpu.memref_slice %arg8[%dma_wait3A_752, %dma_wait3A_759] : memref<2x64xi32, #tpu.memory_space<vmem>> -> memref<1x64xi32, #tpu.memory_space<vmem>>
      %dma_wait3A_761 = tpu.memref_squeeze %dma_wait3A_760 : memref<1x64xi32, #tpu.memory_space<vmem>> -> memref<64xi32, #tpu.memory_space<vmem>>
      %dma_wait3A_762 = arith.constant 0 : i32
      %dma_wait3A_763 = tpu.memref_slice %arg4[%add3A, %add3A_654, %dma_wait3A_762] : memref<32x288x64xi32, #tpu.memory_space<hbm>> -> memref<1x1x64xi32, #tpu.memory_space<hbm>>
      %dma_wait3A_764 = tpu.memref_squeeze %dma_wait3A_763 : memref<1x1x64xi32, #tpu.memory_space<hbm>> -> memref<64xi32, #tpu.memory_space<hbm>>
      tpu.wait_dma2 semaphore(%arg16 : memref<!tpu.dma_semaphore, #tpu.memory_space<semaphore_mem>>) src(%dma_wait3A_764 : memref<64xi32, #tpu.memory_space<hbm>>) dst(%dma_wait3A_761 : memref<64xi32, #tpu.memory_space<vmem>>)
      %run_scoped3A_765 = arith.constant 1 : i32
      %run_scoped3A_766 = arith.constant 1 : i32
      "tpu.region"() ({
        %run_scoped3A_1043 = tpu.sem_alloc : memref<!tpu.dma_semaphore, #tpu.memory_space<semaphore_mem>>
        %dma_start3A_1044 = arith.constant 0 : i32
        %dma_start3A_1045 = arith.constant 0 : i32
        %dma_start3A_1046 = tpu.memref_slice %arg9[%run_scoped3A_765, %dma_start3A_1044, %dma_start3A_1045] : memref<2x64x128xf32, #tpu.memory_space<vmem>> -> memref<1x64x128xf32, #tpu.memory_space<vmem>>
        %dma_start3A_1047 = tpu.memref_squeeze %dma_start3A_1046 : memref<1x64x128xf32, #tpu.memory_space<vmem>> -> memref<64x128xf32, #tpu.memory_space<vmem>>
        %dma_start3A_1048 = arith.constant 0 : i32
        %dma_start3A_1049 = tpu.memref_slice %arg8[%run_scoped3A_766, %dma_start3A_1048] : memref<2x64xi32, #tpu.memory_space<vmem>> -> memref<1x64xi32, #tpu.memory_space<vmem>>
        %dma_start3A_1050 = tpu.memref_squeeze %dma_start3A_1049 : memref<1x64xi32, #tpu.memory_space<vmem>> -> memref<64xi32, #tpu.memory_space<vmem>>
        %dma_start3A_1051 = arith.constant 0 : i32
        %dma_start3A_1052 = arith.constant 0 : i32
        %dma_start3A_1053 = tpu.memref_slice %arg12[%dma_start3A_1051, %dma_start3A_1052] : memref<10240x128xf32, #tpu.memory_space<vmem_shared>> -> memref<10240x128xf32, #tpu.memory_space<vmem_shared>>
        tpu.enqueue_indirect_dma source(%dma_start3A_1047 : memref<64x128xf32, #tpu.memory_space<vmem>>) target(%dma_start3A_1053 : memref<10240x128xf32, #tpu.memory_space<vmem_shared>>) offsets(%dma_start3A_1050 : memref<64xi32, #tpu.memory_space<vmem>>) semaphore(%run_scoped3A_1043 : memref<!tpu.dma_semaphore, #tpu.memory_space<semaphore_mem>>) {add = true}
        %dma_wait3A_1054 = arith.constant 0 : i32
        %dma_wait3A_1055 = arith.constant 0 : i32
        %dma_wait3A_1056 = tpu.memref_slice %arg9[%run_scoped3A_765, %dma_wait3A_1054, %dma_wait3A_1055] : memref<2x64x128xf32, #tpu.memory_space<vmem>> -> memref<1x64x128xf32, #tpu.memory_space<vmem>>
        %dma_wait3A_1057 = tpu.memref_squeeze %dma_wait3A_1056 : memref<1x64x128xf32, #tpu.memory_space<vmem>> -> memref<64x128xf32, #tpu.memory_space<vmem>>
        %dma_wait3A_1058 = arith.constant 0 : i32
        %dma_wait3A_1059 = tpu.memref_slice %arg8[%run_scoped3A_766, %dma_wait3A_1058] : memref<2x64xi32, #tpu.memory_space<vmem>> -> memref<1x64xi32, #tpu.memory_space<vmem>>
        %dma_wait3A_1060 = tpu.memref_squeeze %dma_wait3A_1059 : memref<1x64xi32, #tpu.memory_space<vmem>> -> memref<64xi32, #tpu.memory_space<vmem>>
        %dma_wait3A_1061 = arith.constant 0 : i32
        %dma_wait3A_1062 = arith.constant 0 : i32
        %dma_wait3A_1063 = tpu.memref_slice %arg12[%dma_wait3A_1061, %dma_wait3A_1062] : memref<10240x128xf32, #tpu.memory_space<vmem_shared>> -> memref<10240x128xf32, #tpu.memory_space<vmem_shared>>
        tpu.wait_indirect_dma semaphore(%run_scoped3A_1043 : memref<!tpu.dma_semaphore, #tpu.memory_space<semaphore_mem>>) src(%dma_wait3A_1057 : memref<64x128xf32, #tpu.memory_space<vmem>>) dst(%dma_wait3A_1063 : memref<10240x128xf32, #tpu.memory_space<vmem_shared>>)
        tpu.yield
      }) : () -> ()
      %get3A_767 = arith.constant 1 : i32
      %get3A_768 = arith.index_cast %get3A_767 : i32 to index
      %get3A_769 = arith.constant 0 : index
      %get3A_770 = tpu.vector_load %arg8[%get3A_768, %get3A_769] {strides = array<i32>} : memref<2x64xi32, #tpu.memory_space<vmem>>, vector<16xi32>,
      tpu.vector_store_idx %arg10[%get3A_770], %broadcast_in_dim3A_414 {add = true} : memref<10240xf32, #tpu.memory_space<vmem>>[vector<16xi32>], vector<16xf32>,
      %get3A_771 = arith.constant 1 : i32
      %get3A_772 = arith.index_cast %get3A_771 : i32 to index
      %get3A_773 = arith.constant 16 : index
      %get3A_774 = tpu.vector_load %arg8[%get3A_772, %get3A_773] {strides = array<i32>} : memref<2x64xi32, #tpu.memory_space<vmem>>, vector<16xi32>,
      tpu.vector_store_idx %arg10[%get3A_774], %broadcast_in_dim3A_414 {add = true} : memref<10240xf32, #tpu.memory_space<vmem>>[vector<16xi32>], vector<16xf32>,
      %get3A_775 = arith.constant 1 : i32
      %get3A_776 = arith.index_cast %get3A_775 : i32 to index
      %get3A_777 = arith.constant 32 : index
      %get3A_778 = tpu.vector_load %arg8[%get3A_776, %get3A_777] {strides = array<i32>} : memref<2x64xi32, #tpu.memory_space<vmem>>, vector<16xi32>,
      tpu.vector_store_idx %arg10[%get3A_778], %broadcast_in_dim3A_414 {add = true} : memref<10240xf32, #tpu.memory_space<vmem>>[vector<16xi32>], vector<16xf32>,
      %get3A_779 = arith.constant 1 : i32
      %get3A_780 = arith.index_cast %get3A_779 : i32 to index
      %get3A_781 = arith.constant 48 : index
      %get3A_782 = tpu.vector_load %arg8[%get3A_780, %get3A_781] {strides = array<i32>} : memref<2x64xi32, #tpu.memory_space<vmem>>, vector<16xi32>,
      tpu.vector_store_idx %arg10[%get3A_782], %broadcast_in_dim3A_414 {add = true} : memref<10240xf32, #tpu.memory_space<vmem>>[vector<16xi32>], vector<16xf32>,
      %dma_start3A_783 = arith.constant 5 : i32
      %dma_start3A_784 = arith.constant 1 : i32
      %dma_start3A_785 = arith.constant 0 : i32
      %dma_start3A_786 = arith.constant 0 : i32
      %dma_start3A_787 = tpu.memref_slice %arg9[%dma_start3A_784, %dma_start3A_785, %dma_start3A_786] : memref<2x64x128xf32, #tpu.memory_space<vmem>> -> memref<1x64x128xf32, #tpu.memory_space<vmem>>
      %dma_start3A_788 = tpu.memref_squeeze %dma_start3A_787 : memref<1x64x128xf32, #tpu.memory_space<vmem>> -> memref<64x128xf32, #tpu.memory_space<vmem>>
      %dma_start3A_789 = arith.constant 0 : i32
      %dma_start3A_790 = tpu.memref_slice %arg7[%select_n3A_444, %dma_start3A_783, %dma_start3A_789] : memref<2x8x64xi32, #tpu.memory_space<vmem>> -> memref<1x1x64xi32, #tpu.memory_space<vmem>>
      %dma_start3A_791 = tpu.memref_squeeze %dma_start3A_790 : memref<1x1x64xi32, #tpu.memory_space<vmem>> -> memref<64xi32, #tpu.memory_space<vmem>>
      %dma_start3A_792 = arith.constant 0 : i32
      %dma_start3A_793 = arith.constant 0 : i32
      %dma_start3A_794 = tpu.memref_slice %arg2[%dma_start3A_792, %dma_start3A_793] : memref<10000x128xf32, #tpu.memory_space<hbm>> -> memref<10000x128xf32, #tpu.memory_space<hbm>>
      tpu.enqueue_indirect_dma source(%dma_start3A_794 : memref<10000x128xf32, #tpu.memory_space<hbm>>) target(%dma_start3A_788 : memref<64x128xf32, #tpu.memory_space<vmem>>) offsets(%dma_start3A_791 : memref<64xi32, #tpu.memory_space<vmem>>) semaphore(%arg14 : memref<!tpu.dma_semaphore, #tpu.memory_space<semaphore_mem>>)
      %mul3A_795 = arith.constant 8 : i32
      %mul3A_796 = arith.muli %while3A_431, %mul3A_795 : i32
      %add3A_797 = arith.constant 5 : i32
      %add3A_798 = arith.addi %mul3A_796, %add3A_797 : i32
      %dma_start3A_799 = arith.constant 1 : i32
      %dma_start3A_800 = arith.constant 0 : i32
      %dma_start3A_801 = tpu.memref_slice %arg8[%dma_start3A_799, %dma_start3A_800] : memref<2x64xi32, #tpu.memory_space<vmem>> -> memref<1x64xi32, #tpu.memory_space<vmem>>
      %dma_start3A_802 = tpu.memref_squeeze %dma_start3A_801 : memref<1x64xi32, #tpu.memory_space<vmem>> -> memref<64xi32, #tpu.memory_space<vmem>>
      %dma_start3A_803 = arith.constant 0 : i32
      %dma_start3A_804 = tpu.memref_slice %arg4[%add3A, %add3A_798, %dma_start3A_803] : memref<32x288x64xi32, #tpu.memory_space<hbm>> -> memref<1x1x64xi32, #tpu.memory_space<hbm>>
      %dma_start3A_805 = tpu.memref_squeeze %dma_start3A_804 : memref<1x1x64xi32, #tpu.memory_space<hbm>> -> memref<64xi32, #tpu.memory_space<hbm>>
      %dma_start3A_806 = arith.constant 0 : i32
      %dma_start3A_807 = tpu.memref_slice %arg8[%dma_start3A_799, %dma_start3A_806] : memref<2x64xi32, #tpu.memory_space<vmem>> -> memref<1x64xi32, #tpu.memory_space<vmem>>
      %dma_start3A_808 = tpu.memref_squeeze %dma_start3A_807 : memref<1x64xi32, #tpu.memory_space<vmem>> -> memref<64xi32, #tpu.memory_space<vmem>>
      %dma_start3A_809 = arith.constant 0 : i32
      %dma_start3A_810 = tpu.memref_slice %arg4[%add3A, %add3A_798, %dma_start3A_809] : memref<32x288x64xi32, #tpu.memory_space<hbm>> -> memref<1x1x64xi32, #tpu.memory_space<hbm>>
      %dma_start3A_811 = tpu.memref_squeeze %dma_start3A_810 : memref<1x1x64xi32, #tpu.memory_space<hbm>> -> memref<64xi32, #tpu.memory_space<hbm>>
      tpu.enqueue_dma source(%dma_start3A_811 : memref<64xi32, #tpu.memory_space<hbm>>) target(%dma_start3A_808 : memref<64xi32, #tpu.memory_space<vmem>>) target_semaphore(%arg16 : memref<!tpu.dma_semaphore, #tpu.memory_space<semaphore_mem>>)
      %dma_wait3A_812 = arith.constant 4 : i32
      %dma_wait3A_813 = arith.constant 0 : i32
      %dma_wait3A_814 = arith.constant 0 : i32
      %dma_wait3A_815 = arith.constant 0 : i32
      %dma_wait3A_816 = tpu.memref_slice %arg9[%dma_wait3A_813, %dma_wait3A_814, %dma_wait3A_815] : memref<2x64x128xf32, #tpu.memory_space<vmem>> -> memref<1x64x128xf32, #tpu.memory_space<vmem>>
      %dma_wait3A_817 = tpu.memref_squeeze %dma_wait3A_816 : memref<1x64x128xf32, #tpu.memory_space<vmem>> -> memref<64x128xf32, #tpu.memory_space<vmem>>
      %dma_wait3A_818 = arith.constant 0 : i32
      %dma_wait3A_819 = tpu.memref_slice %arg7[%select_n3A_444, %dma_wait3A_812, %dma_wait3A_818] : memref<2x8x64xi32, #tpu.memory_space<vmem>> -> memref<1x1x64xi32, #tpu.memory_space<vmem>>
      %dma_wait3A_820 = tpu.memref_squeeze %dma_wait3A_819 : memref<1x1x64xi32, #tpu.memory_space<vmem>> -> memref<64xi32, #tpu.memory_space<vmem>>
      %dma_wait3A_821 = arith.constant 0 : i32
      %dma_wait3A_822 = arith.constant 0 : i32
      %dma_wait3A_823 = tpu.memref_slice %arg2[%dma_wait3A_821, %dma_wait3A_822] : memref<10000x128xf32, #tpu.memory_space<hbm>> -> memref<10000x128xf32, #tpu.memory_space<hbm>>
      tpu.wait_indirect_dma semaphore(%arg13 : memref<!tpu.dma_semaphore, #tpu.memory_space<semaphore_mem>>) src(%dma_wait3A_823 : memref<10000x128xf32, #tpu.memory_space<hbm>>) dst(%dma_wait3A_817 : memref<64x128xf32, #tpu.memory_space<vmem>>)
      %dma_wait3A_824 = arith.constant 0 : i32
      %dma_wait3A_825 = arith.constant 0 : i32
      %dma_wait3A_826 = tpu.memref_slice %arg8[%dma_wait3A_824, %dma_wait3A_825] : memref<2x64xi32, #tpu.memory_space<vmem>> -> memref<1x64xi32, #tpu.memory_space<vmem>>
      %dma_wait3A_827 = tpu.memref_squeeze %dma_wait3A_826 : memref<1x64xi32, #tpu.memory_space<vmem>> -> memref<64xi32, #tpu.memory_space<vmem>>
      %dma_wait3A_828 = arith.constant 0 : i32
      %dma_wait3A_829 = tpu.memref_slice %arg4[%add3A, %add3A_726, %dma_wait3A_828] : memref<32x288x64xi32, #tpu.memory_space<hbm>> -> memref<1x1x64xi32, #tpu.memory_space<hbm>>
      %dma_wait3A_830 = tpu.memref_squeeze %dma_wait3A_829 : memref<1x1x64xi32, #tpu.memory_space<hbm>> -> memref<64xi32, #tpu.memory_space<hbm>>
      %dma_wait3A_831 = arith.constant 0 : i32
      %dma_wait3A_832 = tpu.memref_slice %arg8[%dma_wait3A_824, %dma_wait3A_831] : memref<2x64xi32, #tpu.memory_space<vmem>> -> memref<1x64xi32, #tpu.memory_space<vmem>>
      %dma_wait3A_833 = tpu.memref_squeeze %dma_wait3A_832 : memref<1x64xi32, #tpu.memory_space<vmem>> -> memref<64xi32, #tpu.memory_space<vmem>>
      %dma_wait3A_834 = arith.constant 0 : i32
      %dma_wait3A_835 = tpu.memref_slice %arg4[%add3A, %add3A_726, %dma_wait3A_834] : memref<32x288x64xi32, #tpu.memory_space<hbm>> -> memref<1x1x64xi32, #tpu.memory_space<hbm>>
      %dma_wait3A_836 = tpu.memref_squeeze %dma_wait3A_835 : memref<1x1x64xi32, #tpu.memory_space<hbm>> -> memref<64xi32, #tpu.memory_space<hbm>>
      tpu.wait_dma2 semaphore(%arg16 : memref<!tpu.dma_semaphore, #tpu.memory_space<semaphore_mem>>) src(%dma_wait3A_836 : memref<64xi32, #tpu.memory_space<hbm>>) dst(%dma_wait3A_833 : memref<64xi32, #tpu.memory_space<vmem>>)
      %run_scoped3A_837 = arith.constant 0 : i32
      %run_scoped3A_838 = arith.constant 0 : i32
      "tpu.region"() ({
        %run_scoped3A_1043 = tpu.sem_alloc : memref<!tpu.dma_semaphore, #tpu.memory_space<semaphore_mem>>
        %dma_start3A_1044 = arith.constant 0 : i32
        %dma_start3A_1045 = arith.constant 0 : i32
        %dma_start3A_1046 = tpu.memref_slice %arg9[%run_scoped3A_837, %dma_start3A_1044, %dma_start3A_1045] : memref<2x64x128xf32, #tpu.memory_space<vmem>> -> memref<1x64x128xf32, #tpu.memory_space<vmem>>
        %dma_start3A_1047 = tpu.memref_squeeze %dma_start3A_1046 : memref<1x64x128xf32, #tpu.memory_space<vmem>> -> memref<64x128xf32, #tpu.memory_space<vmem>>
        %dma_start3A_1048 = arith.constant 0 : i32
        %dma_start3A_1049 = tpu.memref_slice %arg8[%run_scoped3A_838, %dma_start3A_1048] : memref<2x64xi32, #tpu.memory_space<vmem>> -> memref<1x64xi32, #tpu.memory_space<vmem>>
        %dma_start3A_1050 = tpu.memref_squeeze %dma_start3A_1049 : memref<1x64xi32, #tpu.memory_space<vmem>> -> memref<64xi32, #tpu.memory_space<vmem>>
        %dma_start3A_1051 = arith.constant 0 : i32
        %dma_start3A_1052 = arith.constant 0 : i32
        %dma_start3A_1053 = tpu.memref_slice %arg12[%dma_start3A_1051, %dma_start3A_1052] : memref<10240x128xf32, #tpu.memory_space<vmem_shared>> -> memref<10240x128xf32, #tpu.memory_space<vmem_shared>>
        tpu.enqueue_indirect_dma source(%dma_start3A_1047 : memref<64x128xf32, #tpu.memory_space<vmem>>) target(%dma_start3A_1053 : memref<10240x128xf32, #tpu.memory_space<vmem_shared>>) offsets(%dma_start3A_1050 : memref<64xi32, #tpu.memory_space<vmem>>) semaphore(%run_scoped3A_1043 : memref<!tpu.dma_semaphore, #tpu.memory_space<semaphore_mem>>) {add = true}
        %dma_wait3A_1054 = arith.constant 0 : i32
        %dma_wait3A_1055 = arith.constant 0 : i32
        %dma_wait3A_1056 = tpu.memref_slice %arg9[%run_scoped3A_837, %dma_wait3A_1054, %dma_wait3A_1055] : memref<2x64x128xf32, #tpu.memory_space<vmem>> -> memref<1x64x128xf32, #tpu.memory_space<vmem>>
        %dma_wait3A_1057 = tpu.memref_squeeze %dma_wait3A_1056 : memref<1x64x128xf32, #tpu.memory_space<vmem>> -> memref<64x128xf32, #tpu.memory_space<vmem>>
        %dma_wait3A_1058 = arith.constant 0 : i32
        %dma_wait3A_1059 = tpu.memref_slice %arg8[%run_scoped3A_838, %dma_wait3A_1058] : memref<2x64xi32, #tpu.memory_space<vmem>> -> memref<1x64xi32, #tpu.memory_space<vmem>>
        %dma_wait3A_1060 = tpu.memref_squeeze %dma_wait3A_1059 : memref<1x64xi32, #tpu.memory_space<vmem>> -> memref<64xi32, #tpu.memory_space<vmem>>
        %dma_wait3A_1061 = arith.constant 0 : i32
        %dma_wait3A_1062 = arith.constant 0 : i32
        %dma_wait3A_1063 = tpu.memref_slice %arg12[%dma_wait3A_1061, %dma_wait3A_1062] : memref<10240x128xf32, #tpu.memory_space<vmem_shared>> -> memref<10240x128xf32, #tpu.memory_space<vmem_shared>>
        tpu.wait_indirect_dma semaphore(%run_scoped3A_1043 : memref<!tpu.dma_semaphore, #tpu.memory_space<semaphore_mem>>) src(%dma_wait3A_1057 : memref<64x128xf32, #tpu.memory_space<vmem>>) dst(%dma_wait3A_1063 : memref<10240x128xf32, #tpu.memory_space<vmem_shared>>)
        tpu.yield
      }) : () -> ()
      %get3A_839 = arith.constant 0 : i32
      %get3A_840 = arith.index_cast %get3A_839 : i32 to index
      %get3A_841 = arith.constant 0 : index
      %get3A_842 = tpu.vector_load %arg8[%get3A_840, %get3A_841] {strides = array<i32>} : memref<2x64xi32, #tpu.memory_space<vmem>>, vector<16xi32>,
      tpu.vector_store_idx %arg10[%get3A_842], %broadcast_in_dim3A_414 {add = true} : memref<10240xf32, #tpu.memory_space<vmem>>[vector<16xi32>], vector<16xf32>,
      %get3A_843 = arith.constant 0 : i32
      %get3A_844 = arith.index_cast %get3A_843 : i32 to index
      %get3A_845 = arith.constant 16 : index
      %get3A_846 = tpu.vector_load %arg8[%get3A_844, %get3A_845] {strides = array<i32>} : memref<2x64xi32, #tpu.memory_space<vmem>>, vector<16xi32>,
      tpu.vector_store_idx %arg10[%get3A_846], %broadcast_in_dim3A_414 {add = true} : memref<10240xf32, #tpu.memory_space<vmem>>[vector<16xi32>], vector<16xf32>,
      %get3A_847 = arith.constant 0 : i32
      %get3A_848 = arith.index_cast %get3A_847 : i32 to index
      %get3A_849 = arith.constant 32 : index
      %get3A_850 = tpu.vector_load %arg8[%get3A_848, %get3A_849] {strides = array<i32>} : memref<2x64xi32, #tpu.memory_space<vmem>>, vector<16xi32>,
      tpu.vector_store_idx %arg10[%get3A_850], %broadcast_in_dim3A_414 {add = true} : memref<10240xf32, #tpu.memory_space<vmem>>[vector<16xi32>], vector<16xf32>,
      %get3A_851 = arith.constant 0 : i32
      %get3A_852 = arith.index_cast %get3A_851 : i32 to index
      %get3A_853 = arith.constant 48 : index
      %get3A_854 = tpu.vector_load %arg8[%get3A_852, %get3A_853] {strides = array<i32>} : memref<2x64xi32, #tpu.memory_space<vmem>>, vector<16xi32>,
      tpu.vector_store_idx %arg10[%get3A_854], %broadcast_in_dim3A_414 {add = true} : memref<10240xf32, #tpu.memory_space<vmem>>[vector<16xi32>], vector<16xf32>,
      %dma_start3A_855 = arith.constant 6 : i32
      %dma_start3A_856 = arith.constant 0 : i32
      %dma_start3A_857 = arith.constant 0 : i32
      %dma_start3A_858 = arith.constant 0 : i32
      %dma_start3A_859 = tpu.memref_slice %arg9[%dma_start3A_856, %dma_start3A_857, %dma_start3A_858] : memref<2x64x128xf32, #tpu.memory_space<vmem>> -> memref<1x64x128xf32, #tpu.memory_space<vmem>>
      %dma_start3A_860 = tpu.memref_squeeze %dma_start3A_859 : memref<1x64x128xf32, #tpu.memory_space<vmem>> -> memref<64x128xf32, #tpu.memory_space<vmem>>
      %dma_start3A_861 = arith.constant 0 : i32
      %dma_start3A_862 = tpu.memref_slice %arg7[%select_n3A_444, %dma_start3A_855, %dma_start3A_861] : memref<2x8x64xi32, #tpu.memory_space<vmem>> -> memref<1x1x64xi32, #tpu.memory_space<vmem>>
      %dma_start3A_863 = tpu.memref_squeeze %dma_start3A_862 : memref<1x1x64xi32, #tpu.memory_space<vmem>> -> memref<64xi32, #tpu.memory_space<vmem>>
      %dma_start3A_864 = arith.constant 0 : i32
      %dma_start3A_865 = arith.constant 0 : i32
      %dma_start3A_866 = tpu.memref_slice %arg2[%dma_start3A_864, %dma_start3A_865] : memref<10000x128xf32, #tpu.memory_space<hbm>> -> memref<10000x128xf32, #tpu.memory_space<hbm>>
      tpu.enqueue_indirect_dma source(%dma_start3A_866 : memref<10000x128xf32, #tpu.memory_space<hbm>>) target(%dma_start3A_860 : memref<64x128xf32, #tpu.memory_space<vmem>>) offsets(%dma_start3A_863 : memref<64xi32, #tpu.memory_space<vmem>>) semaphore(%arg13 : memref<!tpu.dma_semaphore, #tpu.memory_space<semaphore_mem>>)
      %mul3A_867 = arith.constant 8 : i32
      %mul3A_868 = arith.muli %while3A_431, %mul3A_867 : i32
      %add3A_869 = arith.constant 6 : i32
      %add3A_870 = arith.addi %mul3A_868, %add3A_869 : i32
      %dma_start3A_871 = arith.constant 0 : i32
      %dma_start3A_872 = arith.constant 0 : i32
      %dma_start3A_873 = tpu.memref_slice %arg8[%dma_start3A_871, %dma_start3A_872] : memref<2x64xi32, #tpu.memory_space<vmem>> -> memref<1x64xi32, #tpu.memory_space<vmem>>
      %dma_start3A_874 = tpu.memref_squeeze %dma_start3A_873 : memref<1x64xi32, #tpu.memory_space<vmem>> -> memref<64xi32, #tpu.memory_space<vmem>>
      %dma_start3A_875 = arith.constant 0 : i32
      %dma_start3A_876 = tpu.memref_slice %arg4[%add3A, %add3A_870, %dma_start3A_875] : memref<32x288x64xi32, #tpu.memory_space<hbm>> -> memref<1x1x64xi32, #tpu.memory_space<hbm>>
      %dma_start3A_877 = tpu.memref_squeeze %dma_start3A_876 : memref<1x1x64xi32, #tpu.memory_space<hbm>> -> memref<64xi32, #tpu.memory_space<hbm>>
      %dma_start3A_878 = arith.constant 0 : i32
      %dma_start3A_879 = tpu.memref_slice %arg8[%dma_start3A_871, %dma_start3A_878] : memref<2x64xi32, #tpu.memory_space<vmem>> -> memref<1x64xi32, #tpu.memory_space<vmem>>
      %dma_start3A_880 = tpu.memref_squeeze %dma_start3A_879 : memref<1x64xi32, #tpu.memory_space<vmem>> -> memref<64xi32, #tpu.memory_space<vmem>>
      %dma_start3A_881 = arith.constant 0 : i32
      %dma_start3A_882 = tpu.memref_slice %arg4[%add3A, %add3A_870, %dma_start3A_881] : memref<32x288x64xi32, #tpu.memory_space<hbm>> -> memref<1x1x64xi32, #tpu.memory_space<hbm>>
      %dma_start3A_883 = tpu.memref_squeeze %dma_start3A_882 : memref<1x1x64xi32, #tpu.memory_space<hbm>> -> memref<64xi32, #tpu.memory_space<hbm>>
      tpu.enqueue_dma source(%dma_start3A_883 : memref<64xi32, #tpu.memory_space<hbm>>) target(%dma_start3A_880 : memref<64xi32, #tpu.memory_space<vmem>>) target_semaphore(%arg16 : memref<!tpu.dma_semaphore, #tpu.memory_space<semaphore_mem>>)
      %dma_wait3A_884 = arith.constant 5 : i32
      %dma_wait3A_885 = arith.constant 1 : i32
      %dma_wait3A_886 = arith.constant 0 : i32
      %dma_wait3A_887 = arith.constant 0 : i32
      %dma_wait3A_888 = tpu.memref_slice %arg9[%dma_wait3A_885, %dma_wait3A_886, %dma_wait3A_887] : memref<2x64x128xf32, #tpu.memory_space<vmem>> -> memref<1x64x128xf32, #tpu.memory_space<vmem>>
      %dma_wait3A_889 = tpu.memref_squeeze %dma_wait3A_888 : memref<1x64x128xf32, #tpu.memory_space<vmem>> -> memref<64x128xf32, #tpu.memory_space<vmem>>
      %dma_wait3A_890 = arith.constant 0 : i32
      %dma_wait3A_891 = tpu.memref_slice %arg7[%select_n3A_444, %dma_wait3A_884, %dma_wait3A_890] : memref<2x8x64xi32, #tpu.memory_space<vmem>> -> memref<1x1x64xi32, #tpu.memory_space<vmem>>
      %dma_wait3A_892 = tpu.memref_squeeze %dma_wait3A_891 : memref<1x1x64xi32, #tpu.memory_space<vmem>> -> memref<64xi32, #tpu.memory_space<vmem>>
      %dma_wait3A_893 = arith.constant 0 : i32
      %dma_wait3A_894 = arith.constant 0 : i32
      %dma_wait3A_895 = tpu.memref_slice %arg2[%dma_wait3A_893, %dma_wait3A_894] : memref<10000x128xf32, #tpu.memory_space<hbm>> -> memref<10000x128xf32, #tpu.memory_space<hbm>>
      tpu.wait_indirect_dma semaphore(%arg14 : memref<!tpu.dma_semaphore, #tpu.memory_space<semaphore_mem>>) src(%dma_wait3A_895 : memref<10000x128xf32, #tpu.memory_space<hbm>>) dst(%dma_wait3A_889 : memref<64x128xf32, #tpu.memory_space<vmem>>)
      %dma_wait3A_896 = arith.constant 1 : i32
      %dma_wait3A_897 = arith.constant 0 : i32
      %dma_wait3A_898 = tpu.memref_slice %arg8[%dma_wait3A_896, %dma_wait3A_897] : memref<2x64xi32, #tpu.memory_space<vmem>> -> memref<1x64xi32, #tpu.memory_space<vmem>>
      %dma_wait3A_899 = tpu.memref_squeeze %dma_wait3A_898 : memref<1x64xi32, #tpu.memory_space<vmem>> -> memref<64xi32, #tpu.memory_space<vmem>>
      %dma_wait3A_900 = arith.constant 0 : i32
      %dma_wait3A_901 = tpu.memref_slice %arg4[%add3A, %add3A_798, %dma_wait3A_900] : memref<32x288x64xi32, #tpu.memory_space<hbm>> -> memref<1x1x64xi32, #tpu.memory_space<hbm>>
      %dma_wait3A_902 = tpu.memref_squeeze %dma_wait3A_901 : memref<1x1x64xi32, #tpu.memory_space<hbm>> -> memref<64xi32, #tpu.memory_space<hbm>>
      %dma_wait3A_903 = arith.constant 0 : i32
      %dma_wait3A_904 = tpu.memref_slice %arg8[%dma_wait3A_896, %dma_wait3A_903] : memref<2x64xi32, #tpu.memory_space<vmem>> -> memref<1x64xi32, #tpu.memory_space<vmem>>
      %dma_wait3A_905 = tpu.memref_squeeze %dma_wait3A_904 : memref<1x64xi32, #tpu.memory_space<vmem>> -> memref<64xi32, #tpu.memory_space<vmem>>
      %dma_wait3A_906 = arith.constant 0 : i32
      %dma_wait3A_907 = tpu.memref_slice %arg4[%add3A, %add3A_798, %dma_wait3A_906] : memref<32x288x64xi32, #tpu.memory_space<hbm>> -> memref<1x1x64xi32, #tpu.memory_space<hbm>>
      %dma_wait3A_908 = tpu.memref_squeeze %dma_wait3A_907 : memref<1x1x64xi32, #tpu.memory_space<hbm>> -> memref<64xi32, #tpu.memory_space<hbm>>
      tpu.wait_dma2 semaphore(%arg16 : memref<!tpu.dma_semaphore, #tpu.memory_space<semaphore_mem>>) src(%dma_wait3A_908 : memref<64xi32, #tpu.memory_space<hbm>>) dst(%dma_wait3A_905 : memref<64xi32, #tpu.memory_space<vmem>>)
      %run_scoped3A_909 = arith.constant 1 : i32
      %run_scoped3A_910 = arith.constant 1 : i32
      "tpu.region"() ({
        %run_scoped3A_1043 = tpu.sem_alloc : memref<!tpu.dma_semaphore, #tpu.memory_space<semaphore_mem>>
        %dma_start3A_1044 = arith.constant 0 : i32
        %dma_start3A_1045 = arith.constant 0 : i32
        %dma_start3A_1046 = tpu.memref_slice %arg9[%run_scoped3A_909, %dma_start3A_1044, %dma_start3A_1045] : memref<2x64x128xf32, #tpu.memory_space<vmem>> -> memref<1x64x128xf32, #tpu.memory_space<vmem>>
        %dma_start3A_1047 = tpu.memref_squeeze %dma_start3A_1046 : memref<1x64x128xf32, #tpu.memory_space<vmem>> -> memref<64x128xf32, #tpu.memory_space<vmem>>
        %dma_start3A_1048 = arith.constant 0 : i32
        %dma_start3A_1049 = tpu.memref_slice %arg8[%run_scoped3A_910, %dma_start3A_1048] : memref<2x64xi32, #tpu.memory_space<vmem>> -> memref<1x64xi32, #tpu.memory_space<vmem>>
        %dma_start3A_1050 = tpu.memref_squeeze %dma_start3A_1049 : memref<1x64xi32, #tpu.memory_space<vmem>> -> memref<64xi32, #tpu.memory_space<vmem>>
        %dma_start3A_1051 = arith.constant 0 : i32
        %dma_start3A_1052 = arith.constant 0 : i32
        %dma_start3A_1053 = tpu.memref_slice %arg12[%dma_start3A_1051, %dma_start3A_1052] : memref<10240x128xf32, #tpu.memory_space<vmem_shared>> -> memref<10240x128xf32, #tpu.memory_space<vmem_shared>>
        tpu.enqueue_indirect_dma source(%dma_start3A_1047 : memref<64x128xf32, #tpu.memory_space<vmem>>) target(%dma_start3A_1053 : memref<10240x128xf32, #tpu.memory_space<vmem_shared>>) offsets(%dma_start3A_1050 : memref<64xi32, #tpu.memory_space<vmem>>) semaphore(%run_scoped3A_1043 : memref<!tpu.dma_semaphore, #tpu.memory_space<semaphore_mem>>) {add = true}
        %dma_wait3A_1054 = arith.constant 0 : i32
        %dma_wait3A_1055 = arith.constant 0 : i32
        %dma_wait3A_1056 = tpu.memref_slice %arg9[%run_scoped3A_909, %dma_wait3A_1054, %dma_wait3A_1055] : memref<2x64x128xf32, #tpu.memory_space<vmem>> -> memref<1x64x128xf32, #tpu.memory_space<vmem>>
        %dma_wait3A_1057 = tpu.memref_squeeze %dma_wait3A_1056 : memref<1x64x128xf32, #tpu.memory_space<vmem>> -> memref<64x128xf32, #tpu.memory_space<vmem>>
        %dma_wait3A_1058 = arith.constant 0 : i32
        %dma_wait3A_1059 = tpu.memref_slice %arg8[%run_scoped3A_910, %dma_wait3A_1058] : memref<2x64xi32, #tpu.memory_space<vmem>> -> memref<1x64xi32, #tpu.memory_space<vmem>>
        %dma_wait3A_1060 = tpu.memref_squeeze %dma_wait3A_1059 : memref<1x64xi32, #tpu.memory_space<vmem>> -> memref<64xi32, #tpu.memory_space<vmem>>
        %dma_wait3A_1061 = arith.constant 0 : i32
        %dma_wait3A_1062 = arith.constant 0 : i32
        %dma_wait3A_1063 = tpu.memref_slice %arg12[%dma_wait3A_1061, %dma_wait3A_1062] : memref<10240x128xf32, #tpu.memory_space<vmem_shared>> -> memref<10240x128xf32, #tpu.memory_space<vmem_shared>>
        tpu.wait_indirect_dma semaphore(%run_scoped3A_1043 : memref<!tpu.dma_semaphore, #tpu.memory_space<semaphore_mem>>) src(%dma_wait3A_1057 : memref<64x128xf32, #tpu.memory_space<vmem>>) dst(%dma_wait3A_1063 : memref<10240x128xf32, #tpu.memory_space<vmem_shared>>)
        tpu.yield
      }) : () -> ()
      %get3A_911 = arith.constant 1 : i32
      %get3A_912 = arith.index_cast %get3A_911 : i32 to index
      %get3A_913 = arith.constant 0 : index
      %get3A_914 = tpu.vector_load %arg8[%get3A_912, %get3A_913] {strides = array<i32>} : memref<2x64xi32, #tpu.memory_space<vmem>>, vector<16xi32>,
      tpu.vector_store_idx %arg10[%get3A_914], %broadcast_in_dim3A_414 {add = true} : memref<10240xf32, #tpu.memory_space<vmem>>[vector<16xi32>], vector<16xf32>,
      %get3A_915 = arith.constant 1 : i32
      %get3A_916 = arith.index_cast %get3A_915 : i32 to index
      %get3A_917 = arith.constant 16 : index
      %get3A_918 = tpu.vector_load %arg8[%get3A_916, %get3A_917] {strides = array<i32>} : memref<2x64xi32, #tpu.memory_space<vmem>>, vector<16xi32>,
      tpu.vector_store_idx %arg10[%get3A_918], %broadcast_in_dim3A_414 {add = true} : memref<10240xf32, #tpu.memory_space<vmem>>[vector<16xi32>], vector<16xf32>,
      %get3A_919 = arith.constant 1 : i32
      %get3A_920 = arith.index_cast %get3A_919 : i32 to index
      %get3A_921 = arith.constant 32 : index
      %get3A_922 = tpu.vector_load %arg8[%get3A_920, %get3A_921] {strides = array<i32>} : memref<2x64xi32, #tpu.memory_space<vmem>>, vector<16xi32>,
      tpu.vector_store_idx %arg10[%get3A_922], %broadcast_in_dim3A_414 {add = true} : memref<10240xf32, #tpu.memory_space<vmem>>[vector<16xi32>], vector<16xf32>,
      %get3A_923 = arith.constant 1 : i32
      %get3A_924 = arith.index_cast %get3A_923 : i32 to index
      %get3A_925 = arith.constant 48 : index
      %get3A_926 = tpu.vector_load %arg8[%get3A_924, %get3A_925] {strides = array<i32>} : memref<2x64xi32, #tpu.memory_space<vmem>>, vector<16xi32>,
      tpu.vector_store_idx %arg10[%get3A_926], %broadcast_in_dim3A_414 {add = true} : memref<10240xf32, #tpu.memory_space<vmem>>[vector<16xi32>], vector<16xf32>,
      %dma_start3A_927 = arith.constant 7 : i32
      %dma_start3A_928 = arith.constant 1 : i32
      %dma_start3A_929 = arith.constant 0 : i32
      %dma_start3A_930 = arith.constant 0 : i32
      %dma_start3A_931 = tpu.memref_slice %arg9[%dma_start3A_928, %dma_start3A_929, %dma_start3A_930] : memref<2x64x128xf32, #tpu.memory_space<vmem>> -> memref<1x64x128xf32, #tpu.memory_space<vmem>>
      %dma_start3A_932 = tpu.memref_squeeze %dma_start3A_931 : memref<1x64x128xf32, #tpu.memory_space<vmem>> -> memref<64x128xf32, #tpu.memory_space<vmem>>
      %dma_start3A_933 = arith.constant 0 : i32
      %dma_start3A_934 = tpu.memref_slice %arg7[%select_n3A_444, %dma_start3A_927, %dma_start3A_933] : memref<2x8x64xi32, #tpu.memory_space<vmem>> -> memref<1x1x64xi32, #tpu.memory_space<vmem>>
      %dma_start3A_935 = tpu.memref_squeeze %dma_start3A_934 : memref<1x1x64xi32, #tpu.memory_space<vmem>> -> memref<64xi32, #tpu.memory_space<vmem>>
      %dma_start3A_936 = arith.constant 0 : i32
      %dma_start3A_937 = arith.constant 0 : i32
      %dma_start3A_938 = tpu.memref_slice %arg2[%dma_start3A_936, %dma_start3A_937] : memref<10000x128xf32, #tpu.memory_space<hbm>> -> memref<10000x128xf32, #tpu.memory_space<hbm>>
      tpu.enqueue_indirect_dma source(%dma_start3A_938 : memref<10000x128xf32, #tpu.memory_space<hbm>>) target(%dma_start3A_932 : memref<64x128xf32, #tpu.memory_space<vmem>>) offsets(%dma_start3A_935 : memref<64xi32, #tpu.memory_space<vmem>>) semaphore(%arg14 : memref<!tpu.dma_semaphore, #tpu.memory_space<semaphore_mem>>)
      %mul3A_939 = arith.constant 8 : i32
      %mul3A_940 = arith.muli %while3A_431, %mul3A_939 : i32
      %add3A_941 = arith.constant 7 : i32
      %add3A_942 = arith.addi %mul3A_940, %add3A_941 : i32
      %dma_start3A_943 = arith.constant 1 : i32
      %dma_start3A_944 = arith.constant 0 : i32
      %dma_start3A_945 = tpu.memref_slice %arg8[%dma_start3A_943, %dma_start3A_944] : memref<2x64xi32, #tpu.memory_space<vmem>> -> memref<1x64xi32, #tpu.memory_space<vmem>>
      %dma_start3A_946 = tpu.memref_squeeze %dma_start3A_945 : memref<1x64xi32, #tpu.memory_space<vmem>> -> memref<64xi32, #tpu.memory_space<vmem>>
      %dma_start3A_947 = arith.constant 0 : i32
      %dma_start3A_948 = tpu.memref_slice %arg4[%add3A, %add3A_942, %dma_start3A_947] : memref<32x288x64xi32, #tpu.memory_space<hbm>> -> memref<1x1x64xi32, #tpu.memory_space<hbm>>
      %dma_start3A_949 = tpu.memref_squeeze %dma_start3A_948 : memref<1x1x64xi32, #tpu.memory_space<hbm>> -> memref<64xi32, #tpu.memory_space<hbm>>
      %dma_start3A_950 = arith.constant 0 : i32
      %dma_start3A_951 = tpu.memref_slice %arg8[%dma_start3A_943, %dma_start3A_950] : memref<2x64xi32, #tpu.memory_space<vmem>> -> memref<1x64xi32, #tpu.memory_space<vmem>>
      %dma_start3A_952 = tpu.memref_squeeze %dma_start3A_951 : memref<1x64xi32, #tpu.memory_space<vmem>> -> memref<64xi32, #tpu.memory_space<vmem>>
      %dma_start3A_953 = arith.constant 0 : i32
      %dma_start3A_954 = tpu.memref_slice %arg4[%add3A, %add3A_942, %dma_start3A_953] : memref<32x288x64xi32, #tpu.memory_space<hbm>> -> memref<1x1x64xi32, #tpu.memory_space<hbm>>
      %dma_start3A_955 = tpu.memref_squeeze %dma_start3A_954 : memref<1x1x64xi32, #tpu.memory_space<hbm>> -> memref<64xi32, #tpu.memory_space<hbm>>
      tpu.enqueue_dma source(%dma_start3A_955 : memref<64xi32, #tpu.memory_space<hbm>>) target(%dma_start3A_952 : memref<64xi32, #tpu.memory_space<vmem>>) target_semaphore(%arg16 : memref<!tpu.dma_semaphore, #tpu.memory_space<semaphore_mem>>)
      %dma_wait3A_956 = arith.constant 6 : i32
      %dma_wait3A_957 = arith.constant 0 : i32
      %dma_wait3A_958 = arith.constant 0 : i32
      %dma_wait3A_959 = arith.constant 0 : i32
      %dma_wait3A_960 = tpu.memref_slice %arg9[%dma_wait3A_957, %dma_wait3A_958, %dma_wait3A_959] : memref<2x64x128xf32, #tpu.memory_space<vmem>> -> memref<1x64x128xf32, #tpu.memory_space<vmem>>
      %dma_wait3A_961 = tpu.memref_squeeze %dma_wait3A_960 : memref<1x64x128xf32, #tpu.memory_space<vmem>> -> memref<64x128xf32, #tpu.memory_space<vmem>>
      %dma_wait3A_962 = arith.constant 0 : i32
      %dma_wait3A_963 = tpu.memref_slice %arg7[%select_n3A_444, %dma_wait3A_956, %dma_wait3A_962] : memref<2x8x64xi32, #tpu.memory_space<vmem>> -> memref<1x1x64xi32, #tpu.memory_space<vmem>>
      %dma_wait3A_964 = tpu.memref_squeeze %dma_wait3A_963 : memref<1x1x64xi32, #tpu.memory_space<vmem>> -> memref<64xi32, #tpu.memory_space<vmem>>
      %dma_wait3A_965 = arith.constant 0 : i32
      %dma_wait3A_966 = arith.constant 0 : i32
      %dma_wait3A_967 = tpu.memref_slice %arg2[%dma_wait3A_965, %dma_wait3A_966] : memref<10000x128xf32, #tpu.memory_space<hbm>> -> memref<10000x128xf32, #tpu.memory_space<hbm>>
      tpu.wait_indirect_dma semaphore(%arg13 : memref<!tpu.dma_semaphore, #tpu.memory_space<semaphore_mem>>) src(%dma_wait3A_967 : memref<10000x128xf32, #tpu.memory_space<hbm>>) dst(%dma_wait3A_961 : memref<64x128xf32, #tpu.memory_space<vmem>>)
      %dma_wait3A_968 = arith.constant 0 : i32
      %dma_wait3A_969 = arith.constant 0 : i32
      %dma_wait3A_970 = tpu.memref_slice %arg8[%dma_wait3A_968, %dma_wait3A_969] : memref<2x64xi32, #tpu.memory_space<vmem>> -> memref<1x64xi32, #tpu.memory_space<vmem>>
      %dma_wait3A_971 = tpu.memref_squeeze %dma_wait3A_970 : memref<1x64xi32, #tpu.memory_space<vmem>> -> memref<64xi32, #tpu.memory_space<vmem>>
      %dma_wait3A_972 = arith.constant 0 : i32
      %dma_wait3A_973 = tpu.memref_slice %arg4[%add3A, %add3A_870, %dma_wait3A_972] : memref<32x288x64xi32, #tpu.memory_space<hbm>> -> memref<1x1x64xi32, #tpu.memory_space<hbm>>
      %dma_wait3A_974 = tpu.memref_squeeze %dma_wait3A_973 : memref<1x1x64xi32, #tpu.memory_space<hbm>> -> memref<64xi32, #tpu.memory_space<hbm>>
      %dma_wait3A_975 = arith.constant 0 : i32
      %dma_wait3A_976 = tpu.memref_slice %arg8[%dma_wait3A_968, %dma_wait3A_975] : memref<2x64xi32, #tpu.memory_space<vmem>> -> memref<1x64xi32, #tpu.memory_space<vmem>>
      %dma_wait3A_977 = tpu.memref_squeeze %dma_wait3A_976 : memref<1x64xi32, #tpu.memory_space<vmem>> -> memref<64xi32, #tpu.memory_space<vmem>>
      %dma_wait3A_978 = arith.constant 0 : i32
      %dma_wait3A_979 = tpu.memref_slice %arg4[%add3A, %add3A_870, %dma_wait3A_978] : memref<32x288x64xi32, #tpu.memory_space<hbm>> -> memref<1x1x64xi32, #tpu.memory_space<hbm>>
      %dma_wait3A_980 = tpu.memref_squeeze %dma_wait3A_979 : memref<1x1x64xi32, #tpu.memory_space<hbm>> -> memref<64xi32, #tpu.memory_space<hbm>>
      tpu.wait_dma2 semaphore(%arg16 : memref<!tpu.dma_semaphore, #tpu.memory_space<semaphore_mem>>) src(%dma_wait3A_980 : memref<64xi32, #tpu.memory_space<hbm>>) dst(%dma_wait3A_977 : memref<64xi32, #tpu.memory_space<vmem>>)
      %run_scoped3A_981 = arith.constant 0 : i32
      %run_scoped3A_982 = arith.constant 0 : i32
      "tpu.region"() ({
        %run_scoped3A_1043 = tpu.sem_alloc : memref<!tpu.dma_semaphore, #tpu.memory_space<semaphore_mem>>
        %dma_start3A_1044 = arith.constant 0 : i32
        %dma_start3A_1045 = arith.constant 0 : i32
        %dma_start3A_1046 = tpu.memref_slice %arg9[%run_scoped3A_981, %dma_start3A_1044, %dma_start3A_1045] : memref<2x64x128xf32, #tpu.memory_space<vmem>> -> memref<1x64x128xf32, #tpu.memory_space<vmem>>
        %dma_start3A_1047 = tpu.memref_squeeze %dma_start3A_1046 : memref<1x64x128xf32, #tpu.memory_space<vmem>> -> memref<64x128xf32, #tpu.memory_space<vmem>>
        %dma_start3A_1048 = arith.constant 0 : i32
        %dma_start3A_1049 = tpu.memref_slice %arg8[%run_scoped3A_982, %dma_start3A_1048] : memref<2x64xi32, #tpu.memory_space<vmem>> -> memref<1x64xi32, #tpu.memory_space<vmem>>
        %dma_start3A_1050 = tpu.memref_squeeze %dma_start3A_1049 : memref<1x64xi32, #tpu.memory_space<vmem>> -> memref<64xi32, #tpu.memory_space<vmem>>
        %dma_start3A_1051 = arith.constant 0 : i32
        %dma_start3A_1052 = arith.constant 0 : i32
        %dma_start3A_1053 = tpu.memref_slice %arg12[%dma_start3A_1051, %dma_start3A_1052] : memref<10240x128xf32, #tpu.memory_space<vmem_shared>> -> memref<10240x128xf32, #tpu.memory_space<vmem_shared>>
        tpu.enqueue_indirect_dma source(%dma_start3A_1047 : memref<64x128xf32, #tpu.memory_space<vmem>>) target(%dma_start3A_1053 : memref<10240x128xf32, #tpu.memory_space<vmem_shared>>) offsets(%dma_start3A_1050 : memref<64xi32, #tpu.memory_space<vmem>>) semaphore(%run_scoped3A_1043 : memref<!tpu.dma_semaphore, #tpu.memory_space<semaphore_mem>>) {add = true}
        %dma_wait3A_1054 = arith.constant 0 : i32
        %dma_wait3A_1055 = arith.constant 0 : i32
        %dma_wait3A_1056 = tpu.memref_slice %arg9[%run_scoped3A_981, %dma_wait3A_1054, %dma_wait3A_1055] : memref<2x64x128xf32, #tpu.memory_space<vmem>> -> memref<1x64x128xf32, #tpu.memory_space<vmem>>
        %dma_wait3A_1057 = tpu.memref_squeeze %dma_wait3A_1056 : memref<1x64x128xf32, #tpu.memory_space<vmem>> -> memref<64x128xf32, #tpu.memory_space<vmem>>
        %dma_wait3A_1058 = arith.constant 0 : i32
        %dma_wait3A_1059 = tpu.memref_slice %arg8[%run_scoped3A_982, %dma_wait3A_1058] : memref<2x64xi32, #tpu.memory_space<vmem>> -> memref<1x64xi32, #tpu.memory_space<vmem>>
        %dma_wait3A_1060 = tpu.memref_squeeze %dma_wait3A_1059 : memref<1x64xi32, #tpu.memory_space<vmem>> -> memref<64xi32, #tpu.memory_space<vmem>>
        %dma_wait3A_1061 = arith.constant 0 : i32
        %dma_wait3A_1062 = arith.constant 0 : i32
        %dma_wait3A_1063 = tpu.memref_slice %arg12[%dma_wait3A_1061, %dma_wait3A_1062] : memref<10240x128xf32, #tpu.memory_space<vmem_shared>> -> memref<10240x128xf32, #tpu.memory_space<vmem_shared>>
        tpu.wait_indirect_dma semaphore(%run_scoped3A_1043 : memref<!tpu.dma_semaphore, #tpu.memory_space<semaphore_mem>>) src(%dma_wait3A_1057 : memref<64x128xf32, #tpu.memory_space<vmem>>) dst(%dma_wait3A_1063 : memref<10240x128xf32, #tpu.memory_space<vmem_shared>>)
        tpu.yield
      }) : () -> ()
      %get3A_983 = arith.constant 0 : i32
      %get3A_984 = arith.index_cast %get3A_983 : i32 to index
      %get3A_985 = arith.constant 0 : index
      %get3A_986 = tpu.vector_load %arg8[%get3A_984, %get3A_985] {strides = array<i32>} : memref<2x64xi32, #tpu.memory_space<vmem>>, vector<16xi32>,
      tpu.vector_store_idx %arg10[%get3A_986], %broadcast_in_dim3A_414 {add = true} : memref<10240xf32, #tpu.memory_space<vmem>>[vector<16xi32>], vector<16xf32>,
      %get3A_987 = arith.constant 0 : i32
      %get3A_988 = arith.index_cast %get3A_987 : i32 to index
      %get3A_989 = arith.constant 16 : index
      %get3A_990 = tpu.vector_load %arg8[%get3A_988, %get3A_989] {strides = array<i32>} : memref<2x64xi32, #tpu.memory_space<vmem>>, vector<16xi32>,
      tpu.vector_store_idx %arg10[%get3A_990], %broadcast_in_dim3A_414 {add = true} : memref<10240xf32, #tpu.memory_space<vmem>>[vector<16xi32>], vector<16xf32>,
      %get3A_991 = arith.constant 0 : i32
      %get3A_992 = arith.index_cast %get3A_991 : i32 to index
      %get3A_993 = arith.constant 32 : index
      %get3A_994 = tpu.vector_load %arg8[%get3A_992, %get3A_993] {strides = array<i32>} : memref<2x64xi32, #tpu.memory_space<vmem>>, vector<16xi32>,
      tpu.vector_store_idx %arg10[%get3A_994], %broadcast_in_dim3A_414 {add = true} : memref<10240xf32, #tpu.memory_space<vmem>>[vector<16xi32>], vector<16xf32>,
      %get3A_995 = arith.constant 0 : i32
      %get3A_996 = arith.index_cast %get3A_995 : i32 to index
      %get3A_997 = arith.constant 48 : index
      %get3A_998 = tpu.vector_load %arg8[%get3A_996, %get3A_997] {strides = array<i32>} : memref<2x64xi32, #tpu.memory_space<vmem>>, vector<16xi32>,
      tpu.vector_store_idx %arg10[%get3A_998], %broadcast_in_dim3A_414 {add = true} : memref<10240xf32, #tpu.memory_space<vmem>>[vector<16xi32>], vector<16xf32>,
      %dma_wait3A_999 = arith.constant 7 : i32
      %dma_wait3A_1000 = arith.constant 1 : i32
      %dma_wait3A_1001 = arith.constant 0 : i32
      %dma_wait3A_1002 = arith.constant 0 : i32
      %dma_wait3A_1003 = tpu.memref_slice %arg9[%dma_wait3A_1000, %dma_wait3A_1001, %dma_wait3A_1002] : memref<2x64x128xf32, #tpu.memory_space<vmem>> -> memref<1x64x128xf32, #tpu.memory_space<vmem>>
      %dma_wait3A_1004 = tpu.memref_squeeze %dma_wait3A_1003 : memref<1x64x128xf32, #tpu.memory_space<vmem>> -> memref<64x128xf32, #tpu.memory_space<vmem>>
      %dma_wait3A_1005 = arith.constant 0 : i32
      %dma_wait3A_1006 = tpu.memref_slice %arg7[%select_n3A_444, %dma_wait3A_999, %dma_wait3A_1005] : memref<2x8x64xi32, #tpu.memory_space<vmem>> -> memref<1x1x64xi32, #tpu.memory_space<vmem>>
      %dma_wait3A_1007 = tpu.memref_squeeze %dma_wait3A_1006 : memref<1x1x64xi32, #tpu.memory_space<vmem>> -> memref<64xi32, #tpu.memory_space<vmem>>
      %dma_wait3A_1008 = arith.constant 0 : i32
      %dma_wait3A_1009 = arith.constant 0 : i32
      %dma_wait3A_1010 = tpu.memref_slice %arg2[%dma_wait3A_1008, %dma_wait3A_1009] : memref<10000x128xf32, #tpu.memory_space<hbm>> -> memref<10000x128xf32, #tpu.memory_space<hbm>>
      tpu.wait_indirect_dma semaphore(%arg14 : memref<!tpu.dma_semaphore, #tpu.memory_space<semaphore_mem>>) src(%dma_wait3A_1010 : memref<10000x128xf32, #tpu.memory_space<hbm>>) dst(%dma_wait3A_1004 : memref<64x128xf32, #tpu.memory_space<vmem>>)
      %dma_wait3A_1011 = arith.constant 1 : i32
      %dma_wait3A_1012 = arith.constant 0 : i32
      %dma_wait3A_1013 = tpu.memref_slice %arg8[%dma_wait3A_1011, %dma_wait3A_1012] : memref<2x64xi32, #tpu.memory_space<vmem>> -> memref<1x64xi32, #tpu.memory_space<vmem>>
      %dma_wait3A_1014 = tpu.memref_squeeze %dma_wait3A_1013 : memref<1x64xi32, #tpu.memory_space<vmem>> -> memref<64xi32, #tpu.memory_space<vmem>>
      %dma_wait3A_1015 = arith.constant 0 : i32
      %dma_wait3A_1016 = tpu.memref_slice %arg4[%add3A, %add3A_942, %dma_wait3A_1015] : memref<32x288x64xi32, #tpu.memory_space<hbm>> -> memref<1x1x64xi32, #tpu.memory_space<hbm>>
      %dma_wait3A_1017 = tpu.memref_squeeze %dma_wait3A_1016 : memref<1x1x64xi32, #tpu.memory_space<hbm>> -> memref<64xi32, #tpu.memory_space<hbm>>
      %dma_wait3A_1018 = arith.constant 0 : i32
      %dma_wait3A_1019 = tpu.memref_slice %arg8[%dma_wait3A_1011, %dma_wait3A_1018] : memref<2x64xi32, #tpu.memory_space<vmem>> -> memref<1x64xi32, #tpu.memory_space<vmem>>
      %dma_wait3A_1020 = tpu.memref_squeeze %dma_wait3A_1019 : memref<1x64xi32, #tpu.memory_space<vmem>> -> memref<64xi32, #tpu.memory_space<vmem>>
      %dma_wait3A_1021 = arith.constant 0 : i32
      %dma_wait3A_1022 = tpu.memref_slice %arg4[%add3A, %add3A_942, %dma_wait3A_1021] : memref<32x288x64xi32, #tpu.memory_space<hbm>> -> memref<1x1x64xi32, #tpu.memory_space<hbm>>
      %dma_wait3A_1023 = tpu.memref_squeeze %dma_wait3A_1022 : memref<1x1x64xi32, #tpu.memory_space<hbm>> -> memref<64xi32, #tpu.memory_space<hbm>>
      tpu.wait_dma2 semaphore(%arg16 : memref<!tpu.dma_semaphore, #tpu.memory_space<semaphore_mem>>) src(%dma_wait3A_1023 : memref<64xi32, #tpu.memory_space<hbm>>) dst(%dma_wait3A_1020 : memref<64xi32, #tpu.memory_space<vmem>>)
      %run_scoped3A_1024 = arith.constant 1 : i32
      %run_scoped3A_1025 = arith.constant 1 : i32
      "tpu.region"() ({
        %run_scoped3A_1043 = tpu.sem_alloc : memref<!tpu.dma_semaphore, #tpu.memory_space<semaphore_mem>>
        %dma_start3A_1044 = arith.constant 0 : i32
        %dma_start3A_1045 = arith.constant 0 : i32
        %dma_start3A_1046 = tpu.memref_slice %arg9[%run_scoped3A_1024, %dma_start3A_1044, %dma_start3A_1045] : memref<2x64x128xf32, #tpu.memory_space<vmem>> -> memref<1x64x128xf32, #tpu.memory_space<vmem>>
        %dma_start3A_1047 = tpu.memref_squeeze %dma_start3A_1046 : memref<1x64x128xf32, #tpu.memory_space<vmem>> -> memref<64x128xf32, #tpu.memory_space<vmem>>
        %dma_start3A_1048 = arith.constant 0 : i32
        %dma_start3A_1049 = tpu.memref_slice %arg8[%run_scoped3A_1025, %dma_start3A_1048] : memref<2x64xi32, #tpu.memory_space<vmem>> -> memref<1x64xi32, #tpu.memory_space<vmem>>
        %dma_start3A_1050 = tpu.memref_squeeze %dma_start3A_1049 : memref<1x64xi32, #tpu.memory_space<vmem>> -> memref<64xi32, #tpu.memory_space<vmem>>
        %dma_start3A_1051 = arith.constant 0 : i32
        %dma_start3A_1052 = arith.constant 0 : i32
        %dma_start3A_1053 = tpu.memref_slice %arg12[%dma_start3A_1051, %dma_start3A_1052] : memref<10240x128xf32, #tpu.memory_space<vmem_shared>> -> memref<10240x128xf32, #tpu.memory_space<vmem_shared>>
        tpu.enqueue_indirect_dma source(%dma_start3A_1047 : memref<64x128xf32, #tpu.memory_space<vmem>>) target(%dma_start3A_1053 : memref<10240x128xf32, #tpu.memory_space<vmem_shared>>) offsets(%dma_start3A_1050 : memref<64xi32, #tpu.memory_space<vmem>>) semaphore(%run_scoped3A_1043 : memref<!tpu.dma_semaphore, #tpu.memory_space<semaphore_mem>>) {add = true}
        %dma_wait3A_1054 = arith.constant 0 : i32
        %dma_wait3A_1055 = arith.constant 0 : i32
        %dma_wait3A_1056 = tpu.memref_slice %arg9[%run_scoped3A_1024, %dma_wait3A_1054, %dma_wait3A_1055] : memref<2x64x128xf32, #tpu.memory_space<vmem>> -> memref<1x64x128xf32, #tpu.memory_space<vmem>>
        %dma_wait3A_1057 = tpu.memref_squeeze %dma_wait3A_1056 : memref<1x64x128xf32, #tpu.memory_space<vmem>> -> memref<64x128xf32, #tpu.memory_space<vmem>>
        %dma_wait3A_1058 = arith.constant 0 : i32
        %dma_wait3A_1059 = tpu.memref_slice %arg8[%run_scoped3A_1025, %dma_wait3A_1058] : memref<2x64xi32, #tpu.memory_space<vmem>> -> memref<1x64xi32, #tpu.memory_space<vmem>>
        %dma_wait3A_1060 = tpu.memref_squeeze %dma_wait3A_1059 : memref<1x64xi32, #tpu.memory_space<vmem>> -> memref<64xi32, #tpu.memory_space<vmem>>
        %dma_wait3A_1061 = arith.constant 0 : i32
        %dma_wait3A_1062 = arith.constant 0 : i32
        %dma_wait3A_1063 = tpu.memref_slice %arg12[%dma_wait3A_1061, %dma_wait3A_1062] : memref<10240x128xf32, #tpu.memory_space<vmem_shared>> -> memref<10240x128xf32, #tpu.memory_space<vmem_shared>>
        tpu.wait_indirect_dma semaphore(%run_scoped3A_1043 : memref<!tpu.dma_semaphore, #tpu.memory_space<semaphore_mem>>) src(%dma_wait3A_1057 : memref<64x128xf32, #tpu.memory_space<vmem>>) dst(%dma_wait3A_1063 : memref<10240x128xf32, #tpu.memory_space<vmem_shared>>)
        tpu.yield
      }) : () -> ()
      %get3A_1026 = arith.constant 1 : i32
      %get3A_1027 = arith.index_cast %get3A_1026 : i32 to index
      %get3A_1028 = arith.constant 0 : index
      %get3A_1029 = tpu.vector_load %arg8[%get3A_1027, %get3A_1028] {strides = array<i32>} : memref<2x64xi32, #tpu.memory_space<vmem>>, vector<16xi32>,
      tpu.vector_store_idx %arg10[%get3A_1029], %broadcast_in_dim3A_414 {add = true} : memref<10240xf32, #tpu.memory_space<vmem>>[vector<16xi32>], vector<16xf32>,
      %get3A_1030 = arith.constant 1 : i32
      %get3A_1031 = arith.index_cast %get3A_1030 : i32 to index
      %get3A_1032 = arith.constant 16 : index
      %get3A_1033 = tpu.vector_load %arg8[%get3A_1031, %get3A_1032] {strides = array<i32>} : memref<2x64xi32, #tpu.memory_space<vmem>>, vector<16xi32>,
      tpu.vector_store_idx %arg10[%get3A_1033], %broadcast_in_dim3A_414 {add = true} : memref<10240xf32, #tpu.memory_space<vmem>>[vector<16xi32>], vector<16xf32>,
      %get3A_1034 = arith.constant 1 : i32
      %get3A_1035 = arith.index_cast %get3A_1034 : i32 to index
      %get3A_1036 = arith.constant 32 : index
      %get3A_1037 = tpu.vector_load %arg8[%get3A_1035, %get3A_1036] {strides = array<i32>} : memref<2x64xi32, #tpu.memory_space<vmem>>, vector<16xi32>,
      tpu.vector_store_idx %arg10[%get3A_1037], %broadcast_in_dim3A_414 {add = true} : memref<10240xf32, #tpu.memory_space<vmem>>[vector<16xi32>], vector<16xf32>,
      %get3A_1038 = arith.constant 1 : i32
      %get3A_1039 = arith.index_cast %get3A_1038 : i32 to index
      %get3A_1040 = arith.constant 48 : index
      %get3A_1041 = tpu.vector_load %arg8[%get3A_1039, %get3A_1040] {strides = array<i32>} : memref<2x64xi32, #tpu.memory_space<vmem>>, vector<16xi32>,
      tpu.vector_store_idx %arg10[%get3A_1041], %broadcast_in_dim3A_414 {add = true} : memref<10240xf32, #tpu.memory_space<vmem>>[vector<16xi32>], vector<16xf32>,
      %while3A_1042 = arith.constant 0 : i32
      scf.yield %while3A_1042 : i32
    }
    %while3A_428 = arith.constant 1 : i32
    %while3A_429 = scf.for %while3A_431 = %while3A_425 to %while3A_421 step %while3A_428 iter_args(%while3A_432 = %while3A_427) -> (i32)  : i32 {
      %jit3A_433 = arith.constant 2 : i32
      %eq3A_434 = arith.constant 0 : i32
      %eq3A_435 = arith.cmpi eq, %jit3A_433, %eq3A_434 : i32
      %jit3A_436 = arith.constant 1 : i32
      %select_n3A_437 = arith.select %eq3A_435, %jit3A_436, %jit3A_433 : i32
      %rem3A = arith.remsi %while3A_431, %select_n3A_437 : i32
      %ne3A = arith.constant 0 : i32
      %ne3A_438 = arith.cmpi ne, %rem3A, %ne3A : i32
      %lt3A = arith.constant 0 : i32
      %lt3A_439 = arith.cmpi slt, %rem3A, %lt3A : i32
      %lt3A_440 = arith.constant 0 : i32
      %lt3A_441 = arith.cmpi slt, %select_n3A_437, %lt3A_440 : i32
      %ne3A_442 = arith.xori %lt3A_439, %lt3A_441 : i1
      %and3A = arith.andi %ne3A_442, %ne3A_438 : i1
      %add3A_443 = arith.addi %rem3A, %select_n3A_437 : i32
      %select_n3A_444 = arith.select %and3A, %add3A_443, %rem3A : i32
      %dma_wait3A_445 = arith.constant 0 : i32
      %dma_wait3A_446 = arith.constant 0 : i32
      %dma_wait3A_447 = arith.constant 0 : i32
      %dma_wait3A_448 = tpu.memref_slice %arg7[%select_n3A_444, %dma_wait3A_446, %dma_wait3A_447] : memref<2x8x64xi32, #tpu.memory_space<vmem>> -> memref<1x8x64xi32, #tpu.memory_space<vmem>>
      %dma_wait3A_449 = tpu.memref_squeeze %dma_wait3A_448 : memref<1x8x64xi32, #tpu.memory_space<vmem>> -> memref<8x64xi32, #tpu.memory_space<vmem>>
      %dma_wait3A_450 = arith.constant 0 : i32
      %dma_wait3A_451 = arith.constant 0 : i32
      %dma_wait3A_452 = tpu.memref_slice %arg3[%dma_wait3A_445, %dma_wait3A_450, %dma_wait3A_451] : memref<32x288x64xi32, #tpu.memory_space<hbm>> -> memref<1x8x64xi32, #tpu.memory_space<hbm>>
      %dma_wait3A_453 = tpu.memref_squeeze %dma_wait3A_452 : memref<1x8x64xi32, #tpu.memory_space<hbm>> -> memref<8x64xi32, #tpu.memory_space<hbm>>
      %dma_wait3A_454 = arith.constant 0 : i32
      %dma_wait3A_455 = arith.constant 0 : i32
      %dma_wait3A_456 = tpu.memref_slice %arg7[%select_n3A_444, %dma_wait3A_454, %dma_wait3A_455] : memref<2x8x64xi32, #tpu.memory_space<vmem>> -> memref<1x8x64xi32, #tpu.memory_space<vmem>>
      %dma_wait3A_457 = tpu.memref_squeeze %dma_wait3A_456 : memref<1x8x64xi32, #tpu.memory_space<vmem>> -> memref<8x64xi32, #tpu.memory_space<vmem>>
      %dma_wait3A_458 = arith.constant 0 : i32
      %dma_wait3A_459 = arith.constant 0 : i32
      %dma_wait3A_460 = tpu.memref_slice %arg3[%dma_wait3A_445, %dma_wait3A_458, %dma_wait3A_459] : memref<32x288x64xi32, #tpu.memory_space<hbm>> -> memref<1x8x64xi32, #tpu.memory_space<hbm>>
      %dma_wait3A_461 = tpu.memref_squeeze %dma_wait3A_460 : memref<1x8x64xi32, #tpu.memory_space<hbm>> -> memref<8x64xi32, #tpu.memory_space<hbm>>
      tpu.wait_dma2 semaphore(%arg15 : memref<!tpu.dma_semaphore, #tpu.memory_space<semaphore_mem>>) src(%dma_wait3A_461 : memref<8x64xi32, #tpu.memory_space<hbm>>) dst(%dma_wait3A_457 : memref<8x64xi32, #tpu.memory_space<vmem>>)
      %add3A_462 = arith.constant 1 : i32
      %add3A_463 = arith.addi %while3A_431, %add3A_462 : i32
      %lt3A_464 = arith.cmpi slt, %add3A_463, %select_n3A : i32
      %convert_element_type3A_465 = arith.extui %lt3A_464 : i1 to i32
      %cond3A_466 = arith.constant 0 : i32
      %cond3A_467 = arith.cmpi ne, %convert_element_type3A_465, %cond3A_466 : i32
      scf.if %cond3A_467 {
        %add3A_1043 = arith.constant 1 : i32
        %add3A_1044 = arith.addi %while3A_431, %add3A_1043 : i32
        %sub3A = arith.constant 1 : i32
        %sub3A_1045 = arith.subi %sub3A, %select_n3A_444 : i32
        %mul3A_1046 = arith.constant 8 : i32
        %mul3A_1047 = arith.muli %add3A_1044, %mul3A_1046 : i32
        %dma_start3A_1048 = arith.constant 0 : i32
        %dma_start3A_1049 = arith.constant 0 : i32
        %dma_start3A_1050 = tpu.memref_slice %arg7[%sub3A_1045, %dma_start3A_1048, %dma_start3A_1049] : memref<2x8x64xi32, #tpu.memory_space<vmem>> -> memref<1x8x64xi32, #tpu.memory_space<vmem>>
        %dma_start3A_1051 = tpu.memref_squeeze %dma_start3A_1050 : memref<1x8x64xi32, #tpu.memory_space<vmem>> -> memref<8x64xi32, #tpu.memory_space<vmem>>
        %dma_start3A_1052 = arith.constant 0 : i32
        %dma_start3A_1053 = tpu.memref_slice %arg3[%add3A, %mul3A_1047, %dma_start3A_1052] : memref<32x288x64xi32, #tpu.memory_space<hbm>> -> memref<1x8x64xi32, #tpu.memory_space<hbm>>
        %dma_start3A_1054 = tpu.memref_squeeze %dma_start3A_1053 : memref<1x8x64xi32, #tpu.memory_space<hbm>> -> memref<8x64xi32, #tpu.memory_space<hbm>>
        %dma_start3A_1055 = arith.constant 0 : i32
        %dma_start3A_1056 = arith.constant 0 : i32
        %dma_start3A_1057 = tpu.memref_slice %arg7[%sub3A_1045, %dma_start3A_1055, %dma_start3A_1056] : memref<2x8x64xi32, #tpu.memory_space<vmem>> -> memref<1x8x64xi32, #tpu.memory_space<vmem>>
        %dma_start3A_1058 = tpu.memref_squeeze %dma_start3A_1057 : memref<1x8x64xi32, #tpu.memory_space<vmem>> -> memref<8x64xi32, #tpu.memory_space<vmem>>
        %dma_start3A_1059 = arith.constant 0 : i32
        %dma_start3A_1060 = tpu.memref_slice %arg3[%add3A, %mul3A_1047, %dma_start3A_1059] : memref<32x288x64xi32, #tpu.memory_space<hbm>> -> memref<1x8x64xi32, #tpu.memory_space<hbm>>
        %dma_start3A_1061 = tpu.memref_squeeze %dma_start3A_1060 : memref<1x8x64xi32, #tpu.memory_space<hbm>> -> memref<8x64xi32, #tpu.memory_space<hbm>>
        tpu.enqueue_dma source(%dma_start3A_1061 : memref<8x64xi32, #tpu.memory_space<hbm>>) target(%dma_start3A_1058 : memref<8x64xi32, #tpu.memory_space<vmem>>) target_semaphore(%arg15 : memref<!tpu.dma_semaphore, #tpu.memory_space<semaphore_mem>>)
      } else {
      }
      %dma_start3A_468 = arith.constant 0 : i32
      %dma_start3A_469 = arith.constant 0 : i32
      %dma_start3A_470 = arith.constant 0 : i32
      %dma_start3A_471 = arith.constant 0 : i32
      %dma_start3A_472 = tpu.memref_slice %arg9[%dma_start3A_469, %dma_start3A_470, %dma_start3A_471] : memref<2x64x128xf32, #tpu.memory_space<vmem>> -> memref<1x64x128xf32, #tpu.memory_space<vmem>>
      %dma_start3A_473 = tpu.memref_squeeze %dma_start3A_472 : memref<1x64x128xf32, #tpu.memory_space<vmem>> -> memref<64x128xf32, #tpu.memory_space<vmem>>
      %dma_start3A_474 = arith.constant 0 : i32
      %dma_start3A_475 = tpu.memref_slice %arg7[%select_n3A_444, %dma_start3A_468, %dma_start3A_474] : memref<2x8x64xi32, #tpu.memory_space<vmem>> -> memref<1x1x64xi32, #tpu.memory_space<vmem>>
      %dma_start3A_476 = tpu.memref_squeeze %dma_start3A_475 : memref<1x1x64xi32, #tpu.memory_space<vmem>> -> memref<64xi32, #tpu.memory_space<vmem>>
      %dma_start3A_477 = arith.constant 0 : i32
      %dma_start3A_478 = arith.constant 0 : i32
      %dma_start3A_479 = tpu.memref_slice %arg2[%dma_start3A_477, %dma_start3A_478] : memref<10000x128xf32, #tpu.memory_space<hbm>> -> memref<10000x128xf32, #tpu.memory_space<hbm>>
      tpu.enqueue_indirect_dma source(%dma_start3A_479 : memref<10000x128xf32, #tpu.memory_space<hbm>>) target(%dma_start3A_473 : memref<64x128xf32, #tpu.memory_space<vmem>>) offsets(%dma_start3A_476 : memref<64xi32, #tpu.memory_space<vmem>>) semaphore(%arg13 : memref<!tpu.dma_semaphore, #tpu.memory_space<semaphore_mem>>)
      %mul3A_480 = arith.constant 8 : i32
      %mul3A_481 = arith.muli %while3A_431, %mul3A_480 : i32
      %add3A_482 = arith.constant 0 : i32
      %add3A_483 = arith.addi %mul3A_481, %add3A_482 : i32
      %dma_start3A_484 = arith.constant 0 : i32
      %dma_start3A_485 = arith.constant 0 : i32
      %dma_start3A_486 = tpu.memref_slice %arg8[%dma_start3A_484, %dma_start3A_485] : memref<2x64xi32, #tpu.memory_space<vmem>> -> memref<1x64xi32, #tpu.memory_space<vmem>>
      %dma_start3A_487 = tpu.memref_squeeze %dma_start3A_486 : memref<1x64xi32, #tpu.memory_space<vmem>> -> memref<64xi32, #tpu.memory_space<vmem>>
      %dma_start3A_488 = arith.constant 0 : i32
      %dma_start3A_489 = tpu.memref_slice %arg4[%add3A, %add3A_483, %dma_start3A_488] : memref<32x288x64xi32, #tpu.memory_space<hbm>> -> memref<1x1x64xi32, #tpu.memory_space<hbm>>
      %dma_start3A_490 = tpu.memref_squeeze %dma_start3A_489 : memref<1x1x64xi32, #tpu.memory_space<hbm>> -> memref<64xi32, #tpu.memory_space<hbm>>
      %dma_start3A_491 = arith.constant 0 : i32
      %dma_start3A_492 = tpu.memref_slice %arg8[%dma_start3A_484, %dma_start3A_491] : memref<2x64xi32, #tpu.memory_space<vmem>> -> memref<1x64xi32, #tpu.memory_space<vmem>>
      %dma_start3A_493 = tpu.memref_squeeze %dma_start3A_492 : memref<1x64xi32, #tpu.memory_space<vmem>> -> memref<64xi32, #tpu.memory_space<vmem>>
      %dma_start3A_494 = arith.constant 0 : i32
      %dma_start3A_495 = tpu.memref_slice %arg4[%add3A, %add3A_483, %dma_start3A_494] : memref<32x288x64xi32, #tpu.memory_space<hbm>> -> memref<1x1x64xi32, #tpu.memory_space<hbm>>
      %dma_start3A_496 = tpu.memref_squeeze %dma_start3A_495 : memref<1x1x64xi32, #tpu.memory_space<hbm>> -> memref<64xi32, #tpu.memory_space<hbm>>
      tpu.enqueue_dma source(%dma_start3A_496 : memref<64xi32, #tpu.memory_space<hbm>>) target(%dma_start3A_493 : memref<64xi32, #tpu.memory_space<vmem>>) target_semaphore(%arg16 : memref<!tpu.dma_semaphore, #tpu.memory_space<semaphore_mem>>)
      %dma_start3A_497 = arith.constant 1 : i32
      %dma_start3A_498 = arith.constant 1 : i32
      %dma_start3A_499 = arith.constant 0 : i32
      %dma_start3A_500 = arith.constant 0 : i32
      %dma_start3A_501 = tpu.memref_slice %arg9[%dma_start3A_498, %dma_start3A_499, %dma_start3A_500] : memref<2x64x128xf32, #tpu.memory_space<vmem>> -> memref<1x64x128xf32, #tpu.memory_space<vmem>>
      %dma_start3A_502 = tpu.memref_squeeze %dma_start3A_501 : memref<1x64x128xf32, #tpu.memory_space<vmem>> -> memref<64x128xf32, #tpu.memory_space<vmem>>
      %dma_start3A_503 = arith.constant 0 : i32
      %dma_start3A_504 = tpu.memref_slice %arg7[%select_n3A_444, %dma_start3A_497, %dma_start3A_503] : memref<2x8x64xi32, #tpu.memory_space<vmem>> -> memref<1x1x64xi32, #tpu.memory_space<vmem>>
      %dma_start3A_505 = tpu.memref_squeeze %dma_start3A_504 : memref<1x1x64xi32, #tpu.memory_space<vmem>> -> memref<64xi32, #tpu.memory_space<vmem>>
      %dma_start3A_506 = arith.constant 0 : i32
      %dma_start3A_507 = arith.constant 0 : i32
      %dma_start3A_508 = tpu.memref_slice %arg2[%dma_start3A_506, %dma_start3A_507] : memref<10000x128xf32, #tpu.memory_space<hbm>> -> memref<10000x128xf32, #tpu.memory_space<hbm>>
      tpu.enqueue_indirect_dma source(%dma_start3A_508 : memref<10000x128xf32, #tpu.memory_space<hbm>>) target(%dma_start3A_502 : memref<64x128xf32, #tpu.memory_space<vmem>>) offsets(%dma_start3A_505 : memref<64xi32, #tpu.memory_space<vmem>>) semaphore(%arg14 : memref<!tpu.dma_semaphore, #tpu.memory_space<semaphore_mem>>)
      %mul3A_509 = arith.constant 8 : i32
      %mul3A_510 = arith.muli %while3A_431, %mul3A_509 : i32
      %add3A_511 = arith.constant 1 : i32
      %add3A_512 = arith.addi %mul3A_510, %add3A_511 : i32
      %dma_start3A_513 = arith.constant 1 : i32
      %dma_start3A_514 = arith.constant 0 : i32
      %dma_start3A_515 = tpu.memref_slice %arg8[%dma_start3A_513, %dma_start3A_514] : memref<2x64xi32, #tpu.memory_space<vmem>> -> memref<1x64xi32, #tpu.memory_space<vmem>>
      %dma_start3A_516 = tpu.memref_squeeze %dma_start3A_515 : memref<1x64xi32, #tpu.memory_space<vmem>> -> memref<64xi32, #tpu.memory_space<vmem>>
      %dma_start3A_517 = arith.constant 0 : i32
      %dma_start3A_518 = tpu.memref_slice %arg4[%add3A, %add3A_512, %dma_start3A_517] : memref<32x288x64xi32, #tpu.memory_space<hbm>> -> memref<1x1x64xi32, #tpu.memory_space<hbm>>
      %dma_start3A_519 = tpu.memref_squeeze %dma_start3A_518 : memref<1x1x64xi32, #tpu.memory_space<hbm>> -> memref<64xi32, #tpu.memory_space<hbm>>
      %dma_start3A_520 = arith.constant 0 : i32
      %dma_start3A_521 = tpu.memref_slice %arg8[%dma_start3A_513, %dma_start3A_520] : memref<2x64xi32, #tpu.memory_space<vmem>> -> memref<1x64xi32, #tpu.memory_space<vmem>>
      %dma_start3A_522 = tpu.memref_squeeze %dma_start3A_521 : memref<1x64xi32, #tpu.memory_space<vmem>> -> memref<64xi32, #tpu.memory_space<vmem>>
      %dma_start3A_523 = arith.constant 0 : i32
      %dma_start3A_524 = tpu.memref_slice %arg4[%add3A, %add3A_512, %dma_start3A_523] : memref<32x288x64xi32, #tpu.memory_space<hbm>> -> memref<1x1x64xi32, #tpu.memory_space<hbm>>
      %dma_start3A_525 = tpu.memref_squeeze %dma_start3A_524 : memref<1x1x64xi32, #tpu.memory_space<hbm>> -> memref<64xi32, #tpu.memory_space<hbm>>
      tpu.enqueue_dma source(%dma_start3A_525 : memref<64xi32, #tpu.memory_space<hbm>>) target(%dma_start3A_522 : memref<64xi32, #tpu.memory_space<vmem>>) target_semaphore(%arg16 : memref<!tpu.dma_semaphore, #tpu.memory_space<semaphore_mem>>)
      %dma_wait3A_526 = arith.constant 0 : i32
      %dma_wait3A_527 = arith.constant 0 : i32
      %dma_wait3A_528 = arith.constant 0 : i32
      %dma_wait3A_529 = arith.constant 0 : i32
      %dma_wait3A_530 = tpu.memref_slice %arg9[%dma_wait3A_527, %dma_wait3A_528, %dma_wait3A_529] : memref<2x64x128xf32, #tpu.memory_space<vmem>> -> memref<1x64x128xf32, #tpu.memory_space<vmem>>
      %dma_wait3A_531 = tpu.memref_squeeze %dma_wait3A_530 : memref<1x64x128xf32, #tpu.memory_space<vmem>> -> memref<64x128xf32, #tpu.memory_space<vmem>>
      %dma_wait3A_532 = arith.constant 0 : i32
      %dma_wait3A_533 = tpu.memref_slice %arg7[%select_n3A_444, %dma_wait3A_526, %dma_wait3A_532] : memref<2x8x64xi32, #tpu.memory_space<vmem>> -> memref<1x1x64xi32, #tpu.memory_space<vmem>>
      %dma_wait3A_534 = tpu.memref_squeeze %dma_wait3A_533 : memref<1x1x64xi32, #tpu.memory_space<vmem>> -> memref<64xi32, #tpu.memory_space<vmem>>
      %dma_wait3A_535 = arith.constant 0 : i32
      %dma_wait3A_536 = arith.constant 0 : i32
      %dma_wait3A_537 = tpu.memref_slice %arg2[%dma_wait3A_535, %dma_wait3A_536] : memref<10000x128xf32, #tpu.memory_space<hbm>> -> memref<10000x128xf32, #tpu.memory_space<hbm>>
      tpu.wait_indirect_dma semaphore(%arg13 : memref<!tpu.dma_semaphore, #tpu.memory_space<semaphore_mem>>) src(%dma_wait3A_537 : memref<10000x128xf32, #tpu.memory_space<hbm>>) dst(%dma_wait3A_531 : memref<64x128xf32, #tpu.memory_space<vmem>>)
      %dma_wait3A_538 = arith.constant 0 : i32
      %dma_wait3A_539 = arith.constant 0 : i32
      %dma_wait3A_540 = tpu.memref_slice %arg8[%dma_wait3A_538, %dma_wait3A_539] : memref<2x64xi32, #tpu.memory_space<vmem>> -> memref<1x64xi32, #tpu.memory_space<vmem>>
      %dma_wait3A_541 = tpu.memref_squeeze %dma_wait3A_540 : memref<1x64xi32, #tpu.memory_space<vmem>> -> memref<64xi32, #tpu.memory_space<vmem>>
      %dma_wait3A_542 = arith.constant 0 : i32
      %dma_wait3A_543 = tpu.memref_slice %arg4[%add3A, %add3A_483, %dma_wait3A_542] : memref<32x288x64xi32, #tpu.memory_space<hbm>> -> memref<1x1x64xi32, #tpu.memory_space<hbm>>
      %dma_wait3A_544 = tpu.memref_squeeze %dma_wait3A_543 : memref<1x1x64xi32, #tpu.memory_space<hbm>> -> memref<64xi32, #tpu.memory_space<hbm>>
      %dma_wait3A_545 = arith.constant 0 : i32
      %dma_wait3A_546 = tpu.memref_slice %arg8[%dma_wait3A_538, %dma_wait3A_545] : memref<2x64xi32, #tpu.memory_space<vmem>> -> memref<1x64xi32, #tpu.memory_space<vmem>>
      %dma_wait3A_547 = tpu.memref_squeeze %dma_wait3A_546 : memref<1x64xi32, #tpu.memory_space<vmem>> -> memref<64xi32, #tpu.memory_space<vmem>>
      %dma_wait3A_548 = arith.constant 0 : i32
      %dma_wait3A_549 = tpu.memref_slice %arg4[%add3A, %add3A_483, %dma_wait3A_548] : memref<32x288x64xi32, #tpu.memory_space<hbm>> -> memref<1x1x64xi32, #tpu.memory_space<hbm>>
      %dma_wait3A_550 = tpu.memref_squeeze %dma_wait3A_549 : memref<1x1x64xi32, #tpu.memory_space<hbm>> -> memref<64xi32, #tpu.memory_space<hbm>>
      tpu.wait_dma2 semaphore(%arg16 : memref<!tpu.dma_semaphore, #tpu.memory_space<semaphore_mem>>) src(%dma_wait3A_550 : memref<64xi32, #tpu.memory_space<hbm>>) dst(%dma_wait3A_547 : memref<64xi32, #tpu.memory_space<vmem>>)
      %run_scoped3A = arith.constant 0 : i32
      %run_scoped3A_551 = arith.constant 0 : i32
      "tpu.region"() ({
        %run_scoped3A_1043 = tpu.sem_alloc : memref<!tpu.dma_semaphore, #tpu.memory_space<semaphore_mem>>
        %dma_start3A_1044 = arith.constant 0 : i32
        %dma_start3A_1045 = arith.constant 0 : i32
        %dma_start3A_1046 = tpu.memref_slice %arg9[%run_scoped3A, %dma_start3A_1044, %dma_start3A_1045] : memref<2x64x128xf32, #tpu.memory_space<vmem>> -> memref<1x64x128xf32, #tpu.memory_space<vmem>>
        %dma_start3A_1047 = tpu.memref_squeeze %dma_start3A_1046 : memref<1x64x128xf32, #tpu.memory_space<vmem>> -> memref<64x128xf32, #tpu.memory_space<vmem>>
        %dma_start3A_1048 = arith.constant 0 : i32
        %dma_start3A_1049 = tpu.memref_slice %arg8[%run_scoped3A_551, %dma_start3A_1048] : memref<2x64xi32, #tpu.memory_space<vmem>> -> memref<1x64xi32, #tpu.memory_space<vmem>>
        %dma_start3A_1050 = tpu.memref_squeeze %dma_start3A_1049 : memref<1x64xi32, #tpu.memory_space<vmem>> -> memref<64xi32, #tpu.memory_space<vmem>>
        %dma_start3A_1051 = arith.constant 0 : i32
        %dma_start3A_1052 = arith.constant 0 : i32
        %dma_start3A_1053 = tpu.memref_slice %arg12[%dma_start3A_1051, %dma_start3A_1052] : memref<10240x128xf32, #tpu.memory_space<vmem_shared>> -> memref<10240x128xf32, #tpu.memory_space<vmem_shared>>
        tpu.enqueue_indirect_dma source(%dma_start3A_1047 : memref<64x128xf32, #tpu.memory_space<vmem>>) target(%dma_start3A_1053 : memref<10240x128xf32, #tpu.memory_space<vmem_shared>>) offsets(%dma_start3A_1050 : memref<64xi32, #tpu.memory_space<vmem>>) semaphore(%run_scoped3A_1043 : memref<!tpu.dma_semaphore, #tpu.memory_space<semaphore_mem>>) {add = true}
        %dma_wait3A_1054 = arith.constant 0 : i32
        %dma_wait3A_1055 = arith.constant 0 : i32
        %dma_wait3A_1056 = tpu.memref_slice %arg9[%run_scoped3A, %dma_wait3A_1054, %dma_wait3A_1055] : memref<2x64x128xf32, #tpu.memory_space<vmem>> -> memref<1x64x128xf32, #tpu.memory_space<vmem>>
        %dma_wait3A_1057 = tpu.memref_squeeze %dma_wait3A_1056 : memref<1x64x128xf32, #tpu.memory_space<vmem>> -> memref<64x128xf32, #tpu.memory_space<vmem>>
        %dma_wait3A_1058 = arith.constant 0 : i32
        %dma_wait3A_1059 = tpu.memref_slice %arg8[%run_scoped3A_551, %dma_wait3A_1058] : memref<2x64xi32, #tpu.memory_space<vmem>> -> memref<1x64xi32, #tpu.memory_space<vmem>>
        %dma_wait3A_1060 = tpu.memref_squeeze %dma_wait3A_1059 : memref<1x64xi32, #tpu.memory_space<vmem>> -> memref<64xi32, #tpu.memory_space<vmem>>
        %dma_wait3A_1061 = arith.constant 0 : i32
        %dma_wait3A_1062 = arith.constant 0 : i32
        %dma_wait3A_1063 = tpu.memref_slice %arg12[%dma_wait3A_1061, %dma_wait3A_1062] : memref<10240x128xf32, #tpu.memory_space<vmem_shared>> -> memref<10240x128xf32, #tpu.memory_space<vmem_shared>>
        tpu.wait_indirect_dma semaphore(%run_scoped3A_1043 : memref<!tpu.dma_semaphore, #tpu.memory_space<semaphore_mem>>) src(%dma_wait3A_1057 : memref<64x128xf32, #tpu.memory_space<vmem>>) dst(%dma_wait3A_1063 : memref<10240x128xf32, #tpu.memory_space<vmem_shared>>)
        tpu.yield
      }) : () -> ()
      %get3A = arith.constant 0 : i32
      %get3A_552 = arith.index_cast %get3A : i32 to index
      %get3A_553 = arith.constant 0 : index
      %get3A_554 = tpu.vector_load %arg8[%get3A_552, %get3A_553] {strides = array<i32>} : memref<2x64xi32, #tpu.memory_space<vmem>>, vector<16xi32>,
      tpu.vector_store_idx %arg10[%get3A_554], %broadcast_in_dim3A_414 {add = true} : memref<10240xf32, #tpu.memory_space<vmem>>[vector<16xi32>], vector<16xf32>,
      %get3A_555 = arith.constant 0 : i32
      %get3A_556 = arith.index_cast %get3A_555 : i32 to index
      %get3A_557 = arith.constant 16 : index
      %get3A_558 = tpu.vector_load %arg8[%get3A_556, %get3A_557] {strides = array<i32>} : memref<2x64xi32, #tpu.memory_space<vmem>>, vector<16xi32>,
      tpu.vector_store_idx %arg10[%get3A_558], %broadcast_in_dim3A_414 {add = true} : memref<10240xf32, #tpu.memory_space<vmem>>[vector<16xi32>], vector<16xf32>,
      %get3A_559 = arith.constant 0 : i32
      %get3A_560 = arith.index_cast %get3A_559 : i32 to index
      %get3A_561 = arith.constant 32 : index
      %get3A_562 = tpu.vector_load %arg8[%get3A_560, %get3A_561] {strides = array<i32>} : memref<2x64xi32, #tpu.memory_space<vmem>>, vector<16xi32>,
      tpu.vector_store_idx %arg10[%get3A_562], %broadcast_in_dim3A_414 {add = true} : memref<10240xf32, #tpu.memory_space<vmem>>[vector<16xi32>], vector<16xf32>,
      %get3A_563 = arith.constant 0 : i32
      %get3A_564 = arith.index_cast %get3A_563 : i32 to index
      %get3A_565 = arith.constant 48 : index
      %get3A_566 = tpu.vector_load %arg8[%get3A_564, %get3A_565] {strides = array<i32>} : memref<2x64xi32, #tpu.memory_space<vmem>>, vector<16xi32>,
      tpu.vector_store_idx %arg10[%get3A_566], %broadcast_in_dim3A_414 {add = true} : memref<10240xf32, #tpu.memory_space<vmem>>[vector<16xi32>], vector<16xf32>,
      %dma_start3A_567 = arith.constant 2 : i32
      %dma_start3A_568 = arith.constant 0 : i32
      %dma_start3A_569 = arith.constant 0 : i32
      %dma_start3A_570 = arith.constant 0 : i32
      %dma_start3A_571 = tpu.memref_slice %arg9[%dma_start3A_568, %dma_start3A_569, %dma_start3A_570] : memref<2x64x128xf32, #tpu.memory_space<vmem>> -> memref<1x64x128xf32, #tpu.memory_space<vmem>>
      %dma_start3A_572 = tpu.memref_squeeze %dma_start3A_571 : memref<1x64x128xf32, #tpu.memory_space<vmem>> -> memref<64x128xf32, #tpu.memory_space<vmem>>
      %dma_start3A_573 = arith.constant 0 : i32
      %dma_start3A_574 = tpu.memref_slice %arg7[%select_n3A_444, %dma_start3A_567, %dma_start3A_573] : memref<2x8x64xi32, #tpu.memory_space<vmem>> -> memref<1x1x64xi32, #tpu.memory_space<vmem>>
      %dma_start3A_575 = tpu.memref_squeeze %dma_start3A_574 : memref<1x1x64xi32, #tpu.memory_space<vmem>> -> memref<64xi32, #tpu.memory_space<vmem>>
      %dma_start3A_576 = arith.constant 0 : i32
      %dma_start3A_577 = arith.constant 0 : i32
      %dma_start3A_578 = tpu.memref_slice %arg2[%dma_start3A_576, %dma_start3A_577] : memref<10000x128xf32, #tpu.memory_space<hbm>> -> memref<10000x128xf32, #tpu.memory_space<hbm>>
      tpu.enqueue_indirect_dma source(%dma_start3A_578 : memref<10000x128xf32, #tpu.memory_space<hbm>>) target(%dma_start3A_572 : memref<64x128xf32, #tpu.memory_space<vmem>>) offsets(%dma_start3A_575 : memref<64xi32, #tpu.memory_space<vmem>>) semaphore(%arg13 : memref<!tpu.dma_semaphore, #tpu.memory_space<semaphore_mem>>)
      %mul3A_579 = arith.constant 8 : i32
      %mul3A_580 = arith.muli %while3A_431, %mul3A_579 : i32
      %add3A_581 = arith.constant 2 : i32
      %add3A_582 = arith.addi %mul3A_580, %add3A_581 : i32
      %dma_start3A_583 = arith.constant 0 : i32
      %dma_start3A_584 = arith.constant 0 : i32
      %dma_start3A_585 = tpu.memref_slice %arg8[%dma_start3A_583, %dma_start3A_584] : memref<2x64xi32, #tpu.memory_space<vmem>> -> memref<1x64xi32, #tpu.memory_space<vmem>>
      %dma_start3A_586 = tpu.memref_squeeze %dma_start3A_585 : memref<1x64xi32, #tpu.memory_space<vmem>> -> memref<64xi32, #tpu.memory_space<vmem>>
      %dma_start3A_587 = arith.constant 0 : i32
      %dma_start3A_588 = tpu.memref_slice %arg4[%add3A, %add3A_582, %dma_start3A_587] : memref<32x288x64xi32, #tpu.memory_space<hbm>> -> memref<1x1x64xi32, #tpu.memory_space<hbm>>
      %dma_start3A_589 = tpu.memref_squeeze %dma_start3A_588 : memref<1x1x64xi32, #tpu.memory_space<hbm>> -> memref<64xi32, #tpu.memory_space<hbm>>
      %dma_start3A_590 = arith.constant 0 : i32
      %dma_start3A_591 = tpu.memref_slice %arg8[%dma_start3A_583, %dma_start3A_590] : memref<2x64xi32, #tpu.memory_space<vmem>> -> memref<1x64xi32, #tpu.memory_space<vmem>>
      %dma_start3A_592 = tpu.memref_squeeze %dma_start3A_591 : memref<1x64xi32, #tpu.memory_space<vmem>> -> memref<64xi32, #tpu.memory_space<vmem>>
      %dma_start3A_593 = arith.constant 0 : i32
      %dma_start3A_594 = tpu.memref_slice %arg4[%add3A, %add3A_582, %dma_start3A_593] : memref<32x288x64xi32, #tpu.memory_space<hbm>> -> memref<1x1x64xi32, #tpu.memory_space<hbm>>
      %dma_start3A_595 = tpu.memref_squeeze %dma_start3A_594 : memref<1x1x64xi32, #tpu.memory_space<hbm>> -> memref<64xi32, #tpu.memory_space<hbm>>
      tpu.enqueue_dma source(%dma_start3A_595 : memref<64xi32, #tpu.memory_space<hbm>>) target(%dma_start3A_592 : memref<64xi32, #tpu.memory_space<vmem>>) target_semaphore(%arg16 : memref<!tpu.dma_semaphore, #tpu.memory_space<semaphore_mem>>)
      %dma_wait3A_596 = arith.constant 1 : i32
      %dma_wait3A_597 = arith.constant 1 : i32
      %dma_wait3A_598 = arith.constant 0 : i32
      %dma_wait3A_599 = arith.constant 0 : i32
      %dma_wait3A_600 = tpu.memref_slice %arg9[%dma_wait3A_597, %dma_wait3A_598, %dma_wait3A_599] : memref<2x64x128xf32, #tpu.memory_space<vmem>> -> memref<1x64x128xf32, #tpu.memory_space<vmem>>
      %dma_wait3A_601 = tpu.memref_squeeze %dma_wait3A_600 : memref<1x64x128xf32, #tpu.memory_space<vmem>> -> memref<64x128xf32, #tpu.memory_space<vmem>>
      %dma_wait3A_602 = arith.constant 0 : i32
      %dma_wait3A_603 = tpu.memref_slice %arg7[%select_n3A_444, %dma_wait3A_596, %dma_wait3A_602] : memref<2x8x64xi32, #tpu.memory_space<vmem>> -> memref<1x1x64xi32, #tpu.memory_space<vmem>>
      %dma_wait3A_604 = tpu.memref_squeeze %dma_wait3A_603 : memref<1x1x64xi32, #tpu.memory_space<vmem>> -> memref<64xi32, #tpu.memory_space<vmem>>
      %dma_wait3A_605 = arith.constant 0 : i32
      %dma_wait3A_606 = arith.constant 0 : i32
      %dma_wait3A_607 = tpu.memref_slice %arg2[%dma_wait3A_605, %dma_wait3A_606] : memref<10000x128xf32, #tpu.memory_space<hbm>> -> memref<10000x128xf32, #tpu.memory_space<hbm>>
      tpu.wait_indirect_dma semaphore(%arg14 : memref<!tpu.dma_semaphore, #tpu.memory_space<semaphore_mem>>) src(%dma_wait3A_607 : memref<10000x128xf32, #tpu.memory_space<hbm>>) dst(%dma_wait3A_601 : memref<64x128xf32, #tpu.memory_space<vmem>>)
      %dma_wait3A_608 = arith.constant 1 : i32
      %dma_wait3A_609 = arith.constant 0 : i32
      %dma_wait3A_610 = tpu.memref_slice %arg8[%dma_wait3A_608, %dma_wait3A_609] : memref<2x64xi32, #tpu.memory_space<vmem>> -> memref<1x64xi32, #tpu.memory_space<vmem>>
      %dma_wait3A_611 = tpu.memref_squeeze %dma_wait3A_610 : memref<1x64xi32, #tpu.memory_space<vmem>> -> memref<64xi32, #tpu.memory_space<vmem>>
      %dma_wait3A_612 = arith.constant 0 : i32
      %dma_wait3A_613 = tpu.memref_slice %arg4[%add3A, %add3A_512, %dma_wait3A_612] : memref<32x288x64xi32, #tpu.memory_space<hbm>> -> memref<1x1x64xi32, #tpu.memory_space<hbm>>
      %dma_wait3A_614 = tpu.memref_squeeze %dma_wait3A_613 : memref<1x1x64xi32, #tpu.memory_space<hbm>> -> memref<64xi32, #tpu.memory_space<hbm>>
      %dma_wait3A_615 = arith.constant 0 : i32
      %dma_wait3A_616 = tpu.memref_slice %arg8[%dma_wait3A_608, %dma_wait3A_615] : memref<2x64xi32, #tpu.memory_space<vmem>> -> memref<1x64xi32, #tpu.memory_space<vmem>>
      %dma_wait3A_617 = tpu.memref_squeeze %dma_wait3A_616 : memref<1x64xi32, #tpu.memory_space<vmem>> -> memref<64xi32, #tpu.memory_space<vmem>>
      %dma_wait3A_618 = arith.constant 0 : i32
      %dma_wait3A_619 = tpu.memref_slice %arg4[%add3A, %add3A_512, %dma_wait3A_618] : memref<32x288x64xi32, #tpu.memory_space<hbm>> -> memref<1x1x64xi32, #tpu.memory_space<hbm>>
      %dma_wait3A_620 = tpu.memref_squeeze %dma_wait3A_619 : memref<1x1x64xi32, #tpu.memory_space<hbm>> -> memref<64xi32, #tpu.memory_space<hbm>>
      tpu.wait_dma2 semaphore(%arg16 : memref<!tpu.dma_semaphore, #tpu.memory_space<semaphore_mem>>) src(%dma_wait3A_620 : memref<64xi32, #tpu.memory_space<hbm>>) dst(%dma_wait3A_617 : memref<64xi32, #tpu.memory_space<vmem>>)
      %run_scoped3A_621 = arith.constant 1 : i32
      %run_scoped3A_622 = arith.constant 1 : i32
      "tpu.region"() ({
        %run_scoped3A_1043 = tpu.sem_alloc : memref<!tpu.dma_semaphore, #tpu.memory_space<semaphore_mem>>
        %dma_start3A_1044 = arith.constant 0 : i32
        %dma_start3A_1045 = arith.constant 0 : i32
        %dma_start3A_1046 = tpu.memref_slice %arg9[%run_scoped3A_621, %dma_start3A_1044, %dma_start3A_1045] : memref<2x64x128xf32, #tpu.memory_space<vmem>> -> memref<1x64x128xf32, #tpu.memory_space<vmem>>
        %dma_start3A_1047 = tpu.memref_squeeze %dma_start3A_1046 : memref<1x64x128xf32, #tpu.memory_space<vmem>> -> memref<64x128xf32, #tpu.memory_space<vmem>>
        %dma_start3A_1048 = arith.constant 0 : i32
        %dma_start3A_1049 = tpu.memref_slice %arg8[%run_scoped3A_622, %dma_start3A_1048] : memref<2x64xi32, #tpu.memory_space<vmem>> -> memref<1x64xi32, #tpu.memory_space<vmem>>
        %dma_start3A_1050 = tpu.memref_squeeze %dma_start3A_1049 : memref<1x64xi32, #tpu.memory_space<vmem>> -> memref<64xi32, #tpu.memory_space<vmem>>
        %dma_start3A_1051 = arith.constant 0 : i32
        %dma_start3A_1052 = arith.constant 0 : i32
        %dma_start3A_1053 = tpu.memref_slice %arg12[%dma_start3A_1051, %dma_start3A_1052] : memref<10240x128xf32, #tpu.memory_space<vmem_shared>> -> memref<10240x128xf32, #tpu.memory_space<vmem_shared>>
        tpu.enqueue_indirect_dma source(%dma_start3A_1047 : memref<64x128xf32, #tpu.memory_space<vmem>>) target(%dma_start3A_1053 : memref<10240x128xf32, #tpu.memory_space<vmem_shared>>) offsets(%dma_start3A_1050 : memref<64xi32, #tpu.memory_space<vmem>>) semaphore(%run_scoped3A_1043 : memref<!tpu.dma_semaphore, #tpu.memory_space<semaphore_mem>>) {add = true}
        %dma_wait3A_1054 = arith.constant 0 : i32
        %dma_wait3A_1055 = arith.constant 0 : i32
        %dma_wait3A_1056 = tpu.memref_slice %arg9[%run_scoped3A_621, %dma_wait3A_1054, %dma_wait3A_1055] : memref<2x64x128xf32, #tpu.memory_space<vmem>> -> memref<1x64x128xf32, #tpu.memory_space<vmem>>
        %dma_wait3A_1057 = tpu.memref_squeeze %dma_wait3A_1056 : memref<1x64x128xf32, #tpu.memory_space<vmem>> -> memref<64x128xf32, #tpu.memory_space<vmem>>
        %dma_wait3A_1058 = arith.constant 0 : i32
        %dma_wait3A_1059 = tpu.memref_slice %arg8[%run_scoped3A_622, %dma_wait3A_1058] : memref<2x64xi32, #tpu.memory_space<vmem>> -> memref<1x64xi32, #tpu.memory_space<vmem>>
        %dma_wait3A_1060 = tpu.memref_squeeze %dma_wait3A_1059 : memref<1x64xi32, #tpu.memory_space<vmem>> -> memref<64xi32, #tpu.memory_space<vmem>>
        %dma_wait3A_1061 = arith.constant 0 : i32
        %dma_wait3A_1062 = arith.constant 0 : i32
        %dma_wait3A_1063 = tpu.memref_slice %arg12[%dma_wait3A_1061, %dma_wait3A_1062] : memref<10240x128xf32, #tpu.memory_space<vmem_shared>> -> memref<10240x128xf32, #tpu.memory_space<vmem_shared>>
        tpu.wait_indirect_dma semaphore(%run_scoped3A_1043 : memref<!tpu.dma_semaphore, #tpu.memory_space<semaphore_mem>>) src(%dma_wait3A_1057 : memref<64x128xf32, #tpu.memory_space<vmem>>) dst(%dma_wait3A_1063 : memref<10240x128xf32, #tpu.memory_space<vmem_shared>>)
        tpu.yield
      }) : () -> ()
      %get3A_623 = arith.constant 1 : i32
      %get3A_624 = arith.index_cast %get3A_623 : i32 to index
      %get3A_625 = arith.constant 0 : index
      %get3A_626 = tpu.vector_load %arg8[%get3A_624, %get3A_625] {strides = array<i32>} : memref<2x64xi32, #tpu.memory_space<vmem>>, vector<16xi32>,
      tpu.vector_store_idx %arg10[%get3A_626], %broadcast_in_dim3A_414 {add = true} : memref<10240xf32, #tpu.memory_space<vmem>>[vector<16xi32>], vector<16xf32>,
      %get3A_627 = arith.constant 1 : i32
      %get3A_628 = arith.index_cast %get3A_627 : i32 to index
      %get3A_629 = arith.constant 16 : index
      %get3A_630 = tpu.vector_load %arg8[%get3A_628, %get3A_629] {strides = array<i32>} : memref<2x64xi32, #tpu.memory_space<vmem>>, vector<16xi32>,
      tpu.vector_store_idx %arg10[%get3A_630], %broadcast_in_dim3A_414 {add = true} : memref<10240xf32, #tpu.memory_space<vmem>>[vector<16xi32>], vector<16xf32>,
      %get3A_631 = arith.constant 1 : i32
      %get3A_632 = arith.index_cast %get3A_631 : i32 to index
      %get3A_633 = arith.constant 32 : index
      %get3A_634 = tpu.vector_load %arg8[%get3A_632, %get3A_633] {strides = array<i32>} : memref<2x64xi32, #tpu.memory_space<vmem>>, vector<16xi32>,
      tpu.vector_store_idx %arg10[%get3A_634], %broadcast_in_dim3A_414 {add = true} : memref<10240xf32, #tpu.memory_space<vmem>>[vector<16xi32>], vector<16xf32>,
      %get3A_635 = arith.constant 1 : i32
      %get3A_636 = arith.index_cast %get3A_635 : i32 to index
      %get3A_637 = arith.constant 48 : index
      %get3A_638 = tpu.vector_load %arg8[%get3A_636, %get3A_637] {strides = array<i32>} : memref<2x64xi32, #tpu.memory_space<vmem>>, vector<16xi32>,
      tpu.vector_store_idx %arg10[%get3A_638], %broadcast_in_dim3A_414 {add = true} : memref<10240xf32, #tpu.memory_space<vmem>>[vector<16xi32>], vector<16xf32>,
      %dma_start3A_639 = arith.constant 3 : i32
      %dma_start3A_640 = arith.constant 1 : i32
      %dma_start3A_641 = arith.constant 0 : i32
      %dma_start3A_642 = arith.constant 0 : i32
      %dma_start3A_643 = tpu.memref_slice %arg9[%dma_start3A_640, %dma_start3A_641, %dma_start3A_642] : memref<2x64x128xf32, #tpu.memory_space<vmem>> -> memref<1x64x128xf32, #tpu.memory_space<vmem>>
      %dma_start3A_644 = tpu.memref_squeeze %dma_start3A_643 : memref<1x64x128xf32, #tpu.memory_space<vmem>> -> memref<64x128xf32, #tpu.memory_space<vmem>>
      %dma_start3A_645 = arith.constant 0 : i32
      %dma_start3A_646 = tpu.memref_slice %arg7[%select_n3A_444, %dma_start3A_639, %dma_start3A_645] : memref<2x8x64xi32, #tpu.memory_space<vmem>> -> memref<1x1x64xi32, #tpu.memory_space<vmem>>
      %dma_start3A_647 = tpu.memref_squeeze %dma_start3A_646 : memref<1x1x64xi32, #tpu.memory_space<vmem>> -> memref<64xi32, #tpu.memory_space<vmem>>
      %dma_start3A_648 = arith.constant 0 : i32
      %dma_start3A_649 = arith.constant 0 : i32
      %dma_start3A_650 = tpu.memref_slice %arg2[%dma_start3A_648, %dma_start3A_649] : memref<10000x128xf32, #tpu.memory_space<hbm>> -> memref<10000x128xf32, #tpu.memory_space<hbm>>
      tpu.enqueue_indirect_dma source(%dma_start3A_650 : memref<10000x128xf32, #tpu.memory_space<hbm>>) target(%dma_start3A_644 : memref<64x128xf32, #tpu.memory_space<vmem>>) offsets(%dma_start3A_647 : memref<64xi32, #tpu.memory_space<vmem>>) semaphore(%arg14 : memref<!tpu.dma_semaphore, #tpu.memory_space<semaphore_mem>>)
      %mul3A_651 = arith.constant 8 : i32
      %mul3A_652 = arith.muli %while3A_431, %mul3A_651 : i32
      %add3A_653 = arith.constant 3 : i32
      %add3A_654 = arith.addi %mul3A_652, %add3A_653 : i32
      %dma_start3A_655 = arith.constant 1 : i32
      %dma_start3A_656 = arith.constant 0 : i32
      %dma_start3A_657 = tpu.memref_slice %arg8[%dma_start3A_655, %dma_start3A_656] : memref<2x64xi32, #tpu.memory_space<vmem>> -> memref<1x64xi32, #tpu.memory_space<vmem>>
      %dma_start3A_658 = tpu.memref_squeeze %dma_start3A_657 : memref<1x64xi32, #tpu.memory_space<vmem>> -> memref<64xi32, #tpu.memory_space<vmem>>
      %dma_start3A_659 = arith.constant 0 : i32
      %dma_start3A_660 = tpu.memref_slice %arg4[%add3A, %add3A_654, %dma_start3A_659] : memref<32x288x64xi32, #tpu.memory_space<hbm>> -> memref<1x1x64xi32, #tpu.memory_space<hbm>>
      %dma_start3A_661 = tpu.memref_squeeze %dma_start3A_660 : memref<1x1x64xi32, #tpu.memory_space<hbm>> -> memref<64xi32, #tpu.memory_space<hbm>>
      %dma_start3A_662 = arith.constant 0 : i32
      %dma_start3A_663 = tpu.memref_slice %arg8[%dma_start3A_655, %dma_start3A_662] : memref<2x64xi32, #tpu.memory_space<vmem>> -> memref<1x64xi32, #tpu.memory_space<vmem>>
      %dma_start3A_664 = tpu.memref_squeeze %dma_start3A_663 : memref<1x64xi32, #tpu.memory_space<vmem>> -> memref<64xi32, #tpu.memory_space<vmem>>
      %dma_start3A_665 = arith.constant 0 : i32
      %dma_start3A_666 = tpu.memref_slice %arg4[%add3A, %add3A_654, %dma_start3A_665] : memref<32x288x64xi32, #tpu.memory_space<hbm>> -> memref<1x1x64xi32, #tpu.memory_space<hbm>>
      %dma_start3A_667 = tpu.memref_squeeze %dma_start3A_666 : memref<1x1x64xi32, #tpu.memory_space<hbm>> -> memref<64xi32, #tpu.memory_space<hbm>>
      tpu.enqueue_dma source(%dma_start3A_667 : memref<64xi32, #tpu.memory_space<hbm>>) target(%dma_start3A_664 : memref<64xi32, #tpu.memory_space<vmem>>) target_semaphore(%arg16 : memref<!tpu.dma_semaphore, #tpu.memory_space<semaphore_mem>>)
      %dma_wait3A_668 = arith.constant 2 : i32
      %dma_wait3A_669 = arith.constant 0 : i32
      %dma_wait3A_670 = arith.constant 0 : i32
      %dma_wait3A_671 = arith.constant 0 : i32
      %dma_wait3A_672 = tpu.memref_slice %arg9[%dma_wait3A_669, %dma_wait3A_670, %dma_wait3A_671] : memref<2x64x128xf32, #tpu.memory_space<vmem>> -> memref<1x64x128xf32, #tpu.memory_space<vmem>>
      %dma_wait3A_673 = tpu.memref_squeeze %dma_wait3A_672 : memref<1x64x128xf32, #tpu.memory_space<vmem>> -> memref<64x128xf32, #tpu.memory_space<vmem>>
      %dma_wait3A_674 = arith.constant 0 : i32
      %dma_wait3A_675 = tpu.memref_slice %arg7[%select_n3A_444, %dma_wait3A_668, %dma_wait3A_674] : memref<2x8x64xi32, #tpu.memory_space<vmem>> -> memref<1x1x64xi32, #tpu.memory_space<vmem>>
      %dma_wait3A_676 = tpu.memref_squeeze %dma_wait3A_675 : memref<1x1x64xi32, #tpu.memory_space<vmem>> -> memref<64xi32, #tpu.memory_space<vmem>>
      %dma_wait3A_677 = arith.constant 0 : i32
      %dma_wait3A_678 = arith.constant 0 : i32
      %dma_wait3A_679 = tpu.memref_slice %arg2[%dma_wait3A_677, %dma_wait3A_678] : memref<10000x128xf32, #tpu.memory_space<hbm>> -> memref<10000x128xf32, #tpu.memory_space<hbm>>
      tpu.wait_indirect_dma semaphore(%arg13 : memref<!tpu.dma_semaphore, #tpu.memory_space<semaphore_mem>>) src(%dma_wait3A_679 : memref<10000x128xf32, #tpu.memory_space<hbm>>) dst(%dma_wait3A_673 : memref<64x128xf32, #tpu.memory_space<vmem>>)
      %dma_wait3A_680 = arith.constant 0 : i32
      %dma_wait3A_681 = arith.constant 0 : i32
      %dma_wait3A_682 = tpu.memref_slice %arg8[%dma_wait3A_680, %dma_wait3A_681] : memref<2x64xi32, #tpu.memory_space<vmem>> -> memref<1x64xi32, #tpu.memory_space<vmem>>
      %dma_wait3A_683 = tpu.memref_squeeze %dma_wait3A_682 : memref<1x64xi32, #tpu.memory_space<vmem>> -> memref<64xi32, #tpu.memory_space<vmem>>
      %dma_wait3A_684 = arith.constant 0 : i32
      %dma_wait3A_685 = tpu.memref_slice %arg4[%add3A, %add3A_582, %dma_wait3A_684] : memref<32x288x64xi32, #tpu.memory_space<hbm>> -> memref<1x1x64xi32, #tpu.memory_space<hbm>>
      %dma_wait3A_686 = tpu.memref_squeeze %dma_wait3A_685 : memref<1x1x64xi32, #tpu.memory_space<hbm>> -> memref<64xi32, #tpu.memory_space<hbm>>
      %dma_wait3A_687 = arith.constant 0 : i32
      %dma_wait3A_688 = tpu.memref_slice %arg8[%dma_wait3A_680, %dma_wait3A_687] : memref<2x64xi32, #tpu.memory_space<vmem>> -> memref<1x64xi32, #tpu.memory_space<vmem>>
      %dma_wait3A_689 = tpu.memref_squeeze %dma_wait3A_688 : memref<1x64xi32, #tpu.memory_space<vmem>> -> memref<64xi32, #tpu.memory_space<vmem>>
      %dma_wait3A_690 = arith.constant 0 : i32
      %dma_wait3A_691 = tpu.memref_slice %arg4[%add3A, %add3A_582, %dma_wait3A_690] : memref<32x288x64xi32, #tpu.memory_space<hbm>> -> memref<1x1x64xi32, #tpu.memory_space<hbm>>
      %dma_wait3A_692 = tpu.memref_squeeze %dma_wait3A_691 : memref<1x1x64xi32, #tpu.memory_space<hbm>> -> memref<64xi32, #tpu.memory_space<hbm>>
      tpu.wait_dma2 semaphore(%arg16 : memref<!tpu.dma_semaphore, #tpu.memory_space<semaphore_mem>>) src(%dma_wait3A_692 : memref<64xi32, #tpu.memory_space<hbm>>) dst(%dma_wait3A_689 : memref<64xi32, #tpu.memory_space<vmem>>)
      %run_scoped3A_693 = arith.constant 0 : i32
      %run_scoped3A_694 = arith.constant 0 : i32
      "tpu.region"() ({
        %run_scoped3A_1043 = tpu.sem_alloc : memref<!tpu.dma_semaphore, #tpu.memory_space<semaphore_mem>>
        %dma_start3A_1044 = arith.constant 0 : i32
        %dma_start3A_1045 = arith.constant 0 : i32
        %dma_start3A_1046 = tpu.memref_slice %arg9[%run_scoped3A_693, %dma_start3A_1044, %dma_start3A_1045] : memref<2x64x128xf32, #tpu.memory_space<vmem>> -> memref<1x64x128xf32, #tpu.memory_space<vmem>>
        %dma_start3A_1047 = tpu.memref_squeeze %dma_start3A_1046 : memref<1x64x128xf32, #tpu.memory_space<vmem>> -> memref<64x128xf32, #tpu.memory_space<vmem>>
        %dma_start3A_1048 = arith.constant 0 : i32
        %dma_start3A_1049 = tpu.memref_slice %arg8[%run_scoped3A_694, %dma_start3A_1048] : memref<2x64xi32, #tpu.memory_space<vmem>> -> memref<1x64xi32, #tpu.memory_space<vmem>>
        %dma_start3A_1050 = tpu.memref_squeeze %dma_start3A_1049 : memref<1x64xi32, #tpu.memory_space<vmem>> -> memref<64xi32, #tpu.memory_space<vmem>>
        %dma_start3A_1051 = arith.constant 0 : i32
        %dma_start3A_1052 = arith.constant 0 : i32
        %dma_start3A_1053 = tpu.memref_slice %arg12[%dma_start3A_1051, %dma_start3A_1052] : memref<10240x128xf32, #tpu.memory_space<vmem_shared>> -> memref<10240x128xf32, #tpu.memory_space<vmem_shared>>
        tpu.enqueue_indirect_dma source(%dma_start3A_1047 : memref<64x128xf32, #tpu.memory_space<vmem>>) target(%dma_start3A_1053 : memref<10240x128xf32, #tpu.memory_space<vmem_shared>>) offsets(%dma_start3A_1050 : memref<64xi32, #tpu.memory_space<vmem>>) semaphore(%run_scoped3A_1043 : memref<!tpu.dma_semaphore, #tpu.memory_space<semaphore_mem>>) {add = true}
        %dma_wait3A_1054 = arith.constant 0 : i32
        %dma_wait3A_1055 = arith.constant 0 : i32
        %dma_wait3A_1056 = tpu.memref_slice %arg9[%run_scoped3A_693, %dma_wait3A_1054, %dma_wait3A_1055] : memref<2x64x128xf32, #tpu.memory_space<vmem>> -> memref<1x64x128xf32, #tpu.memory_space<vmem>>
        %dma_wait3A_1057 = tpu.memref_squeeze %dma_wait3A_1056 : memref<1x64x128xf32, #tpu.memory_space<vmem>> -> memref<64x128xf32, #tpu.memory_space<vmem>>
        %dma_wait3A_1058 = arith.constant 0 : i32
        %dma_wait3A_1059 = tpu.memref_slice %arg8[%run_scoped3A_694, %dma_wait3A_1058] : memref<2x64xi32, #tpu.memory_space<vmem>> -> memref<1x64xi32, #tpu.memory_space<vmem>>
        %dma_wait3A_1060 = tpu.memref_squeeze %dma_wait3A_1059 : memref<1x64xi32, #tpu.memory_space<vmem>> -> memref<64xi32, #tpu.memory_space<vmem>>
        %dma_wait3A_1061 = arith.constant 0 : i32
        %dma_wait3A_1062 = arith.constant 0 : i32
        %dma_wait3A_1063 = tpu.memref_slice %arg12[%dma_wait3A_1061, %dma_wait3A_1062] : memref<10240x128xf32, #tpu.memory_space<vmem_shared>> -> memref<10240x128xf32, #tpu.memory_space<vmem_shared>>
        tpu.wait_indirect_dma semaphore(%run_scoped3A_1043 : memref<!tpu.dma_semaphore, #tpu.memory_space<semaphore_mem>>) src(%dma_wait3A_1057 : memref<64x128xf32, #tpu.memory_space<vmem>>) dst(%dma_wait3A_1063 : memref<10240x128xf32, #tpu.memory_space<vmem_shared>>)
        tpu.yield
      }) : () -> ()
      %get3A_695 = arith.constant 0 : i32
      %get3A_696 = arith.index_cast %get3A_695 : i32 to index
      %get3A_697 = arith.constant 0 : index
      %get3A_698 = tpu.vector_load %arg8[%get3A_696, %get3A_697] {strides = array<i32>} : memref<2x64xi32, #tpu.memory_space<vmem>>, vector<16xi32>,
      tpu.vector_store_idx %arg10[%get3A_698], %broadcast_in_dim3A_414 {add = true} : memref<10240xf32, #tpu.memory_space<vmem>>[vector<16xi32>], vector<16xf32>,
      %get3A_699 = arith.constant 0 : i32
      %get3A_700 = arith.index_cast %get3A_699 : i32 to index
      %get3A_701 = arith.constant 16 : index
      %get3A_702 = tpu.vector_load %arg8[%get3A_700, %get3A_701] {strides = array<i32>} : memref<2x64xi32, #tpu.memory_space<vmem>>, vector<16xi32>,
      tpu.vector_store_idx %arg10[%get3A_702], %broadcast_in_dim3A_414 {add = true} : memref<10240xf32, #tpu.memory_space<vmem>>[vector<16xi32>], vector<16xf32>,
      %get3A_703 = arith.constant 0 : i32
      %get3A_704 = arith.index_cast %get3A_703 : i32 to index
      %get3A_705 = arith.constant 32 : index
      %get3A_706 = tpu.vector_load %arg8[%get3A_704, %get3A_705] {strides = array<i32>} : memref<2x64xi32, #tpu.memory_space<vmem>>, vector<16xi32>,
      tpu.vector_store_idx %arg10[%get3A_706], %broadcast_in_dim3A_414 {add = true} : memref<10240xf32, #tpu.memory_space<vmem>>[vector<16xi32>], vector<16xf32>,
      %get3A_707 = arith.constant 0 : i32
      %get3A_708 = arith.index_cast %get3A_707 : i32 to index
      %get3A_709 = arith.constant 48 : index
      %get3A_710 = tpu.vector_load %arg8[%get3A_708, %get3A_709] {strides = array<i32>} : memref<2x64xi32, #tpu.memory_space<vmem>>, vector<16xi32>,
      tpu.vector_store_idx %arg10[%get3A_710], %broadcast_in_dim3A_414 {add = true} : memref<10240xf32, #tpu.memory_space<vmem>>[vector<16xi32>], vector<16xf32>,
      %dma_start3A_711 = arith.constant 4 : i32
      %dma_start3A_712 = arith.constant 0 : i32
      %dma_start3A_713 = arith.constant 0 : i32
      %dma_start3A_714 = arith.constant 0 : i32
      %dma_start3A_715 = tpu.memref_slice %arg9[%dma_start3A_712, %dma_start3A_713, %dma_start3A_714] : memref<2x64x128xf32, #tpu.memory_space<vmem>> -> memref<1x64x128xf32, #tpu.memory_space<vmem>>
      %dma_start3A_716 = tpu.memref_squeeze %dma_start3A_715 : memref<1x64x128xf32, #tpu.memory_space<vmem>> -> memref<64x128xf32, #tpu.memory_space<vmem>>
      %dma_start3A_717 = arith.constant 0 : i32
      %dma_start3A_718 = tpu.memref_slice %arg7[%select_n3A_444, %dma_start3A_711, %dma_start3A_717] : memref<2x8x64xi32, #tpu.memory_space<vmem>> -> memref<1x1x64xi32, #tpu.memory_space<vmem>>
      %dma_start3A_719 = tpu.memref_squeeze %dma_start3A_718 : memref<1x1x64xi32, #tpu.memory_space<vmem>> -> memref<64xi32, #tpu.memory_space<vmem>>
      %dma_start3A_720 = arith.constant 0 : i32
      %dma_start3A_721 = arith.constant 0 : i32
      %dma_start3A_722 = tpu.memref_slice %arg2[%dma_start3A_720, %dma_start3A_721] : memref<10000x128xf32, #tpu.memory_space<hbm>> -> memref<10000x128xf32, #tpu.memory_space<hbm>>
      tpu.enqueue_indirect_dma source(%dma_start3A_722 : memref<10000x128xf32, #tpu.memory_space<hbm>>) target(%dma_start3A_716 : memref<64x128xf32, #tpu.memory_space<vmem>>) offsets(%dma_start3A_719 : memref<64xi32, #tpu.memory_space<vmem>>) semaphore(%arg13 : memref<!tpu.dma_semaphore, #tpu.memory_space<semaphore_mem>>)
      %mul3A_723 = arith.constant 8 : i32
      %mul3A_724 = arith.muli %while3A_431, %mul3A_723 : i32
      %add3A_725 = arith.constant 4 : i32
      %add3A_726 = arith.addi %mul3A_724, %add3A_725 : i32
      %dma_start3A_727 = arith.constant 0 : i32
      %dma_start3A_728 = arith.constant 0 : i32
      %dma_start3A_729 = tpu.memref_slice %arg8[%dma_start3A_727, %dma_start3A_728] : memref<2x64xi32, #tpu.memory_space<vmem>> -> memref<1x64xi32, #tpu.memory_space<vmem>>
      %dma_start3A_730 = tpu.memref_squeeze %dma_start3A_729 : memref<1x64xi32, #tpu.memory_space<vmem>> -> memref<64xi32, #tpu.memory_space<vmem>>
      %dma_start3A_731 = arith.constant 0 : i32
      %dma_start3A_732 = tpu.memref_slice %arg4[%add3A, %add3A_726, %dma_start3A_731] : memref<32x288x64xi32, #tpu.memory_space<hbm>> -> memref<1x1x64xi32, #tpu.memory_space<hbm>>
      %dma_start3A_733 = tpu.memref_squeeze %dma_start3A_732 : memref<1x1x64xi32, #tpu.memory_space<hbm>> -> memref<64xi32, #tpu.memory_space<hbm>>
      %dma_start3A_734 = arith.constant 0 : i32
      %dma_start3A_735 = tpu.memref_slice %arg8[%dma_start3A_727, %dma_start3A_734] : memref<2x64xi32, #tpu.memory_space<vmem>> -> memref<1x64xi32, #tpu.memory_space<vmem>>
      %dma_start3A_736 = tpu.memref_squeeze %dma_start3A_735 : memref<1x64xi32, #tpu.memory_space<vmem>> -> memref<64xi32, #tpu.memory_space<vmem>>
      %dma_start3A_737 = arith.constant 0 : i32
      %dma_start3A_738 = tpu.memref_slice %arg4[%add3A, %add3A_726, %dma_start3A_737] : memref<32x288x64xi32, #tpu.memory_space<hbm>> -> memref<1x1x64xi32, #tpu.memory_space<hbm>>
      %dma_start3A_739 = tpu.memref_squeeze %dma_start3A_738 : memref<1x1x64xi32, #tpu.memory_space<hbm>> -> memref<64xi32, #tpu.memory_space<hbm>>
      tpu.enqueue_dma source(%dma_start3A_739 : memref<64xi32, #tpu.memory_space<hbm>>) target(%dma_start3A_736 : memref<64xi32, #tpu.memory_space<vmem>>) target_semaphore(%arg16 : memref<!tpu.dma_semaphore, #tpu.memory_space<semaphore_mem>>)
      %dma_wait3A_740 = arith.constant 3 : i32
      %dma_wait3A_741 = arith.constant 1 : i32
      %dma_wait3A_742 = arith.constant 0 : i32
      %dma_wait3A_743 = arith.constant 0 : i32
      %dma_wait3A_744 = tpu.memref_slice %arg9[%dma_wait3A_741, %dma_wait3A_742, %dma_wait3A_743] : memref<2x64x128xf32, #tpu.memory_space<vmem>> -> memref<1x64x128xf32, #tpu.memory_space<vmem>>
      %dma_wait3A_745 = tpu.memref_squeeze %dma_wait3A_744 : memref<1x64x128xf32, #tpu.memory_space<vmem>> -> memref<64x128xf32, #tpu.memory_space<vmem>>
      %dma_wait3A_746 = arith.constant 0 : i32
      %dma_wait3A_747 = tpu.memref_slice %arg7[%select_n3A_444, %dma_wait3A_740, %dma_wait3A_746] : memref<2x8x64xi32, #tpu.memory_space<vmem>> -> memref<1x1x64xi32, #tpu.memory_space<vmem>>
      %dma_wait3A_748 = tpu.memref_squeeze %dma_wait3A_747 : memref<1x1x64xi32, #tpu.memory_space<vmem>> -> memref<64xi32, #tpu.memory_space<vmem>>
      %dma_wait3A_749 = arith.constant 0 : i32
      %dma_wait3A_750 = arith.constant 0 : i32
      %dma_wait3A_751 = tpu.memref_slice %arg2[%dma_wait3A_749, %dma_wait3A_750] : memref<10000x128xf32, #tpu.memory_space<hbm>> -> memref<10000x128xf32, #tpu.memory_space<hbm>>
      tpu.wait_indirect_dma semaphore(%arg14 : memref<!tpu.dma_semaphore, #tpu.memory_space<semaphore_mem>>) src(%dma_wait3A_751 : memref<10000x128xf32, #tpu.memory_space<hbm>>) dst(%dma_wait3A_745 : memref<64x128xf32, #tpu.memory_space<vmem>>)
      %dma_wait3A_752 = arith.constant 1 : i32
      %dma_wait3A_753 = arith.constant 0 : i32
      %dma_wait3A_754 = tpu.memref_slice %arg8[%dma_wait3A_752, %dma_wait3A_753] : memref<2x64xi32, #tpu.memory_space<vmem>> -> memref<1x64xi32, #tpu.memory_space<vmem>>
      %dma_wait3A_755 = tpu.memref_squeeze %dma_wait3A_754 : memref<1x64xi32, #tpu.memory_space<vmem>> -> memref<64xi32, #tpu.memory_space<vmem>>
      %dma_wait3A_756 = arith.constant 0 : i32
      %dma_wait3A_757 = tpu.memref_slice %arg4[%add3A, %add3A_654, %dma_wait3A_756] : memref<32x288x64xi32, #tpu.memory_space<hbm>> -> memref<1x1x64xi32, #tpu.memory_space<hbm>>
      %dma_wait3A_758 = tpu.memref_squeeze %dma_wait3A_757 : memref<1x1x64xi32, #tpu.memory_space<hbm>> -> memref<64xi32, #tpu.memory_space<hbm>>
      %dma_wait3A_759 = arith.constant 0 : i32
      %dma_wait3A_760 = tpu.memref_slice %arg8[%dma_wait3A_752, %dma_wait3A_759] : memref<2x64xi32, #tpu.memory_space<vmem>> -> memref<1x64xi32, #tpu.memory_space<vmem>>
      %dma_wait3A_761 = tpu.memref_squeeze %dma_wait3A_760 : memref<1x64xi32, #tpu.memory_space<vmem>> -> memref<64xi32, #tpu.memory_space<vmem>>
      %dma_wait3A_762 = arith.constant 0 : i32
      %dma_wait3A_763 = tpu.memref_slice %arg4[%add3A, %add3A_654, %dma_wait3A_762] : memref<32x288x64xi32, #tpu.memory_space<hbm>> -> memref<1x1x64xi32, #tpu.memory_space<hbm>>
      %dma_wait3A_764 = tpu.memref_squeeze %dma_wait3A_763 : memref<1x1x64xi32, #tpu.memory_space<hbm>> -> memref<64xi32, #tpu.memory_space<hbm>>
      tpu.wait_dma2 semaphore(%arg16 : memref<!tpu.dma_semaphore, #tpu.memory_space<semaphore_mem>>) src(%dma_wait3A_764 : memref<64xi32, #tpu.memory_space<hbm>>) dst(%dma_wait3A_761 : memref<64xi32, #tpu.memory_space<vmem>>)
      %run_scoped3A_765 = arith.constant 1 : i32
      %run_scoped3A_766 = arith.constant 1 : i32
      "tpu.region"() ({
        %run_scoped3A_1043 = tpu.sem_alloc : memref<!tpu.dma_semaphore, #tpu.memory_space<semaphore_mem>>
        %dma_start3A_1044 = arith.constant 0 : i32
        %dma_start3A_1045 = arith.constant 0 : i32
        %dma_start3A_1046 = tpu.memref_slice %arg9[%run_scoped3A_765, %dma_start3A_1044, %dma_start3A_1045] : memref<2x64x128xf32, #tpu.memory_space<vmem>> -> memref<1x64x128xf32, #tpu.memory_space<vmem>>
        %dma_start3A_1047 = tpu.memref_squeeze %dma_start3A_1046 : memref<1x64x128xf32, #tpu.memory_space<vmem>> -> memref<64x128xf32, #tpu.memory_space<vmem>>
        %dma_start3A_1048 = arith.constant 0 : i32
        %dma_start3A_1049 = tpu.memref_slice %arg8[%run_scoped3A_766, %dma_start3A_1048] : memref<2x64xi32, #tpu.memory_space<vmem>> -> memref<1x64xi32, #tpu.memory_space<vmem>>
        %dma_start3A_1050 = tpu.memref_squeeze %dma_start3A_1049 : memref<1x64xi32, #tpu.memory_space<vmem>> -> memref<64xi32, #tpu.memory_space<vmem>>
        %dma_start3A_1051 = arith.constant 0 : i32
        %dma_start3A_1052 = arith.constant 0 : i32
        %dma_start3A_1053 = tpu.memref_slice %arg12[%dma_start3A_1051, %dma_start3A_1052] : memref<10240x128xf32, #tpu.memory_space<vmem_shared>> -> memref<10240x128xf32, #tpu.memory_space<vmem_shared>>
        tpu.enqueue_indirect_dma source(%dma_start3A_1047 : memref<64x128xf32, #tpu.memory_space<vmem>>) target(%dma_start3A_1053 : memref<10240x128xf32, #tpu.memory_space<vmem_shared>>) offsets(%dma_start3A_1050 : memref<64xi32, #tpu.memory_space<vmem>>) semaphore(%run_scoped3A_1043 : memref<!tpu.dma_semaphore, #tpu.memory_space<semaphore_mem>>) {add = true}
        %dma_wait3A_1054 = arith.constant 0 : i32
        %dma_wait3A_1055 = arith.constant 0 : i32
        %dma_wait3A_1056 = tpu.memref_slice %arg9[%run_scoped3A_765, %dma_wait3A_1054, %dma_wait3A_1055] : memref<2x64x128xf32, #tpu.memory_space<vmem>> -> memref<1x64x128xf32, #tpu.memory_space<vmem>>
        %dma_wait3A_1057 = tpu.memref_squeeze %dma_wait3A_1056 : memref<1x64x128xf32, #tpu.memory_space<vmem>> -> memref<64x128xf32, #tpu.memory_space<vmem>>
        %dma_wait3A_1058 = arith.constant 0 : i32
        %dma_wait3A_1059 = tpu.memref_slice %arg8[%run_scoped3A_766, %dma_wait3A_1058] : memref<2x64xi32, #tpu.memory_space<vmem>> -> memref<1x64xi32, #tpu.memory_space<vmem>>
        %dma_wait3A_1060 = tpu.memref_squeeze %dma_wait3A_1059 : memref<1x64xi32, #tpu.memory_space<vmem>> -> memref<64xi32, #tpu.memory_space<vmem>>
        %dma_wait3A_1061 = arith.constant 0 : i32
        %dma_wait3A_1062 = arith.constant 0 : i32
        %dma_wait3A_1063 = tpu.memref_slice %arg12[%dma_wait3A_1061, %dma_wait3A_1062] : memref<10240x128xf32, #tpu.memory_space<vmem_shared>> -> memref<10240x128xf32, #tpu.memory_space<vmem_shared>>
        tpu.wait_indirect_dma semaphore(%run_scoped3A_1043 : memref<!tpu.dma_semaphore, #tpu.memory_space<semaphore_mem>>) src(%dma_wait3A_1057 : memref<64x128xf32, #tpu.memory_space<vmem>>) dst(%dma_wait3A_1063 : memref<10240x128xf32, #tpu.memory_space<vmem_shared>>)
        tpu.yield
      }) : () -> ()
      %get3A_767 = arith.constant 1 : i32
      %get3A_768 = arith.index_cast %get3A_767 : i32 to index
      %get3A_769 = arith.constant 0 : index
      %get3A_770 = tpu.vector_load %arg8[%get3A_768, %get3A_769] {strides = array<i32>} : memref<2x64xi32, #tpu.memory_space<vmem>>, vector<16xi32>,
      tpu.vector_store_idx %arg10[%get3A_770], %broadcast_in_dim3A_414 {add = true} : memref<10240xf32, #tpu.memory_space<vmem>>[vector<16xi32>], vector<16xf32>,
      %get3A_771 = arith.constant 1 : i32
      %get3A_772 = arith.index_cast %get3A_771 : i32 to index
      %get3A_773 = arith.constant 16 : index
      %get3A_774 = tpu.vector_load %arg8[%get3A_772, %get3A_773] {strides = array<i32>} : memref<2x64xi32, #tpu.memory_space<vmem>>, vector<16xi32>,
      tpu.vector_store_idx %arg10[%get3A_774], %broadcast_in_dim3A_414 {add = true} : memref<10240xf32, #tpu.memory_space<vmem>>[vector<16xi32>], vector<16xf32>,
      %get3A_775 = arith.constant 1 : i32
      %get3A_776 = arith.index_cast %get3A_775 : i32 to index
      %get3A_777 = arith.constant 32 : index
      %get3A_778 = tpu.vector_load %arg8[%get3A_776, %get3A_777] {strides = array<i32>} : memref<2x64xi32, #tpu.memory_space<vmem>>, vector<16xi32>,
      tpu.vector_store_idx %arg10[%get3A_778], %broadcast_in_dim3A_414 {add = true} : memref<10240xf32, #tpu.memory_space<vmem>>[vector<16xi32>], vector<16xf32>,
      %get3A_779 = arith.constant 1 : i32
      %get3A_780 = arith.index_cast %get3A_779 : i32 to index
      %get3A_781 = arith.constant 48 : index
      %get3A_782 = tpu.vector_load %arg8[%get3A_780, %get3A_781] {strides = array<i32>} : memref<2x64xi32, #tpu.memory_space<vmem>>, vector<16xi32>,
      tpu.vector_store_idx %arg10[%get3A_782], %broadcast_in_dim3A_414 {add = true} : memref<10240xf32, #tpu.memory_space<vmem>>[vector<16xi32>], vector<16xf32>,
      %dma_start3A_783 = arith.constant 5 : i32
      %dma_start3A_784 = arith.constant 1 : i32
      %dma_start3A_785 = arith.constant 0 : i32
      %dma_start3A_786 = arith.constant 0 : i32
      %dma_start3A_787 = tpu.memref_slice %arg9[%dma_start3A_784, %dma_start3A_785, %dma_start3A_786] : memref<2x64x128xf32, #tpu.memory_space<vmem>> -> memref<1x64x128xf32, #tpu.memory_space<vmem>>
      %dma_start3A_788 = tpu.memref_squeeze %dma_start3A_787 : memref<1x64x128xf32, #tpu.memory_space<vmem>> -> memref<64x128xf32, #tpu.memory_space<vmem>>
      %dma_start3A_789 = arith.constant 0 : i32
      %dma_start3A_790 = tpu.memref_slice %arg7[%select_n3A_444, %dma_start3A_783, %dma_start3A_789] : memref<2x8x64xi32, #tpu.memory_space<vmem>> -> memref<1x1x64xi32, #tpu.memory_space<vmem>>
      %dma_start3A_791 = tpu.memref_squeeze %dma_start3A_790 : memref<1x1x64xi32, #tpu.memory_space<vmem>> -> memref<64xi32, #tpu.memory_space<vmem>>
      %dma_start3A_792 = arith.constant 0 : i32
      %dma_start3A_793 = arith.constant 0 : i32
      %dma_start3A_794 = tpu.memref_slice %arg2[%dma_start3A_792, %dma_start3A_793] : memref<10000x128xf32, #tpu.memory_space<hbm>> -> memref<10000x128xf32, #tpu.memory_space<hbm>>
      tpu.enqueue_indirect_dma source(%dma_start3A_794 : memref<10000x128xf32, #tpu.memory_space<hbm>>) target(%dma_start3A_788 : memref<64x128xf32, #tpu.memory_space<vmem>>) offsets(%dma_start3A_791 : memref<64xi32, #tpu.memory_space<vmem>>) semaphore(%arg14 : memref<!tpu.dma_semaphore, #tpu.memory_space<semaphore_mem>>)
      %mul3A_795 = arith.constant 8 : i32
      %mul3A_796 = arith.muli %while3A_431, %mul3A_795 : i32
      %add3A_797 = arith.constant 5 : i32
      %add3A_798 = arith.addi %mul3A_796, %add3A_797 : i32
      %dma_start3A_799 = arith.constant 1 : i32
      %dma_start3A_800 = arith.constant 0 : i32
      %dma_start3A_801 = tpu.memref_slice %arg8[%dma_start3A_799, %dma_start3A_800] : memref<2x64xi32, #tpu.memory_space<vmem>> -> memref<1x64xi32, #tpu.memory_space<vmem>>
      %dma_start3A_802 = tpu.memref_squeeze %dma_start3A_801 : memref<1x64xi32, #tpu.memory_space<vmem>> -> memref<64xi32, #tpu.memory_space<vmem>>
      %dma_start3A_803 = arith.constant 0 : i32
      %dma_start3A_804 = tpu.memref_slice %arg4[%add3A, %add3A_798, %dma_start3A_803] : memref<32x288x64xi32, #tpu.memory_space<hbm>> -> memref<1x1x64xi32, #tpu.memory_space<hbm>>
      %dma_start3A_805 = tpu.memref_squeeze %dma_start3A_804 : memref<1x1x64xi32, #tpu.memory_space<hbm>> -> memref<64xi32, #tpu.memory_space<hbm>>
      %dma_start3A_806 = arith.constant 0 : i32
      %dma_start3A_807 = tpu.memref_slice %arg8[%dma_start3A_799, %dma_start3A_806] : memref<2x64xi32, #tpu.memory_space<vmem>> -> memref<1x64xi32, #tpu.memory_space<vmem>>
      %dma_start3A_808 = tpu.memref_squeeze %dma_start3A_807 : memref<1x64xi32, #tpu.memory_space<vmem>> -> memref<64xi32, #tpu.memory_space<vmem>>
      %dma_start3A_809 = arith.constant 0 : i32
      %dma_start3A_810 = tpu.memref_slice %arg4[%add3A, %add3A_798, %dma_start3A_809] : memref<32x288x64xi32, #tpu.memory_space<hbm>> -> memref<1x1x64xi32, #tpu.memory_space<hbm>>
      %dma_start3A_811 = tpu.memref_squeeze %dma_start3A_810 : memref<1x1x64xi32, #tpu.memory_space<hbm>> -> memref<64xi32, #tpu.memory_space<hbm>>
      tpu.enqueue_dma source(%dma_start3A_811 : memref<64xi32, #tpu.memory_space<hbm>>) target(%dma_start3A_808 : memref<64xi32, #tpu.memory_space<vmem>>) target_semaphore(%arg16 : memref<!tpu.dma_semaphore, #tpu.memory_space<semaphore_mem>>)
      %dma_wait3A_812 = arith.constant 4 : i32
      %dma_wait3A_813 = arith.constant 0 : i32
      %dma_wait3A_814 = arith.constant 0 : i32
      %dma_wait3A_815 = arith.constant 0 : i32
      %dma_wait3A_816 = tpu.memref_slice %arg9[%dma_wait3A_813, %dma_wait3A_814, %dma_wait3A_815] : memref<2x64x128xf32, #tpu.memory_space<vmem>> -> memref<1x64x128xf32, #tpu.memory_space<vmem>>
      %dma_wait3A_817 = tpu.memref_squeeze %dma_wait3A_816 : memref<1x64x128xf32, #tpu.memory_space<vmem>> -> memref<64x128xf32, #tpu.memory_space<vmem>>
      %dma_wait3A_818 = arith.constant 0 : i32
      %dma_wait3A_819 = tpu.memref_slice %arg7[%select_n3A_444, %dma_wait3A_812, %dma_wait3A_818] : memref<2x8x64xi32, #tpu.memory_space<vmem>> -> memref<1x1x64xi32, #tpu.memory_space<vmem>>
      %dma_wait3A_820 = tpu.memref_squeeze %dma_wait3A_819 : memref<1x1x64xi32, #tpu.memory_space<vmem>> -> memref<64xi32, #tpu.memory_space<vmem>>
      %dma_wait3A_821 = arith.constant 0 : i32
      %dma_wait3A_822 = arith.constant 0 : i32
      %dma_wait3A_823 = tpu.memref_slice %arg2[%dma_wait3A_821, %dma_wait3A_822] : memref<10000x128xf32, #tpu.memory_space<hbm>> -> memref<10000x128xf32, #tpu.memory_space<hbm>>
      tpu.wait_indirect_dma semaphore(%arg13 : memref<!tpu.dma_semaphore, #tpu.memory_space<semaphore_mem>>) src(%dma_wait3A_823 : memref<10000x128xf32, #tpu.memory_space<hbm>>) dst(%dma_wait3A_817 : memref<64x128xf32, #tpu.memory_space<vmem>>)
      %dma_wait3A_824 = arith.constant 0 : i32
      %dma_wait3A_825 = arith.constant 0 : i32
      %dma_wait3A_826 = tpu.memref_slice %arg8[%dma_wait3A_824, %dma_wait3A_825] : memref<2x64xi32, #tpu.memory_space<vmem>> -> memref<1x64xi32, #tpu.memory_space<vmem>>
      %dma_wait3A_827 = tpu.memref_squeeze %dma_wait3A_826 : memref<1x64xi32, #tpu.memory_space<vmem>> -> memref<64xi32, #tpu.memory_space<vmem>>
      %dma_wait3A_828 = arith.constant 0 : i32
      %dma_wait3A_829 = tpu.memref_slice %arg4[%add3A, %add3A_726, %dma_wait3A_828] : memref<32x288x64xi32, #tpu.memory_space<hbm>> -> memref<1x1x64xi32, #tpu.memory_space<hbm>>
      %dma_wait3A_830 = tpu.memref_squeeze %dma_wait3A_829 : memref<1x1x64xi32, #tpu.memory_space<hbm>> -> memref<64xi32, #tpu.memory_space<hbm>>
      %dma_wait3A_831 = arith.constant 0 : i32
      %dma_wait3A_832 = tpu.memref_slice %arg8[%dma_wait3A_824, %dma_wait3A_831] : memref<2x64xi32, #tpu.memory_space<vmem>> -> memref<1x64xi32, #tpu.memory_space<vmem>>
      %dma_wait3A_833 = tpu.memref_squeeze %dma_wait3A_832 : memref<1x64xi32, #tpu.memory_space<vmem>> -> memref<64xi32, #tpu.memory_space<vmem>>
      %dma_wait3A_834 = arith.constant 0 : i32
      %dma_wait3A_835 = tpu.memref_slice %arg4[%add3A, %add3A_726, %dma_wait3A_834] : memref<32x288x64xi32, #tpu.memory_space<hbm>> -> memref<1x1x64xi32, #tpu.memory_space<hbm>>
      %dma_wait3A_836 = tpu.memref_squeeze %dma_wait3A_835 : memref<1x1x64xi32, #tpu.memory_space<hbm>> -> memref<64xi32, #tpu.memory_space<hbm>>
      tpu.wait_dma2 semaphore(%arg16 : memref<!tpu.dma_semaphore, #tpu.memory_space<semaphore_mem>>) src(%dma_wait3A_836 : memref<64xi32, #tpu.memory_space<hbm>>) dst(%dma_wait3A_833 : memref<64xi32, #tpu.memory_space<vmem>>)
      %run_scoped3A_837 = arith.constant 0 : i32
      %run_scoped3A_838 = arith.constant 0 : i32
      "tpu.region"() ({
        %run_scoped3A_1043 = tpu.sem_alloc : memref<!tpu.dma_semaphore, #tpu.memory_space<semaphore_mem>>
        %dma_start3A_1044 = arith.constant 0 : i32
        %dma_start3A_1045 = arith.constant 0 : i32
        %dma_start3A_1046 = tpu.memref_slice %arg9[%run_scoped3A_837, %dma_start3A_1044, %dma_start3A_1045] : memref<2x64x128xf32, #tpu.memory_space<vmem>> -> memref<1x64x128xf32, #tpu.memory_space<vmem>>
        %dma_start3A_1047 = tpu.memref_squeeze %dma_start3A_1046 : memref<1x64x128xf32, #tpu.memory_space<vmem>> -> memref<64x128xf32, #tpu.memory_space<vmem>>
        %dma_start3A_1048 = arith.constant 0 : i32
        %dma_start3A_1049 = tpu.memref_slice %arg8[%run_scoped3A_838, %dma_start3A_1048] : memref<2x64xi32, #tpu.memory_space<vmem>> -> memref<1x64xi32, #tpu.memory_space<vmem>>
        %dma_start3A_1050 = tpu.memref_squeeze %dma_start3A_1049 : memref<1x64xi32, #tpu.memory_space<vmem>> -> memref<64xi32, #tpu.memory_space<vmem>>
        %dma_start3A_1051 = arith.constant 0 : i32
        %dma_start3A_1052 = arith.constant 0 : i32
        %dma_start3A_1053 = tpu.memref_slice %arg12[%dma_start3A_1051, %dma_start3A_1052] : memref<10240x128xf32, #tpu.memory_space<vmem_shared>> -> memref<10240x128xf32, #tpu.memory_space<vmem_shared>>
        tpu.enqueue_indirect_dma source(%dma_start3A_1047 : memref<64x128xf32, #tpu.memory_space<vmem>>) target(%dma_start3A_1053 : memref<10240x128xf32, #tpu.memory_space<vmem_shared>>) offsets(%dma_start3A_1050 : memref<64xi32, #tpu.memory_space<vmem>>) semaphore(%run_scoped3A_1043 : memref<!tpu.dma_semaphore, #tpu.memory_space<semaphore_mem>>) {add = true}
        %dma_wait3A_1054 = arith.constant 0 : i32
        %dma_wait3A_1055 = arith.constant 0 : i32
        %dma_wait3A_1056 = tpu.memref_slice %arg9[%run_scoped3A_837, %dma_wait3A_1054, %dma_wait3A_1055] : memref<2x64x128xf32, #tpu.memory_space<vmem>> -> memref<1x64x128xf32, #tpu.memory_space<vmem>>
        %dma_wait3A_1057 = tpu.memref_squeeze %dma_wait3A_1056 : memref<1x64x128xf32, #tpu.memory_space<vmem>> -> memref<64x128xf32, #tpu.memory_space<vmem>>
        %dma_wait3A_1058 = arith.constant 0 : i32
        %dma_wait3A_1059 = tpu.memref_slice %arg8[%run_scoped3A_838, %dma_wait3A_1058] : memref<2x64xi32, #tpu.memory_space<vmem>> -> memref<1x64xi32, #tpu.memory_space<vmem>>
        %dma_wait3A_1060 = tpu.memref_squeeze %dma_wait3A_1059 : memref<1x64xi32, #tpu.memory_space<vmem>> -> memref<64xi32, #tpu.memory_space<vmem>>
        %dma_wait3A_1061 = arith.constant 0 : i32
        %dma_wait3A_1062 = arith.constant 0 : i32
        %dma_wait3A_1063 = tpu.memref_slice %arg12[%dma_wait3A_1061, %dma_wait3A_1062] : memref<10240x128xf32, #tpu.memory_space<vmem_shared>> -> memref<10240x128xf32, #tpu.memory_space<vmem_shared>>
        tpu.wait_indirect_dma semaphore(%run_scoped3A_1043 : memref<!tpu.dma_semaphore, #tpu.memory_space<semaphore_mem>>) src(%dma_wait3A_1057 : memref<64x128xf32, #tpu.memory_space<vmem>>) dst(%dma_wait3A_1063 : memref<10240x128xf32, #tpu.memory_space<vmem_shared>>)
        tpu.yield
      }) : () -> ()
      %get3A_839 = arith.constant 0 : i32
      %get3A_840 = arith.index_cast %get3A_839 : i32 to index
      %get3A_841 = arith.constant 0 : index
      %get3A_842 = tpu.vector_load %arg8[%get3A_840, %get3A_841] {strides = array<i32>} : memref<2x64xi32, #tpu.memory_space<vmem>>, vector<16xi32>,
      tpu.vector_store_idx %arg10[%get3A_842], %broadcast_in_dim3A_414 {add = true} : memref<10240xf32, #tpu.memory_space<vmem>>[vector<16xi32>], vector<16xf32>,
      %get3A_843 = arith.constant 0 : i32
      %get3A_844 = arith.index_cast %get3A_843 : i32 to index
      %get3A_845 = arith.constant 16 : index
      %get3A_846 = tpu.vector_load %arg8[%get3A_844, %get3A_845] {strides = array<i32>} : memref<2x64xi32, #tpu.memory_space<vmem>>, vector<16xi32>,
      tpu.vector_store_idx %arg10[%get3A_846], %broadcast_in_dim3A_414 {add = true} : memref<10240xf32, #tpu.memory_space<vmem>>[vector<16xi32>], vector<16xf32>,
      %get3A_847 = arith.constant 0 : i32
      %get3A_848 = arith.index_cast %get3A_847 : i32 to index
      %get3A_849 = arith.constant 32 : index
      %get3A_850 = tpu.vector_load %arg8[%get3A_848, %get3A_849] {strides = array<i32>} : memref<2x64xi32, #tpu.memory_space<vmem>>, vector<16xi32>,
      tpu.vector_store_idx %arg10[%get3A_850], %broadcast_in_dim3A_414 {add = true} : memref<10240xf32, #tpu.memory_space<vmem>>[vector<16xi32>], vector<16xf32>,
      %get3A_851 = arith.constant 0 : i32
      %get3A_852 = arith.index_cast %get3A_851 : i32 to index
      %get3A_853 = arith.constant 48 : index
      %get3A_854 = tpu.vector_load %arg8[%get3A_852, %get3A_853] {strides = array<i32>} : memref<2x64xi32, #tpu.memory_space<vmem>>, vector<16xi32>,
      tpu.vector_store_idx %arg10[%get3A_854], %broadcast_in_dim3A_414 {add = true} : memref<10240xf32, #tpu.memory_space<vmem>>[vector<16xi32>], vector<16xf32>,
      %dma_start3A_855 = arith.constant 6 : i32
      %dma_start3A_856 = arith.constant 0 : i32
      %dma_start3A_857 = arith.constant 0 : i32
      %dma_start3A_858 = arith.constant 0 : i32
      %dma_start3A_859 = tpu.memref_slice %arg9[%dma_start3A_856, %dma_start3A_857, %dma_start3A_858] : memref<2x64x128xf32, #tpu.memory_space<vmem>> -> memref<1x64x128xf32, #tpu.memory_space<vmem>>
      %dma_start3A_860 = tpu.memref_squeeze %dma_start3A_859 : memref<1x64x128xf32, #tpu.memory_space<vmem>> -> memref<64x128xf32, #tpu.memory_space<vmem>>
      %dma_start3A_861 = arith.constant 0 : i32
      %dma_start3A_862 = tpu.memref_slice %arg7[%select_n3A_444, %dma_start3A_855, %dma_start3A_861] : memref<2x8x64xi32, #tpu.memory_space<vmem>> -> memref<1x1x64xi32, #tpu.memory_space<vmem>>
      %dma_start3A_863 = tpu.memref_squeeze %dma_start3A_862 : memref<1x1x64xi32, #tpu.memory_space<vmem>> -> memref<64xi32, #tpu.memory_space<vmem>>
      %dma_start3A_864 = arith.constant 0 : i32
      %dma_start3A_865 = arith.constant 0 : i32
      %dma_start3A_866 = tpu.memref_slice %arg2[%dma_start3A_864, %dma_start3A_865] : memref<10000x128xf32, #tpu.memory_space<hbm>> -> memref<10000x128xf32, #tpu.memory_space<hbm>>
      tpu.enqueue_indirect_dma source(%dma_start3A_866 : memref<10000x128xf32, #tpu.memory_space<hbm>>) target(%dma_start3A_860 : memref<64x128xf32, #tpu.memory_space<vmem>>) offsets(%dma_start3A_863 : memref<64xi32, #tpu.memory_space<vmem>>) semaphore(%arg13 : memref<!tpu.dma_semaphore, #tpu.memory_space<semaphore_mem>>)
      %mul3A_867 = arith.constant 8 : i32
      %mul3A_868 = arith.muli %while3A_431, %mul3A_867 : i32
      %add3A_869 = arith.constant 6 : i32
      %add3A_870 = arith.addi %mul3A_868, %add3A_869 : i32
      %dma_start3A_871 = arith.constant 0 : i32
      %dma_start3A_872 = arith.constant 0 : i32
      %dma_start3A_873 = tpu.memref_slice %arg8[%dma_start3A_871, %dma_start3A_872] : memref<2x64xi32, #tpu.memory_space<vmem>> -> memref<1x64xi32, #tpu.memory_space<vmem>>
      %dma_start3A_874 = tpu.memref_squeeze %dma_start3A_873 : memref<1x64xi32, #tpu.memory_space<vmem>> -> memref<64xi32, #tpu.memory_space<vmem>>
      %dma_start3A_875 = arith.constant 0 : i32
      %dma_start3A_876 = tpu.memref_slice %arg4[%add3A, %add3A_870, %dma_start3A_875] : memref<32x288x64xi32, #tpu.memory_space<hbm>> -> memref<1x1x64xi32, #tpu.memory_space<hbm>>
      %dma_start3A_877 = tpu.memref_squeeze %dma_start3A_876 : memref<1x1x64xi32, #tpu.memory_space<hbm>> -> memref<64xi32, #tpu.memory_space<hbm>>
      %dma_start3A_878 = arith.constant 0 : i32
      %dma_start3A_879 = tpu.memref_slice %arg8[%dma_start3A_871, %dma_start3A_878] : memref<2x64xi32, #tpu.memory_space<vmem>> -> memref<1x64xi32, #tpu.memory_space<vmem>>
      %dma_start3A_880 = tpu.memref_squeeze %dma_start3A_879 : memref<1x64xi32, #tpu.memory_space<vmem>> -> memref<64xi32, #tpu.memory_space<vmem>>
      %dma_start3A_881 = arith.constant 0 : i32
      %dma_start3A_882 = tpu.memref_slice %arg4[%add3A, %add3A_870, %dma_start3A_881] : memref<32x288x64xi32, #tpu.memory_space<hbm>> -> memref<1x1x64xi32, #tpu.memory_space<hbm>>
      %dma_start3A_883 = tpu.memref_squeeze %dma_start3A_882 : memref<1x1x64xi32, #tpu.memory_space<hbm>> -> memref<64xi32, #tpu.memory_space<hbm>>
      tpu.enqueue_dma source(%dma_start3A_883 : memref<64xi32, #tpu.memory_space<hbm>>) target(%dma_start3A_880 : memref<64xi32, #tpu.memory_space<vmem>>) target_semaphore(%arg16 : memref<!tpu.dma_semaphore, #tpu.memory_space<semaphore_mem>>)
      %dma_wait3A_884 = arith.constant 5 : i32
      %dma_wait3A_885 = arith.constant 1 : i32
      %dma_wait3A_886 = arith.constant 0 : i32
      %dma_wait3A_887 = arith.constant 0 : i32
      %dma_wait3A_888 = tpu.memref_slice %arg9[%dma_wait3A_885, %dma_wait3A_886, %dma_wait3A_887] : memref<2x64x128xf32, #tpu.memory_space<vmem>> -> memref<1x64x128xf32, #tpu.memory_space<vmem>>
      %dma_wait3A_889 = tpu.memref_squeeze %dma_wait3A_888 : memref<1x64x128xf32, #tpu.memory_space<vmem>> -> memref<64x128xf32, #tpu.memory_space<vmem>>
      %dma_wait3A_890 = arith.constant 0 : i32
      %dma_wait3A_891 = tpu.memref_slice %arg7[%select_n3A_444, %dma_wait3A_884, %dma_wait3A_890] : memref<2x8x64xi32, #tpu.memory_space<vmem>> -> memref<1x1x64xi32, #tpu.memory_space<vmem>>
      %dma_wait3A_892 = tpu.memref_squeeze %dma_wait3A_891 : memref<1x1x64xi32, #tpu.memory_space<vmem>> -> memref<64xi32, #tpu.memory_space<vmem>>
      %dma_wait3A_893 = arith.constant 0 : i32
      %dma_wait3A_894 = arith.constant 0 : i32
      %dma_wait3A_895 = tpu.memref_slice %arg2[%dma_wait3A_893, %dma_wait3A_894] : memref<10000x128xf32, #tpu.memory_space<hbm>> -> memref<10000x128xf32, #tpu.memory_space<hbm>>
      tpu.wait_indirect_dma semaphore(%arg14 : memref<!tpu.dma_semaphore, #tpu.memory_space<semaphore_mem>>) src(%dma_wait3A_895 : memref<10000x128xf32, #tpu.memory_space<hbm>>) dst(%dma_wait3A_889 : memref<64x128xf32, #tpu.memory_space<vmem>>)
      %dma_wait3A_896 = arith.constant 1 : i32
      %dma_wait3A_897 = arith.constant 0 : i32
      %dma_wait3A_898 = tpu.memref_slice %arg8[%dma_wait3A_896, %dma_wait3A_897] : memref<2x64xi32, #tpu.memory_space<vmem>> -> memref<1x64xi32, #tpu.memory_space<vmem>>
      %dma_wait3A_899 = tpu.memref_squeeze %dma_wait3A_898 : memref<1x64xi32, #tpu.memory_space<vmem>> -> memref<64xi32, #tpu.memory_space<vmem>>
      %dma_wait3A_900 = arith.constant 0 : i32
      %dma_wait3A_901 = tpu.memref_slice %arg4[%add3A, %add3A_798, %dma_wait3A_900] : memref<32x288x64xi32, #tpu.memory_space<hbm>> -> memref<1x1x64xi32, #tpu.memory_space<hbm>>
      %dma_wait3A_902 = tpu.memref_squeeze %dma_wait3A_901 : memref<1x1x64xi32, #tpu.memory_space<hbm>> -> memref<64xi32, #tpu.memory_space<hbm>>
      %dma_wait3A_903 = arith.constant 0 : i32
      %dma_wait3A_904 = tpu.memref_slice %arg8[%dma_wait3A_896, %dma_wait3A_903] : memref<2x64xi32, #tpu.memory_space<vmem>> -> memref<1x64xi32, #tpu.memory_space<vmem>>
      %dma_wait3A_905 = tpu.memref_squeeze %dma_wait3A_904 : memref<1x64xi32, #tpu.memory_space<vmem>> -> memref<64xi32, #tpu.memory_space<vmem>>
      %dma_wait3A_906 = arith.constant 0 : i32
      %dma_wait3A_907 = tpu.memref_slice %arg4[%add3A, %add3A_798, %dma_wait3A_906] : memref<32x288x64xi32, #tpu.memory_space<hbm>> -> memref<1x1x64xi32, #tpu.memory_space<hbm>>
      %dma_wait3A_908 = tpu.memref_squeeze %dma_wait3A_907 : memref<1x1x64xi32, #tpu.memory_space<hbm>> -> memref<64xi32, #tpu.memory_space<hbm>>
      tpu.wait_dma2 semaphore(%arg16 : memref<!tpu.dma_semaphore, #tpu.memory_space<semaphore_mem>>) src(%dma_wait3A_908 : memref<64xi32, #tpu.memory_space<hbm>>) dst(%dma_wait3A_905 : memref<64xi32, #tpu.memory_space<vmem>>)
      %run_scoped3A_909 = arith.constant 1 : i32
      %run_scoped3A_910 = arith.constant 1 : i32
      "tpu.region"() ({
        %run_scoped3A_1043 = tpu.sem_alloc : memref<!tpu.dma_semaphore, #tpu.memory_space<semaphore_mem>>
        %dma_start3A_1044 = arith.constant 0 : i32
        %dma_start3A_1045 = arith.constant 0 : i32
        %dma_start3A_1046 = tpu.memref_slice %arg9[%run_scoped3A_909, %dma_start3A_1044, %dma_start3A_1045] : memref<2x64x128xf32, #tpu.memory_space<vmem>> -> memref<1x64x128xf32, #tpu.memory_space<vmem>>
        %dma_start3A_1047 = tpu.memref_squeeze %dma_start3A_1046 : memref<1x64x128xf32, #tpu.memory_space<vmem>> -> memref<64x128xf32, #tpu.memory_space<vmem>>
        %dma_start3A_1048 = arith.constant 0 : i32
        %dma_start3A_1049 = tpu.memref_slice %arg8[%run_scoped3A_910, %dma_start3A_1048] : memref<2x64xi32, #tpu.memory_space<vmem>> -> memref<1x64xi32, #tpu.memory_space<vmem>>
        %dma_start3A_1050 = tpu.memref_squeeze %dma_start3A_1049 : memref<1x64xi32, #tpu.memory_space<vmem>> -> memref<64xi32, #tpu.memory_space<vmem>>
        %dma_start3A_1051 = arith.constant 0 : i32
        %dma_start3A_1052 = arith.constant 0 : i32
        %dma_start3A_1053 = tpu.memref_slice %arg12[%dma_start3A_1051, %dma_start3A_1052] : memref<10240x128xf32, #tpu.memory_space<vmem_shared>> -> memref<10240x128xf32, #tpu.memory_space<vmem_shared>>
        tpu.enqueue_indirect_dma source(%dma_start3A_1047 : memref<64x128xf32, #tpu.memory_space<vmem>>) target(%dma_start3A_1053 : memref<10240x128xf32, #tpu.memory_space<vmem_shared>>) offsets(%dma_start3A_1050 : memref<64xi32, #tpu.memory_space<vmem>>) semaphore(%run_scoped3A_1043 : memref<!tpu.dma_semaphore, #tpu.memory_space<semaphore_mem>>) {add = true}
        %dma_wait3A_1054 = arith.constant 0 : i32
        %dma_wait3A_1055 = arith.constant 0 : i32
        %dma_wait3A_1056 = tpu.memref_slice %arg9[%run_scoped3A_909, %dma_wait3A_1054, %dma_wait3A_1055] : memref<2x64x128xf32, #tpu.memory_space<vmem>> -> memref<1x64x128xf32, #tpu.memory_space<vmem>>
        %dma_wait3A_1057 = tpu.memref_squeeze %dma_wait3A_1056 : memref<1x64x128xf32, #tpu.memory_space<vmem>> -> memref<64x128xf32, #tpu.memory_space<vmem>>
        %dma_wait3A_1058 = arith.constant 0 : i32
        %dma_wait3A_1059 = tpu.memref_slice %arg8[%run_scoped3A_910, %dma_wait3A_1058] : memref<2x64xi32, #tpu.memory_space<vmem>> -> memref<1x64xi32, #tpu.memory_space<vmem>>
        %dma_wait3A_1060 = tpu.memref_squeeze %dma_wait3A_1059 : memref<1x64xi32, #tpu.memory_space<vmem>> -> memref<64xi32, #tpu.memory_space<vmem>>
        %dma_wait3A_1061 = arith.constant 0 : i32
        %dma_wait3A_1062 = arith.constant 0 : i32
        %dma_wait3A_1063 = tpu.memref_slice %arg12[%dma_wait3A_1061, %dma_wait3A_1062] : memref<10240x128xf32, #tpu.memory_space<vmem_shared>> -> memref<10240x128xf32, #tpu.memory_space<vmem_shared>>
        tpu.wait_indirect_dma semaphore(%run_scoped3A_1043 : memref<!tpu.dma_semaphore, #tpu.memory_space<semaphore_mem>>) src(%dma_wait3A_1057 : memref<64x128xf32, #tpu.memory_space<vmem>>) dst(%dma_wait3A_1063 : memref<10240x128xf32, #tpu.memory_space<vmem_shared>>)
        tpu.yield
      }) : () -> ()
      %get3A_911 = arith.constant 1 : i32
      %get3A_912 = arith.index_cast %get3A_911 : i32 to index
      %get3A_913 = arith.constant 0 : index
      %get3A_914 = tpu.vector_load %arg8[%get3A_912, %get3A_913] {strides = array<i32>} : memref<2x64xi32, #tpu.memory_space<vmem>>, vector<16xi32>,
      tpu.vector_store_idx %arg10[%get3A_914], %broadcast_in_dim3A_414 {add = true} : memref<10240xf32, #tpu.memory_space<vmem>>[vector<16xi32>], vector<16xf32>,
      %get3A_915 = arith.constant 1 : i32
      %get3A_916 = arith.index_cast %get3A_915 : i32 to index
      %get3A_917 = arith.constant 16 : index
      %get3A_918 = tpu.vector_load %arg8[%get3A_916, %get3A_917] {strides = array<i32>} : memref<2x64xi32, #tpu.memory_space<vmem>>, vector<16xi32>,
      tpu.vector_store_idx %arg10[%get3A_918], %broadcast_in_dim3A_414 {add = true} : memref<10240xf32, #tpu.memory_space<vmem>>[vector<16xi32>], vector<16xf32>,
      %get3A_919 = arith.constant 1 : i32
      %get3A_920 = arith.index_cast %get3A_919 : i32 to index
      %get3A_921 = arith.constant 32 : index
      %get3A_922 = tpu.vector_load %arg8[%get3A_920, %get3A_921] {strides = array<i32>} : memref<2x64xi32, #tpu.memory_space<vmem>>, vector<16xi32>,
      tpu.vector_store_idx %arg10[%get3A_922], %broadcast_in_dim3A_414 {add = true} : memref<10240xf32, #tpu.memory_space<vmem>>[vector<16xi32>], vector<16xf32>,
      %get3A_923 = arith.constant 1 : i32
      %get3A_924 = arith.index_cast %get3A_923 : i32 to index
      %get3A_925 = arith.constant 48 : index
      %get3A_926 = tpu.vector_load %arg8[%get3A_924, %get3A_925] {strides = array<i32>} : memref<2x64xi32, #tpu.memory_space<vmem>>, vector<16xi32>,
      tpu.vector_store_idx %arg10[%get3A_926], %broadcast_in_dim3A_414 {add = true} : memref<10240xf32, #tpu.memory_space<vmem>>[vector<16xi32>], vector<16xf32>,
      %dma_start3A_927 = arith.constant 7 : i32
      %dma_start3A_928 = arith.constant 1 : i32
      %dma_start3A_929 = arith.constant 0 : i32
      %dma_start3A_930 = arith.constant 0 : i32
      %dma_start3A_931 = tpu.memref_slice %arg9[%dma_start3A_928, %dma_start3A_929, %dma_start3A_930] : memref<2x64x128xf32, #tpu.memory_space<vmem>> -> memref<1x64x128xf32, #tpu.memory_space<vmem>>
      %dma_start3A_932 = tpu.memref_squeeze %dma_start3A_931 : memref<1x64x128xf32, #tpu.memory_space<vmem>> -> memref<64x128xf32, #tpu.memory_space<vmem>>
      %dma_start3A_933 = arith.constant 0 : i32
      %dma_start3A_934 = tpu.memref_slice %arg7[%select_n3A_444, %dma_start3A_927, %dma_start3A_933] : memref<2x8x64xi32, #tpu.memory_space<vmem>> -> memref<1x1x64xi32, #tpu.memory_space<vmem>>
      %dma_start3A_935 = tpu.memref_squeeze %dma_start3A_934 : memref<1x1x64xi32, #tpu.memory_space<vmem>> -> memref<64xi32, #tpu.memory_space<vmem>>
      %dma_start3A_936 = arith.constant 0 : i32
      %dma_start3A_937 = arith.constant 0 : i32
      %dma_start3A_938 = tpu.memref_slice %arg2[%dma_start3A_936, %dma_start3A_937] : memref<10000x128xf32, #tpu.memory_space<hbm>> -> memref<10000x128xf32, #tpu.memory_space<hbm>>
      tpu.enqueue_indirect_dma source(%dma_start3A_938 : memref<10000x128xf32, #tpu.memory_space<hbm>>) target(%dma_start3A_932 : memref<64x128xf32, #tpu.memory_space<vmem>>) offsets(%dma_start3A_935 : memref<64xi32, #tpu.memory_space<vmem>>) semaphore(%arg14 : memref<!tpu.dma_semaphore, #tpu.memory_space<semaphore_mem>>)
      %mul3A_939 = arith.constant 8 : i32
      %mul3A_940 = arith.muli %while3A_431, %mul3A_939 : i32
      %add3A_941 = arith.constant 7 : i32
      %add3A_942 = arith.addi %mul3A_940, %add3A_941 : i32
      %dma_start3A_943 = arith.constant 1 : i32
      %dma_start3A_944 = arith.constant 0 : i32
      %dma_start3A_945 = tpu.memref_slice %arg8[%dma_start3A_943, %dma_start3A_944] : memref<2x64xi32, #tpu.memory_space<vmem>> -> memref<1x64xi32, #tpu.memory_space<vmem>>
      %dma_start3A_946 = tpu.memref_squeeze %dma_start3A_945 : memref<1x64xi32, #tpu.memory_space<vmem>> -> memref<64xi32, #tpu.memory_space<vmem>>
      %dma_start3A_947 = arith.constant 0 : i32
      %dma_start3A_948 = tpu.memref_slice %arg4[%add3A, %add3A_942, %dma_start3A_947] : memref<32x288x64xi32, #tpu.memory_space<hbm>> -> memref<1x1x64xi32, #tpu.memory_space<hbm>>
      %dma_start3A_949 = tpu.memref_squeeze %dma_start3A_948 : memref<1x1x64xi32, #tpu.memory_space<hbm>> -> memref<64xi32, #tpu.memory_space<hbm>>
      %dma_start3A_950 = arith.constant 0 : i32
      %dma_start3A_951 = tpu.memref_slice %arg8[%dma_start3A_943, %dma_start3A_950] : memref<2x64xi32, #tpu.memory_space<vmem>> -> memref<1x64xi32, #tpu.memory_space<vmem>>
      %dma_start3A_952 = tpu.memref_squeeze %dma_start3A_951 : memref<1x64xi32, #tpu.memory_space<vmem>> -> memref<64xi32, #tpu.memory_space<vmem>>
      %dma_start3A_953 = arith.constant 0 : i32
      %dma_start3A_954 = tpu.memref_slice %arg4[%add3A, %add3A_942, %dma_start3A_953] : memref<32x288x64xi32, #tpu.memory_space<hbm>> -> memref<1x1x64xi32, #tpu.memory_space<hbm>>
      %dma_start3A_955 = tpu.memref_squeeze %dma_start3A_954 : memref<1x1x64xi32, #tpu.memory_space<hbm>> -> memref<64xi32, #tpu.memory_space<hbm>>
      tpu.enqueue_dma source(%dma_start3A_955 : memref<64xi32, #tpu.memory_space<hbm>>) target(%dma_start3A_952 : memref<64xi32, #tpu.memory_space<vmem>>) target_semaphore(%arg16 : memref<!tpu.dma_semaphore, #tpu.memory_space<semaphore_mem>>)
      %dma_wait3A_956 = arith.constant 6 : i32
      %dma_wait3A_957 = arith.constant 0 : i32
      %dma_wait3A_958 = arith.constant 0 : i32
      %dma_wait3A_959 = arith.constant 0 : i32
      %dma_wait3A_960 = tpu.memref_slice %arg9[%dma_wait3A_957, %dma_wait3A_958, %dma_wait3A_959] : memref<2x64x128xf32, #tpu.memory_space<vmem>> -> memref<1x64x128xf32, #tpu.memory_space<vmem>>
      %dma_wait3A_961 = tpu.memref_squeeze %dma_wait3A_960 : memref<1x64x128xf32, #tpu.memory_space<vmem>> -> memref<64x128xf32, #tpu.memory_space<vmem>>
      %dma_wait3A_962 = arith.constant 0 : i32
      %dma_wait3A_963 = tpu.memref_slice %arg7[%select_n3A_444, %dma_wait3A_956, %dma_wait3A_962] : memref<2x8x64xi32, #tpu.memory_space<vmem>> -> memref<1x1x64xi32, #tpu.memory_space<vmem>>
      %dma_wait3A_964 = tpu.memref_squeeze %dma_wait3A_963 : memref<1x1x64xi32, #tpu.memory_space<vmem>> -> memref<64xi32, #tpu.memory_space<vmem>>
      %dma_wait3A_965 = arith.constant 0 : i32
      %dma_wait3A_966 = arith.constant 0 : i32
      %dma_wait3A_967 = tpu.memref_slice %arg2[%dma_wait3A_965, %dma_wait3A_966] : memref<10000x128xf32, #tpu.memory_space<hbm>> -> memref<10000x128xf32, #tpu.memory_space<hbm>>
      tpu.wait_indirect_dma semaphore(%arg13 : memref<!tpu.dma_semaphore, #tpu.memory_space<semaphore_mem>>) src(%dma_wait3A_967 : memref<10000x128xf32, #tpu.memory_space<hbm>>) dst(%dma_wait3A_961 : memref<64x128xf32, #tpu.memory_space<vmem>>)
      %dma_wait3A_968 = arith.constant 0 : i32
      %dma_wait3A_969 = arith.constant 0 : i32
      %dma_wait3A_970 = tpu.memref_slice %arg8[%dma_wait3A_968, %dma_wait3A_969] : memref<2x64xi32, #tpu.memory_space<vmem>> -> memref<1x64xi32, #tpu.memory_space<vmem>>
      %dma_wait3A_971 = tpu.memref_squeeze %dma_wait3A_970 : memref<1x64xi32, #tpu.memory_space<vmem>> -> memref<64xi32, #tpu.memory_space<vmem>>
      %dma_wait3A_972 = arith.constant 0 : i32
      %dma_wait3A_973 = tpu.memref_slice %arg4[%add3A, %add3A_870, %dma_wait3A_972] : memref<32x288x64xi32, #tpu.memory_space<hbm>> -> memref<1x1x64xi32, #tpu.memory_space<hbm>>
      %dma_wait3A_974 = tpu.memref_squeeze %dma_wait3A_973 : memref<1x1x64xi32, #tpu.memory_space<hbm>> -> memref<64xi32, #tpu.memory_space<hbm>>
      %dma_wait3A_975 = arith.constant 0 : i32
      %dma_wait3A_976 = tpu.memref_slice %arg8[%dma_wait3A_968, %dma_wait3A_975] : memref<2x64xi32, #tpu.memory_space<vmem>> -> memref<1x64xi32, #tpu.memory_space<vmem>>
      %dma_wait3A_977 = tpu.memref_squeeze %dma_wait3A_976 : memref<1x64xi32, #tpu.memory_space<vmem>> -> memref<64xi32, #tpu.memory_space<vmem>>
      %dma_wait3A_978 = arith.constant 0 : i32
      %dma_wait3A_979 = tpu.memref_slice %arg4[%add3A, %add3A_870, %dma_wait3A_978] : memref<32x288x64xi32, #tpu.memory_space<hbm>> -> memref<1x1x64xi32, #tpu.memory_space<hbm>>
      %dma_wait3A_980 = tpu.memref_squeeze %dma_wait3A_979 : memref<1x1x64xi32, #tpu.memory_space<hbm>> -> memref<64xi32, #tpu.memory_space<hbm>>
      tpu.wait_dma2 semaphore(%arg16 : memref<!tpu.dma_semaphore, #tpu.memory_space<semaphore_mem>>) src(%dma_wait3A_980 : memref<64xi32, #tpu.memory_space<hbm>>) dst(%dma_wait3A_977 : memref<64xi32, #tpu.memory_space<vmem>>)
      %run_scoped3A_981 = arith.constant 0 : i32
      %run_scoped3A_982 = arith.constant 0 : i32
      "tpu.region"() ({
        %run_scoped3A_1043 = tpu.sem_alloc : memref<!tpu.dma_semaphore, #tpu.memory_space<semaphore_mem>>
        %dma_start3A_1044 = arith.constant 0 : i32
        %dma_start3A_1045 = arith.constant 0 : i32
        %dma_start3A_1046 = tpu.memref_slice %arg9[%run_scoped3A_981, %dma_start3A_1044, %dma_start3A_1045] : memref<2x64x128xf32, #tpu.memory_space<vmem>> -> memref<1x64x128xf32, #tpu.memory_space<vmem>>
        %dma_start3A_1047 = tpu.memref_squeeze %dma_start3A_1046 : memref<1x64x128xf32, #tpu.memory_space<vmem>> -> memref<64x128xf32, #tpu.memory_space<vmem>>
        %dma_start3A_1048 = arith.constant 0 : i32
        %dma_start3A_1049 = tpu.memref_slice %arg8[%run_scoped3A_982, %dma_start3A_1048] : memref<2x64xi32, #tpu.memory_space<vmem>> -> memref<1x64xi32, #tpu.memory_space<vmem>>
        %dma_start3A_1050 = tpu.memref_squeeze %dma_start3A_1049 : memref<1x64xi32, #tpu.memory_space<vmem>> -> memref<64xi32, #tpu.memory_space<vmem>>
        %dma_start3A_1051 = arith.constant 0 : i32
        %dma_start3A_1052 = arith.constant 0 : i32
        %dma_start3A_1053 = tpu.memref_slice %arg12[%dma_start3A_1051, %dma_start3A_1052] : memref<10240x128xf32, #tpu.memory_space<vmem_shared>> -> memref<10240x128xf32, #tpu.memory_space<vmem_shared>>
        tpu.enqueue_indirect_dma source(%dma_start3A_1047 : memref<64x128xf32, #tpu.memory_space<vmem>>) target(%dma_start3A_1053 : memref<10240x128xf32, #tpu.memory_space<vmem_shared>>) offsets(%dma_start3A_1050 : memref<64xi32, #tpu.memory_space<vmem>>) semaphore(%run_scoped3A_1043 : memref<!tpu.dma_semaphore, #tpu.memory_space<semaphore_mem>>) {add = true}
        %dma_wait3A_1054 = arith.constant 0 : i32
        %dma_wait3A_1055 = arith.constant 0 : i32
        %dma_wait3A_1056 = tpu.memref_slice %arg9[%run_scoped3A_981, %dma_wait3A_1054, %dma_wait3A_1055] : memref<2x64x128xf32, #tpu.memory_space<vmem>> -> memref<1x64x128xf32, #tpu.memory_space<vmem>>
        %dma_wait3A_1057 = tpu.memref_squeeze %dma_wait3A_1056 : memref<1x64x128xf32, #tpu.memory_space<vmem>> -> memref<64x128xf32, #tpu.memory_space<vmem>>
        %dma_wait3A_1058 = arith.constant 0 : i32
        %dma_wait3A_1059 = tpu.memref_slice %arg8[%run_scoped3A_982, %dma_wait3A_1058] : memref<2x64xi32, #tpu.memory_space<vmem>> -> memref<1x64xi32, #tpu.memory_space<vmem>>
        %dma_wait3A_1060 = tpu.memref_squeeze %dma_wait3A_1059 : memref<1x64xi32, #tpu.memory_space<vmem>> -> memref<64xi32, #tpu.memory_space<vmem>>
        %dma_wait3A_1061 = arith.constant 0 : i32
        %dma_wait3A_1062 = arith.constant 0 : i32
        %dma_wait3A_1063 = tpu.memref_slice %arg12[%dma_wait3A_1061, %dma_wait3A_1062] : memref<10240x128xf32, #tpu.memory_space<vmem_shared>> -> memref<10240x128xf32, #tpu.memory_space<vmem_shared>>
        tpu.wait_indirect_dma semaphore(%run_scoped3A_1043 : memref<!tpu.dma_semaphore, #tpu.memory_space<semaphore_mem>>) src(%dma_wait3A_1057 : memref<64x128xf32, #tpu.memory_space<vmem>>) dst(%dma_wait3A_1063 : memref<10240x128xf32, #tpu.memory_space<vmem_shared>>)
        tpu.yield
      }) : () -> ()
      %get3A_983 = arith.constant 0 : i32
      %get3A_984 = arith.index_cast %get3A_983 : i32 to index
      %get3A_985 = arith.constant 0 : index
      %get3A_986 = tpu.vector_load %arg8[%get3A_984, %get3A_985] {strides = array<i32>} : memref<2x64xi32, #tpu.memory_space<vmem>>, vector<16xi32>,
      tpu.vector_store_idx %arg10[%get3A_986], %broadcast_in_dim3A_414 {add = true} : memref<10240xf32, #tpu.memory_space<vmem>>[vector<16xi32>], vector<16xf32>,
      %get3A_987 = arith.constant 0 : i32
      %get3A_988 = arith.index_cast %get3A_987 : i32 to index
      %get3A_989 = arith.constant 16 : index
      %get3A_990 = tpu.vector_load %arg8[%get3A_988, %get3A_989] {strides = array<i32>} : memref<2x64xi32, #tpu.memory_space<vmem>>, vector<16xi32>,
      tpu.vector_store_idx %arg10[%get3A_990], %broadcast_in_dim3A_414 {add = true} : memref<10240xf32, #tpu.memory_space<vmem>>[vector<16xi32>], vector<16xf32>,
      %get3A_991 = arith.constant 0 : i32
      %get3A_992 = arith.index_cast %get3A_991 : i32 to index
      %get3A_993 = arith.constant 32 : index
      %get3A_994 = tpu.vector_load %arg8[%get3A_992, %get3A_993] {strides = array<i32>} : memref<2x64xi32, #tpu.memory_space<vmem>>, vector<16xi32>,
      tpu.vector_store_idx %arg10[%get3A_994], %broadcast_in_dim3A_414 {add = true} : memref<10240xf32, #tpu.memory_space<vmem>>[vector<16xi32>], vector<16xf32>,
      %get3A_995 = arith.constant 0 : i32
      %get3A_996 = arith.index_cast %get3A_995 : i32 to index
      %get3A_997 = arith.constant 48 : index
      %get3A_998 = tpu.vector_load %arg8[%get3A_996, %get3A_997] {strides = array<i32>} : memref<2x64xi32, #tpu.memory_space<vmem>>, vector<16xi32>,
      tpu.vector_store_idx %arg10[%get3A_998], %broadcast_in_dim3A_414 {add = true} : memref<10240xf32, #tpu.memory_space<vmem>>[vector<16xi32>], vector<16xf32>,
      %dma_wait3A_999 = arith.constant 7 : i32
      %dma_wait3A_1000 = arith.constant 1 : i32
      %dma_wait3A_1001 = arith.constant 0 : i32
      %dma_wait3A_1002 = arith.constant 0 : i32
      %dma_wait3A_1003 = tpu.memref_slice %arg9[%dma_wait3A_1000, %dma_wait3A_1001, %dma_wait3A_1002] : memref<2x64x128xf32, #tpu.memory_space<vmem>> -> memref<1x64x128xf32, #tpu.memory_space<vmem>>
      %dma_wait3A_1004 = tpu.memref_squeeze %dma_wait3A_1003 : memref<1x64x128xf32, #tpu.memory_space<vmem>> -> memref<64x128xf32, #tpu.memory_space<vmem>>
      %dma_wait3A_1005 = arith.constant 0 : i32
      %dma_wait3A_1006 = tpu.memref_slice %arg7[%select_n3A_444, %dma_wait3A_999, %dma_wait3A_1005] : memref<2x8x64xi32, #tpu.memory_space<vmem>> -> memref<1x1x64xi32, #tpu.memory_space<vmem>>
      %dma_wait3A_1007 = tpu.memref_squeeze %dma_wait3A_1006 : memref<1x1x64xi32, #tpu.memory_space<vmem>> -> memref<64xi32, #tpu.memory_space<vmem>>
      %dma_wait3A_1008 = arith.constant 0 : i32
      %dma_wait3A_1009 = arith.constant 0 : i32
      %dma_wait3A_1010 = tpu.memref_slice %arg2[%dma_wait3A_1008, %dma_wait3A_1009] : memref<10000x128xf32, #tpu.memory_space<hbm>> -> memref<10000x128xf32, #tpu.memory_space<hbm>>
      tpu.wait_indirect_dma semaphore(%arg14 : memref<!tpu.dma_semaphore, #tpu.memory_space<semaphore_mem>>) src(%dma_wait3A_1010 : memref<10000x128xf32, #tpu.memory_space<hbm>>) dst(%dma_wait3A_1004 : memref<64x128xf32, #tpu.memory_space<vmem>>)
      %dma_wait3A_1011 = arith.constant 1 : i32
      %dma_wait3A_1012 = arith.constant 0 : i32
      %dma_wait3A_1013 = tpu.memref_slice %arg8[%dma_wait3A_1011, %dma_wait3A_1012] : memref<2x64xi32, #tpu.memory_space<vmem>> -> memref<1x64xi32, #tpu.memory_space<vmem>>
      %dma_wait3A_1014 = tpu.memref_squeeze %dma_wait3A_1013 : memref<1x64xi32, #tpu.memory_space<vmem>> -> memref<64xi32, #tpu.memory_space<vmem>>
      %dma_wait3A_1015 = arith.constant 0 : i32
      %dma_wait3A_1016 = tpu.memref_slice %arg4[%add3A, %add3A_942, %dma_wait3A_1015] : memref<32x288x64xi32, #tpu.memory_space<hbm>> -> memref<1x1x64xi32, #tpu.memory_space<hbm>>
      %dma_wait3A_1017 = tpu.memref_squeeze %dma_wait3A_1016 : memref<1x1x64xi32, #tpu.memory_space<hbm>> -> memref<64xi32, #tpu.memory_space<hbm>>
      %dma_wait3A_1018 = arith.constant 0 : i32
      %dma_wait3A_1019 = tpu.memref_slice %arg8[%dma_wait3A_1011, %dma_wait3A_1018] : memref<2x64xi32, #tpu.memory_space<vmem>> -> memref<1x64xi32, #tpu.memory_space<vmem>>
      %dma_wait3A_1020 = tpu.memref_squeeze %dma_wait3A_1019 : memref<1x64xi32, #tpu.memory_space<vmem>> -> memref<64xi32, #tpu.memory_space<vmem>>
      %dma_wait3A_1021 = arith.constant 0 : i32
      %dma_wait3A_1022 = tpu.memref_slice %arg4[%add3A, %add3A_942, %dma_wait3A_1021] : memref<32x288x64xi32, #tpu.memory_space<hbm>> -> memref<1x1x64xi32, #tpu.memory_space<hbm>>
      %dma_wait3A_1023 = tpu.memref_squeeze %dma_wait3A_1022 : memref<1x1x64xi32, #tpu.memory_space<hbm>> -> memref<64xi32, #tpu.memory_space<hbm>>
      tpu.wait_dma2 semaphore(%arg16 : memref<!tpu.dma_semaphore, #tpu.memory_space<semaphore_mem>>) src(%dma_wait3A_1023 : memref<64xi32, #tpu.memory_space<hbm>>) dst(%dma_wait3A_1020 : memref<64xi32, #tpu.memory_space<vmem>>)
      %run_scoped3A_1024 = arith.constant 1 : i32
      %run_scoped3A_1025 = arith.constant 1 : i32
      "tpu.region"() ({
        %run_scoped3A_1043 = tpu.sem_alloc : memref<!tpu.dma_semaphore, #tpu.memory_space<semaphore_mem>>
        %dma_start3A_1044 = arith.constant 0 : i32
        %dma_start3A_1045 = arith.constant 0 : i32
        %dma_start3A_1046 = tpu.memref_slice %arg9[%run_scoped3A_1024, %dma_start3A_1044, %dma_start3A_1045] : memref<2x64x128xf32, #tpu.memory_space<vmem>> -> memref<1x64x128xf32, #tpu.memory_space<vmem>>
        %dma_start3A_1047 = tpu.memref_squeeze %dma_start3A_1046 : memref<1x64x128xf32, #tpu.memory_space<vmem>> -> memref<64x128xf32, #tpu.memory_space<vmem>>
        %dma_start3A_1048 = arith.constant 0 : i32
        %dma_start3A_1049 = tpu.memref_slice %arg8[%run_scoped3A_1025, %dma_start3A_1048] : memref<2x64xi32, #tpu.memory_space<vmem>> -> memref<1x64xi32, #tpu.memory_space<vmem>>
        %dma_start3A_1050 = tpu.memref_squeeze %dma_start3A_1049 : memref<1x64xi32, #tpu.memory_space<vmem>> -> memref<64xi32, #tpu.memory_space<vmem>>
        %dma_start3A_1051 = arith.constant 0 : i32
        %dma_start3A_1052 = arith.constant 0 : i32
        %dma_start3A_1053 = tpu.memref_slice %arg12[%dma_start3A_1051, %dma_start3A_1052] : memref<10240x128xf32, #tpu.memory_space<vmem_shared>> -> memref<10240x128xf32, #tpu.memory_space<vmem_shared>>
        tpu.enqueue_indirect_dma source(%dma_start3A_1047 : memref<64x128xf32, #tpu.memory_space<vmem>>) target(%dma_start3A_1053 : memref<10240x128xf32, #tpu.memory_space<vmem_shared>>) offsets(%dma_start3A_1050 : memref<64xi32, #tpu.memory_space<vmem>>) semaphore(%run_scoped3A_1043 : memref<!tpu.dma_semaphore, #tpu.memory_space<semaphore_mem>>) {add = true}
        %dma_wait3A_1054 = arith.constant 0 : i32
        %dma_wait3A_1055 = arith.constant 0 : i32
        %dma_wait3A_1056 = tpu.memref_slice %arg9[%run_scoped3A_1024, %dma_wait3A_1054, %dma_wait3A_1055] : memref<2x64x128xf32, #tpu.memory_space<vmem>> -> memref<1x64x128xf32, #tpu.memory_space<vmem>>
        %dma_wait3A_1057 = tpu.memref_squeeze %dma_wait3A_1056 : memref<1x64x128xf32, #tpu.memory_space<vmem>> -> memref<64x128xf32, #tpu.memory_space<vmem>>
        %dma_wait3A_1058 = arith.constant 0 : i32
        %dma_wait3A_1059 = tpu.memref_slice %arg8[%run_scoped3A_1025, %dma_wait3A_1058] : memref<2x64xi32, #tpu.memory_space<vmem>> -> memref<1x64xi32, #tpu.memory_space<vmem>>
        %dma_wait3A_1060 = tpu.memref_squeeze %dma_wait3A_1059 : memref<1x64xi32, #tpu.memory_space<vmem>> -> memref<64xi32, #tpu.memory_space<vmem>>
        %dma_wait3A_1061 = arith.constant 0 : i32
        %dma_wait3A_1062 = arith.constant 0 : i32
        %dma_wait3A_1063 = tpu.memref_slice %arg12[%dma_wait3A_1061, %dma_wait3A_1062] : memref<10240x128xf32, #tpu.memory_space<vmem_shared>> -> memref<10240x128xf32, #tpu.memory_space<vmem_shared>>
        tpu.wait_indirect_dma semaphore(%run_scoped3A_1043 : memref<!tpu.dma_semaphore, #tpu.memory_space<semaphore_mem>>) src(%dma_wait3A_1057 : memref<64x128xf32, #tpu.memory_space<vmem>>) dst(%dma_wait3A_1063 : memref<10240x128xf32, #tpu.memory_space<vmem_shared>>)
        tpu.yield
      }) : () -> ()
      %get3A_1026 = arith.constant 1 : i32
      %get3A_1027 = arith.index_cast %get3A_1026 : i32 to index
      %get3A_1028 = arith.constant 0 : index
      %get3A_1029 = tpu.vector_load %arg8[%get3A_1027, %get3A_1028] {strides = array<i32>} : memref<2x64xi32, #tpu.memory_space<vmem>>, vector<16xi32>,
      tpu.vector_store_idx %arg10[%get3A_1029], %broadcast_in_dim3A_414 {add = true} : memref<10240xf32, #tpu.memory_space<vmem>>[vector<16xi32>], vector<16xf32>,
      %get3A_1030 = arith.constant 1 : i32
      %get3A_1031 = arith.index_cast %get3A_1030 : i32 to index
      %get3A_1032 = arith.constant 16 : index
      %get3A_1033 = tpu.vector_load %arg8[%get3A_1031, %get3A_1032] {strides = array<i32>} : memref<2x64xi32, #tpu.memory_space<vmem>>, vector<16xi32>,
      tpu.vector_store_idx %arg10[%get3A_1033], %broadcast_in_dim3A_414 {add = true} : memref<10240xf32, #tpu.memory_space<vmem>>[vector<16xi32>], vector<16xf32>,
      %get3A_1034 = arith.constant 1 : i32
      %get3A_1035 = arith.index_cast %get3A_1034 : i32 to index
      %get3A_1036 = arith.constant 32 : index
      %get3A_1037 = tpu.vector_load %arg8[%get3A_1035, %get3A_1036] {strides = array<i32>} : memref<2x64xi32, #tpu.memory_space<vmem>>, vector<16xi32>,
      tpu.vector_store_idx %arg10[%get3A_1037], %broadcast_in_dim3A_414 {add = true} : memref<10240xf32, #tpu.memory_space<vmem>>[vector<16xi32>], vector<16xf32>,
      %get3A_1038 = arith.constant 1 : i32
      %get3A_1039 = arith.index_cast %get3A_1038 : i32 to index
      %get3A_1040 = arith.constant 48 : index
      %get3A_1041 = tpu.vector_load %arg8[%get3A_1039, %get3A_1040] {strides = array<i32>} : memref<2x64xi32, #tpu.memory_space<vmem>>, vector<16xi32>,
      tpu.vector_store_idx %arg10[%get3A_1041], %broadcast_in_dim3A_414 {add = true} : memref<10240xf32, #tpu.memory_space<vmem>>[vector<16xi32>], vector<16xf32>,
      %while3A_1042 = arith.constant 0 : i32
      scf.yield %while3A_1042 : i32
    }
    %barrier3A_430 = arith.constant 0 : index
    tpu.barrier barrier_id(%barrier3A_430)
    "tpu.region"() ({
      %run_scoped3A = tpu.sem_alloc : memref<!tpu.dma_semaphore, #tpu.memory_space<semaphore_mem>>
      %dma_start3A_431 = arith.constant 0 : i32
      %dma_start3A_432 = tpu.memref_slice %arg5[%arg0, %mul3A_15, %dma_start3A_431] : memref<2x10240x128xf32, #tpu.memory_space<hbm>> -> memref<1x640x128xf32, #tpu.memory_space<hbm>>
      %dma_start3A_433 = tpu.memref_squeeze %dma_start3A_432 : memref<1x640x128xf32, #tpu.memory_space<hbm>> -> memref<640x128xf32, #tpu.memory_space<hbm>>
      %dma_start3A_434 = arith.constant 0 : i32
      %dma_start3A_435 = tpu.memref_slice %arg12[%mul3A_15, %dma_start3A_434] : memref<10240x128xf32, #tpu.memory_space<vmem_shared>> -> memref<640x128xf32, #tpu.memory_space<vmem_shared>>
      tpu.enqueue_dma source(%dma_start3A_435 : memref<640x128xf32, #tpu.memory_space<vmem_shared>>) target(%dma_start3A_433 : memref<640x128xf32, #tpu.memory_space<hbm>>) target_semaphore(%run_scoped3A : memref<!tpu.dma_semaphore, #tpu.memory_space<semaphore_mem>>)
      %dma_wait3A_436 = arith.constant 0 : i32
      %dma_wait3A_437 = tpu.memref_slice %arg5[%arg0, %mul3A_15, %dma_wait3A_436] : memref<2x10240x128xf32, #tpu.memory_space<hbm>> -> memref<1x640x128xf32, #tpu.memory_space<hbm>>
      %dma_wait3A_438 = tpu.memref_squeeze %dma_wait3A_437 : memref<1x640x128xf32, #tpu.memory_space<hbm>> -> memref<640x128xf32, #tpu.memory_space<hbm>>
      %dma_wait3A_439 = arith.constant 0 : i32
      %dma_wait3A_440 = tpu.memref_slice %arg12[%mul3A_15, %dma_wait3A_439] : memref<10240x128xf32, #tpu.memory_space<vmem_shared>> -> memref<640x128xf32, #tpu.memory_space<vmem_shared>>
      tpu.wait_dma2 semaphore(%run_scoped3A : memref<!tpu.dma_semaphore, #tpu.memory_space<semaphore_mem>>) src(%dma_wait3A_440 : memref<640x128xf32, #tpu.memory_space<vmem_shared>>) dst(%dma_wait3A_438 : memref<640x128xf32, #tpu.memory_space<hbm>>)
      tpu.yield
    }) : () -> ()
    "tpu.region"() ({
      %run_scoped3A = tpu.sem_alloc : memref<!tpu.dma_semaphore, #tpu.memory_space<semaphore_mem>>
      %dma_start3A_431 = arith.constant 0 : i32
      %dma_start3A_432 = tpu.memref_slice %arg6[%add3A, %dma_start3A_431] : memref<32x10240xf32, #tpu.memory_space<hbm>> -> memref<1x10240xf32, #tpu.memory_space<hbm>>
      %dma_start3A_433 = tpu.memref_squeeze %dma_start3A_432 : memref<1x10240xf32, #tpu.memory_space<hbm>> -> memref<10240xf32, #tpu.memory_space<hbm>>
      %dma_start3A_434 = arith.constant 0 : i32
      %dma_start3A_435 = tpu.memref_slice %arg6[%add3A, %dma_start3A_434] : memref<32x10240xf32, #tpu.memory_space<hbm>> -> memref<1x10240xf32, #tpu.memory_space<hbm>>
      %dma_start3A_436 = tpu.memref_squeeze %dma_start3A_435 : memref<1x10240xf32, #tpu.memory_space<hbm>> -> memref<10240xf32, #tpu.memory_space<hbm>>
      tpu.enqueue_dma source(%arg10 : memref<10240xf32, #tpu.memory_space<vmem>>) target(%dma_start3A_436 : memref<10240xf32, #tpu.memory_space<hbm>>) target_semaphore(%run_scoped3A : memref<!tpu.dma_semaphore, #tpu.memory_space<semaphore_mem>>)
      %dma_wait3A_437 = arith.constant 0 : i32
      %dma_wait3A_438 = tpu.memref_slice %arg6[%add3A, %dma_wait3A_437] : memref<32x10240xf32, #tpu.memory_space<hbm>> -> memref<1x10240xf32, #tpu.memory_space<hbm>>
      %dma_wait3A_439 = tpu.memref_squeeze %dma_wait3A_438 : memref<1x10240xf32, #tpu.memory_space<hbm>> -> memref<10240xf32, #tpu.memory_space<hbm>>
      %dma_wait3A_440 = arith.constant 0 : i32
      %dma_wait3A_441 = tpu.memref_slice %arg6[%add3A, %dma_wait3A_440] : memref<32x10240xf32, #tpu.memory_space<hbm>> -> memref<1x10240xf32, #tpu.memory_space<hbm>>
      %dma_wait3A_442 = tpu.memref_squeeze %dma_wait3A_441 : memref<1x10240xf32, #tpu.memory_space<hbm>> -> memref<10240xf32, #tpu.memory_space<hbm>>
      tpu.wait_dma2 semaphore(%run_scoped3A : memref<!tpu.dma_semaphore, #tpu.memory_space<semaphore_mem>>) src(%arg10 : memref<10240xf32, #tpu.memory_space<vmem>>) dst(%dma_wait3A_442 : memref<10240xf32, #tpu.memory_space<hbm>>)
      tpu.yield
    }) : () -> ()
    return
  }
}

module attributes {stable_mosaic.version = 14 : i64} {
  func.func @body(%arg0: i32, %arg1: memref<2048x128xf32, #tpu.memory_space<vmem>>, %arg2: memref<2048x128xf32, #tpu.memory_space<vmem>>, %arg3: memref<32x2048xf32, #tpu.memory_space<vmem>>, %arg4: memref<2048x128xf32, #tpu.memory_space<vmem>>) attributes {dimension_semantics = [#tpu.dimension_semantics<arbitrary>], iteration_bounds = array<i64: 5>, scalar_prefetch = 0 : i64, scratch_operands = 0 : i64, tpu.core_type = #tpu.core_type<tc>, window_params = [{transform_indices = @transform_0, window_bounds = array<i64: 2048, 128>}, {transform_indices = @transform_1, window_bounds = array<i64: 2048, 128>}, {transform_indices = @transform_2, window_bounds = array<i64: 32, 2048>}, {transform_indices = @transform_3, window_bounds = array<i64: 2048, 128>}]} {
    %get3A = arith.constant 0 : index
    %get3A_0 = arith.constant 0 : index
    %get3A_1 = vector.load %arg3[%get3A, %get3A_0] : memref<32x2048xf32, #tpu.memory_space<vmem>>, vector<32x2048xf32>
    %reduce_sum3A = arith.constant dense<0.000000e+00> : vector<2048xf32>
    %reduce_sum3A_2 = vector.multi_reduction <add>, %get3A_1, %reduce_sum3A [0] : vector<32x2048xf32> to vector<2048xf32>
    %broadcast_in_dim3A = vector.shape_cast %reduce_sum3A_2 : vector<2048xf32> to vector<2048x1xf32>
    %get3A_3 = arith.constant 0 : index
    %get3A_4 = arith.constant 0 : index
    %get3A_5 = vector.load %arg1[%get3A_3, %get3A_4] : memref<2048x128xf32, #tpu.memory_space<vmem>>, vector<2048x128xf32>
    %get3A_6 = arith.constant 0 : index
    %get3A_7 = arith.constant 0 : index
    %get3A_8 = vector.load %arg2[%get3A_6, %get3A_7] : memref<2048x128xf32, #tpu.memory_space<vmem>>, vector<2048x128xf32>
    %add3A = arith.addf %get3A_5, %get3A_8 : vector<2048x128xf32>
    %max3A = arith.constant 1.000000e+00 : f32
    %max3A_9 = vector.broadcast %max3A : f32 to vector<2048x1xf32>
    %max3A_10 = arith.maximumf %broadcast_in_dim3A, %max3A_9 : vector<2048x1xf32>
    %div3A = vector.broadcast %max3A_10 : vector<2048x1xf32> to vector<2048x128xf32>
    %div3A_11 = arith.divf %add3A, %div3A : vector<2048x128xf32>
    %swap3A = arith.constant 0 : index
    %swap3A_12 = arith.constant 0 : index
    %swap3A_13 = vector.load %arg4[%swap3A, %swap3A_12] : memref<2048x128xf32, #tpu.memory_space<vmem>>, vector<2048x128xf32>
    tpu.vector_store %arg4[%swap3A, %swap3A_12], %div3A_11 {strides = array<i32>} : memref<2048x128xf32, #tpu.memory_space<vmem>>, vector<2048x128xf32>,
    return
  }
  func.func @transform_0(%arg0: i32) -> (i32, i32) {
    %c0_i32 = arith.constant 0 : i32
    %c0_i32_0 = arith.constant 0 : i32
    return %arg0, %c0_i32 : i32, i32
  }
  func.func @transform_1(%arg0: i32) -> (i32, i32) {
    %c0_i32 = arith.constant 0 : i32
    %c0_i32_0 = arith.constant 0 : i32
    return %arg0, %c0_i32 : i32, i32
  }
  func.func @transform_2(%arg0: i32) -> (i32, i32) {
    %c0_i32 = arith.constant 0 : i32
    %c0_i32_0 = arith.constant 0 : i32
    return %c0_i32, %arg0 : i32, i32
  }
  func.func @transform_3(%arg0: i32) -> (i32, i32) {
    %c0_i32 = arith.constant 0 : i32
    %c0_i32_0 = arith.constant 0 : i32
    return %arg0, %c0_i32 : i32, i32
  }
}

</mosaic_0001>

<sc_bundles>
// kernel: kernel.4.cloned.1.call-start
scs
__scs_entry_jumppad:
0x0: {  	(pc) =	sbr.rel $0x88, $3  }
0x1: {  	(tag) =	ssettag $0x0;
	lr =	simm.s32 $0x1  }
0x2: {  	[smem:$0x3F9F] =	sst lr;
	_ =	strace $0xD0000000  }
0x3: {  	_ = 	snop  }
0x4: {  	_ = 	snop  }
0x5: {  	_ = 	snop  }
0x6: {  	_ = 	snop  }
0x7: {  	_ = 	snop  }
__scs_overlays_trampoline_lowered:
0x8: {  	[smem:$0x3FAE] =	sst s0  }
0x9: {  	[smem:$0x3FAF] =	sst s1  }
0xa: {  	[smem:$0x3FB0] =	sst s2  }
0xb: {  	[smem:$0x3FB1] =	sst s3  }
0xc: {  	[smem:$0x3FB2] =	sst s4  }
0xd: {  	[smem:$0x3FB3] =	sst s5  }
0xe: {  	[smem:$0x3FB4] =	sst s6  }
0xf: {  	[smem:$0x3FB5] =	sst s7  }
0x10: {  	[smem:$0x3FB6] =	sst s8  }
0x11: {  	[smem:$0x3FB7] =	sst s9;
	s0 =	simm.s32 @!p0 $0x0  }
0x12: {  	s1 =	sld [smem:$0x3F9D];
	s0 =	simm.s32 @p0 $0x1  }
0x13: {  	[smem:$0x3FB8] =	sst s0;
	s0 =	simm.s32 @!p1 $0x0  }
0x14: {  	s2 =	sld [smem:$0x3F9C];
	s0 =	simm.s32 @p1 $0x1  }
0x15: {  	[smem:$0x3FB9] =	sst s0;
	s0 =	simm.s32 @!p2 $0x0  }
0x16: {  	s3 =	sld [smem:$0x3FDB];
	s0 =	simm.s32 @p2 $0x1  }
0x17: {  	s4 =	simm.s32 $0x1BF5;
	[smem:$0x3FBB] =	sst s0  }
0x18: {  	s0 =	sld [smem:$0x3F9E];
	_ =	swait.ge [sflag:s4], $0x0  }
0x19: {  	s7 =	sld [smem:$0x3F9F]  }
0x1a: {  	s8 =	sadd.s32 $0xFFFFE003, lr  }
0x1b: {  	s9 =	sadd.s32 $0xFFFFFEF7, lr;
	s5 =	simm.s32 $0xFFFFFFFF;
	p2 =	slt.u32 s8, $0xFFFFF086  }
0x1c: {  	p1 =	slt.u32 s9, $0xF7A;
	s5 =	simm.s32 @!p2 $0x0  }
0x1d: {  	s5 =	simm.s32 @p1 $0x1;
	p0 =	seq.s32 s7, s2  }
0x1e: {  	s7 =	smul.u32 @!p0 $0xF7A, s2;
	p2 =	seq.s32 @!p0 s5, $0x0  }
0x1f: {  	s9 =	smul.u32 $0xF7A, s1;
	s8 =	simm.s32 @!p0 $0x1BF5;
	p2 =	por !p2, p0  }
0x20: {  	[sflag:s8] =	ssyncset.s32 @!p0 $0xFFFFF086;
	s6 =	sadd.s32 @!p0 s3, s7;
	s7 =	simm.s32 @!p0 $0x108  }
0x21: {  	s3 =	sadd.s32 s3, s9;
	s6 =	sadd.s32 @!p0 $0x88, s6;
	s7 =	simm.s32 @p2 $0x1082  }
0x22: {  	[simem:s7], [sflag:s8] =	dma.local @!p0 [hbm:s6], $0xF7A  }
0x23: {  	s9 =	sor.u32 $0xD0000000, s2;
	s6 =	simm.s32 $0x108;
	_ =	swait.ge @!p0 [sflag:s8], $0x0  }
0x24: {  	s3 =	sadd.s32 $0x88, s3;
	s6 =	simm.s32 @!p1 $0x1082;
	[sflag:s4] =	ssyncset.s32 $0xFFFFF086  }
0x25: {  	[simem:s6], [sflag:s4] =	dma.local [hbm:s3], $0xF7A  }
0x26: {  	[smem:$0x3F9F] =	sst s1;
	(tag) =	ssettag s2;
	_ =	strace s9  }
0x27: {  	s1 =	sld [smem:$0x3FAF]  }
0x28: {  	s2 =	sld [smem:$0x3FB0]  }
0x29: {  	s4 =	sld [smem:$0x3FB2]  }
0x2a: {  	p0 =	seq.s32 s5, $0x0;
	s5 =	sld [smem:$0x3FB3]  }
0x2b: {  	s6 =	sld [smem:$0x3FB4]  }
0x2c: {  	s7 =	sld [smem:$0x3FB5]  }
0x2d: {  	s3 =	simm.s32 $0x108;
	s8 =	sld [smem:$0x3FB6]  }
0x2e: {  	s3 =	simm.s32 @!p0 $0x1082;
	s9 =	sld [smem:$0x3FB7]  }
0x2f: {  	lr =	sadd.s32 s0, s3;
	s0 =	sld [smem:$0x3FAE]  }
0x30: {  	s3 =	sld [smem:$0x3FB1]  }
0x31: {  	[smem:$0x3FBA] =	sst s10  }
0x32: {  	s10 =	sld [smem:$0x3FB8];
	_ =	sdelay $0x3  }
0x33: {  	p0 =	seq.s32 s10, $0x1;
	s10 =	sld [smem:$0x3FBA];
	_ =	sdelay $0x3  }
0x34: {  	[smem:$0x3FBA] =	sst s10  }
0x35: {  	s10 =	sld [smem:$0x3FB9];
	_ =	sdelay $0x3  }
0x36: {  	p1 =	seq.s32 s10, $0x1;
	s10 =	sld [smem:$0x3FBA];
	_ =	sdelay $0x3  }
0x37: {  	[smem:$0x3FBA] =	sst s10  }
0x38: {  	s10 =	sld [smem:$0x3FBB]  }
0x39: {  	_ = 	snop;
	(pc) =	sbr.ind lr, $3  }
0x3a: {  	_ = 	snop  }
0x3b: {  	_ = 	snop  }
0x3c: {  	p2 =	seq.s32 s10, $0x1;
	s10 =	sld [smem:$0x3FBA]  }
0x3d: {  	_ =	shalt  }
0x3e: {  	_ =	shalt  }
0x3f: {  	_ =	shalt  }
0x40: {  	_ =	shalt  }
0x41: {  	_ =	shalt  }
0x42: {  	_ =	shalt  }
0x43: {  	_ =	shalt  }
0x44: {  	_ =	shalt  }
0x45: {  	_ =	shalt  }
0x46: {  	_ =	shalt  }
0x47: {  	_ =	shalt  }
0x48: {  	_ =	shalt  }
0x49: {  	_ =	shalt  }
0x4a: {  	_ =	shalt  }
0x4b: {  	_ =	shalt  }
0x4c: {  	_ =	shalt  }
0x4d: {  	_ =	shalt  }
0x4e: {  	_ =	shalt  }
0x4f: {  	_ =	shalt  }
0x50: {  	_ =	shalt  }
0x51: {  	_ =	shalt  }
0x52: {  	_ =	shalt  }
0x53: {  	_ =	shalt  }
0x54: {  	_ =	shalt  }
0x55: {  	_ =	shalt  }
0x56: {  	_ =	shalt  }
0x57: {  	_ =	shalt  }
0x58: {  	_ =	shalt  }
0x59: {  	_ =	shalt  }
0x5a: {  	_ =	shalt  }
0x5b: {  	_ =	shalt  }
0x5c: {  	_ =	shalt  }
0x5d: {  	_ =	shalt  }
0x5e: {  	_ =	shalt  }
0x5f: {  	_ =	shalt  }
0x60: {  	_ =	shalt  }
0x61: {  	_ =	shalt  }
0x62: {  	_ =	shalt  }
0x63: {  	_ =	shalt  }
0x64: {  	_ =	shalt  }
0x65: {  	_ =	shalt  }
0x66: {  	_ =	shalt  }
0x67: {  	_ =	shalt  }
0x68: {  	_ =	shalt  }
0x69: {  	_ =	shalt  }
0x6a: {  	_ =	shalt  }
0x6b: {  	_ =	shalt  }
0x6c: {  	_ =	shalt  }
0x6d: {  	_ =	shalt  }
0x6e: {  	_ =	shalt  }
0x6f: {  	_ =	shalt  }
0x70: {  	_ =	shalt  }
0x71: {  	_ =	shalt  }
0x72: {  	_ =	shalt  }
0x73: {  	_ =	shalt  }
0x74: {  	_ =	shalt  }
0x75: {  	_ =	shalt  }
0x76: {  	_ =	shalt  }
0x77: {  	_ =	shalt  }
0x78: {  	_ =	shalt  }
0x79: {  	_ =	shalt  }
0x7a: {  	_ =	shalt  }
0x7b: {  	_ =	shalt  }
0x7c: {  	_ =	shalt  }
0x7d: {  	_ =	shalt  }
0x7e: {  	_ =	shalt  }
0x7f: {  	_ =	shalt  }
0x80: {  	_ =	shalt  }
0x81: {  	_ =	shalt  }
0x82: {  	_ =	shalt  }
0x83: {  	_ =	shalt  }
0x84: {  	_ =	shalt  }
0x85: {  	_ =	shalt  }
0x86: {  	_ =	shalt  }
0x87: {  	_ =	shalt  }
.Lfunc_end0:
.L_simem_size_0:
called_computation_lowered:
.L_overlay_start_0:
0x88: {  	s2 =	sld [smem:$0x3FD9]  }
0x89: {  	s3 =	sld [smem:$0x3FFE];
	_ =	sdelay $0x1  }
0x8a: {  	s1 =	srdreg.scid  }
0x8b: {  	s0 =	sand.u32 $0x1, s1  }
0x8c: {  	s17 =	sshll.u32 s0, $0xA;
	s2 =	sadd.s32 s3, s2  }
0x8d: {  	s2 =	sadd.s32 s2, s17  }
0x8e: {  	[smem:$0x3FC6] =	sst s2  }
0x8f: {  	_ = 	snop  }
0x90: {  	s2 =	sld [smem:$0x3FC9]  }
0x91: {  	s18 =	sld [smem:$0x3FD0];
	(tm) =	ssettm $0x1  }
0x92: {  	s4 =	sld [smem:$0x3FFB];
	_ =	sdelay $0x3  }
0x93: {  	_ =	strace s4  }
0x94: {  	s4 =	sld [smem:$0x3FFC];
	_ =	sdelay $0x3  }
0x95: {  	_ =	strace s4  }
0x96: {  	s4 =	sld [smem:$0x3FFD];
	_ =	sdelay $0x3  }
0x97: {  	_ =	strace s4  }
0x98: {  	_ =	strace $0x8FFFFFFF  }
0x99: {  	s19 =	sld [smem:$0x3FDB];
	_ =	sdelay $0x1  }
0x9a: {  	s5 =	simm.s32 $_scs_section_size  }
0x9b: {  	s6 =	simm.s32 $_size__tile_overlayer_lowered;
	s7 =	simm.s32 $_tile_overlayer_lowered  }
0x9c: {  	s22 =	simm.s32 $0x1BFF;
	s21 =	sshll.u32 s7, $0x1;
	s4 =	sadd.s32 s5, s19  }
0x9d: {  	s8 =	simm.s32 $0x0;
	s20 =	sshll.u32 s6, $0x1;
	s6 =	sadd.s32 s21, s4  }
0x9e: {  	[timem:s8], [sflag:s22] =	dma.local [hbm:s6], s20  }
0x9f: {  	_ =	swait.ge [sflag:s22], s20  }
0xa0: {  	s5 =	ssub.s32 $0x0, s20;
	[sflag:s22] =	ssyncset.done $0x0  }
0xa1: {  	[sflag:s22] =	ssyncadd.s32 s5;
	_ =	sdelay $0x1  }
0xa2: {  	s23 =	simm.s32 $0x1B8B  }
0xa3: {  	_ =	swait.ge [sflag:s23], $0x1  }
0xa4: {  	[sflag:s23] =	ssyncset.done $0x0  }
0xa5: {  	s25 =	simm.s32 $0x1B8E;
	s24 =	sld [smem:$0x3FFE];
	[sflag:s23] =	ssyncadd.s32 $0xFFFFFFFF  }
0xa6: {  	s26 =	simm.s32 $execute0_lowered;
	[smem:$0x3FD2] =	sst s25  }
0xa7: {  	s6 =	sshll.u32 s26, $0x1;
	_ =	strace $0x80000046;
	[dreg:$0x1] =	wrdreg $0xFFFFFFFF  }
0xa8: {  	s28 =	simm.s32 $_size_execute0_lowered;
	s4 =	sadd.s32 s4, s6;
	[dreg:$0x0] =	wrdreg $0x0  }
0xa9: {  	s6 =	sshll.u32 s28, $0x1;
	[dreg:$0x2] =	wrdreg s4  }
0xaa: {  	[dreg:$0x3] =	wrdreg s6  }
0xab: {  	[dreg:$0x4] =	wrdreg $0xC0  }
0xac: {  	_ =	task [dreg:s8], $0x5FFFF  }
0xad: {  	[dreg:$0x1] =	wrdreg $0xFFFFFFFF  }
0xae: {  	[dreg:$0x0] =	wrdreg $0x60  }
0xaf: {  	[dreg:$0x2] =	wrdreg s2  }
0xb0: {  	[dreg:$0x3] =	wrdreg s18  }
0xb1: {  	[dreg:$0x4] =	wrdreg s24  }
0xb2: {  	[dreg:$0x5] =	wrdreg $0x79000  }
0xb3: {  	[dreg:$0x6] =	wrdreg $0x9  }
0xb4: {  	_ =	task.clear_ibuf [dreg:s8], $0x7FFFF;
	_ =	strace $0x90000046  }
0xb5: {  	s29 =	simm.s32 $0x9;
	_ =	strace $0x80000048  }
0xb6: {  	_ =	swait.ge [sflag:s29], $0x1  }
0xb7: {  	[sflag:s29] =	ssyncadd.s32 $0xFFFFFFFF  }
0xb8: {  	_ =	strace $0x90000048  }
0xb9: {  	_ =	sfence  }
0xba: {  	s30 =	sld [smem:$0x0];
	_ =	sdelay $0x2  }
0xbb: {  	s31 =	sshll.u32 s1, $0xD;
	s1 =	sshrl.u32 s1, $0x2  }
0xbc: {  	s3 =	sand.u32 $0x4000, s31;
	s1 =	sadd.s32 s1, s30  }
0xbd: {  	s0 =	sor.u32 s3, s0;
	s1 =	sshll.u32 s1, $0x11  }
0xbe: {  	s0 =	sor.u32 s1, s0  }
0xbf: {  	s0 =	sadd.s32 $0x8F2B, s0  }
0xc0: {  	[sflag:s0] =	ssyncadd.remote.s32 $0x1  }
0xc1: {  	_ =	sfence.sel $0xFFFF  }
0xc2: {  	[dreg:$0x0] =	wrdreg $0xFFFFFFFF;
	(pc) =	sbr.abs _section_cstart, $3  }
0xc3: {  	[dreg:$0x1] =	wrdreg $0xFFFFFFFF  }
0xc4: {  	_ =	task.clear_ibuf [dreg:s8], $0x2FFFF;
	_ =	strace $0x9FFFFFFF  }
0xc5: {  	(tm) =	ssettm $0x7FFFFFFF  }
tec
execute0_lowered:
.L_overlay_start_1:
0x0: {  	(tag) =	ssettag $0x1  }
0x1: {  	s1 =	rddreg [dreg:$0x0]  }
0x2: {  	s0 =	rddreg [dreg:$0x1]  }
0x3: {  	s4 =	srdreg.scid;
	s13 =	stileid.u32  }
0x4: {  	s6 =	sand.u32 $0x1, s4;
	s7 =	smul.u32 $0x14000, s13;
	s8 =	sshll.u32 s13, $0x1  }
0x5: {  	s9 =	sshrl.u32 s13, $0x2;
	s5 =	smul.u32 $0x140000, s6;
	s8 =	sor.u32 s6, s8  }
0x6: {  	s2 =	rddreg [dreg:$0x2];
	s15 =	smul.u32 $0x14000, s9;
	s16 =	sshll.u32 s8, $0x7  }
0x7: {  	s10 =	smul.u32 $0x50000, s13;
	s5 =	sadd.s32 s7, s5;
	s9 =	sand.u32 $0x380, s16  }
0x8: {  	s3 =	rddreg [dreg:$0x3];
	s5 =	sshrl.u32 s5, $0x3;
	s17 =	sor.u32 s15, s9  }
0x9: {  	s19 =	sshrl.u32 s10, $0x2;
	s11 =	sadd.s32 s5, s2;
	s5 =	sshrl.u32 s17, $0x3  }
0xa: {  	s4 =	simm.s32 $0x0;
	s10 =	sadd.s32 s5, s2;
	s5 =	sadd.s32 s19, s3  }
0xb: {  	[smem:$0x7FF] =	sst s4;
	s9 =	sadd.s32 $0x800, s5  }
0xc: {  	_ =	strace $0x80000047;
	s20 =	sadd.s32 $0x1000, s5;
	[dreg:$0x8] =	wrdreg s9  }
0xd: {  	s21 =	sadd.s32 $0x1800, s5;
	[dreg:$0x9] =	wrdreg s20  }
0xe: {  	s22 =	sadd.s32 $0x2000, s5;
	[dreg:$0xa] =	wrdreg s21  }
0xf: {  	s24 =	sadd.s32 $0x2800, s5;
	[dreg:$0xb] =	wrdreg s22  }
0x10: {  	s25 =	sadd.s32 $0x3000, s5;
	[dreg:$0xc] =	wrdreg s24  }
0x11: {  	s14 =	sadd.s32 $0x3800, s5;
	[dreg:$0xd] =	wrdreg s25  }
0x12: {  	s15 =	sadd.s32 $0x4000, s5;
	[dreg:$0xe] =	wrdreg s14  }
0x13: {  	s18 =	ssub.s32 $0x2, s6;
	s16 =	sadd.s32 $0x4800, s5;
	[dreg:$0xf] =	wrdreg s15  }
0x14: {  	s12 =	sshrl.u32 s18, $0x1;
	s17 =	sadd.s32 $0x5000, s5;
	[dreg:$0x10] =	wrdreg s16  }
0x15: {  	s7 =	ssub.s32 s18, s12;
	s18 =	sadd.s32 $0x5800, s5;
	[dreg:$0x11] =	wrdreg s17  }
0x16: {  	s26 =	smul.u32 $0x9000, s6;
	s19 =	sadd.s32 $0x6000, s5;
	[dreg:$0x12] =	wrdreg s18  }
0x17: {  	p0 =	seq.s32 s6, $0x0;
	s6 =	sadd.s32 $0x74000, s10;
	[dreg:$0x13] =	wrdreg s19  }
0x18: {  	s28 =	simm.s32 $0x900;
	s10 =	sadd.s32 $0x8800, s5;
	[dreg:$0x19] =	wrdreg s6  }
0x19: {  	s23 =	smul.u32 $0x12000, s13;
	s12 =	sadd.s32 $0x9800, s5;
	[dreg:$0x1c] =	wrdreg s10  }
0x1a: {  	s29 =	simm.s32 $0x800;
	s13 =	sadd.s32 $0xA000, s5;
	[dreg:$0x1e] =	wrdreg s12  }
0x1b: {  	s9 =	sadd.s32 s26, s23;
	s23 =	sadd.s32 $0x6800, s5;
	[dreg:$0x1f] =	wrdreg s13  }
0x1c: {  	s30 =	simm.s32 $0x2900;
	s25 =	sadd.s32 $0x7000, s5;
	[dreg:$0x14] =	wrdreg s23  }
0x1d: {  	s31 =	simm.s32 $0x880;
	s26 =	sadd.s32 $0x7800, s5;
	[dreg:$0x16] =	wrdreg s25  }
0x1e: {  	s8 =	smul.u32 $0x1200, s8;
	s14 =	sadd.s32 $0xA800, s5;
	[dreg:$0x17] =	wrdreg s26  }
0x1f: {  	s18 =	simm.s32 $0x24;
	s15 =	sadd.s32 $0xB000, s5;
	[smem:$0x7F2] =	sst s14  }
0x20: {  	s16 =	sadd.s32 $0xB800, s5;
	s17 =	sadd.s32 $0xC000, s5;
	[smem:$0x7F3] =	sst s15  }
0x21: {  	s19 =	sadd.s32 $0xC800, s5;
	s6 =	simm.s32 $0x5;
	[smem:$0x7F4] =	sst s16  }
0x22: {  	s20 =	sshrl.u32 s9, $0x3;
	s21 =	sor.u32 $0x400, s9;
	[smem:$0x7F5] =	sst s17  }
0x23: {  	s18 =	simm.s32 @!p0 $0x4;
	s9 =	sadd.s32 $0x8000, s5;
	[smem:$0x7F6] =	sst s19  }
0x24: {  	s23 =	sadd.s32 $0xE800, s5;
	s25 =	sadd.s32 $0xF800, s5;
	[dreg:$0x1b] =	wrdreg s9  }
0x25: {  	s26 =	sadd.s32 $0x10000, s5;
	s16 =	sadd.s32 $0x10800, s5;
	[smem:$0x7FA] =	sst s23  }
0x26: {  	s17 =	sadd.s32 $0x11000, s5;
	s19 =	sadd.s32 $0x11800, s5;
	[smem:$0x7FC] =	sst s25  }
0x27: {  	s2 =	sadd.s32 s20, s2;
	s22 =	sshrl.u32 s21, $0x3;
	[smem:$0x7FD] =	sst s26  }
0x28: {  	s24 =	sshll.u32 s18, $0x7;
	s20 =	sadd.s32 $0xD000, s5;
	[dreg:$0x5] =	wrdreg s2  }
0x29: {  	s21 =	sadd.s32 $0xD800, s5;
	s23 =	sadd.s32 $0x13800, s5;
	[dreg:$0x7] =	wrdreg s24  }
0x2a: {  	s25 =	simm.s32 $0x3;
	s26 =	simm.s32 $0x40;
	[smem:$0x7F7] =	sst s20  }
0x2b: {  	s2 =	sadd.s32 s22, s0;
	s0 =	sadd.s32 s0, s8;
	[smem:$0x7F8] =	sst s21  }
0x2c: {  	s9 =	simm.s32 $0x0;
	s8 =	smax.u32 s7, $0x1;
	[dreg:$0x15] =	wrdreg s0  }
0x2d: {  	s22 =	sadd.s32 $0xE000, s5;
	s24 =	sadd.s32 $0xF000, s5;
	[dreg:$0x6] =	wrdreg s2  }
0x2e: {  	s20 =	sadd.s32 $0x12000, s5;
	s21 =	sadd.s32 $0x12800, s5;
	[dreg:$0x1a] =	wrdreg s8  }
0x2f: {  	s7 =	simm.s32 $0x4900;
	s2 =	sadd.s32 $0x24000, s11;
	[smem:$0x7F9] =	sst s22  }
0x30: {  	s11 =	sadd.s32 $0x9000, s5;
	[smem:$0x7FB] =	sst s24;
	s22 =	sadd.s32 $0x13000, s5  }
0x31: {  	s24 =	simm.s32 $0x7100;
	s0 =	simm.s32 $0x1;
	[dreg:$0x18] =	wrdreg s2  }
0x32: {  	v0 =	vimm.f32 $0.0e+00;
	v1 =	vimm.f32 $1.000000000e+00;
	s8 =	simm.s32 $0x2;
	[dreg:$0x1d] =	wrdreg s11;
	s2 =	simm.s32 $0x4  }
.LBB2_1:
0x33: {  	s10 =	simm.s32 $0x0;
	s11 =	simm.s32 $0x0  }
.LBB2_2:
0x34: {  	p0 =	sne.s32 s11, $0x1FC0  }
.Ltmp0:
0x35: {  	_ = 	snop;
	(pc) =	sbr.rel @p0 .LBB2_2-.Ltmp0, $4  }
0x36: {  	s12 =	sand.u32 $0x1E00, s11  }
0x37: {  	s13 =	sand.u32 $0x70, s10;
	s12 =	sshrl.u32 s12, $0x2  }
0x38: {  	s12 =	sor.u32 s13, s12  }
0x39: {  	s10 =	sadd.s32 $0x10, s10;
	s11 =	sadd.s32 $0x40, s11;
	[tilespmem:s12+$0x7100] =	vst v0  }
0x3a: {  	s10 =	simm.s32 $0x40;
	s11 =	simm.s32 $0x0  }
.LBB2_4:
0x3b: {  	p0 =	sne.s32 s10, $0x9FC0;
	[tilespmem:s11+$0x4900] =	vst v0;
	s11 =	smov.u32 s10;
	s10 =	sadd.s32 $0x40, s10  }
.Ltmp1:
0x3c: {  	(pc) =	sbr.rel @p0 .LBB2_4-.Ltmp1, $2  }
0x3d: {  	_ =	sdelay $0x2  }
0x3e: {  	s11 =	sshra.s32 s11, $0x2  }
0x3f: {  	[tilespmem:s11+$0x4900] =	vst v0  }
0x40: {  	[spmem:s5] =	stream.linear.scatter [tilespmem:s24], [sflag:$0x1], $0x800, $0x38;
	[tilespmem:$0x1B900] =	vst v63  }
0x41: {  	s10 =	rddreg [dreg:$0x8]  }
0x42: {  	[spmem:s10] =	stream.linear.scatter [tilespmem:s24], [sflag:$0x1], $0x800, $0x38;
	[tilespmem:$0x1B900] =	vst v63  }
0x43: {  	s14 =	rddreg [dreg:$0x9]  }
0x44: {  	[spmem:s14] =	stream.linear.scatter [tilespmem:s24], [sflag:$0x1], $0x800, $0x38;
	[tilespmem:$0x1B900] =	vst v63  }
0x45: {  	s15 =	rddreg [dreg:$0xa]  }
0x46: {  	[spmem:s15] =	stream.linear.scatter [tilespmem:s24], [sflag:$0x1], $0x800, $0x38;
	[tilespmem:$0x1B900] =	vst v63  }
0x47: {  	s11 =	rddreg [dreg:$0xb]  }
0x48: {  	[spmem:s11] =	stream.linear.scatter [tilespmem:s24], [sflag:$0x1], $0x800, $0x38;
	[tilespmem:$0x1B900] =	vst v63  }
0x49: {  	s12 =	rddreg [dreg:$0xc]  }
0x4a: {  	[spmem:s12] =	stream.linear.scatter [tilespmem:s24], [sflag:$0x1], $0x800, $0x38;
	[tilespmem:$0x1B900] =	vst v63  }
0x4b: {  	s13 =	rddreg [dreg:$0xd]  }
0x4c: {  	[spmem:s13] =	stream.linear.scatter [tilespmem:s24], [sflag:$0x1], $0x800, $0x38;
	[tilespmem:$0x1B900] =	vst v63  }
0x4d: {  	s10 =	simm.s32 $0x1;
	s14 =	rddreg [dreg:$0xe]  }
0x4e: {  	[spmem:s14] =	stream.linear.scatter [tilespmem:s24], [sflag:$0x1], $0x800, $0x38;
	[tilespmem:$0x1B900] =	vst v63  }
0x4f: {  	_ =	swait.ge [sflag:s10], $0x800  }
0x50: {  	[sflag:s10] =	ssyncset.done $0x0  }
0x51: {  	[sflag:s10] =	ssyncadd.s32 $0xFFFFF800  }
0x52: {  	_ =	swait.ge [sflag:s10], $0x800  }
0x53: {  	[sflag:s10] =	ssyncset.done $0x0  }
0x54: {  	[sflag:s10] =	ssyncadd.s32 $0xFFFFF800  }
0x55: {  	_ =	swait.ge [sflag:s10], $0x800  }
0x56: {  	[sflag:s10] =	ssyncset.done $0x0  }
0x57: {  	[sflag:s10] =	ssyncadd.s32 $0xFFFFF800  }
0x58: {  	_ =	swait.ge [sflag:s10], $0x800  }
0x59: {  	[sflag:s10] =	ssyncset.done $0x0  }
0x5a: {  	[sflag:s10] =	ssyncadd.s32 $0xFFFFF800  }
0x5b: {  	_ =	swait.ge [sflag:s10], $0x800  }
0x5c: {  	[sflag:s10] =	ssyncset.done $0x0  }
0x5d: {  	[sflag:s10] =	ssyncadd.s32 $0xFFFFF800  }
0x5e: {  	_ =	swait.ge [sflag:s10], $0x800  }
0x5f: {  	[sflag:s10] =	ssyncset.done $0x0  }
0x60: {  	[sflag:s10] =	ssyncadd.s32 $0xFFFFF800  }
0x61: {  	_ =	swait.ge [sflag:s10], $0x800  }
0x62: {  	[sflag:s10] =	ssyncset.done $0x0  }
0x63: {  	[sflag:s10] =	ssyncadd.s32 $0xFFFFF800  }
0x64: {  	_ =	swait.ge [sflag:s10], $0x800  }
0x65: {  	[sflag:s10] =	ssyncset.done $0x0  }
0x66: {  	s15 =	rddreg [dreg:$0xf];
	[sflag:s10] =	ssyncadd.s32 $0xFFFFF800  }
0x67: {  	[spmem:s15] =	stream.linear.scatter [tilespmem:s24], [sflag:$0x1], $0x800, $0x38;
	[tilespmem:$0x1B900] =	vst v63  }
0x68: {  	s12 =	rddreg [dreg:$0x10]  }
0x69: {  	[spmem:s12] =	stream.linear.scatter [tilespmem:s24], [sflag:$0x1], $0x800, $0x38;
	[tilespmem:$0x1B900] =	vst v63  }
0x6a: {  	s13 =	rddreg [dreg:$0x11]  }
0x6b: {  	[spmem:s13] =	stream.linear.scatter [tilespmem:s24], [sflag:$0x1], $0x800, $0x38;
	[tilespmem:$0x1B900] =	vst v63  }
0x6c: {  	s14 =	rddreg [dreg:$0x12]  }
0x6d: {  	[spmem:s14] =	stream.linear.scatter [tilespmem:s24], [sflag:$0x1], $0x800, $0x38;
	[tilespmem:$0x1B900] =	vst v63  }
0x6e: {  	s15 =	rddreg [dreg:$0x13]  }
0x6f: {  	[spmem:s15] =	stream.linear.scatter [tilespmem:s24], [sflag:$0x1], $0x800, $0x38;
	[tilespmem:$0x1B900] =	vst v63  }
0x70: {  	s12 =	rddreg [dreg:$0x14]  }
0x71: {  	[spmem:s12] =	stream.linear.scatter [tilespmem:s24], [sflag:$0x1], $0x800, $0x38;
	[tilespmem:$0x1B900] =	vst v63  }
0x72: {  	s13 =	rddreg [dreg:$0x16]  }
0x73: {  	[spmem:s13] =	stream.linear.scatter [tilespmem:s24], [sflag:$0x1], $0x800, $0x38;
	[tilespmem:$0x1B900] =	vst v63  }
0x74: {  	s14 =	rddreg [dreg:$0x17]  }
0x75: {  	[spmem:s14] =	stream.linear.scatter [tilespmem:s24], [sflag:$0x1], $0x800, $0x38;
	[tilespmem:$0x1B900] =	vst v63  }
0x76: {  	_ =	swait.ge [sflag:s10], $0x800  }
0x77: {  	[sflag:s10] =	ssyncset.done $0x0  }
0x78: {  	[sflag:s10] =	ssyncadd.s32 $0xFFFFF800  }
0x79: {  	_ =	swait.ge [sflag:s10], $0x800  }
0x7a: {  	[sflag:s10] =	ssyncset.done $0x0  }
0x7b: {  	[sflag:s10] =	ssyncadd.s32 $0xFFFFF800  }
0x7c: {  	_ =	swait.ge [sflag:s10], $0x800  }
0x7d: {  	[sflag:s10] =	ssyncset.done $0x0  }
0x7e: {  	[sflag:s10] =	ssyncadd.s32 $0xFFFFF800  }
0x7f: {  	_ =	swait.ge [sflag:s10], $0x800  }
0x80: {  	[sflag:s10] =	ssyncset.done $0x0  }
0x81: {  	[sflag:s10] =	ssyncadd.s32 $0xFFFFF800  }
0x82: {  	_ =	swait.ge [sflag:s10], $0x800  }
0x83: {  	[sflag:s10] =	ssyncset.done $0x0  }
0x84: {  	[sflag:s10] =	ssyncadd.s32 $0xFFFFF800  }
0x85: {  	_ =	swait.ge [sflag:s10], $0x800  }
0x86: {  	[sflag:s10] =	ssyncset.done $0x0  }
0x87: {  	[sflag:s10] =	ssyncadd.s32 $0xFFFFF800  }
0x88: {  	_ =	swait.ge [sflag:s10], $0x800  }
0x89: {  	[sflag:s10] =	ssyncset.done $0x0  }
0x8a: {  	[sflag:s10] =	ssyncadd.s32 $0xFFFFF800  }
0x8b: {  	_ =	swait.ge [sflag:s10], $0x800  }
0x8c: {  	[sflag:s10] =	ssyncset.done $0x0;
	s15 =	rddreg [dreg:$0x1b]  }
0x8d: {  	s12 =	rddreg [dreg:$0x1c];
	[sflag:s10] =	ssyncadd.s32 $0xFFFFF800  }
0x8e: {  	[spmem:s15] =	stream.linear.scatter [tilespmem:s24], [sflag:$0x1], $0x800, $0x38;
	[tilespmem:$0x1B900] =	vst v63  }
0x8f: {  	s13 =	rddreg [dreg:$0x1d]  }
0x90: {  	[spmem:s12] =	stream.linear.scatter [tilespmem:s24], [sflag:$0x1], $0x800, $0x38;
	[tilespmem:$0x1B900] =	vst v63  }
0x91: {  	s14 =	rddreg [dreg:$0x1e]  }
0x92: {  	[spmem:s13] =	stream.linear.scatter [tilespmem:s24], [sflag:$0x1], $0x800, $0x38;
	[tilespmem:$0x1B900] =	vst v63  }
0x93: {  	s15 =	rddreg [dreg:$0x1f]  }
0x94: {  	[spmem:s14] =	stream.linear.scatter [tilespmem:s24], [sflag:$0x1], $0x800, $0x38;
	[tilespmem:$0x1B900] =	vst v63  }
0x95: {  	s12 =	sld [smem:$0x7F2]  }
0x96: {  	[spmem:s15] =	stream.linear.scatter [tilespmem:s24], [sflag:$0x1], $0x800, $0x38;
	[tilespmem:$0x1B900] =	vst v63  }
0x97: {  	s13 =	sld [smem:$0x7F3]  }
0x98: {  	[spmem:s12] =	stream.linear.scatter [tilespmem:s24], [sflag:$0x1], $0x800, $0x38;
	[tilespmem:$0x1B900] =	vst v63  }
0x99: {  	s14 =	sld [smem:$0x7F4]  }
0x9a: {  	[spmem:s13] =	stream.linear.scatter [tilespmem:s24], [sflag:$0x1], $0x800, $0x38;
	[tilespmem:$0x1B900] =	vst v63  }
0x9b: {  	_ = 	snop  }
0x9c: {  	[spmem:s14] =	stream.linear.scatter [tilespmem:s24], [sflag:$0x1], $0x800, $0x38;
	[tilespmem:$0x1B900] =	vst v63  }
0x9d: {  	_ =	swait.ge [sflag:s10], $0x800  }
0x9e: {  	[sflag:s10] =	ssyncset.done $0x0  }
0x9f: {  	[sflag:s10] =	ssyncadd.s32 $0xFFFFF800  }
0xa0: {  	_ =	swait.ge [sflag:s10], $0x800  }
0xa1: {  	[sflag:s10] =	ssyncset.done $0x0  }
0xa2: {  	[sflag:s10] =	ssyncadd.s32 $0xFFFFF800  }
0xa3: {  	_ =	swait.ge [sflag:s10], $0x800  }
0xa4: {  	[sflag:s10] =	ssyncset.done $0x0  }
0xa5: {  	[sflag:s10] =	ssyncadd.s32 $0xFFFFF800  }
0xa6: {  	_ =	swait.ge [sflag:s10], $0x800  }
0xa7: {  	[sflag:s10] =	ssyncset.done $0x0  }
0xa8: {  	[sflag:s10] =	ssyncadd.s32 $0xFFFFF800  }
0xa9: {  	_ =	swait.ge [sflag:s10], $0x800  }
0xaa: {  	[sflag:s10] =	ssyncset.done $0x0  }
0xab: {  	[sflag:s10] =	ssyncadd.s32 $0xFFFFF800  }
0xac: {  	_ =	swait.ge [sflag:s10], $0x800  }
0xad: {  	[sflag:s10] =	ssyncset.done $0x0  }
0xae: {  	[sflag:s10] =	ssyncadd.s32 $0xFFFFF800  }
0xaf: {  	_ =	swait.ge [sflag:s10], $0x800  }
0xb0: {  	[sflag:s10] =	ssyncset.done $0x0  }
0xb1: {  	[sflag:s10] =	ssyncadd.s32 $0xFFFFF800  }
0xb2: {  	_ =	swait.ge [sflag:s10], $0x800  }
0xb3: {  	s15 =	sld [smem:$0x7F5]  }
0xb4: {  	[sflag:s10] =	ssyncset.done $0x0  }
0xb5: {  	s12 =	sld [smem:$0x7F6];
	[sflag:s10] =	ssyncadd.s32 $0xFFFFF800  }
0xb6: {  	[spmem:s15] =	stream.linear.scatter [tilespmem:s24], [sflag:$0x1], $0x800, $0x38;
	[tilespmem:$0x1B900] =	vst v63  }
0xb7: {  	s13 =	sld [smem:$0x7F7]  }
0xb8: {  	[spmem:s12] =	stream.linear.scatter [tilespmem:s24], [sflag:$0x1], $0x800, $0x38;
	[tilespmem:$0x1B900] =	vst v63  }
0xb9: {  	s14 =	sld [smem:$0x7F8]  }
0xba: {  	[spmem:s13] =	stream.linear.scatter [tilespmem:s24], [sflag:$0x1], $0x800, $0x38;
	[tilespmem:$0x1B900] =	vst v63  }
0xbb: {  	s15 =	sld [smem:$0x7F9]  }
0xbc: {  	[spmem:s14] =	stream.linear.scatter [tilespmem:s24], [sflag:$0x1], $0x800, $0x38;
	[tilespmem:$0x1B900] =	vst v63  }
0xbd: {  	s12 =	sld [smem:$0x7FA]  }
0xbe: {  	[spmem:s15] =	stream.linear.scatter [tilespmem:s24], [sflag:$0x1], $0x800, $0x38;
	[tilespmem:$0x1B900] =	vst v63  }
0xbf: {  	s13 =	sld [smem:$0x7FB]  }
0xc0: {  	[spmem:s12] =	stream.linear.scatter [tilespmem:s24], [sflag:$0x1], $0x800, $0x38;
	[tilespmem:$0x1B900] =	vst v63  }
0xc1: {  	s14 =	sld [smem:$0x7FC]  }
0xc2: {  	[spmem:s13] =	stream.linear.scatter [tilespmem:s24], [sflag:$0x1], $0x800, $0x38;
	[tilespmem:$0x1B900] =	vst v63  }
0xc3: {  	_ = 	snop  }
0xc4: {  	[spmem:s14] =	stream.linear.scatter [tilespmem:s24], [sflag:$0x1], $0x800, $0x38;
	[tilespmem:$0x1B900] =	vst v63  }
0xc5: {  	_ =	swait.ge [sflag:s10], $0x800  }
0xc6: {  	[sflag:s10] =	ssyncset.done $0x0  }
0xc7: {  	[sflag:s10] =	ssyncadd.s32 $0xFFFFF800  }
0xc8: {  	_ =	swait.ge [sflag:s10], $0x800  }
0xc9: {  	[sflag:s10] =	ssyncset.done $0x0  }
0xca: {  	[sflag:s10] =	ssyncadd.s32 $0xFFFFF800  }
0xcb: {  	_ =	swait.ge [sflag:s10], $0x800  }
0xcc: {  	[sflag:s10] =	ssyncset.done $0x0  }
0xcd: {  	[sflag:s10] =	ssyncadd.s32 $0xFFFFF800  }
0xce: {  	_ =	swait.ge [sflag:s10], $0x800  }
0xcf: {  	[sflag:s10] =	ssyncset.done $0x0  }
0xd0: {  	[sflag:s10] =	ssyncadd.s32 $0xFFFFF800  }
0xd1: {  	_ =	swait.ge [sflag:s10], $0x800  }
0xd2: {  	[sflag:s10] =	ssyncset.done $0x0  }
0xd3: {  	[sflag:s10] =	ssyncadd.s32 $0xFFFFF800  }
0xd4: {  	_ =	swait.ge [sflag:s10], $0x800  }
0xd5: {  	[sflag:s10] =	ssyncset.done $0x0  }
0xd6: {  	[sflag:s10] =	ssyncadd.s32 $0xFFFFF800  }
0xd7: {  	_ =	swait.ge [sflag:s10], $0x800  }
0xd8: {  	[sflag:s10] =	ssyncset.done $0x0  }
0xd9: {  	[sflag:s10] =	ssyncadd.s32 $0xFFFFF800  }
0xda: {  	_ =	swait.ge [sflag:s10], $0x800  }
0xdb: {  	s15 =	sld [smem:$0x7FD]  }
0xdc: {  	[sflag:s10] =	ssyncset.done $0x0  }
0xdd: {  	[sflag:s10] =	ssyncadd.s32 $0xFFFFF800  }
0xde: {  	[spmem:s15] =	stream.linear.scatter [tilespmem:s24], [sflag:$0x1], $0x800, $0x38;
	[tilespmem:$0x1B900] =	vst v63  }
0xdf: {  	_ = 	snop  }
0xe0: {  	[spmem:s16] =	stream.linear.scatter [tilespmem:s24], [sflag:$0x1], $0x800, $0x38;
	[tilespmem:$0x1B900] =	vst v63  }
0xe1: {  	_ = 	snop  }
0xe2: {  	[spmem:s17] =	stream.linear.scatter [tilespmem:s24], [sflag:$0x1], $0x800, $0x38;
	[tilespmem:$0x1B900] =	vst v63  }
0xe3: {  	_ = 	snop  }
0xe4: {  	[spmem:s19] =	stream.linear.scatter [tilespmem:s24], [sflag:$0x1], $0x800, $0x38;
	[tilespmem:$0x1B900] =	vst v63  }
0xe5: {  	_ = 	snop  }
0xe6: {  	[spmem:s20] =	stream.linear.scatter [tilespmem:s24], [sflag:$0x1], $0x800, $0x38;
	[tilespmem:$0x1B900] =	vst v63  }
0xe7: {  	_ = 	snop  }
0xe8: {  	[spmem:s21] =	stream.linear.scatter [tilespmem:s24], [sflag:$0x1], $0x800, $0x38;
	[tilespmem:$0x1B900] =	vst v63  }
0xe9: {  	_ = 	snop  }
0xea: {  	[spmem:s22] =	stream.linear.scatter [tilespmem:s24], [sflag:$0x1], $0x800, $0x38;
	[tilespmem:$0x1B900] =	vst v63  }
0xeb: {  	_ = 	snop  }
0xec: {  	[spmem:s23] =	stream.linear.scatter [tilespmem:s24], [sflag:$0x1], $0x800, $0x38;
	[tilespmem:$0x1B900] =	vst v63  }
0xed: {  	_ =	swait.ge [sflag:s10], $0x800  }
0xee: {  	[sflag:s10] =	ssyncset.done $0x0  }
0xef: {  	[sflag:s10] =	ssyncadd.s32 $0xFFFFF800  }
0xf0: {  	_ =	swait.ge [sflag:s10], $0x800  }
0xf1: {  	[sflag:s10] =	ssyncset.done $0x0  }
0xf2: {  	[sflag:s10] =	ssyncadd.s32 $0xFFFFF800  }
0xf3: {  	_ =	swait.ge [sflag:s10], $0x800  }
0xf4: {  	[sflag:s10] =	ssyncset.done $0x0  }
0xf5: {  	[sflag:s10] =	ssyncadd.s32 $0xFFFFF800  }
0xf6: {  	_ =	swait.ge [sflag:s10], $0x800  }
0xf7: {  	[sflag:s10] =	ssyncset.done $0x0  }
0xf8: {  	[sflag:s10] =	ssyncadd.s32 $0xFFFFF800  }
0xf9: {  	_ =	swait.ge [sflag:s10], $0x800  }
0xfa: {  	[sflag:s10] =	ssyncset.done $0x0  }
0xfb: {  	[sflag:s10] =	ssyncadd.s32 $0xFFFFF800  }
0xfc: {  	_ =	swait.ge [sflag:s10], $0x800  }
0xfd: {  	[sflag:s10] =	ssyncset.done $0x0  }
0xfe: {  	[sflag:s10] =	ssyncadd.s32 $0xFFFFF800  }
0xff: {  	_ =	swait.ge [sflag:s10], $0x800  }
0x100: {  	[sflag:s10] =	ssyncset.done $0x0  }
0x101: {  	[sflag:s10] =	ssyncadd.s32 $0xFFFFF800  }
0x102: {  	_ =	swait.ge [sflag:s10], $0x800  }
0x103: {  	[sflag:s10] =	ssyncset.done $0x0  }
0x104: {  	[sflag:s10] =	ssyncadd.s32 $0xFFFFF800  }
0x105: {  	[bflag:$0x0] =	sbarrier.arrive $0xFFFF  }
0x106: {  	s11 =	simm.s32 $0x0;
	s12 =	rddreg [dreg:$0x15]  }
0x107: {  	[tilespmem:s11], [sflag:$0x3] =	stream.linear.gather [hbm4b:s12+s11], $0x400, $0x38;
	[tilespmem:$0x1B900] =	vst v63  }
.LBB2_6:
0x108: {  	_ =	swait.ge [sflag:s25], $0x400;
	s12 =	sadd.s32 $0xFFFFFFFF, s10  }
0x109: {  	p0 =	sge.u32 s10, s18;
	s13 =	rddreg [dreg:$0x6];
	s12 =	sand.u32 $0x1, s12  }
0x10a: {  	[sflag:s25] =	ssyncset.done $0x0;
	s15 =	simm.s32 @!p0 $0x0;
	s14 =	sshll.u32 @!p0 s12, $0xA  }
0x10b: {  	[sflag:s25] =	ssyncadd.s32 $0xFFFFFC00;
	s13 =	sadd.s32 @!p0 s11, s13;
	s14 =	sxor.u32 @!p0 $0x400, s14  }
0x10c: {  	[tilespmem:s14], [sflag:$0x3] =	stream.linear.gather @!p0 [hbm4b:s13+s15], $0x400, $0x38;
	[tilespmem:$0x1B900] =	vst v63  }
0x10d: {  	s12 =	sshll.u32 s12, $0xA;
	s14 =	rddreg [dreg:$0x5]  }
0x10e: {  	[tilespmem:s28], [sflag:$0x1] =	stream.indirect.gather [hbm4b:s1+s26], $0x80, s12, s26, $0xb8;
	[tilespmem:$0x1B900] =	vst v63  }
0x10f: {  	s13 =	sadd.s32 s11, s14  }
0x110: {  	[tilespmem:s29], [sflag:$0x4] =	stream.linear.gather [hbm4b:s13+s4], $0x80, $0x38;
	[tilespmem:$0x1B900] =	vst v63  }
0x111: {  	s15 =	sor.u32 $0x80, s12  }
0x112: {  	[tilespmem:s30], [sflag:$0x2] =	stream.indirect.gather [hbm4b:s1+s26], $0x80, s15, s26, $0xb8;
	[tilespmem:$0x1B900] =	vst v63  }
0x113: {  	s15 =	sadd.s32 $0x10, s13  }
0x114: {  	[tilespmem:s31], [sflag:$0x4] =	stream.linear.gather [hbm4b:s15+s4], $0x80, $0x38;
	[tilespmem:$0x1B900] =	vst v63  }
0x115: {  	_ =	swait.ge [sflag:s0], $0x2000  }
0x116: {  	[sflag:s0] =	ssyncset.done $0x0  }
0x117: {  	[sflag:s0] =	ssyncadd.s32 $0xFFFFE000  }
0x118: {  	_ =	swait.ge [sflag:s2], $0x80  }
0x119: {  	[sflag:s2] =	ssyncset.done $0x0  }
0x11a: {  	[sflag:s2] =	ssyncadd.s32 $0xFFFFFF80  }
0x11b: {  	[spmem:s3] =	stream.indirect.scatter.add.f32 [tilespmem:s28], [sflag:$0x5], $0x80, s29, s26, $0xb8;
	[tilespmem:$0x1B900] =	vst v63  }
0x11c: {  	_ =	swait.ge [sflag:s6], $0x2000  }
0x11d: {  	[sflag:s6] =	ssyncset.done $0x0  }
0x11e: {  	[sflag:s6] =	ssyncadd.s32 $0xFFFFE000  }
0x11f: {  	v2 =	vld [tilespmem:$0x800];
	_ =	sdelay $0x7  }
0x120: {  	[tilespmem:v2+s7+$0x0] =	vst.idx.add.f32.msk $0xffff, v1  }
0x121: {  	v2 =	vld [tilespmem:$0x810];
	_ =	sdelay $0x7  }
0x122: {  	[tilespmem:v2+s7+$0x0] =	vst.idx.add.f32.msk $0xffff, v1  }
0x123: {  	v2 =	vld [tilespmem:$0x820];
	_ =	sdelay $0x7  }
0x124: {  	[tilespmem:v2+s7+$0x0] =	vst.idx.add.f32.msk $0xffff, v1  }
0x125: {  	v2 =	vld [tilespmem:$0x830];
	_ =	sdelay $0x7  }
0x126: {  	s15 =	sor.u32 $0x100, s12;
	[tilespmem:v2+s7+$0x0] =	vst.idx.add.f32.msk $0xffff, v1  }
0x127: {  	[tilespmem:s28], [sflag:$0x1] =	stream.indirect.gather [hbm4b:s1+s26], $0x80, s15, s26, $0xb8;
	[tilespmem:$0x1B900] =	vst v63  }
0x128: {  	s15 =	sadd.s32 $0x20, s13  }
0x129: {  	[tilespmem:s29], [sflag:$0x4] =	stream.linear.gather [hbm4b:s15+s4], $0x80, $0x38;
	[tilespmem:$0x1B900] =	vst v63  }
0x12a: {  	_ =	swait.ge [sflag:s8], $0x2000  }
0x12b: {  	[sflag:s8] =	ssyncset.done $0x0  }
0x12c: {  	[sflag:s8] =	ssyncadd.s32 $0xFFFFE000  }
0x12d: {  	_ =	swait.ge [sflag:s2], $0x80  }
0x12e: {  	[sflag:s2] =	ssyncset.done $0x0  }
0x12f: {  	[sflag:s2] =	ssyncadd.s32 $0xFFFFFF80  }
0x130: {  	[spmem:s3] =	stream.indirect.scatter.add.f32 [tilespmem:s30], [sflag:$0x5], $0x80, s31, s26, $0xb8;
	[tilespmem:$0x1B900] =	vst v63  }
0x131: {  	_ =	swait.ge [sflag:s6], $0x2000  }
0x132: {  	[sflag:s6] =	ssyncset.done $0x0  }
0x133: {  	[sflag:s6] =	ssyncadd.s32 $0xFFFFE000  }
0x134: {  	v2 =	vld [tilespmem:$0x880];
	_ =	sdelay $0x7  }
0x135: {  	[tilespmem:v2+s7+$0x0] =	vst.idx.add.f32.msk $0xffff, v1  }
0x136: {  	v2 =	vld [tilespmem:$0x890];
	_ =	sdelay $0x7  }
0x137: {  	[tilespmem:v2+s7+$0x0] =	vst.idx.add.f32.msk $0xffff, v1  }
0x138: {  	v2 =	vld [tilespmem:$0x8A0];
	_ =	sdelay $0x7  }
0x139: {  	[tilespmem:v2+s7+$0x0] =	vst.idx.add.f32.msk $0xffff, v1  }
0x13a: {  	v2 =	vld [tilespmem:$0x8B0];
	_ =	sdelay $0x7  }
0x13b: {  	s15 =	sor.u32 $0x180, s12;
	[tilespmem:v2+s7+$0x0] =	vst.idx.add.f32.msk $0xffff, v1  }
0x13c: {  	[tilespmem:s30], [sflag:$0x2] =	stream.indirect.gather [hbm4b:s1+s26], $0x80, s15, s26, $0xb8;
	[tilespmem:$0x1B900] =	vst v63  }
0x13d: {  	s15 =	sadd.s32 $0x30, s13  }
0x13e: {  	[tilespmem:s31], [sflag:$0x4] =	stream.linear.gather [hbm4b:s15+s4], $0x80, $0x38;
	[tilespmem:$0x1B900] =	vst v63  }
0x13f: {  	_ =	swait.ge [sflag:s0], $0x2000  }
0x140: {  	[sflag:s0] =	ssyncset.done $0x0  }
0x141: {  	[sflag:s0] =	ssyncadd.s32 $0xFFFFE000  }
0x142: {  	_ =	swait.ge [sflag:s2], $0x80  }
0x143: {  	[sflag:s2] =	ssyncset.done $0x0  }
0x144: {  	[sflag:s2] =	ssyncadd.s32 $0xFFFFFF80  }
0x145: {  	[spmem:s3] =	stream.indirect.scatter.add.f32 [tilespmem:s28], [sflag:$0x5], $0x80, s29, s26, $0xb8;
	[tilespmem:$0x1B900] =	vst v63  }
0x146: {  	_ =	swait.ge [sflag:s6], $0x2000  }
0x147: {  	[sflag:s6] =	ssyncset.done $0x0  }
0x148: {  	[sflag:s6] =	ssyncadd.s32 $0xFFFFE000  }
0x149: {  	v2 =	vld [tilespmem:$0x800];
	_ =	sdelay $0x7  }
0x14a: {  	[tilespmem:v2+s7+$0x0] =	vst.idx.add.f32.msk $0xffff, v1  }
0x14b: {  	v2 =	vld [tilespmem:$0x810];
	_ =	sdelay $0x7  }
0x14c: {  	[tilespmem:v2+s7+$0x0] =	vst.idx.add.f32.msk $0xffff, v1  }
0x14d: {  	v2 =	vld [tilespmem:$0x820];
	_ =	sdelay $0x7  }
0x14e: {  	[tilespmem:v2+s7+$0x0] =	vst.idx.add.f32.msk $0xffff, v1  }
0x14f: {  	v2 =	vld [tilespmem:$0x830];
	_ =	sdelay $0x7  }
0x150: {  	s15 =	sor.u32 $0x200, s12;
	[tilespmem:v2+s7+$0x0] =	vst.idx.add.f32.msk $0xffff, v1  }
0x151: {  	[tilespmem:s28], [sflag:$0x1] =	stream.indirect.gather [hbm4b:s1+s26], $0x80, s15, s26, $0xb8;
	[tilespmem:$0x1B900] =	vst v63  }
0x152: {  	s15 =	sadd.s32 $0x40, s13  }
0x153: {  	[tilespmem:s29], [sflag:$0x4] =	stream.linear.gather [hbm4b:s15+s4], $0x80, $0x38;
	[tilespmem:$0x1B900] =	vst v63  }
0x154: {  	_ =	swait.ge [sflag:s8], $0x2000  }
0x155: {  	[sflag:s8] =	ssyncset.done $0x0  }
0x156: {  	[sflag:s8] =	ssyncadd.s32 $0xFFFFE000  }
0x157: {  	_ =	swait.ge [sflag:s2], $0x80  }
0x158: {  	[sflag:s2] =	ssyncset.done $0x0  }
0x159: {  	[sflag:s2] =	ssyncadd.s32 $0xFFFFFF80  }
0x15a: {  	[spmem:s3] =	stream.indirect.scatter.add.f32 [tilespmem:s30], [sflag:$0x5], $0x80, s31, s26, $0xb8;
	[tilespmem:$0x1B900] =	vst v63  }
0x15b: {  	_ =	swait.ge [sflag:s6], $0x2000  }
0x15c: {  	[sflag:s6] =	ssyncset.done $0x0  }
0x15d: {  	[sflag:s6] =	ssyncadd.s32 $0xFFFFE000  }
0x15e: {  	v2 =	vld [tilespmem:$0x880];
	_ =	sdelay $0x7  }
0x15f: {  	[tilespmem:v2+s7+$0x0] =	vst.idx.add.f32.msk $0xffff, v1  }
0x160: {  	v2 =	vld [tilespmem:$0x890];
	_ =	sdelay $0x7  }
0x161: {  	[tilespmem:v2+s7+$0x0] =	vst.idx.add.f32.msk $0xffff, v1  }
0x162: {  	v2 =	vld [tilespmem:$0x8A0];
	_ =	sdelay $0x7  }
0x163: {  	[tilespmem:v2+s7+$0x0] =	vst.idx.add.f32.msk $0xffff, v1  }
0x164: {  	v2 =	vld [tilespmem:$0x8B0];
	_ =	sdelay $0x7  }
0x165: {  	s15 =	sor.u32 $0x280, s12;
	[tilespmem:v2+s7+$0x0] =	vst.idx.add.f32.msk $0xffff, v1  }
0x166: {  	[tilespmem:s30], [sflag:$0x2] =	stream.indirect.gather [hbm4b:s1+s26], $0x80, s15, s26, $0xb8;
	[tilespmem:$0x1B900] =	vst v63  }
0x167: {  	s15 =	sadd.s32 $0x50, s13  }
0x168: {  	[tilespmem:s31], [sflag:$0x4] =	stream.linear.gather [hbm4b:s15+s4], $0x80, $0x38;
	[tilespmem:$0x1B900] =	vst v63  }
0x169: {  	_ =	swait.ge [sflag:s0], $0x2000  }
0x16a: {  	[sflag:s0] =	ssyncset.done $0x0  }
0x16b: {  	[sflag:s0] =	ssyncadd.s32 $0xFFFFE000  }
0x16c: {  	_ =	swait.ge [sflag:s2], $0x80  }
0x16d: {  	[sflag:s2] =	ssyncset.done $0x0  }
0x16e: {  	[sflag:s2] =	ssyncadd.s32 $0xFFFFFF80  }
0x16f: {  	[spmem:s3] =	stream.indirect.scatter.add.f32 [tilespmem:s28], [sflag:$0x5], $0x80, s29, s26, $0xb8;
	[tilespmem:$0x1B900] =	vst v63  }
0x170: {  	_ =	swait.ge [sflag:s6], $0x2000  }
0x171: {  	[sflag:s6] =	ssyncset.done $0x0  }
0x172: {  	[sflag:s6] =	ssyncadd.s32 $0xFFFFE000  }
0x173: {  	v2 =	vld [tilespmem:$0x800];
	_ =	sdelay $0x7  }
0x174: {  	[tilespmem:v2+s7+$0x0] =	vst.idx.add.f32.msk $0xffff, v1  }
0x175: {  	v2 =	vld [tilespmem:$0x810];
	_ =	sdelay $0x7  }
0x176: {  	[tilespmem:v2+s7+$0x0] =	vst.idx.add.f32.msk $0xffff, v1  }
0x177: {  	v2 =	vld [tilespmem:$0x820];
	_ =	sdelay $0x7  }
0x178: {  	[tilespmem:v2+s7+$0x0] =	vst.idx.add.f32.msk $0xffff, v1  }
0x179: {  	v2 =	vld [tilespmem:$0x830];
	_ =	sdelay $0x7  }
0x17a: {  	s15 =	sor.u32 $0x300, s12;
	[tilespmem:v2+s7+$0x0] =	vst.idx.add.f32.msk $0xffff, v1  }
0x17b: {  	[tilespmem:s28], [sflag:$0x1] =	stream.indirect.gather [hbm4b:s1+s26], $0x80, s15, s26, $0xb8;
	[tilespmem:$0x1B900] =	vst v63  }
0x17c: {  	s15 =	sadd.s32 $0x60, s13  }
0x17d: {  	[tilespmem:s29], [sflag:$0x4] =	stream.linear.gather [hbm4b:s15+s4], $0x80, $0x38;
	[tilespmem:$0x1B900] =	vst v63  }
0x17e: {  	_ =	swait.ge [sflag:s8], $0x2000  }
0x17f: {  	[sflag:s8] =	ssyncset.done $0x0  }
0x180: {  	[sflag:s8] =	ssyncadd.s32 $0xFFFFE000  }
0x181: {  	_ =	swait.ge [sflag:s2], $0x80  }
0x182: {  	[sflag:s2] =	ssyncset.done $0x0  }
0x183: {  	[sflag:s2] =	ssyncadd.s32 $0xFFFFFF80  }
0x184: {  	[spmem:s3] =	stream.indirect.scatter.add.f32 [tilespmem:s30], [sflag:$0x5], $0x80, s31, s26, $0xb8;
	[tilespmem:$0x1B900] =	vst v63  }
0x185: {  	_ =	swait.ge [sflag:s6], $0x2000  }
0x186: {  	[sflag:s6] =	ssyncset.done $0x0  }
0x187: {  	[sflag:s6] =	ssyncadd.s32 $0xFFFFE000  }
0x188: {  	v2 =	vld [tilespmem:$0x880];
	_ =	sdelay $0x7  }
0x189: {  	[tilespmem:v2+s7+$0x0] =	vst.idx.add.f32.msk $0xffff, v1  }
0x18a: {  	v2 =	vld [tilespmem:$0x890];
	_ =	sdelay $0x7  }
0x18b: {  	[tilespmem:v2+s7+$0x0] =	vst.idx.add.f32.msk $0xffff, v1  }
0x18c: {  	v2 =	vld [tilespmem:$0x8A0];
	_ =	sdelay $0x7  }
0x18d: {  	[tilespmem:v2+s7+$0x0] =	vst.idx.add.f32.msk $0xffff, v1  }
0x18e: {  	v2 =	vld [tilespmem:$0x8B0];
	_ =	sdelay $0x7  }
0x18f: {  	s12 =	sor.u32 $0x380, s12;
	[tilespmem:v2+s7+$0x0] =	vst.idx.add.f32.msk $0xffff, v1  }
0x190: {  	[tilespmem:s30], [sflag:$0x2] =	stream.indirect.gather [hbm4b:s1+s26], $0x80, s12, s26, $0xb8;
	[tilespmem:$0x1B900] =	vst v63  }
0x191: {  	s14 =	sadd.s32 $0x70, s13  }
0x192: {  	[tilespmem:s31], [sflag:$0x4] =	stream.linear.gather [hbm4b:s14+s4], $0x80, $0x38;
	[tilespmem:$0x1B900] =	vst v63  }
0x193: {  	_ =	swait.ge [sflag:s0], $0x2000  }
0x194: {  	[sflag:s0] =	ssyncset.done $0x0  }
0x195: {  	[sflag:s0] =	ssyncadd.s32 $0xFFFFE000  }
0x196: {  	_ =	swait.ge [sflag:s2], $0x80  }
0x197: {  	[sflag:s2] =	ssyncset.done $0x0  }
0x198: {  	[sflag:s2] =	ssyncadd.s32 $0xFFFFFF80  }
0x199: {  	[spmem:s3] =	stream.indirect.scatter.add.f32 [tilespmem:s28], [sflag:$0x5], $0x80, s29, s26, $0xb8;
	[tilespmem:$0x1B900] =	vst v63  }
0x19a: {  	_ =	swait.ge [sflag:s6], $0x2000  }
0x19b: {  	[sflag:s6] =	ssyncset.done $0x0  }
0x19c: {  	[sflag:s6] =	ssyncadd.s32 $0xFFFFE000  }
0x19d: {  	v2 =	vld [tilespmem:$0x800];
	_ =	sdelay $0x7  }
0x19e: {  	[tilespmem:v2+s7+$0x0] =	vst.idx.add.f32.msk $0xffff, v1  }
0x19f: {  	v2 =	vld [tilespmem:$0x810];
	_ =	sdelay $0x7  }
0x1a0: {  	[tilespmem:v2+s7+$0x0] =	vst.idx.add.f32.msk $0xffff, v1  }
0x1a1: {  	v2 =	vld [tilespmem:$0x820];
	_ =	sdelay $0x7  }
0x1a2: {  	[tilespmem:v2+s7+$0x0] =	vst.idx.add.f32.msk $0xffff, v1  }
0x1a3: {  	v2 =	vld [tilespmem:$0x830];
	_ =	sdelay $0x7  }
0x1a4: {  	[tilespmem:v2+s7+$0x0] =	vst.idx.add.f32.msk $0xffff, v1  }
0x1a5: {  	_ =	swait.ge [sflag:s8], $0x2000  }
0x1a6: {  	[sflag:s8] =	ssyncset.done $0x0  }
0x1a7: {  	[sflag:s8] =	ssyncadd.s32 $0xFFFFE000  }
0x1a8: {  	_ =	swait.ge [sflag:s2], $0x80  }
0x1a9: {  	[sflag:s2] =	ssyncset.done $0x0  }
0x1aa: {  	[sflag:s2] =	ssyncadd.s32 $0xFFFFFF80  }
0x1ab: {  	[spmem:s3] =	stream.indirect.scatter.add.f32 [tilespmem:s30], [sflag:$0x5], $0x80, s31, s26, $0xb8;
	[tilespmem:$0x1B900] =	vst v63  }
0x1ac: {  	_ =	swait.ge [sflag:s6], $0x2000  }
0x1ad: {  	[sflag:s6] =	ssyncset.done $0x0  }
0x1ae: {  	[sflag:s6] =	ssyncadd.s32 $0xFFFFE000  }
0x1af: {  	v2 =	vld [tilespmem:$0x880];
	_ =	sdelay $0x7  }
0x1b0: {  	[tilespmem:v2+s7+$0x0] =	vst.idx.add.f32.msk $0xffff, v1  }
0x1b1: {  	v2 =	vld [tilespmem:$0x890];
	_ =	sdelay $0x7  }
0x1b2: {  	[tilespmem:v2+s7+$0x0] =	vst.idx.add.f32.msk $0xffff, v1  }
0x1b3: {  	v2 =	vld [tilespmem:$0x8A0];
	_ =	sdelay $0x7  }
0x1b4: {  	[tilespmem:v2+s7+$0x0] =	vst.idx.add.f32.msk $0xffff, v1  }
0x1b5: {  	v2 =	vld [tilespmem:$0x8B0];
	_ =	sdelay $0x1  }
0x1b6: {  	s11 =	sadd.s32 $0x80, s11;
	s15 =	rddreg [dreg:$0x7]  }
0x1b7: {  	p0 =	sne.s32 s15, s11  }
.Ltmp2:
0x1b8: {  	_ = 	snop;
	(pc) =	sbr.rel @p0 .LBB2_6-.Ltmp2, $2  }
0x1b9: {  	_ =	sdelay $0x2  }
0x1ba: {  	s10 =	sadd.s32 $0x1, s10;
	[tilespmem:v2+s7+$0x0] =	vst.idx.add.f32.msk $0xffff, v1  }
0x1bb: {  	s10 =	stileid.u32  }
0x1bc: {  	[bflag:$0x0] =	sbarrier.arrive $0xFFFF;
	s10 =	sshll.u32 s10, $0x6  }
0x1bd: {  	s11 =	sshrl.u32 s5, $0x3;
	s12 =	rddreg [dreg:$0x18];
	s10 =	sor.u32 $0x1C05, s10  }
0x1be: {  	[hbm:s12], [sflag:s10] =	dma.local [spmem:s11], $0x2800  }
0x1bf: {  	_ =	swait.ge [sflag:s6], $0x2800  }
0x1c0: {  	s13 =	simm.s32 $0x80;
	[sflag:s6] =	ssyncset.done $0x0  }
0x1c1: {  	s14 =	simm.s32 $0x400;
	s12 =	rddreg [dreg:$0x19];
	[sflag:s6] =	ssyncadd.s32 $0xFFFFD800  }
0x1c2: {  	[hbm4b:s12+s13] =	stream.strided.scatter [tilespmem:s7], [sflag:$0x5], $0x2800, s14, s13, $0x38;
	[tilespmem:$0x1B900] =	vst v63  }
0x1c3: {  	_ =	swait.ge [sflag:s6], $0x2800  }
0x1c4: {  	s9 =	sadd.s32 $0x1, s9;
	s15 =	rddreg [dreg:$0x1a]  }
0x1c5: {  	p0 =	sne.s32 s9, s15  }
.Ltmp3:
0x1c6: {  	_ = 	snop;
	(pc) =	sbr.rel @p0 .LBB2_1-.Ltmp3, $3  }
0x1c7: {  	_ =	sdelay $0x1  }
0x1c8: {  	[sflag:s6] =	ssyncset.done $0x0  }
0x1c9: {  	[sflag:s6] =	ssyncadd.s32 $0xFFFFD800  }
0x1ca: {  	_ =	sfence.sel $0x180000  }
0x1cb: {  	[bflag:$0x0] =	sbarrier.arrive $0xFFFF  }
0x1cc: {  	_ =	strace $0x90000047  }
0x1cd: {  	s0 =	stileid.u32;
	[bflag:$0x2] =	sbarrier.arrive $0xFFFF  }
0x1ce: {  	p0 =	sne.s32 s0, $0x0;
	s0 =	rddreg [dreg:$0x4]  }
0x1cf: {  	s0 =	sadd.s32 @!p0 $0x100000, s0  }
0x1d0: {  	[sflag:s0] =	ssyncadd.tile.s32 @!p0 $0x1;
	_ =	shalt  }
.Lfunc_end2:
_tile_overlayer_lowered:
.L_overlay_start_2:
0x1d1: {  	(tag) =	ssettag $0x2  }
0x1d2: {  	s0 =	rddreg [dreg:$0x0];
	s2 =	stileid.u32  }
0x1d3: {  	s1 =	rddreg [dreg:$0x1];
	p0 =	sne.s32 s2, $0x0  }
0x1d4: {  	s3 =	rddreg [dreg:$0x2];
	[bflag:$0x3] =	sbarrier.arrive $0xFFFF;
	s2 =	simm.s32 @!p0 $0x1C05  }
0x1d5: {  	[timem:s3], [sflag:s2] =	dma.local @!p0 [hbm:s0], s1  }
0x1d6: {  	s0 =	simm.s32 @!p0 $0x5  }
0x1d7: {  	_ =	swait.ge @!p0 [sflag:s0], s1  }
0x1d8: {  	s1 =	ssub.s32 @!p0 $0x0, s1;
	[sflag:s0] =	ssyncset.done @!p0 $0x0  }
0x1d9: {  	[sflag:s0] =	ssyncadd.s32 @!p0 s1  }
0x1da: {  	[bflag:$0x3] =	sbarrier.arrive $0xFFFF  }
0x1db: {  	_ =	shalt  }

</sc_bundles>
